<compile_context>
chip_gen: v7x
topology: tpu7x:2x2x1
jax: 0.10.2.dev20260603
libtpu: 0.0.44.dev20260713+nightly
codegen_flags: <defaults>
</compile_context>

<pallas_src>
import functools

import jax
import jax.numpy as jnp
from jax import lax
from jax.experimental import pallas as pl
from jax.experimental.pallas import tpu as pltpu
from jax.experimental.pallas import tpu_sc as plsc

IOU_THR = 0.5
SCORE_THR = 0.05
MAX_OUT = 100
NUM_CLASSES = 81
NEG = -1e9

_N = 5000
_NP = 5120
_KCAP = 128
_LANES = 160
_CPW = 5


def _decode_body(cls_ref, bbox_ref, rois_ref,
                 o_mid, o_sc, o_y1, o_x1, o_y2, o_x2):
    n = cls_ref.shape[2]
    cls = cls_ref[0]
    mx = jnp.max(cls, axis=0, keepdims=True)
    iota_c = lax.broadcasted_iota(jnp.int32, (NUM_CLASSES, n), 0)
    mid = jnp.min(jnp.where(cls == mx, iota_c, NUM_CLASSES), axis=0,
                  keepdims=True)
    onehot = iota_c == mid

    bd = [jnp.sum(jnp.where(onehot, bbox_ref[0, d], 0.0), axis=0,
                  keepdims=True) for d in range(4)]

    ry1 = rois_ref[0, 0:1, :]
    rx1 = rois_ref[0, 1:2, :]
    ry2 = rois_ref[0, 2:3, :]
    rx2 = rois_ref[0, 3:4, :]
    h = ry2 - ry1
    w = rx2 - rx1
    cy = ry1 + 0.5 * h + bd[0] * h
    cx = rx1 + 0.5 * w + bd[1] * w
    h = h * jnp.exp(bd[2])
    w = w * jnp.exp(bd[3])
    o_y1[0, 0:1, pl.ds(0, n)] = cy - 0.5 * h
    o_x1[0, 0:1, pl.ds(0, n)] = cx - 0.5 * w
    o_y2[0, 0:1, pl.ds(0, n)] = cy + 0.5 * h
    o_x2[0, 0:1, pl.ds(0, n)] = cx + 0.5 * w
    o_mid[0] = jnp.zeros((1, _NP), jnp.int32)
    o_mid[0, 0:1, pl.ds(0, n)] = jnp.where(mx > SCORE_THR, mid, 0)
    o_sc[0, 0:1, pl.ds(0, n)] = mx


def _run_decode(cls_t, bbox_t, rois_t):
    B, C, N = cls_t.shape
    row = jax.ShapeDtypeStruct((B, 1, _NP), jnp.float32)
    out_shape = [jax.ShapeDtypeStruct((B, 1, _NP), jnp.int32),
                 row, row, row, row, row]
    out_spec = pl.BlockSpec((1, 1, _NP), lambda b: (b, 0, 0))
    return pl.pallas_call(
        _decode_body,
        grid=(B,),
        in_specs=[
            pl.BlockSpec((1, C, N), lambda b: (b, 0, 0)),
            pl.BlockSpec((1, 4, C, N), lambda b: (b, 0, 0, 0)),
            pl.BlockSpec((1, 4, N), lambda b: (b, 0, 0)),
        ],
        out_specs=[out_spec] * 6,
        out_shape=out_shape,
    )(cls_t, bbox_t, rois_t)


def _compact_body(mid_hbm, sc_hbm, y1_hbm, x1_hbm, y2_hbm, x2_hbm,
                  o_sc, o_y1, o_x1, o_y2, o_x2,
                  mid_b, sc_b, y1_b, x1_b, y2_b, x2_b,
                  idx_b, osc_b, oy1_b, ox1_b, oy2_b, ox2_b):
    w = lax.axis_index("s") * 2 + lax.axis_index("c")
    b = w // 16
    cls0 = (w % 16) * _CPW + 1
    iota16 = jnp.arange(16, dtype=jnp.int32)

    pltpu.sync_copy(mid_hbm.at[b], mid_b)
    pltpu.sync_copy(sc_hbm.at[b], sc_b)
    pltpu.sync_copy(y1_hbm.at[b], y1_b)
    pltpu.sync_copy(x1_hbm.at[b], x1_b)
    pltpu.sync_copy(y2_hbm.at[b], y2_b)
    pltpu.sync_copy(x2_hbm.at[b], x2_b)

    def scan_body(j, offs):
        v = mid_b[pl.ds(j * 16, 16)]
        vals = iota16 + j * 16
        new = []
        for t in range(_CPW):
            m = v == (cls0 + t)
            cnt = jnp.sum(jnp.where(m, 1, 0))
            offc = jnp.minimum(offs[t], _KCAP)
            plsc.store_compressed(idx_b.at[pl.ds(t * (_KCAP + 16) + offc, 16)],
                                  vals, mask=m)
            new.append(offs[t] + cnt)
        return tuple(new)

    zero = jnp.int32(0)
    offs = lax.fori_loop(0, _NP // 16, scan_body, (zero,) * _CPW)

    for t in range(_CPW):
        cv = jnp.minimum(offs[t], _KCAP)
        for k in range(_KCAP // 16):
            valid = (iota16 + k * 16) < cv
            idx = jnp.where(
                valid, idx_b[pl.ds(t * (_KCAP + 16) + k * 16, 16)], 0)
            sl = pl.ds(t * _KCAP + k * 16, 16)
            osc_b[sl] = jnp.where(
                valid, plsc.load_gather(sc_b, [idx]), NEG)
            oy1_b[sl] = jnp.where(
                valid, plsc.load_gather(y1_b, [idx]), 0.0)
            ox1_b[sl] = jnp.where(
                valid, plsc.load_gather(x1_b, [idx]), 0.0)
            oy2_b[sl] = jnp.where(
                valid, plsc.load_gather(y2_b, [idx]), 0.0)
            ox2_b[sl] = jnp.where(
                valid, plsc.load_gather(x2_b, [idx]), 0.0)

    for t in range(_CPW):
        lane = w * _CPW + t
        sl = pl.ds(t * _KCAP, _KCAP)
        pltpu.sync_copy(osc_b.at[sl], o_sc.at[lane])
        pltpu.sync_copy(oy1_b.at[sl], o_y1.at[lane])
        pltpu.sync_copy(ox1_b.at[sl], o_x1.at[lane])
        pltpu.sync_copy(oy2_b.at[sl], o_y2.at[lane])
        pltpu.sync_copy(ox2_b.at[sl], o_x2.at[lane])


def _run_compact(mid, sc, y1, x1, y2, x2):
    lane_plane = jax.ShapeDtypeStruct((_LANES, _KCAP), jnp.float32)
    f32 = jnp.float32
    kern = pl.kernel(
        _compact_body,
        out_type=[lane_plane, lane_plane, lane_plane, lane_plane,
                  lane_plane],
        mesh=plsc.VectorSubcoreMesh(core_axis_name="c",
                                    subcore_axis_name="s",
                                    num_cores=2, num_subcores=16),
        compiler_params=pltpu.CompilerParams(needs_layout_passes=False),
        scratch_types=[
            pltpu.VMEM((_NP,), jnp.int32),
            pltpu.VMEM((_NP,), f32),
            pltpu.VMEM((_NP,), f32),
            pltpu.VMEM((_NP,), f32),
            pltpu.VMEM((_NP,), f32),
            pltpu.VMEM((_NP,), f32),
            pltpu.VMEM((_CPW * (_KCAP + 16),), jnp.int32),
            pltpu.VMEM((_CPW * _KCAP,), f32),
            pltpu.VMEM((_CPW * _KCAP,), f32),
            pltpu.VMEM((_CPW * _KCAP,), f32),
            pltpu.VMEM((_CPW * _KCAP,), f32),
            pltpu.VMEM((_CPW * _KCAP,), f32),
        ],
    )
    return kern(mid, sc, y1, x1, y2, x2)


def _nms_body(sc_ref, y1_ref, x1_ref, y2_ref, x2_ref,
              o_sc, o_y1, o_x1, o_y2, o_x2, o_cl,
              s_ref, y1t, x1t, y2t, x2t, ar_ref):
    s_ref[...] = jnp.transpose(sc_ref[...])
    by1 = jnp.transpose(y1_ref[...])
    bx1 = jnp.transpose(x1_ref[...])
    by2 = jnp.transpose(y2_ref[...])
    bx2 = jnp.transpose(x2_ref[...])
    y1t[...] = by1
    x1t[...] = bx1
    y2t[...] = by2
    x2t[...] = bx2
    ar_ref[...] = (jnp.maximum(by2 - by1, 0.0)
                   * jnp.maximum(bx2 - bx1, 0.0))

    o_sc[...] = jnp.zeros((MAX_OUT, _LANES), jnp.float32)
    o_y1[...] = jnp.zeros((MAX_OUT, _LANES), jnp.float32)
    o_x1[...] = jnp.zeros((MAX_OUT, _LANES), jnp.float32)
    o_y2[...] = jnp.zeros((MAX_OUT, _LANES), jnp.float32)
    o_x2[...] = jnp.zeros((MAX_OUT, _LANES), jnp.float32)
    o_cl[...] = jnp.full((MAX_OUT, _LANES), -1, jnp.int32)

    iota_k = lax.broadcasted_iota(jnp.int32, (_KCAP, _LANES), 0)
    cls_col = (lax.broadcasted_iota(jnp.int32, (1, _LANES), 1)
               % (NUM_CLASSES - 1)) + 1

    def body(carry):
        it, _ = carry
        s = s_ref[...]
        col_max = jnp.max(s, axis=0, keepdims=True)
        idxv = jnp.min(jnp.where(s == col_max, iota_k, _KCAP), axis=0,
                       keepdims=True)
        ok = col_max > NEG / 2
        pick = iota_k == idxv
        by1 = y1t[...]
        bx1 = x1t[...]
        by2 = y2t[...]
        bx2 = x2t[...]
        p1 = jnp.sum(jnp.where(pick, by1, 0.0), axis=0, keepdims=True)
        p2 = jnp.sum(jnp.where(pick, bx1, 0.0), axis=0, keepdims=True)
        p3 = jnp.sum(jnp.where(pick, by2, 0.0), axis=0, keepdims=True)
        p4 = jnp.sum(jnp.where(pick, bx2, 0.0), axis=0, keepdims=True)
        yy1 = jnp.maximum(p1, by1)
        xx1 = jnp.maximum(p2, bx1)
        yy2 = jnp.minimum(p3, by2)
        xx2 = jnp.minimum(p4, bx2)
        inter = jnp.maximum(yy2 - yy1, 0.0) * jnp.maximum(xx2 - xx1, 0.0)
        a1 = jnp.maximum(p3 - p1, 0.0) * jnp.maximum(p4 - p2, 0.0)
        union = a1 + ar_ref[...] - inter
        iou = inter / jnp.maximum(union, 1e-8)
        suppress = (iou > IOU_THR) | pick
        s_ref[...] = jnp.where(ok & suppress, NEG, s)

        o_sc[pl.ds(it, 1), :] = jnp.where(ok, col_max, 0.0)
        o_y1[pl.ds(it, 1), :] = jnp.where(ok, p1, 0.0)
        o_x1[pl.ds(it, 1), :] = jnp.where(ok, p2, 0.0)
        o_y2[pl.ds(it, 1), :] = jnp.where(ok, p3, 0.0)
        o_x2[pl.ds(it, 1), :] = jnp.where(ok, p4, 0.0)
        o_cl[pl.ds(it, 1), :] = jnp.where(ok, cls_col, -1)
        return it + 1, jnp.any(ok)

    lax.while_loop(lambda c: (c[0] < MAX_OUT) & c[1], body,
                   (jnp.int32(0), True))


def _run_nms(sc_c, y1_c, x1_c, y2_c, x2_c):
    colf = jax.ShapeDtypeStruct((MAX_OUT, _LANES), jnp.float32)
    coli = jax.ShapeDtypeStruct((MAX_OUT, _LANES), jnp.int32)
    tbuf = pltpu.VMEM((_KCAP, _LANES), jnp.float32)
    return pl.pallas_call(
        _nms_body,
        out_shape=[colf, colf, colf, colf, colf, coli],
        scratch_shapes=[tbuf, tbuf, tbuf, tbuf, tbuf, tbuf],
    )(sc_c, y1_c, x1_c, y2_c, x2_c)


def kernel(classification, bbox, image_meta, window, rois):
    del image_meta, window
    B, N, C = classification.shape
    lanes = C - 1
    cls_t = jnp.transpose(classification, (0, 2, 1))
    bbox_t = jnp.transpose(bbox, (0, 3, 2, 1))
    rois_t = jnp.transpose(rois, (0, 2, 1))

    mid, sc, y1, x1, y2, x2 = (a.reshape(B, _NP) for a in
                               _run_decode(cls_t, bbox_t, rois_t))
    sc_c, y1_c, x1_c, y2_c, x2_c = _run_compact(
        mid, sc, y1, x1, y2, x2)
    osc, oy1, ox1, oy2, ox2, ocl = _run_nms(sc_c, y1_c, x1_c, y2_c, x2_c)

    scores = jnp.transpose(osc.reshape(MAX_OUT, B, lanes), (1, 2, 0))
    classes = jnp.transpose(ocl.reshape(MAX_OUT, B, lanes), (1, 2, 0))
    boxes = jnp.stack([oy1, ox1, oy2, ox2], axis=-1)
    boxes = jnp.transpose(boxes.reshape(MAX_OUT, B, lanes, 4), (1, 2, 0, 3))
    return scores, boxes, classes

# --- scband reference (transcript-rebuilt; emitter-appended) ---
"""Pipeline reference for scband-detection-layer-4372276707984 (READ-ONLY COPY).

The authoritative reference and input builder live on the scoring server;
editing this copy changes nothing except your own understanding.
"""

import jax, jax.numpy as jnp
import numpy as np

IOU_THR = 0.5
SCORE_THR = 0.05
MAX_OUT = 100
NUM_CLASSES = 81
NEG = -1e9


def delta2box(deltas, rois):
    h = rois[..., 2] - rois[..., 0]
    w = rois[..., 3] - rois[..., 1]
    cy = rois[..., 0] + 0.5 * h
    cx = rois[..., 1] + 0.5 * w
    cy = cy + deltas[..., 0] * h
    cx = cx + deltas[..., 1] * w
    h = h * jnp.exp(deltas[..., 2])
    w = w * jnp.exp(deltas[..., 3])
    y1 = cy - 0.5 * h
    x1 = cx - 0.5 * w
    y2 = cy + 0.5 * h
    x2 = cx + 0.5 * w
    return jnp.stack([y1, x1, y2, x2], axis=-1)


def iou_one_to_many(box, boxes):
    yy1 = jnp.maximum(box[0], boxes[:, 0])
    xx1 = jnp.maximum(box[1], boxes[:, 1])
    yy2 = jnp.minimum(box[2], boxes[:, 2])
    xx2 = jnp.minimum(box[3], boxes[:, 3])
    inter = jnp.maximum(yy2 - yy1, 0.0) * jnp.maximum(xx2 - xx1, 0.0)
    a1 = jnp.maximum(box[2] - box[0], 0.0) * jnp.maximum(box[3] - box[1], 0.0)
    a2 = jnp.maximum(boxes[:, 2] - boxes[:, 0], 0.0) * jnp.maximum(boxes[:, 3] - boxes[:, 1], 0.0)
    union = a1 + a2 - inter
    return inter / jnp.maximum(union, 1e-8)


def greedy_nms(boxes, scores):
    # selection is non-differentiable (index computation), matching tf.image.non_max_suppression
    boxes_sg = jax.lax.stop_gradient(boxes)
    s0 = jax.lax.stop_gradient(scores)
    n = s0.shape[0]

    def body(i, carry):
        s, picks = carry
        idx = jnp.argmax(s).astype(jnp.int32)
        ok = s[idx] > NEG / 2
        picks = picks.at[i].set(jnp.where(ok, idx, -1))
        ious = iou_one_to_many(boxes_sg[idx], boxes_sg)
        suppress = (ious > IOU_THR) | (jnp.arange(n) == idx)
        s = jnp.where(ok & suppress, NEG, s)
        return (s, picks)

    picks0 = jnp.full((MAX_OUT,), -1, dtype=jnp.int32)
    _, picks = jax.lax.fori_loop(0, MAX_OUT, body, (s0, picks0))
    return picks


def detect_single(cls_probs, deltas, roi):
    n = cls_probs.shape[0]
    max_ids = jnp.argmax(cls_probs, axis=1).astype(jnp.int32)
    rows = jnp.arange(n)
    scores = cls_probs[rows, max_ids]
    box_deltas = deltas[rows, max_ids]
    decoded = delta2box(box_deltas, roi)
    positive = max_ids > 0

    def per_class(cid):
        mask = positive & (max_ids == cid) & (scores > SCORE_THR)
        masked = jnp.where(mask, scores, NEG)
        picks = greedy_nms(decoded, masked)
        valid = picks >= 0
        gi = jnp.maximum(picks, 0)
        sc = jnp.where(valid, scores[gi], 0.0)
        bx = jnp.where(valid[:, None], decoded[gi], 0.0)
        cl = jnp.where(valid, cid, -1)
        return sc, bx, cl

    return jax.vmap(per_class)(jnp.arange(1, NUM_CLASSES, dtype=jnp.int32))


def setup_inputs(seed: int = 0) -> dict:
    key = jax.random.key(seed)
    k1, k2, k3, k4, k5 = jax.random.split(key, 5)
    B, N, C = 2, 5000, 81
    classification = jax.random.uniform(k1, (B, N, C), dtype=jnp.float32)
    bbox = jax.random.normal(k2, (B, N, C, 4), dtype=jnp.float32) * 0.1
    image_meta = jax.random.uniform(k3, (B, 12), dtype=jnp.float32)
    window = jax.random.uniform(k4, (B, 4), dtype=jnp.float32)
    r = jax.random.uniform(k5, (B, N, 4), dtype=jnp.float32)
    y1 = r[..., 0] * 0.8
    x1 = r[..., 1] * 0.8
    y2 = y1 + r[..., 2] * 0.2 + 0.01
    x2 = x1 + r[..., 3] * 0.2 + 0.01
    rois = jnp.stack([y1, x1, y2, x2], axis=-1)
    return {"classification": classification, "bbox": bbox, "image_meta": image_meta, "window": window, "rois": rois}


def reference(classification, bbox, image_meta, window, rois):
    # image_meta and window (inputs[2], inputs[3]) are carried but unused by the math,
    # matching the original layer which only reads inputs[0], [1], [2], [4].
    scores, boxes, classes = jax.vmap(detect_single)(classification, bbox, rois)
    # padded outputs: scores [B, 80, 100], boxes [B, 80, 100, 4], classes [B, 80, 100] (-1 = pad)
    return scores, boxes, classes

if __name__ == "__main__":
    import jax
    _d = setup_inputs()
    print(jax.jit(kernel)(*tuple(_d.values())))

</pallas_src>

<mosaic_0001>
#map = affine_map<(d0, d1) -> (0, 0)>
module attributes {stable_mosaic.version = 14 : i64} {
  func.func @_compact_body(%arg0: i32, %arg1: i32, %arg2: memref<2x5120xi32, #tpu.memory_space<hbm>>, %arg3: memref<2x5120xf32, #tpu.memory_space<hbm>>, %arg4: memref<2x5120xf32, #tpu.memory_space<hbm>>, %arg5: memref<2x5120xf32, #tpu.memory_space<hbm>>, %arg6: memref<2x5120xf32, #tpu.memory_space<hbm>>, %arg7: memref<2x5120xf32, #tpu.memory_space<hbm>>, %arg8: memref<160x128xf32, #tpu.memory_space<hbm>>, %arg9: memref<160x128xf32, #tpu.memory_space<hbm>>, %arg10: memref<160x128xf32, #tpu.memory_space<hbm>>, %arg11: memref<160x128xf32, #tpu.memory_space<hbm>>, %arg12: memref<160x128xf32, #tpu.memory_space<hbm>>, %arg13: memref<5120xi32, #tpu.memory_space<vmem>>, %arg14: memref<5120xf32, #tpu.memory_space<vmem>>, %arg15: memref<5120xf32, #tpu.memory_space<vmem>>, %arg16: memref<5120xf32, #tpu.memory_space<vmem>>, %arg17: memref<5120xf32, #tpu.memory_space<vmem>>, %arg18: memref<5120xf32, #tpu.memory_space<vmem>>, %arg19: memref<720xi32, #tpu.memory_space<vmem>>, %arg20: memref<640xf32, #tpu.memory_space<vmem>>, %arg21: memref<640xf32, #tpu.memory_space<vmem>>, %arg22: memref<640xf32, #tpu.memory_space<vmem>>, %arg23: memref<640xf32, #tpu.memory_space<vmem>>, %arg24: memref<640xf32, #tpu.memory_space<vmem>>) attributes {dimension_semantics = [#tpu.dimension_semantics<core_parallel>, #tpu.dimension_semantics<subcore_parallel>], iteration_bounds = array<i64: 2, 16>, scalar_prefetch = 0 : i64, scratch_operands = 12 : i64, tpu.core_type = #tpu.core_type<sc_vector_subcore>, window_params = [{transform_indices = #map}, {transform_indices = #map}, {transform_indices = #map}, {transform_indices = #map}, {transform_indices = #map}, {transform_indices = #map}, {transform_indices = #map}, {transform_indices = #map}, {transform_indices = #map}, {transform_indices = #map}, {transform_indices = #map}]} {
    %mul3A = arith.constant 2 : i32
    %mul3A_0 = arith.muli %arg1, %mul3A : i32
    %add3A = arith.addi %mul3A_0, %arg0 : i32
    %jit3A = arith.constant 16 : i32
    %div3A = arith.divsi %add3A, %jit3A : i32
    %sign3A = arith.constant 0 : i32
    %sign3A_1 = arith.cmpi sgt, %add3A, %sign3A : i32
    %sign3A_2 = arith.extui %sign3A_1 : i1 to i32
    %sign3A_3 = arith.constant 0 : i32
    %sign3A_4 = arith.cmpi slt, %add3A, %sign3A_3 : i32
    %sign3A_5 = arith.extui %sign3A_4 : i1 to i32
    %sign3A_6 = arith.subi %sign3A_2, %sign3A_5 : i32
    %sign3A_7 = arith.constant 0 : i32
    %sign3A_8 = arith.cmpi sgt, %jit3A, %sign3A_7 : i32
    %sign3A_9 = arith.extui %sign3A_8 : i1 to i32
    %sign3A_10 = arith.constant 0 : i32
    %sign3A_11 = arith.cmpi slt, %jit3A, %sign3A_10 : i32
    %sign3A_12 = arith.extui %sign3A_11 : i1 to i32
    %sign3A_13 = arith.subi %sign3A_9, %sign3A_12 : i32
    %ne3A = arith.cmpi ne, %sign3A_6, %sign3A_13 : i32
    %rem3A = arith.remsi %add3A, %jit3A : i32
    %ne3A_14 = arith.constant 0 : i32
    %ne3A_15 = arith.cmpi ne, %rem3A, %ne3A_14 : i32
    %and3A = arith.andi %ne3A, %ne3A_15 : i1
    %sub3A = arith.constant 1 : i32
    %sub3A_16 = arith.subi %div3A, %sub3A : i32
    %select_n3A = arith.select %and3A, %sub3A_16, %div3A : i32
    %jit3A_17 = arith.constant 16 : i32
    %eq3A = arith.constant 0 : i32
    %eq3A_18 = arith.cmpi eq, %jit3A_17, %eq3A : i32
    %jit3A_19 = arith.constant 1 : i32
    %select_n3A_20 = arith.select %eq3A_18, %jit3A_19, %jit3A_17 : i32
    %rem3A_21 = arith.remsi %add3A, %select_n3A_20 : i32
    %ne3A_22 = arith.constant 0 : i32
    %ne3A_23 = arith.cmpi ne, %rem3A_21, %ne3A_22 : i32
    %lt3A = arith.constant 0 : i32
    %lt3A_24 = arith.cmpi slt, %rem3A_21, %lt3A : i32
    %lt3A_25 = arith.constant 0 : i32
    %lt3A_26 = arith.cmpi slt, %select_n3A_20, %lt3A_25 : i32
    %ne3A_27 = arith.xori %lt3A_24, %lt3A_26 : i1
    %and3A_28 = arith.andi %ne3A_27, %ne3A_23 : i1
    %add3A_29 = arith.addi %rem3A_21, %select_n3A_20 : i32
    %select_n3A_30 = arith.select %and3A_28, %add3A_29, %rem3A_21 : i32
    %mul3A_31 = arith.constant 5 : i32
    %mul3A_32 = arith.muli %select_n3A_30, %mul3A_31 : i32
    %add3A_33 = arith.constant 1 : i32
    %add3A_34 = arith.addi %mul3A_32, %add3A_33 : i32
    %iota3A = tpu.iota {dimensions = array<i32: 0>} : vector<16xi32>
    "tpu.region"() ({
      %run_scoped3A = tpu.sem_alloc : memref<!tpu.dma_semaphore, #tpu.memory_space<semaphore_mem>>
      %dma_start3A = arith.constant 0 : i32
      %dma_start3A_1670 = tpu.memref_slice %arg2[%select_n3A, %dma_start3A] : memref<2x5120xi32, #tpu.memory_space<hbm>> -> memref<1x5120xi32, #tpu.memory_space<hbm>>
      %dma_start3A_1671 = tpu.memref_squeeze %dma_start3A_1670 : memref<1x5120xi32, #tpu.memory_space<hbm>> -> memref<5120xi32, #tpu.memory_space<hbm>>
      %dma_start3A_1672 = arith.constant 0 : i32
      %dma_start3A_1673 = tpu.memref_slice %arg2[%select_n3A, %dma_start3A_1672] : memref<2x5120xi32, #tpu.memory_space<hbm>> -> memref<1x5120xi32, #tpu.memory_space<hbm>>
      %dma_start3A_1674 = tpu.memref_squeeze %dma_start3A_1673 : memref<1x5120xi32, #tpu.memory_space<hbm>> -> memref<5120xi32, #tpu.memory_space<hbm>>
      tpu.enqueue_dma source(%dma_start3A_1674 : memref<5120xi32, #tpu.memory_space<hbm>>) target(%arg13 : memref<5120xi32, #tpu.memory_space<vmem>>) target_semaphore(%run_scoped3A : memref<!tpu.dma_semaphore, #tpu.memory_space<semaphore_mem>>)
      %dma_wait3A = arith.constant 0 : i32
      %dma_wait3A_1675 = tpu.memref_slice %arg2[%select_n3A, %dma_wait3A] : memref<2x5120xi32, #tpu.memory_space<hbm>> -> memref<1x5120xi32, #tpu.memory_space<hbm>>
      %dma_wait3A_1676 = tpu.memref_squeeze %dma_wait3A_1675 : memref<1x5120xi32, #tpu.memory_space<hbm>> -> memref<5120xi32, #tpu.memory_space<hbm>>
      %dma_wait3A_1677 = arith.constant 0 : i32
      %dma_wait3A_1678 = tpu.memref_slice %arg2[%select_n3A, %dma_wait3A_1677] : memref<2x5120xi32, #tpu.memory_space<hbm>> -> memref<1x5120xi32, #tpu.memory_space<hbm>>
      %dma_wait3A_1679 = tpu.memref_squeeze %dma_wait3A_1678 : memref<1x5120xi32, #tpu.memory_space<hbm>> -> memref<5120xi32, #tpu.memory_space<hbm>>
      tpu.wait_dma2 semaphore(%run_scoped3A : memref<!tpu.dma_semaphore, #tpu.memory_space<semaphore_mem>>) src(%dma_wait3A_1679 : memref<5120xi32, #tpu.memory_space<hbm>>) dst(%arg13 : memref<5120xi32, #tpu.memory_space<vmem>>)
      tpu.yield
    }) : () -> ()
    "tpu.region"() ({
      %run_scoped3A = tpu.sem_alloc : memref<!tpu.dma_semaphore, #tpu.memory_space<semaphore_mem>>
      %dma_start3A = arith.constant 0 : i32
      %dma_start3A_1670 = tpu.memref_slice %arg3[%select_n3A, %dma_start3A] : memref<2x5120xf32, #tpu.memory_space<hbm>> -> memref<1x5120xf32, #tpu.memory_space<hbm>>
      %dma_start3A_1671 = tpu.memref_squeeze %dma_start3A_1670 : memref<1x5120xf32, #tpu.memory_space<hbm>> -> memref<5120xf32, #tpu.memory_space<hbm>>
      %dma_start3A_1672 = arith.constant 0 : i32
      %dma_start3A_1673 = tpu.memref_slice %arg3[%select_n3A, %dma_start3A_1672] : memref<2x5120xf32, #tpu.memory_space<hbm>> -> memref<1x5120xf32, #tpu.memory_space<hbm>>
      %dma_start3A_1674 = tpu.memref_squeeze %dma_start3A_1673 : memref<1x5120xf32, #tpu.memory_space<hbm>> -> memref<5120xf32, #tpu.memory_space<hbm>>
      tpu.enqueue_dma source(%dma_start3A_1674 : memref<5120xf32, #tpu.memory_space<hbm>>) target(%arg14 : memref<5120xf32, #tpu.memory_space<vmem>>) target_semaphore(%run_scoped3A : memref<!tpu.dma_semaphore, #tpu.memory_space<semaphore_mem>>)
      %dma_wait3A = arith.constant 0 : i32
      %dma_wait3A_1675 = tpu.memref_slice %arg3[%select_n3A, %dma_wait3A] : memref<2x5120xf32, #tpu.memory_space<hbm>> -> memref<1x5120xf32, #tpu.memory_space<hbm>>
      %dma_wait3A_1676 = tpu.memref_squeeze %dma_wait3A_1675 : memref<1x5120xf32, #tpu.memory_space<hbm>> -> memref<5120xf32, #tpu.memory_space<hbm>>
      %dma_wait3A_1677 = arith.constant 0 : i32
      %dma_wait3A_1678 = tpu.memref_slice %arg3[%select_n3A, %dma_wait3A_1677] : memref<2x5120xf32, #tpu.memory_space<hbm>> -> memref<1x5120xf32, #tpu.memory_space<hbm>>
      %dma_wait3A_1679 = tpu.memref_squeeze %dma_wait3A_1678 : memref<1x5120xf32, #tpu.memory_space<hbm>> -> memref<5120xf32, #tpu.memory_space<hbm>>
      tpu.wait_dma2 semaphore(%run_scoped3A : memref<!tpu.dma_semaphore, #tpu.memory_space<semaphore_mem>>) src(%dma_wait3A_1679 : memref<5120xf32, #tpu.memory_space<hbm>>) dst(%arg14 : memref<5120xf32, #tpu.memory_space<vmem>>)
      tpu.yield
    }) : () -> ()
    "tpu.region"() ({
      %run_scoped3A = tpu.sem_alloc : memref<!tpu.dma_semaphore, #tpu.memory_space<semaphore_mem>>
      %dma_start3A = arith.constant 0 : i32
      %dma_start3A_1670 = tpu.memref_slice %arg4[%select_n3A, %dma_start3A] : memref<2x5120xf32, #tpu.memory_space<hbm>> -> memref<1x5120xf32, #tpu.memory_space<hbm>>
      %dma_start3A_1671 = tpu.memref_squeeze %dma_start3A_1670 : memref<1x5120xf32, #tpu.memory_space<hbm>> -> memref<5120xf32, #tpu.memory_space<hbm>>
      %dma_start3A_1672 = arith.constant 0 : i32
      %dma_start3A_1673 = tpu.memref_slice %arg4[%select_n3A, %dma_start3A_1672] : memref<2x5120xf32, #tpu.memory_space<hbm>> -> memref<1x5120xf32, #tpu.memory_space<hbm>>
      %dma_start3A_1674 = tpu.memref_squeeze %dma_start3A_1673 : memref<1x5120xf32, #tpu.memory_space<hbm>> -> memref<5120xf32, #tpu.memory_space<hbm>>
      tpu.enqueue_dma source(%dma_start3A_1674 : memref<5120xf32, #tpu.memory_space<hbm>>) target(%arg15 : memref<5120xf32, #tpu.memory_space<vmem>>) target_semaphore(%run_scoped3A : memref<!tpu.dma_semaphore, #tpu.memory_space<semaphore_mem>>)
      %dma_wait3A = arith.constant 0 : i32
      %dma_wait3A_1675 = tpu.memref_slice %arg4[%select_n3A, %dma_wait3A] : memref<2x5120xf32, #tpu.memory_space<hbm>> -> memref<1x5120xf32, #tpu.memory_space<hbm>>
      %dma_wait3A_1676 = tpu.memref_squeeze %dma_wait3A_1675 : memref<1x5120xf32, #tpu.memory_space<hbm>> -> memref<5120xf32, #tpu.memory_space<hbm>>
      %dma_wait3A_1677 = arith.constant 0 : i32
      %dma_wait3A_1678 = tpu.memref_slice %arg4[%select_n3A, %dma_wait3A_1677] : memref<2x5120xf32, #tpu.memory_space<hbm>> -> memref<1x5120xf32, #tpu.memory_space<hbm>>
      %dma_wait3A_1679 = tpu.memref_squeeze %dma_wait3A_1678 : memref<1x5120xf32, #tpu.memory_space<hbm>> -> memref<5120xf32, #tpu.memory_space<hbm>>
      tpu.wait_dma2 semaphore(%run_scoped3A : memref<!tpu.dma_semaphore, #tpu.memory_space<semaphore_mem>>) src(%dma_wait3A_1679 : memref<5120xf32, #tpu.memory_space<hbm>>) dst(%arg15 : memref<5120xf32, #tpu.memory_space<vmem>>)
      tpu.yield
    }) : () -> ()
    "tpu.region"() ({
      %run_scoped3A = tpu.sem_alloc : memref<!tpu.dma_semaphore, #tpu.memory_space<semaphore_mem>>
      %dma_start3A = arith.constant 0 : i32
      %dma_start3A_1670 = tpu.memref_slice %arg5[%select_n3A, %dma_start3A] : memref<2x5120xf32, #tpu.memory_space<hbm>> -> memref<1x5120xf32, #tpu.memory_space<hbm>>
      %dma_start3A_1671 = tpu.memref_squeeze %dma_start3A_1670 : memref<1x5120xf32, #tpu.memory_space<hbm>> -> memref<5120xf32, #tpu.memory_space<hbm>>
      %dma_start3A_1672 = arith.constant 0 : i32
      %dma_start3A_1673 = tpu.memref_slice %arg5[%select_n3A, %dma_start3A_1672] : memref<2x5120xf32, #tpu.memory_space<hbm>> -> memref<1x5120xf32, #tpu.memory_space<hbm>>
      %dma_start3A_1674 = tpu.memref_squeeze %dma_start3A_1673 : memref<1x5120xf32, #tpu.memory_space<hbm>> -> memref<5120xf32, #tpu.memory_space<hbm>>
      tpu.enqueue_dma source(%dma_start3A_1674 : memref<5120xf32, #tpu.memory_space<hbm>>) target(%arg16 : memref<5120xf32, #tpu.memory_space<vmem>>) target_semaphore(%run_scoped3A : memref<!tpu.dma_semaphore, #tpu.memory_space<semaphore_mem>>)
      %dma_wait3A = arith.constant 0 : i32
      %dma_wait3A_1675 = tpu.memref_slice %arg5[%select_n3A, %dma_wait3A] : memref<2x5120xf32, #tpu.memory_space<hbm>> -> memref<1x5120xf32, #tpu.memory_space<hbm>>
      %dma_wait3A_1676 = tpu.memref_squeeze %dma_wait3A_1675 : memref<1x5120xf32, #tpu.memory_space<hbm>> -> memref<5120xf32, #tpu.memory_space<hbm>>
      %dma_wait3A_1677 = arith.constant 0 : i32
      %dma_wait3A_1678 = tpu.memref_slice %arg5[%select_n3A, %dma_wait3A_1677] : memref<2x5120xf32, #tpu.memory_space<hbm>> -> memref<1x5120xf32, #tpu.memory_space<hbm>>
      %dma_wait3A_1679 = tpu.memref_squeeze %dma_wait3A_1678 : memref<1x5120xf32, #tpu.memory_space<hbm>> -> memref<5120xf32, #tpu.memory_space<hbm>>
      tpu.wait_dma2 semaphore(%run_scoped3A : memref<!tpu.dma_semaphore, #tpu.memory_space<semaphore_mem>>) src(%dma_wait3A_1679 : memref<5120xf32, #tpu.memory_space<hbm>>) dst(%arg16 : memref<5120xf32, #tpu.memory_space<vmem>>)
      tpu.yield
    }) : () -> ()
    "tpu.region"() ({
      %run_scoped3A = tpu.sem_alloc : memref<!tpu.dma_semaphore, #tpu.memory_space<semaphore_mem>>
      %dma_start3A = arith.constant 0 : i32
      %dma_start3A_1670 = tpu.memref_slice %arg6[%select_n3A, %dma_start3A] : memref<2x5120xf32, #tpu.memory_space<hbm>> -> memref<1x5120xf32, #tpu.memory_space<hbm>>
      %dma_start3A_1671 = tpu.memref_squeeze %dma_start3A_1670 : memref<1x5120xf32, #tpu.memory_space<hbm>> -> memref<5120xf32, #tpu.memory_space<hbm>>
      %dma_start3A_1672 = arith.constant 0 : i32
      %dma_start3A_1673 = tpu.memref_slice %arg6[%select_n3A, %dma_start3A_1672] : memref<2x5120xf32, #tpu.memory_space<hbm>> -> memref<1x5120xf32, #tpu.memory_space<hbm>>
      %dma_start3A_1674 = tpu.memref_squeeze %dma_start3A_1673 : memref<1x5120xf32, #tpu.memory_space<hbm>> -> memref<5120xf32, #tpu.memory_space<hbm>>
      tpu.enqueue_dma source(%dma_start3A_1674 : memref<5120xf32, #tpu.memory_space<hbm>>) target(%arg17 : memref<5120xf32, #tpu.memory_space<vmem>>) target_semaphore(%run_scoped3A : memref<!tpu.dma_semaphore, #tpu.memory_space<semaphore_mem>>)
      %dma_wait3A = arith.constant 0 : i32
      %dma_wait3A_1675 = tpu.memref_slice %arg6[%select_n3A, %dma_wait3A] : memref<2x5120xf32, #tpu.memory_space<hbm>> -> memref<1x5120xf32, #tpu.memory_space<hbm>>
      %dma_wait3A_1676 = tpu.memref_squeeze %dma_wait3A_1675 : memref<1x5120xf32, #tpu.memory_space<hbm>> -> memref<5120xf32, #tpu.memory_space<hbm>>
      %dma_wait3A_1677 = arith.constant 0 : i32
      %dma_wait3A_1678 = tpu.memref_slice %arg6[%select_n3A, %dma_wait3A_1677] : memref<2x5120xf32, #tpu.memory_space<hbm>> -> memref<1x5120xf32, #tpu.memory_space<hbm>>
      %dma_wait3A_1679 = tpu.memref_squeeze %dma_wait3A_1678 : memref<1x5120xf32, #tpu.memory_space<hbm>> -> memref<5120xf32, #tpu.memory_space<hbm>>
      tpu.wait_dma2 semaphore(%run_scoped3A : memref<!tpu.dma_semaphore, #tpu.memory_space<semaphore_mem>>) src(%dma_wait3A_1679 : memref<5120xf32, #tpu.memory_space<hbm>>) dst(%arg17 : memref<5120xf32, #tpu.memory_space<vmem>>)
      tpu.yield
    }) : () -> ()
    "tpu.region"() ({
      %run_scoped3A = tpu.sem_alloc : memref<!tpu.dma_semaphore, #tpu.memory_space<semaphore_mem>>
      %dma_start3A = arith.constant 0 : i32
      %dma_start3A_1670 = tpu.memref_slice %arg7[%select_n3A, %dma_start3A] : memref<2x5120xf32, #tpu.memory_space<hbm>> -> memref<1x5120xf32, #tpu.memory_space<hbm>>
      %dma_start3A_1671 = tpu.memref_squeeze %dma_start3A_1670 : memref<1x5120xf32, #tpu.memory_space<hbm>> -> memref<5120xf32, #tpu.memory_space<hbm>>
      %dma_start3A_1672 = arith.constant 0 : i32
      %dma_start3A_1673 = tpu.memref_slice %arg7[%select_n3A, %dma_start3A_1672] : memref<2x5120xf32, #tpu.memory_space<hbm>> -> memref<1x5120xf32, #tpu.memory_space<hbm>>
      %dma_start3A_1674 = tpu.memref_squeeze %dma_start3A_1673 : memref<1x5120xf32, #tpu.memory_space<hbm>> -> memref<5120xf32, #tpu.memory_space<hbm>>
      tpu.enqueue_dma source(%dma_start3A_1674 : memref<5120xf32, #tpu.memory_space<hbm>>) target(%arg18 : memref<5120xf32, #tpu.memory_space<vmem>>) target_semaphore(%run_scoped3A : memref<!tpu.dma_semaphore, #tpu.memory_space<semaphore_mem>>)
      %dma_wait3A = arith.constant 0 : i32
      %dma_wait3A_1675 = tpu.memref_slice %arg7[%select_n3A, %dma_wait3A] : memref<2x5120xf32, #tpu.memory_space<hbm>> -> memref<1x5120xf32, #tpu.memory_space<hbm>>
      %dma_wait3A_1676 = tpu.memref_squeeze %dma_wait3A_1675 : memref<1x5120xf32, #tpu.memory_space<hbm>> -> memref<5120xf32, #tpu.memory_space<hbm>>
      %dma_wait3A_1677 = arith.constant 0 : i32
      %dma_wait3A_1678 = tpu.memref_slice %arg7[%select_n3A, %dma_wait3A_1677] : memref<2x5120xf32, #tpu.memory_space<hbm>> -> memref<1x5120xf32, #tpu.memory_space<hbm>>
      %dma_wait3A_1679 = tpu.memref_squeeze %dma_wait3A_1678 : memref<1x5120xf32, #tpu.memory_space<hbm>> -> memref<5120xf32, #tpu.memory_space<hbm>>
      tpu.wait_dma2 semaphore(%run_scoped3A : memref<!tpu.dma_semaphore, #tpu.memory_space<semaphore_mem>>) src(%dma_wait3A_1679 : memref<5120xf32, #tpu.memory_space<hbm>>) dst(%arg18 : memref<5120xf32, #tpu.memory_space<vmem>>)
      tpu.yield
    }) : () -> ()
    %scan3A = arith.constant 0 : i32
    %scan3A_35 = arith.constant 0 : i32
    %scan3A_36 = arith.constant 0 : i32
    %scan3A_37 = arith.constant 0 : i32
    %scan3A_38 = arith.constant 0 : i32
    %scan3A_39 = arith.constant 0 : i32
    %scan3A_40 = arith.constant 320 : i32
    %scan3A_41 = arith.addi %scan3A_39, %scan3A_40 : i32
    %scan3A_42 = arith.constant 1 : i32
    %scan3A_43:5 = scf.for %scan3A_1670 = %scan3A_39 to %scan3A_41 step %scan3A_42 iter_args(%scan3A_1671 = %scan3A, %scan3A_1672 = %scan3A_35, %scan3A_1673 = %scan3A_36, %scan3A_1674 = %scan3A_37, %scan3A_1675 = %scan3A_38) -> (i32, i32, i32, i32, i32)  : i32 {
      %mul3A_1676 = arith.constant 16 : i32
      %mul3A_1677 = arith.muli %scan3A_1670, %mul3A_1676 : i32
      %get3A_1678 = arith.index_cast %mul3A_1677 : i32 to index
      %get3A_1679 = tpu.vector_load %arg13[%get3A_1678] {strides = array<i32>} : memref<5120xi32, #tpu.memory_space<vmem>>, vector<16xi32>,
      %mul3A_1680 = arith.constant 16 : i32
      %mul3A_1681 = arith.muli %scan3A_1670, %mul3A_1680 : i32
      %add3A_1682 = vector.broadcast %mul3A_1681 : i32 to vector<16xi32>
      %add3A_1683 = arith.addi %iota3A, %add3A_1682 : vector<16xi32>
      %add3A_1684 = arith.constant 0 : i32
      %add3A_1685 = arith.addi %add3A_34, %add3A_1684 : i32
      %eq3A_1686 = vector.broadcast %add3A_1685 : i32 to vector<16xi32>
      %eq3A_1687 = arith.cmpi eq, %get3A_1679, %eq3A_1686 : vector<16xi32>
      %jit3A_1688 = arith.constant 1 : i32
      %jit3A_1689 = arith.constant 0 : i32
      %broadcast_in_dim3A_1690 = vector.broadcast %jit3A_1688 : i32 to vector<16xi32>
      %broadcast_in_dim3A_1691 = vector.broadcast %jit3A_1689 : i32 to vector<16xi32>
      %select_n3A_1692 = arith.select %eq3A_1687, %broadcast_in_dim3A_1690, %broadcast_in_dim3A_1691 : vector<16xi1>, vector<16xi32>
      %reduce_sum3A = arith.constant true
      %reduce_sum3A_1693 = vector.broadcast %reduce_sum3A : i1 to vector<16xi1>
      %reduce_sum3A_1694 = tpu.scan <sum>, %select_n3A_1692 masked %reduce_sum3A_1693 : vector<16xi32>, vector<16xi1> -> vector<16xi32>
      %reduce_sum3A_1695 = vector.extract %reduce_sum3A_1694[15] : i32 from vector<16xi32>
      %min3A_1696 = arith.constant 128 : i32
      %min3A_1697 = arith.minsi %scan3A_1671, %min3A_1696 : i32
      %add3A_1698 = arith.constant 0 : i32
      %add3A_1699 = arith.addi %add3A_1698, %min3A_1697 : i32
      %swap3A_1700 = arith.index_cast %add3A_1699 : i32 to index
      %swap3A_1701 = tpu.vector_load %arg19[%swap3A_1700] masked %eq3A_1687 {strides = array<i32>} : memref<720xi32, #tpu.memory_space<vmem>>, vector<16xi32>, vector<16xi1>
      tpu.vector_store %arg19[%swap3A_1700], %add3A_1683 masked %eq3A_1687 {strides = array<i32>} : memref<720xi32, #tpu.memory_space<vmem>>, vector<16xi32>, vector<16xi1>
      %add3A_1702 = arith.addi %scan3A_1671, %reduce_sum3A_1695 : i32
      %add3A_1703 = arith.constant 1 : i32
      %add3A_1704 = arith.addi %add3A_34, %add3A_1703 : i32
      %eq3A_1705 = vector.broadcast %add3A_1704 : i32 to vector<16xi32>
      %eq3A_1706 = arith.cmpi eq, %get3A_1679, %eq3A_1705 : vector<16xi32>
      %jit3A_1707 = arith.constant 1 : i32
      %jit3A_1708 = arith.constant 0 : i32
      %broadcast_in_dim3A_1709 = vector.broadcast %jit3A_1707 : i32 to vector<16xi32>
      %broadcast_in_dim3A_1710 = vector.broadcast %jit3A_1708 : i32 to vector<16xi32>
      %select_n3A_1711 = arith.select %eq3A_1706, %broadcast_in_dim3A_1709, %broadcast_in_dim3A_1710 : vector<16xi1>, vector<16xi32>
      %reduce_sum3A_1712 = arith.constant true
      %reduce_sum3A_1713 = vector.broadcast %reduce_sum3A_1712 : i1 to vector<16xi1>
      %reduce_sum3A_1714 = tpu.scan <sum>, %select_n3A_1711 masked %reduce_sum3A_1713 : vector<16xi32>, vector<16xi1> -> vector<16xi32>
      %reduce_sum3A_1715 = vector.extract %reduce_sum3A_1714[15] : i32 from vector<16xi32>
      %min3A_1716 = arith.constant 128 : i32
      %min3A_1717 = arith.minsi %scan3A_1672, %min3A_1716 : i32
      %add3A_1718 = arith.constant 144 : i32
      %add3A_1719 = arith.addi %add3A_1718, %min3A_1717 : i32
      %swap3A_1720 = arith.index_cast %add3A_1719 : i32 to index
      %swap3A_1721 = tpu.vector_load %arg19[%swap3A_1720] masked %eq3A_1706 {strides = array<i32>} : memref<720xi32, #tpu.memory_space<vmem>>, vector<16xi32>, vector<16xi1>
      tpu.vector_store %arg19[%swap3A_1720], %add3A_1683 masked %eq3A_1706 {strides = array<i32>} : memref<720xi32, #tpu.memory_space<vmem>>, vector<16xi32>, vector<16xi1>
      %add3A_1722 = arith.addi %scan3A_1672, %reduce_sum3A_1715 : i32
      %add3A_1723 = arith.constant 2 : i32
      %add3A_1724 = arith.addi %add3A_34, %add3A_1723 : i32
      %eq3A_1725 = vector.broadcast %add3A_1724 : i32 to vector<16xi32>
      %eq3A_1726 = arith.cmpi eq, %get3A_1679, %eq3A_1725 : vector<16xi32>
      %jit3A_1727 = arith.constant 1 : i32
      %jit3A_1728 = arith.constant 0 : i32
      %broadcast_in_dim3A_1729 = vector.broadcast %jit3A_1727 : i32 to vector<16xi32>
      %broadcast_in_dim3A_1730 = vector.broadcast %jit3A_1728 : i32 to vector<16xi32>
      %select_n3A_1731 = arith.select %eq3A_1726, %broadcast_in_dim3A_1729, %broadcast_in_dim3A_1730 : vector<16xi1>, vector<16xi32>
      %reduce_sum3A_1732 = arith.constant true
      %reduce_sum3A_1733 = vector.broadcast %reduce_sum3A_1732 : i1 to vector<16xi1>
      %reduce_sum3A_1734 = tpu.scan <sum>, %select_n3A_1731 masked %reduce_sum3A_1733 : vector<16xi32>, vector<16xi1> -> vector<16xi32>
      %reduce_sum3A_1735 = vector.extract %reduce_sum3A_1734[15] : i32 from vector<16xi32>
      %min3A_1736 = arith.constant 128 : i32
      %min3A_1737 = arith.minsi %scan3A_1673, %min3A_1736 : i32
      %add3A_1738 = arith.constant 288 : i32
      %add3A_1739 = arith.addi %add3A_1738, %min3A_1737 : i32
      %swap3A_1740 = arith.index_cast %add3A_1739 : i32 to index
      %swap3A_1741 = tpu.vector_load %arg19[%swap3A_1740] masked %eq3A_1726 {strides = array<i32>} : memref<720xi32, #tpu.memory_space<vmem>>, vector<16xi32>, vector<16xi1>
      tpu.vector_store %arg19[%swap3A_1740], %add3A_1683 masked %eq3A_1726 {strides = array<i32>} : memref<720xi32, #tpu.memory_space<vmem>>, vector<16xi32>, vector<16xi1>
      %add3A_1742 = arith.addi %scan3A_1673, %reduce_sum3A_1735 : i32
      %add3A_1743 = arith.constant 3 : i32
      %add3A_1744 = arith.addi %add3A_34, %add3A_1743 : i32
      %eq3A_1745 = vector.broadcast %add3A_1744 : i32 to vector<16xi32>
      %eq3A_1746 = arith.cmpi eq, %get3A_1679, %eq3A_1745 : vector<16xi32>
      %jit3A_1747 = arith.constant 1 : i32
      %jit3A_1748 = arith.constant 0 : i32
      %broadcast_in_dim3A_1749 = vector.broadcast %jit3A_1747 : i32 to vector<16xi32>
      %broadcast_in_dim3A_1750 = vector.broadcast %jit3A_1748 : i32 to vector<16xi32>
      %select_n3A_1751 = arith.select %eq3A_1746, %broadcast_in_dim3A_1749, %broadcast_in_dim3A_1750 : vector<16xi1>, vector<16xi32>
      %reduce_sum3A_1752 = arith.constant true
      %reduce_sum3A_1753 = vector.broadcast %reduce_sum3A_1752 : i1 to vector<16xi1>
      %reduce_sum3A_1754 = tpu.scan <sum>, %select_n3A_1751 masked %reduce_sum3A_1753 : vector<16xi32>, vector<16xi1> -> vector<16xi32>
      %reduce_sum3A_1755 = vector.extract %reduce_sum3A_1754[15] : i32 from vector<16xi32>
      %min3A_1756 = arith.constant 128 : i32
      %min3A_1757 = arith.minsi %scan3A_1674, %min3A_1756 : i32
      %add3A_1758 = arith.constant 432 : i32
      %add3A_1759 = arith.addi %add3A_1758, %min3A_1757 : i32
      %swap3A_1760 = arith.index_cast %add3A_1759 : i32 to index
      %swap3A_1761 = tpu.vector_load %arg19[%swap3A_1760] masked %eq3A_1746 {strides = array<i32>} : memref<720xi32, #tpu.memory_space<vmem>>, vector<16xi32>, vector<16xi1>
      tpu.vector_store %arg19[%swap3A_1760], %add3A_1683 masked %eq3A_1746 {strides = array<i32>} : memref<720xi32, #tpu.memory_space<vmem>>, vector<16xi32>, vector<16xi1>
      %add3A_1762 = arith.addi %scan3A_1674, %reduce_sum3A_1755 : i32
      %add3A_1763 = arith.constant 4 : i32
      %add3A_1764 = arith.addi %add3A_34, %add3A_1763 : i32
      %eq3A_1765 = vector.broadcast %add3A_1764 : i32 to vector<16xi32>
      %eq3A_1766 = arith.cmpi eq, %get3A_1679, %eq3A_1765 : vector<16xi32>
      %jit3A_1767 = arith.constant 1 : i32
      %jit3A_1768 = arith.constant 0 : i32
      %broadcast_in_dim3A_1769 = vector.broadcast %jit3A_1767 : i32 to vector<16xi32>
      %broadcast_in_dim3A_1770 = vector.broadcast %jit3A_1768 : i32 to vector<16xi32>
      %select_n3A_1771 = arith.select %eq3A_1766, %broadcast_in_dim3A_1769, %broadcast_in_dim3A_1770 : vector<16xi1>, vector<16xi32>
      %reduce_sum3A_1772 = arith.constant true
      %reduce_sum3A_1773 = vector.broadcast %reduce_sum3A_1772 : i1 to vector<16xi1>
      %reduce_sum3A_1774 = tpu.scan <sum>, %select_n3A_1771 masked %reduce_sum3A_1773 : vector<16xi32>, vector<16xi1> -> vector<16xi32>
      %reduce_sum3A_1775 = vector.extract %reduce_sum3A_1774[15] : i32 from vector<16xi32>
      %min3A_1776 = arith.constant 128 : i32
      %min3A_1777 = arith.minsi %scan3A_1675, %min3A_1776 : i32
      %add3A_1778 = arith.constant 576 : i32
      %add3A_1779 = arith.addi %add3A_1778, %min3A_1777 : i32
      %swap3A_1780 = arith.index_cast %add3A_1779 : i32 to index
      %swap3A_1781 = tpu.vector_load %arg19[%swap3A_1780] masked %eq3A_1766 {strides = array<i32>} : memref<720xi32, #tpu.memory_space<vmem>>, vector<16xi32>, vector<16xi1>
      tpu.vector_store %arg19[%swap3A_1780], %add3A_1683 masked %eq3A_1766 {strides = array<i32>} : memref<720xi32, #tpu.memory_space<vmem>>, vector<16xi32>, vector<16xi1>
      %add3A_1782 = arith.addi %scan3A_1675, %reduce_sum3A_1775 : i32
      scf.yield %add3A_1702, %add3A_1722, %add3A_1742, %add3A_1762, %add3A_1782 : i32, i32, i32, i32, i32
    }
    %scan3A_44 = arith.constant 320 : i32
    %min3A = arith.constant 128 : i32
    %min3A_45 = arith.minsi %scan3A_43#0, %min3A : i32
    %add3A_46 = arith.constant 0 : i32
    %add3A_47 = vector.broadcast %add3A_46 : i32 to vector<16xi32>
    %add3A_48 = arith.addi %iota3A, %add3A_47 : vector<16xi32>
    %lt3A_49 = vector.broadcast %min3A_45 : i32 to vector<16xi32>
    %lt3A_50 = arith.cmpi slt, %add3A_48, %lt3A_49 : vector<16xi32>
    %get3A = arith.constant 0 : index
    %get3A_51 = tpu.vector_load %arg19[%get3A] {strides = array<i32>} : memref<720xi32, #tpu.memory_space<vmem>>, vector<16xi32>,
    %jit3A_52 = arith.constant 0 : i32
    %broadcast_in_dim3A = vector.broadcast %jit3A_52 : i32 to vector<16xi32>
    %select_n3A_53 = arith.select %lt3A_50, %get3A_51, %broadcast_in_dim3A : vector<16xi1>, vector<16xi32>
    %gather3A = tpu.vector_load_idx %arg14[%select_n3A_53] : memref<5120xf32, #tpu.memory_space<vmem>>[vector<16xi32>], vector<16xf32>,
    %jit3A_54 = arith.constant -1.000000e+09 : f32
    %broadcast_in_dim3A_55 = vector.broadcast %jit3A_54 : f32 to vector<16xf32>
    %select_n3A_56 = arith.select %lt3A_50, %gather3A, %broadcast_in_dim3A_55 : vector<16xi1>, vector<16xf32>
    %swap3A = arith.constant 0 : index
    %swap3A_57 = tpu.vector_load %arg20[%swap3A] {strides = array<i32>} : memref<640xf32, #tpu.memory_space<vmem>>, vector<16xf32>,
    tpu.vector_store %arg20[%swap3A], %select_n3A_56 {strides = array<i32>} : memref<640xf32, #tpu.memory_space<vmem>>, vector<16xf32>,
    %gather3A_58 = tpu.vector_load_idx %arg15[%select_n3A_53] : memref<5120xf32, #tpu.memory_space<vmem>>[vector<16xi32>], vector<16xf32>,
    %jit3A_59 = arith.constant 0.000000e+00 : f32
    %broadcast_in_dim3A_60 = vector.broadcast %jit3A_59 : f32 to vector<16xf32>
    %select_n3A_61 = arith.select %lt3A_50, %gather3A_58, %broadcast_in_dim3A_60 : vector<16xi1>, vector<16xf32>
    %swap3A_62 = arith.constant 0 : index
    %swap3A_63 = tpu.vector_load %arg21[%swap3A_62] {strides = array<i32>} : memref<640xf32, #tpu.memory_space<vmem>>, vector<16xf32>,
    tpu.vector_store %arg21[%swap3A_62], %select_n3A_61 {strides = array<i32>} : memref<640xf32, #tpu.memory_space<vmem>>, vector<16xf32>,
    %gather3A_64 = tpu.vector_load_idx %arg16[%select_n3A_53] : memref<5120xf32, #tpu.memory_space<vmem>>[vector<16xi32>], vector<16xf32>,
    %jit3A_65 = arith.constant 0.000000e+00 : f32
    %broadcast_in_dim3A_66 = vector.broadcast %jit3A_65 : f32 to vector<16xf32>
    %select_n3A_67 = arith.select %lt3A_50, %gather3A_64, %broadcast_in_dim3A_66 : vector<16xi1>, vector<16xf32>
    %swap3A_68 = arith.constant 0 : index
    %swap3A_69 = tpu.vector_load %arg22[%swap3A_68] {strides = array<i32>} : memref<640xf32, #tpu.memory_space<vmem>>, vector<16xf32>,
    tpu.vector_store %arg22[%swap3A_68], %select_n3A_67 {strides = array<i32>} : memref<640xf32, #tpu.memory_space<vmem>>, vector<16xf32>,
    %gather3A_70 = tpu.vector_load_idx %arg17[%select_n3A_53] : memref<5120xf32, #tpu.memory_space<vmem>>[vector<16xi32>], vector<16xf32>,
    %jit3A_71 = arith.constant 0.000000e+00 : f32
    %broadcast_in_dim3A_72 = vector.broadcast %jit3A_71 : f32 to vector<16xf32>
    %select_n3A_73 = arith.select %lt3A_50, %gather3A_70, %broadcast_in_dim3A_72 : vector<16xi1>, vector<16xf32>
    %swap3A_74 = arith.constant 0 : index
    %swap3A_75 = tpu.vector_load %arg23[%swap3A_74] {strides = array<i32>} : memref<640xf32, #tpu.memory_space<vmem>>, vector<16xf32>,
    tpu.vector_store %arg23[%swap3A_74], %select_n3A_73 {strides = array<i32>} : memref<640xf32, #tpu.memory_space<vmem>>, vector<16xf32>,
    %gather3A_76 = tpu.vector_load_idx %arg18[%select_n3A_53] : memref<5120xf32, #tpu.memory_space<vmem>>[vector<16xi32>], vector<16xf32>,
    %jit3A_77 = arith.constant 0.000000e+00 : f32
    %broadcast_in_dim3A_78 = vector.broadcast %jit3A_77 : f32 to vector<16xf32>
    %select_n3A_79 = arith.select %lt3A_50, %gather3A_76, %broadcast_in_dim3A_78 : vector<16xi1>, vector<16xf32>
    %swap3A_80 = arith.constant 0 : index
    %swap3A_81 = tpu.vector_load %arg24[%swap3A_80] {strides = array<i32>} : memref<640xf32, #tpu.memory_space<vmem>>, vector<16xf32>,
    tpu.vector_store %arg24[%swap3A_80], %select_n3A_79 {strides = array<i32>} : memref<640xf32, #tpu.memory_space<vmem>>, vector<16xf32>,
    %add3A_82 = arith.constant 16 : i32
    %add3A_83 = vector.broadcast %add3A_82 : i32 to vector<16xi32>
    %add3A_84 = arith.addi %iota3A, %add3A_83 : vector<16xi32>
    %lt3A_85 = vector.broadcast %min3A_45 : i32 to vector<16xi32>
    %lt3A_86 = arith.cmpi slt, %add3A_84, %lt3A_85 : vector<16xi32>
    %get3A_87 = arith.constant 16 : index
    %get3A_88 = tpu.vector_load %arg19[%get3A_87] {strides = array<i32>} : memref<720xi32, #tpu.memory_space<vmem>>, vector<16xi32>,
    %jit3A_89 = arith.constant 0 : i32
    %broadcast_in_dim3A_90 = vector.broadcast %jit3A_89 : i32 to vector<16xi32>
    %select_n3A_91 = arith.select %lt3A_86, %get3A_88, %broadcast_in_dim3A_90 : vector<16xi1>, vector<16xi32>
    %gather3A_92 = tpu.vector_load_idx %arg14[%select_n3A_91] : memref<5120xf32, #tpu.memory_space<vmem>>[vector<16xi32>], vector<16xf32>,
    %jit3A_93 = arith.constant -1.000000e+09 : f32
    %broadcast_in_dim3A_94 = vector.broadcast %jit3A_93 : f32 to vector<16xf32>
    %select_n3A_95 = arith.select %lt3A_86, %gather3A_92, %broadcast_in_dim3A_94 : vector<16xi1>, vector<16xf32>
    %swap3A_96 = arith.constant 16 : index
    %swap3A_97 = tpu.vector_load %arg20[%swap3A_96] {strides = array<i32>} : memref<640xf32, #tpu.memory_space<vmem>>, vector<16xf32>,
    tpu.vector_store %arg20[%swap3A_96], %select_n3A_95 {strides = array<i32>} : memref<640xf32, #tpu.memory_space<vmem>>, vector<16xf32>,
    %gather3A_98 = tpu.vector_load_idx %arg15[%select_n3A_91] : memref<5120xf32, #tpu.memory_space<vmem>>[vector<16xi32>], vector<16xf32>,
    %jit3A_99 = arith.constant 0.000000e+00 : f32
    %broadcast_in_dim3A_100 = vector.broadcast %jit3A_99 : f32 to vector<16xf32>
    %select_n3A_101 = arith.select %lt3A_86, %gather3A_98, %broadcast_in_dim3A_100 : vector<16xi1>, vector<16xf32>
    %swap3A_102 = arith.constant 16 : index
    %swap3A_103 = tpu.vector_load %arg21[%swap3A_102] {strides = array<i32>} : memref<640xf32, #tpu.memory_space<vmem>>, vector<16xf32>,
    tpu.vector_store %arg21[%swap3A_102], %select_n3A_101 {strides = array<i32>} : memref<640xf32, #tpu.memory_space<vmem>>, vector<16xf32>,
    %gather3A_104 = tpu.vector_load_idx %arg16[%select_n3A_91] : memref<5120xf32, #tpu.memory_space<vmem>>[vector<16xi32>], vector<16xf32>,
    %jit3A_105 = arith.constant 0.000000e+00 : f32
    %broadcast_in_dim3A_106 = vector.broadcast %jit3A_105 : f32 to vector<16xf32>
    %select_n3A_107 = arith.select %lt3A_86, %gather3A_104, %broadcast_in_dim3A_106 : vector<16xi1>, vector<16xf32>
    %swap3A_108 = arith.constant 16 : index
    %swap3A_109 = tpu.vector_load %arg22[%swap3A_108] {strides = array<i32>} : memref<640xf32, #tpu.memory_space<vmem>>, vector<16xf32>,
    tpu.vector_store %arg22[%swap3A_108], %select_n3A_107 {strides = array<i32>} : memref<640xf32, #tpu.memory_space<vmem>>, vector<16xf32>,
    %gather3A_110 = tpu.vector_load_idx %arg17[%select_n3A_91] : memref<5120xf32, #tpu.memory_space<vmem>>[vector<16xi32>], vector<16xf32>,
    %jit3A_111 = arith.constant 0.000000e+00 : f32
    %broadcast_in_dim3A_112 = vector.broadcast %jit3A_111 : f32 to vector<16xf32>
    %select_n3A_113 = arith.select %lt3A_86, %gather3A_110, %broadcast_in_dim3A_112 : vector<16xi1>, vector<16xf32>
    %swap3A_114 = arith.constant 16 : index
    %swap3A_115 = tpu.vector_load %arg23[%swap3A_114] {strides = array<i32>} : memref<640xf32, #tpu.memory_space<vmem>>, vector<16xf32>,
    tpu.vector_store %arg23[%swap3A_114], %select_n3A_113 {strides = array<i32>} : memref<640xf32, #tpu.memory_space<vmem>>, vector<16xf32>,
    %gather3A_116 = tpu.vector_load_idx %arg18[%select_n3A_91] : memref<5120xf32, #tpu.memory_space<vmem>>[vector<16xi32>], vector<16xf32>,
    %jit3A_117 = arith.constant 0.000000e+00 : f32
    %broadcast_in_dim3A_118 = vector.broadcast %jit3A_117 : f32 to vector<16xf32>
    %select_n3A_119 = arith.select %lt3A_86, %gather3A_116, %broadcast_in_dim3A_118 : vector<16xi1>, vector<16xf32>
    %swap3A_120 = arith.constant 16 : index
    %swap3A_121 = tpu.vector_load %arg24[%swap3A_120] {strides = array<i32>} : memref<640xf32, #tpu.memory_space<vmem>>, vector<16xf32>,
    tpu.vector_store %arg24[%swap3A_120], %select_n3A_119 {strides = array<i32>} : memref<640xf32, #tpu.memory_space<vmem>>, vector<16xf32>,
    %add3A_122 = arith.constant 32 : i32
    %add3A_123 = vector.broadcast %add3A_122 : i32 to vector<16xi32>
    %add3A_124 = arith.addi %iota3A, %add3A_123 : vector<16xi32>
    %lt3A_125 = vector.broadcast %min3A_45 : i32 to vector<16xi32>
    %lt3A_126 = arith.cmpi slt, %add3A_124, %lt3A_125 : vector<16xi32>
    %get3A_127 = arith.constant 32 : index
    %get3A_128 = tpu.vector_load %arg19[%get3A_127] {strides = array<i32>} : memref<720xi32, #tpu.memory_space<vmem>>, vector<16xi32>,
    %jit3A_129 = arith.constant 0 : i32
    %broadcast_in_dim3A_130 = vector.broadcast %jit3A_129 : i32 to vector<16xi32>
    %select_n3A_131 = arith.select %lt3A_126, %get3A_128, %broadcast_in_dim3A_130 : vector<16xi1>, vector<16xi32>
    %gather3A_132 = tpu.vector_load_idx %arg14[%select_n3A_131] : memref<5120xf32, #tpu.memory_space<vmem>>[vector<16xi32>], vector<16xf32>,
    %jit3A_133 = arith.constant -1.000000e+09 : f32
    %broadcast_in_dim3A_134 = vector.broadcast %jit3A_133 : f32 to vector<16xf32>
    %select_n3A_135 = arith.select %lt3A_126, %gather3A_132, %broadcast_in_dim3A_134 : vector<16xi1>, vector<16xf32>
    %swap3A_136 = arith.constant 32 : index
    %swap3A_137 = tpu.vector_load %arg20[%swap3A_136] {strides = array<i32>} : memref<640xf32, #tpu.memory_space<vmem>>, vector<16xf32>,
    tpu.vector_store %arg20[%swap3A_136], %select_n3A_135 {strides = array<i32>} : memref<640xf32, #tpu.memory_space<vmem>>, vector<16xf32>,
    %gather3A_138 = tpu.vector_load_idx %arg15[%select_n3A_131] : memref<5120xf32, #tpu.memory_space<vmem>>[vector<16xi32>], vector<16xf32>,
    %jit3A_139 = arith.constant 0.000000e+00 : f32
    %broadcast_in_dim3A_140 = vector.broadcast %jit3A_139 : f32 to vector<16xf32>
    %select_n3A_141 = arith.select %lt3A_126, %gather3A_138, %broadcast_in_dim3A_140 : vector<16xi1>, vector<16xf32>
    %swap3A_142 = arith.constant 32 : index
    %swap3A_143 = tpu.vector_load %arg21[%swap3A_142] {strides = array<i32>} : memref<640xf32, #tpu.memory_space<vmem>>, vector<16xf32>,
    tpu.vector_store %arg21[%swap3A_142], %select_n3A_141 {strides = array<i32>} : memref<640xf32, #tpu.memory_space<vmem>>, vector<16xf32>,
    %gather3A_144 = tpu.vector_load_idx %arg16[%select_n3A_131] : memref<5120xf32, #tpu.memory_space<vmem>>[vector<16xi32>], vector<16xf32>,
    %jit3A_145 = arith.constant 0.000000e+00 : f32
    %broadcast_in_dim3A_146 = vector.broadcast %jit3A_145 : f32 to vector<16xf32>
    %select_n3A_147 = arith.select %lt3A_126, %gather3A_144, %broadcast_in_dim3A_146 : vector<16xi1>, vector<16xf32>
    %swap3A_148 = arith.constant 32 : index
    %swap3A_149 = tpu.vector_load %arg22[%swap3A_148] {strides = array<i32>} : memref<640xf32, #tpu.memory_space<vmem>>, vector<16xf32>,
    tpu.vector_store %arg22[%swap3A_148], %select_n3A_147 {strides = array<i32>} : memref<640xf32, #tpu.memory_space<vmem>>, vector<16xf32>,
    %gather3A_150 = tpu.vector_load_idx %arg17[%select_n3A_131] : memref<5120xf32, #tpu.memory_space<vmem>>[vector<16xi32>], vector<16xf32>,
    %jit3A_151 = arith.constant 0.000000e+00 : f32
    %broadcast_in_dim3A_152 = vector.broadcast %jit3A_151 : f32 to vector<16xf32>
    %select_n3A_153 = arith.select %lt3A_126, %gather3A_150, %broadcast_in_dim3A_152 : vector<16xi1>, vector<16xf32>
    %swap3A_154 = arith.constant 32 : index
    %swap3A_155 = tpu.vector_load %arg23[%swap3A_154] {strides = array<i32>} : memref<640xf32, #tpu.memory_space<vmem>>, vector<16xf32>,
    tpu.vector_store %arg23[%swap3A_154], %select_n3A_153 {strides = array<i32>} : memref<640xf32, #tpu.memory_space<vmem>>, vector<16xf32>,
    %gather3A_156 = tpu.vector_load_idx %arg18[%select_n3A_131] : memref<5120xf32, #tpu.memory_space<vmem>>[vector<16xi32>], vector<16xf32>,
    %jit3A_157 = arith.constant 0.000000e+00 : f32
    %broadcast_in_dim3A_158 = vector.broadcast %jit3A_157 : f32 to vector<16xf32>
    %select_n3A_159 = arith.select %lt3A_126, %gather3A_156, %broadcast_in_dim3A_158 : vector<16xi1>, vector<16xf32>
    %swap3A_160 = arith.constant 32 : index
    %swap3A_161 = tpu.vector_load %arg24[%swap3A_160] {strides = array<i32>} : memref<640xf32, #tpu.memory_space<vmem>>, vector<16xf32>,
    tpu.vector_store %arg24[%swap3A_160], %select_n3A_159 {strides = array<i32>} : memref<640xf32, #tpu.memory_space<vmem>>, vector<16xf32>,
    %add3A_162 = arith.constant 48 : i32
    %add3A_163 = vector.broadcast %add3A_162 : i32 to vector<16xi32>
    %add3A_164 = arith.addi %iota3A, %add3A_163 : vector<16xi32>
    %lt3A_165 = vector.broadcast %min3A_45 : i32 to vector<16xi32>
    %lt3A_166 = arith.cmpi slt, %add3A_164, %lt3A_165 : vector<16xi32>
    %get3A_167 = arith.constant 48 : index
    %get3A_168 = tpu.vector_load %arg19[%get3A_167] {strides = array<i32>} : memref<720xi32, #tpu.memory_space<vmem>>, vector<16xi32>,
    %jit3A_169 = arith.constant 0 : i32
    %broadcast_in_dim3A_170 = vector.broadcast %jit3A_169 : i32 to vector<16xi32>
    %select_n3A_171 = arith.select %lt3A_166, %get3A_168, %broadcast_in_dim3A_170 : vector<16xi1>, vector<16xi32>
    %gather3A_172 = tpu.vector_load_idx %arg14[%select_n3A_171] : memref<5120xf32, #tpu.memory_space<vmem>>[vector<16xi32>], vector<16xf32>,
    %jit3A_173 = arith.constant -1.000000e+09 : f32
    %broadcast_in_dim3A_174 = vector.broadcast %jit3A_173 : f32 to vector<16xf32>
    %select_n3A_175 = arith.select %lt3A_166, %gather3A_172, %broadcast_in_dim3A_174 : vector<16xi1>, vector<16xf32>
    %swap3A_176 = arith.constant 48 : index
    %swap3A_177 = tpu.vector_load %arg20[%swap3A_176] {strides = array<i32>} : memref<640xf32, #tpu.memory_space<vmem>>, vector<16xf32>,
    tpu.vector_store %arg20[%swap3A_176], %select_n3A_175 {strides = array<i32>} : memref<640xf32, #tpu.memory_space<vmem>>, vector<16xf32>,
    %gather3A_178 = tpu.vector_load_idx %arg15[%select_n3A_171] : memref<5120xf32, #tpu.memory_space<vmem>>[vector<16xi32>], vector<16xf32>,
    %jit3A_179 = arith.constant 0.000000e+00 : f32
    %broadcast_in_dim3A_180 = vector.broadcast %jit3A_179 : f32 to vector<16xf32>
    %select_n3A_181 = arith.select %lt3A_166, %gather3A_178, %broadcast_in_dim3A_180 : vector<16xi1>, vector<16xf32>
    %swap3A_182 = arith.constant 48 : index
    %swap3A_183 = tpu.vector_load %arg21[%swap3A_182] {strides = array<i32>} : memref<640xf32, #tpu.memory_space<vmem>>, vector<16xf32>,
    tpu.vector_store %arg21[%swap3A_182], %select_n3A_181 {strides = array<i32>} : memref<640xf32, #tpu.memory_space<vmem>>, vector<16xf32>,
    %gather3A_184 = tpu.vector_load_idx %arg16[%select_n3A_171] : memref<5120xf32, #tpu.memory_space<vmem>>[vector<16xi32>], vector<16xf32>,
    %jit3A_185 = arith.constant 0.000000e+00 : f32
    %broadcast_in_dim3A_186 = vector.broadcast %jit3A_185 : f32 to vector<16xf32>
    %select_n3A_187 = arith.select %lt3A_166, %gather3A_184, %broadcast_in_dim3A_186 : vector<16xi1>, vector<16xf32>
    %swap3A_188 = arith.constant 48 : index
    %swap3A_189 = tpu.vector_load %arg22[%swap3A_188] {strides = array<i32>} : memref<640xf32, #tpu.memory_space<vmem>>, vector<16xf32>,
    tpu.vector_store %arg22[%swap3A_188], %select_n3A_187 {strides = array<i32>} : memref<640xf32, #tpu.memory_space<vmem>>, vector<16xf32>,
    %gather3A_190 = tpu.vector_load_idx %arg17[%select_n3A_171] : memref<5120xf32, #tpu.memory_space<vmem>>[vector<16xi32>], vector<16xf32>,
    %jit3A_191 = arith.constant 0.000000e+00 : f32
    %broadcast_in_dim3A_192 = vector.broadcast %jit3A_191 : f32 to vector<16xf32>
    %select_n3A_193 = arith.select %lt3A_166, %gather3A_190, %broadcast_in_dim3A_192 : vector<16xi1>, vector<16xf32>
    %swap3A_194 = arith.constant 48 : index
    %swap3A_195 = tpu.vector_load %arg23[%swap3A_194] {strides = array<i32>} : memref<640xf32, #tpu.memory_space<vmem>>, vector<16xf32>,
    tpu.vector_store %arg23[%swap3A_194], %select_n3A_193 {strides = array<i32>} : memref<640xf32, #tpu.memory_space<vmem>>, vector<16xf32>,
    %gather3A_196 = tpu.vector_load_idx %arg18[%select_n3A_171] : memref<5120xf32, #tpu.memory_space<vmem>>[vector<16xi32>], vector<16xf32>,
    %jit3A_197 = arith.constant 0.000000e+00 : f32
    %broadcast_in_dim3A_198 = vector.broadcast %jit3A_197 : f32 to vector<16xf32>
    %select_n3A_199 = arith.select %lt3A_166, %gather3A_196, %broadcast_in_dim3A_198 : vector<16xi1>, vector<16xf32>
    %swap3A_200 = arith.constant 48 : index
    %swap3A_201 = tpu.vector_load %arg24[%swap3A_200] {strides = array<i32>} : memref<640xf32, #tpu.memory_space<vmem>>, vector<16xf32>,
    tpu.vector_store %arg24[%swap3A_200], %select_n3A_199 {strides = array<i32>} : memref<640xf32, #tpu.memory_space<vmem>>, vector<16xf32>,
    %add3A_202 = arith.constant 64 : i32
    %add3A_203 = vector.broadcast %add3A_202 : i32 to vector<16xi32>
    %add3A_204 = arith.addi %iota3A, %add3A_203 : vector<16xi32>
    %lt3A_205 = vector.broadcast %min3A_45 : i32 to vector<16xi32>
    %lt3A_206 = arith.cmpi slt, %add3A_204, %lt3A_205 : vector<16xi32>
    %get3A_207 = arith.constant 64 : index
    %get3A_208 = tpu.vector_load %arg19[%get3A_207] {strides = array<i32>} : memref<720xi32, #tpu.memory_space<vmem>>, vector<16xi32>,
    %jit3A_209 = arith.constant 0 : i32
    %broadcast_in_dim3A_210 = vector.broadcast %jit3A_209 : i32 to vector<16xi32>
    %select_n3A_211 = arith.select %lt3A_206, %get3A_208, %broadcast_in_dim3A_210 : vector<16xi1>, vector<16xi32>
    %gather3A_212 = tpu.vector_load_idx %arg14[%select_n3A_211] : memref<5120xf32, #tpu.memory_space<vmem>>[vector<16xi32>], vector<16xf32>,
    %jit3A_213 = arith.constant -1.000000e+09 : f32
    %broadcast_in_dim3A_214 = vector.broadcast %jit3A_213 : f32 to vector<16xf32>
    %select_n3A_215 = arith.select %lt3A_206, %gather3A_212, %broadcast_in_dim3A_214 : vector<16xi1>, vector<16xf32>
    %swap3A_216 = arith.constant 64 : index
    %swap3A_217 = tpu.vector_load %arg20[%swap3A_216] {strides = array<i32>} : memref<640xf32, #tpu.memory_space<vmem>>, vector<16xf32>,
    tpu.vector_store %arg20[%swap3A_216], %select_n3A_215 {strides = array<i32>} : memref<640xf32, #tpu.memory_space<vmem>>, vector<16xf32>,
    %gather3A_218 = tpu.vector_load_idx %arg15[%select_n3A_211] : memref<5120xf32, #tpu.memory_space<vmem>>[vector<16xi32>], vector<16xf32>,
    %jit3A_219 = arith.constant 0.000000e+00 : f32
    %broadcast_in_dim3A_220 = vector.broadcast %jit3A_219 : f32 to vector<16xf32>
    %select_n3A_221 = arith.select %lt3A_206, %gather3A_218, %broadcast_in_dim3A_220 : vector<16xi1>, vector<16xf32>
    %swap3A_222 = arith.constant 64 : index
    %swap3A_223 = tpu.vector_load %arg21[%swap3A_222] {strides = array<i32>} : memref<640xf32, #tpu.memory_space<vmem>>, vector<16xf32>,
    tpu.vector_store %arg21[%swap3A_222], %select_n3A_221 {strides = array<i32>} : memref<640xf32, #tpu.memory_space<vmem>>, vector<16xf32>,
    %gather3A_224 = tpu.vector_load_idx %arg16[%select_n3A_211] : memref<5120xf32, #tpu.memory_space<vmem>>[vector<16xi32>], vector<16xf32>,
    %jit3A_225 = arith.constant 0.000000e+00 : f32
    %broadcast_in_dim3A_226 = vector.broadcast %jit3A_225 : f32 to vector<16xf32>
    %select_n3A_227 = arith.select %lt3A_206, %gather3A_224, %broadcast_in_dim3A_226 : vector<16xi1>, vector<16xf32>
    %swap3A_228 = arith.constant 64 : index
    %swap3A_229 = tpu.vector_load %arg22[%swap3A_228] {strides = array<i32>} : memref<640xf32, #tpu.memory_space<vmem>>, vector<16xf32>,
    tpu.vector_store %arg22[%swap3A_228], %select_n3A_227 {strides = array<i32>} : memref<640xf32, #tpu.memory_space<vmem>>, vector<16xf32>,
    %gather3A_230 = tpu.vector_load_idx %arg17[%select_n3A_211] : memref<5120xf32, #tpu.memory_space<vmem>>[vector<16xi32>], vector<16xf32>,
    %jit3A_231 = arith.constant 0.000000e+00 : f32
    %broadcast_in_dim3A_232 = vector.broadcast %jit3A_231 : f32 to vector<16xf32>
    %select_n3A_233 = arith.select %lt3A_206, %gather3A_230, %broadcast_in_dim3A_232 : vector<16xi1>, vector<16xf32>
    %swap3A_234 = arith.constant 64 : index
    %swap3A_235 = tpu.vector_load %arg23[%swap3A_234] {strides = array<i32>} : memref<640xf32, #tpu.memory_space<vmem>>, vector<16xf32>,
    tpu.vector_store %arg23[%swap3A_234], %select_n3A_233 {strides = array<i32>} : memref<640xf32, #tpu.memory_space<vmem>>, vector<16xf32>,
    %gather3A_236 = tpu.vector_load_idx %arg18[%select_n3A_211] : memref<5120xf32, #tpu.memory_space<vmem>>[vector<16xi32>], vector<16xf32>,
    %jit3A_237 = arith.constant 0.000000e+00 : f32
    %broadcast_in_dim3A_238 = vector.broadcast %jit3A_237 : f32 to vector<16xf32>
    %select_n3A_239 = arith.select %lt3A_206, %gather3A_236, %broadcast_in_dim3A_238 : vector<16xi1>, vector<16xf32>
    %swap3A_240 = arith.constant 64 : index
    %swap3A_241 = tpu.vector_load %arg24[%swap3A_240] {strides = array<i32>} : memref<640xf32, #tpu.memory_space<vmem>>, vector<16xf32>,
    tpu.vector_store %arg24[%swap3A_240], %select_n3A_239 {strides = array<i32>} : memref<640xf32, #tpu.memory_space<vmem>>, vector<16xf32>,
    %add3A_242 = arith.constant 80 : i32
    %add3A_243 = vector.broadcast %add3A_242 : i32 to vector<16xi32>
    %add3A_244 = arith.addi %iota3A, %add3A_243 : vector<16xi32>
    %lt3A_245 = vector.broadcast %min3A_45 : i32 to vector<16xi32>
    %lt3A_246 = arith.cmpi slt, %add3A_244, %lt3A_245 : vector<16xi32>
    %get3A_247 = arith.constant 80 : index
    %get3A_248 = tpu.vector_load %arg19[%get3A_247] {strides = array<i32>} : memref<720xi32, #tpu.memory_space<vmem>>, vector<16xi32>,
    %jit3A_249 = arith.constant 0 : i32
    %broadcast_in_dim3A_250 = vector.broadcast %jit3A_249 : i32 to vector<16xi32>
    %select_n3A_251 = arith.select %lt3A_246, %get3A_248, %broadcast_in_dim3A_250 : vector<16xi1>, vector<16xi32>
    %gather3A_252 = tpu.vector_load_idx %arg14[%select_n3A_251] : memref<5120xf32, #tpu.memory_space<vmem>>[vector<16xi32>], vector<16xf32>,
    %jit3A_253 = arith.constant -1.000000e+09 : f32
    %broadcast_in_dim3A_254 = vector.broadcast %jit3A_253 : f32 to vector<16xf32>
    %select_n3A_255 = arith.select %lt3A_246, %gather3A_252, %broadcast_in_dim3A_254 : vector<16xi1>, vector<16xf32>
    %swap3A_256 = arith.constant 80 : index
    %swap3A_257 = tpu.vector_load %arg20[%swap3A_256] {strides = array<i32>} : memref<640xf32, #tpu.memory_space<vmem>>, vector<16xf32>,
    tpu.vector_store %arg20[%swap3A_256], %select_n3A_255 {strides = array<i32>} : memref<640xf32, #tpu.memory_space<vmem>>, vector<16xf32>,
    %gather3A_258 = tpu.vector_load_idx %arg15[%select_n3A_251] : memref<5120xf32, #tpu.memory_space<vmem>>[vector<16xi32>], vector<16xf32>,
    %jit3A_259 = arith.constant 0.000000e+00 : f32
    %broadcast_in_dim3A_260 = vector.broadcast %jit3A_259 : f32 to vector<16xf32>
    %select_n3A_261 = arith.select %lt3A_246, %gather3A_258, %broadcast_in_dim3A_260 : vector<16xi1>, vector<16xf32>
    %swap3A_262 = arith.constant 80 : index
    %swap3A_263 = tpu.vector_load %arg21[%swap3A_262] {strides = array<i32>} : memref<640xf32, #tpu.memory_space<vmem>>, vector<16xf32>,
    tpu.vector_store %arg21[%swap3A_262], %select_n3A_261 {strides = array<i32>} : memref<640xf32, #tpu.memory_space<vmem>>, vector<16xf32>,
    %gather3A_264 = tpu.vector_load_idx %arg16[%select_n3A_251] : memref<5120xf32, #tpu.memory_space<vmem>>[vector<16xi32>], vector<16xf32>,
    %jit3A_265 = arith.constant 0.000000e+00 : f32
    %broadcast_in_dim3A_266 = vector.broadcast %jit3A_265 : f32 to vector<16xf32>
    %select_n3A_267 = arith.select %lt3A_246, %gather3A_264, %broadcast_in_dim3A_266 : vector<16xi1>, vector<16xf32>
    %swap3A_268 = arith.constant 80 : index
    %swap3A_269 = tpu.vector_load %arg22[%swap3A_268] {strides = array<i32>} : memref<640xf32, #tpu.memory_space<vmem>>, vector<16xf32>,
    tpu.vector_store %arg22[%swap3A_268], %select_n3A_267 {strides = array<i32>} : memref<640xf32, #tpu.memory_space<vmem>>, vector<16xf32>,
    %gather3A_270 = tpu.vector_load_idx %arg17[%select_n3A_251] : memref<5120xf32, #tpu.memory_space<vmem>>[vector<16xi32>], vector<16xf32>,
    %jit3A_271 = arith.constant 0.000000e+00 : f32
    %broadcast_in_dim3A_272 = vector.broadcast %jit3A_271 : f32 to vector<16xf32>
    %select_n3A_273 = arith.select %lt3A_246, %gather3A_270, %broadcast_in_dim3A_272 : vector<16xi1>, vector<16xf32>
    %swap3A_274 = arith.constant 80 : index
    %swap3A_275 = tpu.vector_load %arg23[%swap3A_274] {strides = array<i32>} : memref<640xf32, #tpu.memory_space<vmem>>, vector<16xf32>,
    tpu.vector_store %arg23[%swap3A_274], %select_n3A_273 {strides = array<i32>} : memref<640xf32, #tpu.memory_space<vmem>>, vector<16xf32>,
    %gather3A_276 = tpu.vector_load_idx %arg18[%select_n3A_251] : memref<5120xf32, #tpu.memory_space<vmem>>[vector<16xi32>], vector<16xf32>,
    %jit3A_277 = arith.constant 0.000000e+00 : f32
    %broadcast_in_dim3A_278 = vector.broadcast %jit3A_277 : f32 to vector<16xf32>
    %select_n3A_279 = arith.select %lt3A_246, %gather3A_276, %broadcast_in_dim3A_278 : vector<16xi1>, vector<16xf32>
    %swap3A_280 = arith.constant 80 : index
    %swap3A_281 = tpu.vector_load %arg24[%swap3A_280] {strides = array<i32>} : memref<640xf32, #tpu.memory_space<vmem>>, vector<16xf32>,
    tpu.vector_store %arg24[%swap3A_280], %select_n3A_279 {strides = array<i32>} : memref<640xf32, #tpu.memory_space<vmem>>, vector<16xf32>,
    %add3A_282 = arith.constant 96 : i32
    %add3A_283 = vector.broadcast %add3A_282 : i32 to vector<16xi32>
    %add3A_284 = arith.addi %iota3A, %add3A_283 : vector<16xi32>
    %lt3A_285 = vector.broadcast %min3A_45 : i32 to vector<16xi32>
    %lt3A_286 = arith.cmpi slt, %add3A_284, %lt3A_285 : vector<16xi32>
    %get3A_287 = arith.constant 96 : index
    %get3A_288 = tpu.vector_load %arg19[%get3A_287] {strides = array<i32>} : memref<720xi32, #tpu.memory_space<vmem>>, vector<16xi32>,
    %jit3A_289 = arith.constant 0 : i32
    %broadcast_in_dim3A_290 = vector.broadcast %jit3A_289 : i32 to vector<16xi32>
    %select_n3A_291 = arith.select %lt3A_286, %get3A_288, %broadcast_in_dim3A_290 : vector<16xi1>, vector<16xi32>
    %gather3A_292 = tpu.vector_load_idx %arg14[%select_n3A_291] : memref<5120xf32, #tpu.memory_space<vmem>>[vector<16xi32>], vector<16xf32>,
    %jit3A_293 = arith.constant -1.000000e+09 : f32
    %broadcast_in_dim3A_294 = vector.broadcast %jit3A_293 : f32 to vector<16xf32>
    %select_n3A_295 = arith.select %lt3A_286, %gather3A_292, %broadcast_in_dim3A_294 : vector<16xi1>, vector<16xf32>
    %swap3A_296 = arith.constant 96 : index
    %swap3A_297 = tpu.vector_load %arg20[%swap3A_296] {strides = array<i32>} : memref<640xf32, #tpu.memory_space<vmem>>, vector<16xf32>,
    tpu.vector_store %arg20[%swap3A_296], %select_n3A_295 {strides = array<i32>} : memref<640xf32, #tpu.memory_space<vmem>>, vector<16xf32>,
    %gather3A_298 = tpu.vector_load_idx %arg15[%select_n3A_291] : memref<5120xf32, #tpu.memory_space<vmem>>[vector<16xi32>], vector<16xf32>,
    %jit3A_299 = arith.constant 0.000000e+00 : f32
    %broadcast_in_dim3A_300 = vector.broadcast %jit3A_299 : f32 to vector<16xf32>
    %select_n3A_301 = arith.select %lt3A_286, %gather3A_298, %broadcast_in_dim3A_300 : vector<16xi1>, vector<16xf32>
    %swap3A_302 = arith.constant 96 : index
    %swap3A_303 = tpu.vector_load %arg21[%swap3A_302] {strides = array<i32>} : memref<640xf32, #tpu.memory_space<vmem>>, vector<16xf32>,
    tpu.vector_store %arg21[%swap3A_302], %select_n3A_301 {strides = array<i32>} : memref<640xf32, #tpu.memory_space<vmem>>, vector<16xf32>,
    %gather3A_304 = tpu.vector_load_idx %arg16[%select_n3A_291] : memref<5120xf32, #tpu.memory_space<vmem>>[vector<16xi32>], vector<16xf32>,
    %jit3A_305 = arith.constant 0.000000e+00 : f32
    %broadcast_in_dim3A_306 = vector.broadcast %jit3A_305 : f32 to vector<16xf32>
    %select_n3A_307 = arith.select %lt3A_286, %gather3A_304, %broadcast_in_dim3A_306 : vector<16xi1>, vector<16xf32>
    %swap3A_308 = arith.constant 96 : index
    %swap3A_309 = tpu.vector_load %arg22[%swap3A_308] {strides = array<i32>} : memref<640xf32, #tpu.memory_space<vmem>>, vector<16xf32>,
    tpu.vector_store %arg22[%swap3A_308], %select_n3A_307 {strides = array<i32>} : memref<640xf32, #tpu.memory_space<vmem>>, vector<16xf32>,
    %gather3A_310 = tpu.vector_load_idx %arg17[%select_n3A_291] : memref<5120xf32, #tpu.memory_space<vmem>>[vector<16xi32>], vector<16xf32>,
    %jit3A_311 = arith.constant 0.000000e+00 : f32
    %broadcast_in_dim3A_312 = vector.broadcast %jit3A_311 : f32 to vector<16xf32>
    %select_n3A_313 = arith.select %lt3A_286, %gather3A_310, %broadcast_in_dim3A_312 : vector<16xi1>, vector<16xf32>
    %swap3A_314 = arith.constant 96 : index
    %swap3A_315 = tpu.vector_load %arg23[%swap3A_314] {strides = array<i32>} : memref<640xf32, #tpu.memory_space<vmem>>, vector<16xf32>,
    tpu.vector_store %arg23[%swap3A_314], %select_n3A_313 {strides = array<i32>} : memref<640xf32, #tpu.memory_space<vmem>>, vector<16xf32>,
    %gather3A_316 = tpu.vector_load_idx %arg18[%select_n3A_291] : memref<5120xf32, #tpu.memory_space<vmem>>[vector<16xi32>], vector<16xf32>,
    %jit3A_317 = arith.constant 0.000000e+00 : f32
    %broadcast_in_dim3A_318 = vector.broadcast %jit3A_317 : f32 to vector<16xf32>
    %select_n3A_319 = arith.select %lt3A_286, %gather3A_316, %broadcast_in_dim3A_318 : vector<16xi1>, vector<16xf32>
    %swap3A_320 = arith.constant 96 : index
    %swap3A_321 = tpu.vector_load %arg24[%swap3A_320] {strides = array<i32>} : memref<640xf32, #tpu.memory_space<vmem>>, vector<16xf32>,
    tpu.vector_store %arg24[%swap3A_320], %select_n3A_319 {strides = array<i32>} : memref<640xf32, #tpu.memory_space<vmem>>, vector<16xf32>,
    %add3A_322 = arith.constant 112 : i32
    %add3A_323 = vector.broadcast %add3A_322 : i32 to vector<16xi32>
    %add3A_324 = arith.addi %iota3A, %add3A_323 : vector<16xi32>
    %lt3A_325 = vector.broadcast %min3A_45 : i32 to vector<16xi32>
    %lt3A_326 = arith.cmpi slt, %add3A_324, %lt3A_325 : vector<16xi32>
    %get3A_327 = arith.constant 112 : index
    %get3A_328 = tpu.vector_load %arg19[%get3A_327] {strides = array<i32>} : memref<720xi32, #tpu.memory_space<vmem>>, vector<16xi32>,
    %jit3A_329 = arith.constant 0 : i32
    %broadcast_in_dim3A_330 = vector.broadcast %jit3A_329 : i32 to vector<16xi32>
    %select_n3A_331 = arith.select %lt3A_326, %get3A_328, %broadcast_in_dim3A_330 : vector<16xi1>, vector<16xi32>
    %gather3A_332 = tpu.vector_load_idx %arg14[%select_n3A_331] : memref<5120xf32, #tpu.memory_space<vmem>>[vector<16xi32>], vector<16xf32>,
    %jit3A_333 = arith.constant -1.000000e+09 : f32
    %broadcast_in_dim3A_334 = vector.broadcast %jit3A_333 : f32 to vector<16xf32>
    %select_n3A_335 = arith.select %lt3A_326, %gather3A_332, %broadcast_in_dim3A_334 : vector<16xi1>, vector<16xf32>
    %swap3A_336 = arith.constant 112 : index
    %swap3A_337 = tpu.vector_load %arg20[%swap3A_336] {strides = array<i32>} : memref<640xf32, #tpu.memory_space<vmem>>, vector<16xf32>,
    tpu.vector_store %arg20[%swap3A_336], %select_n3A_335 {strides = array<i32>} : memref<640xf32, #tpu.memory_space<vmem>>, vector<16xf32>,
    %gather3A_338 = tpu.vector_load_idx %arg15[%select_n3A_331] : memref<5120xf32, #tpu.memory_space<vmem>>[vector<16xi32>], vector<16xf32>,
    %jit3A_339 = arith.constant 0.000000e+00 : f32
    %broadcast_in_dim3A_340 = vector.broadcast %jit3A_339 : f32 to vector<16xf32>
    %select_n3A_341 = arith.select %lt3A_326, %gather3A_338, %broadcast_in_dim3A_340 : vector<16xi1>, vector<16xf32>
    %swap3A_342 = arith.constant 112 : index
    %swap3A_343 = tpu.vector_load %arg21[%swap3A_342] {strides = array<i32>} : memref<640xf32, #tpu.memory_space<vmem>>, vector<16xf32>,
    tpu.vector_store %arg21[%swap3A_342], %select_n3A_341 {strides = array<i32>} : memref<640xf32, #tpu.memory_space<vmem>>, vector<16xf32>,
    %gather3A_344 = tpu.vector_load_idx %arg16[%select_n3A_331] : memref<5120xf32, #tpu.memory_space<vmem>>[vector<16xi32>], vector<16xf32>,
    %jit3A_345 = arith.constant 0.000000e+00 : f32
    %broadcast_in_dim3A_346 = vector.broadcast %jit3A_345 : f32 to vector<16xf32>
    %select_n3A_347 = arith.select %lt3A_326, %gather3A_344, %broadcast_in_dim3A_346 : vector<16xi1>, vector<16xf32>
    %swap3A_348 = arith.constant 112 : index
    %swap3A_349 = tpu.vector_load %arg22[%swap3A_348] {strides = array<i32>} : memref<640xf32, #tpu.memory_space<vmem>>, vector<16xf32>,
    tpu.vector_store %arg22[%swap3A_348], %select_n3A_347 {strides = array<i32>} : memref<640xf32, #tpu.memory_space<vmem>>, vector<16xf32>,
    %gather3A_350 = tpu.vector_load_idx %arg17[%select_n3A_331] : memref<5120xf32, #tpu.memory_space<vmem>>[vector<16xi32>], vector<16xf32>,
    %jit3A_351 = arith.constant 0.000000e+00 : f32
    %broadcast_in_dim3A_352 = vector.broadcast %jit3A_351 : f32 to vector<16xf32>
    %select_n3A_353 = arith.select %lt3A_326, %gather3A_350, %broadcast_in_dim3A_352 : vector<16xi1>, vector<16xf32>
    %swap3A_354 = arith.constant 112 : index
    %swap3A_355 = tpu.vector_load %arg23[%swap3A_354] {strides = array<i32>} : memref<640xf32, #tpu.memory_space<vmem>>, vector<16xf32>,
    tpu.vector_store %arg23[%swap3A_354], %select_n3A_353 {strides = array<i32>} : memref<640xf32, #tpu.memory_space<vmem>>, vector<16xf32>,
    %gather3A_356 = tpu.vector_load_idx %arg18[%select_n3A_331] : memref<5120xf32, #tpu.memory_space<vmem>>[vector<16xi32>], vector<16xf32>,
    %jit3A_357 = arith.constant 0.000000e+00 : f32
    %broadcast_in_dim3A_358 = vector.broadcast %jit3A_357 : f32 to vector<16xf32>
    %select_n3A_359 = arith.select %lt3A_326, %gather3A_356, %broadcast_in_dim3A_358 : vector<16xi1>, vector<16xf32>
    %swap3A_360 = arith.constant 112 : index
    %swap3A_361 = tpu.vector_load %arg24[%swap3A_360] {strides = array<i32>} : memref<640xf32, #tpu.memory_space<vmem>>, vector<16xf32>,
    tpu.vector_store %arg24[%swap3A_360], %select_n3A_359 {strides = array<i32>} : memref<640xf32, #tpu.memory_space<vmem>>, vector<16xf32>,
    %min3A_362 = arith.constant 128 : i32
    %min3A_363 = arith.minsi %scan3A_43#1, %min3A_362 : i32
    %add3A_364 = arith.constant 0 : i32
    %add3A_365 = vector.broadcast %add3A_364 : i32 to vector<16xi32>
    %add3A_366 = arith.addi %iota3A, %add3A_365 : vector<16xi32>
    %lt3A_367 = vector.broadcast %min3A_363 : i32 to vector<16xi32>
    %lt3A_368 = arith.cmpi slt, %add3A_366, %lt3A_367 : vector<16xi32>
    %get3A_369 = arith.constant 144 : index
    %get3A_370 = tpu.vector_load %arg19[%get3A_369] {strides = array<i32>} : memref<720xi32, #tpu.memory_space<vmem>>, vector<16xi32>,
    %jit3A_371 = arith.constant 0 : i32
    %broadcast_in_dim3A_372 = vector.broadcast %jit3A_371 : i32 to vector<16xi32>
    %select_n3A_373 = arith.select %lt3A_368, %get3A_370, %broadcast_in_dim3A_372 : vector<16xi1>, vector<16xi32>
    %gather3A_374 = tpu.vector_load_idx %arg14[%select_n3A_373] : memref<5120xf32, #tpu.memory_space<vmem>>[vector<16xi32>], vector<16xf32>,
    %jit3A_375 = arith.constant -1.000000e+09 : f32
    %broadcast_in_dim3A_376 = vector.broadcast %jit3A_375 : f32 to vector<16xf32>
    %select_n3A_377 = arith.select %lt3A_368, %gather3A_374, %broadcast_in_dim3A_376 : vector<16xi1>, vector<16xf32>
    %swap3A_378 = arith.constant 128 : index
    %swap3A_379 = tpu.vector_load %arg20[%swap3A_378] {strides = array<i32>} : memref<640xf32, #tpu.memory_space<vmem>>, vector<16xf32>,
    tpu.vector_store %arg20[%swap3A_378], %select_n3A_377 {strides = array<i32>} : memref<640xf32, #tpu.memory_space<vmem>>, vector<16xf32>,
    %gather3A_380 = tpu.vector_load_idx %arg15[%select_n3A_373] : memref<5120xf32, #tpu.memory_space<vmem>>[vector<16xi32>], vector<16xf32>,
    %jit3A_381 = arith.constant 0.000000e+00 : f32
    %broadcast_in_dim3A_382 = vector.broadcast %jit3A_381 : f32 to vector<16xf32>
    %select_n3A_383 = arith.select %lt3A_368, %gather3A_380, %broadcast_in_dim3A_382 : vector<16xi1>, vector<16xf32>
    %swap3A_384 = arith.constant 128 : index
    %swap3A_385 = tpu.vector_load %arg21[%swap3A_384] {strides = array<i32>} : memref<640xf32, #tpu.memory_space<vmem>>, vector<16xf32>,
    tpu.vector_store %arg21[%swap3A_384], %select_n3A_383 {strides = array<i32>} : memref<640xf32, #tpu.memory_space<vmem>>, vector<16xf32>,
    %gather3A_386 = tpu.vector_load_idx %arg16[%select_n3A_373] : memref<5120xf32, #tpu.memory_space<vmem>>[vector<16xi32>], vector<16xf32>,
    %jit3A_387 = arith.constant 0.000000e+00 : f32
    %broadcast_in_dim3A_388 = vector.broadcast %jit3A_387 : f32 to vector<16xf32>
    %select_n3A_389 = arith.select %lt3A_368, %gather3A_386, %broadcast_in_dim3A_388 : vector<16xi1>, vector<16xf32>
    %swap3A_390 = arith.constant 128 : index
    %swap3A_391 = tpu.vector_load %arg22[%swap3A_390] {strides = array<i32>} : memref<640xf32, #tpu.memory_space<vmem>>, vector<16xf32>,
    tpu.vector_store %arg22[%swap3A_390], %select_n3A_389 {strides = array<i32>} : memref<640xf32, #tpu.memory_space<vmem>>, vector<16xf32>,
    %gather3A_392 = tpu.vector_load_idx %arg17[%select_n3A_373] : memref<5120xf32, #tpu.memory_space<vmem>>[vector<16xi32>], vector<16xf32>,
    %jit3A_393 = arith.constant 0.000000e+00 : f32
    %broadcast_in_dim3A_394 = vector.broadcast %jit3A_393 : f32 to vector<16xf32>
    %select_n3A_395 = arith.select %lt3A_368, %gather3A_392, %broadcast_in_dim3A_394 : vector<16xi1>, vector<16xf32>
    %swap3A_396 = arith.constant 128 : index
    %swap3A_397 = tpu.vector_load %arg23[%swap3A_396] {strides = array<i32>} : memref<640xf32, #tpu.memory_space<vmem>>, vector<16xf32>,
    tpu.vector_store %arg23[%swap3A_396], %select_n3A_395 {strides = array<i32>} : memref<640xf32, #tpu.memory_space<vmem>>, vector<16xf32>,
    %gather3A_398 = tpu.vector_load_idx %arg18[%select_n3A_373] : memref<5120xf32, #tpu.memory_space<vmem>>[vector<16xi32>], vector<16xf32>,
    %jit3A_399 = arith.constant 0.000000e+00 : f32
    %broadcast_in_dim3A_400 = vector.broadcast %jit3A_399 : f32 to vector<16xf32>
    %select_n3A_401 = arith.select %lt3A_368, %gather3A_398, %broadcast_in_dim3A_400 : vector<16xi1>, vector<16xf32>
    %swap3A_402 = arith.constant 128 : index
    %swap3A_403 = tpu.vector_load %arg24[%swap3A_402] {strides = array<i32>} : memref<640xf32, #tpu.memory_space<vmem>>, vector<16xf32>,
    tpu.vector_store %arg24[%swap3A_402], %select_n3A_401 {strides = array<i32>} : memref<640xf32, #tpu.memory_space<vmem>>, vector<16xf32>,
    %add3A_404 = arith.constant 16 : i32
    %add3A_405 = vector.broadcast %add3A_404 : i32 to vector<16xi32>
    %add3A_406 = arith.addi %iota3A, %add3A_405 : vector<16xi32>
    %lt3A_407 = vector.broadcast %min3A_363 : i32 to vector<16xi32>
    %lt3A_408 = arith.cmpi slt, %add3A_406, %lt3A_407 : vector<16xi32>
    %get3A_409 = arith.constant 160 : index
    %get3A_410 = tpu.vector_load %arg19[%get3A_409] {strides = array<i32>} : memref<720xi32, #tpu.memory_space<vmem>>, vector<16xi32>,
    %jit3A_411 = arith.constant 0 : i32
    %broadcast_in_dim3A_412 = vector.broadcast %jit3A_411 : i32 to vector<16xi32>
    %select_n3A_413 = arith.select %lt3A_408, %get3A_410, %broadcast_in_dim3A_412 : vector<16xi1>, vector<16xi32>
    %gather3A_414 = tpu.vector_load_idx %arg14[%select_n3A_413] : memref<5120xf32, #tpu.memory_space<vmem>>[vector<16xi32>], vector<16xf32>,
    %jit3A_415 = arith.constant -1.000000e+09 : f32
    %broadcast_in_dim3A_416 = vector.broadcast %jit3A_415 : f32 to vector<16xf32>
    %select_n3A_417 = arith.select %lt3A_408, %gather3A_414, %broadcast_in_dim3A_416 : vector<16xi1>, vector<16xf32>
    %swap3A_418 = arith.constant 144 : index
    %swap3A_419 = tpu.vector_load %arg20[%swap3A_418] {strides = array<i32>} : memref<640xf32, #tpu.memory_space<vmem>>, vector<16xf32>,
    tpu.vector_store %arg20[%swap3A_418], %select_n3A_417 {strides = array<i32>} : memref<640xf32, #tpu.memory_space<vmem>>, vector<16xf32>,
    %gather3A_420 = tpu.vector_load_idx %arg15[%select_n3A_413] : memref<5120xf32, #tpu.memory_space<vmem>>[vector<16xi32>], vector<16xf32>,
    %jit3A_421 = arith.constant 0.000000e+00 : f32
    %broadcast_in_dim3A_422 = vector.broadcast %jit3A_421 : f32 to vector<16xf32>
    %select_n3A_423 = arith.select %lt3A_408, %gather3A_420, %broadcast_in_dim3A_422 : vector<16xi1>, vector<16xf32>
    %swap3A_424 = arith.constant 144 : index
    %swap3A_425 = tpu.vector_load %arg21[%swap3A_424] {strides = array<i32>} : memref<640xf32, #tpu.memory_space<vmem>>, vector<16xf32>,
    tpu.vector_store %arg21[%swap3A_424], %select_n3A_423 {strides = array<i32>} : memref<640xf32, #tpu.memory_space<vmem>>, vector<16xf32>,
    %gather3A_426 = tpu.vector_load_idx %arg16[%select_n3A_413] : memref<5120xf32, #tpu.memory_space<vmem>>[vector<16xi32>], vector<16xf32>,
    %jit3A_427 = arith.constant 0.000000e+00 : f32
    %broadcast_in_dim3A_428 = vector.broadcast %jit3A_427 : f32 to vector<16xf32>
    %select_n3A_429 = arith.select %lt3A_408, %gather3A_426, %broadcast_in_dim3A_428 : vector<16xi1>, vector<16xf32>
    %swap3A_430 = arith.constant 144 : index
    %swap3A_431 = tpu.vector_load %arg22[%swap3A_430] {strides = array<i32>} : memref<640xf32, #tpu.memory_space<vmem>>, vector<16xf32>,
    tpu.vector_store %arg22[%swap3A_430], %select_n3A_429 {strides = array<i32>} : memref<640xf32, #tpu.memory_space<vmem>>, vector<16xf32>,
    %gather3A_432 = tpu.vector_load_idx %arg17[%select_n3A_413] : memref<5120xf32, #tpu.memory_space<vmem>>[vector<16xi32>], vector<16xf32>,
    %jit3A_433 = arith.constant 0.000000e+00 : f32
    %broadcast_in_dim3A_434 = vector.broadcast %jit3A_433 : f32 to vector<16xf32>
    %select_n3A_435 = arith.select %lt3A_408, %gather3A_432, %broadcast_in_dim3A_434 : vector<16xi1>, vector<16xf32>
    %swap3A_436 = arith.constant 144 : index
    %swap3A_437 = tpu.vector_load %arg23[%swap3A_436] {strides = array<i32>} : memref<640xf32, #tpu.memory_space<vmem>>, vector<16xf32>,
    tpu.vector_store %arg23[%swap3A_436], %select_n3A_435 {strides = array<i32>} : memref<640xf32, #tpu.memory_space<vmem>>, vector<16xf32>,
    %gather3A_438 = tpu.vector_load_idx %arg18[%select_n3A_413] : memref<5120xf32, #tpu.memory_space<vmem>>[vector<16xi32>], vector<16xf32>,
    %jit3A_439 = arith.constant 0.000000e+00 : f32
    %broadcast_in_dim3A_440 = vector.broadcast %jit3A_439 : f32 to vector<16xf32>
    %select_n3A_441 = arith.select %lt3A_408, %gather3A_438, %broadcast_in_dim3A_440 : vector<16xi1>, vector<16xf32>
    %swap3A_442 = arith.constant 144 : index
    %swap3A_443 = tpu.vector_load %arg24[%swap3A_442] {strides = array<i32>} : memref<640xf32, #tpu.memory_space<vmem>>, vector<16xf32>,
    tpu.vector_store %arg24[%swap3A_442], %select_n3A_441 {strides = array<i32>} : memref<640xf32, #tpu.memory_space<vmem>>, vector<16xf32>,
    %add3A_444 = arith.constant 32 : i32
    %add3A_445 = vector.broadcast %add3A_444 : i32 to vector<16xi32>
    %add3A_446 = arith.addi %iota3A, %add3A_445 : vector<16xi32>
    %lt3A_447 = vector.broadcast %min3A_363 : i32 to vector<16xi32>
    %lt3A_448 = arith.cmpi slt, %add3A_446, %lt3A_447 : vector<16xi32>
    %get3A_449 = arith.constant 176 : index
    %get3A_450 = tpu.vector_load %arg19[%get3A_449] {strides = array<i32>} : memref<720xi32, #tpu.memory_space<vmem>>, vector<16xi32>,
    %jit3A_451 = arith.constant 0 : i32
    %broadcast_in_dim3A_452 = vector.broadcast %jit3A_451 : i32 to vector<16xi32>
    %select_n3A_453 = arith.select %lt3A_448, %get3A_450, %broadcast_in_dim3A_452 : vector<16xi1>, vector<16xi32>
    %gather3A_454 = tpu.vector_load_idx %arg14[%select_n3A_453] : memref<5120xf32, #tpu.memory_space<vmem>>[vector<16xi32>], vector<16xf32>,
    %jit3A_455 = arith.constant -1.000000e+09 : f32
    %broadcast_in_dim3A_456 = vector.broadcast %jit3A_455 : f32 to vector<16xf32>
    %select_n3A_457 = arith.select %lt3A_448, %gather3A_454, %broadcast_in_dim3A_456 : vector<16xi1>, vector<16xf32>
    %swap3A_458 = arith.constant 160 : index
    %swap3A_459 = tpu.vector_load %arg20[%swap3A_458] {strides = array<i32>} : memref<640xf32, #tpu.memory_space<vmem>>, vector<16xf32>,
    tpu.vector_store %arg20[%swap3A_458], %select_n3A_457 {strides = array<i32>} : memref<640xf32, #tpu.memory_space<vmem>>, vector<16xf32>,
    %gather3A_460 = tpu.vector_load_idx %arg15[%select_n3A_453] : memref<5120xf32, #tpu.memory_space<vmem>>[vector<16xi32>], vector<16xf32>,
    %jit3A_461 = arith.constant 0.000000e+00 : f32
    %broadcast_in_dim3A_462 = vector.broadcast %jit3A_461 : f32 to vector<16xf32>
    %select_n3A_463 = arith.select %lt3A_448, %gather3A_460, %broadcast_in_dim3A_462 : vector<16xi1>, vector<16xf32>
    %swap3A_464 = arith.constant 160 : index
    %swap3A_465 = tpu.vector_load %arg21[%swap3A_464] {strides = array<i32>} : memref<640xf32, #tpu.memory_space<vmem>>, vector<16xf32>,
    tpu.vector_store %arg21[%swap3A_464], %select_n3A_463 {strides = array<i32>} : memref<640xf32, #tpu.memory_space<vmem>>, vector<16xf32>,
    %gather3A_466 = tpu.vector_load_idx %arg16[%select_n3A_453] : memref<5120xf32, #tpu.memory_space<vmem>>[vector<16xi32>], vector<16xf32>,
    %jit3A_467 = arith.constant 0.000000e+00 : f32
    %broadcast_in_dim3A_468 = vector.broadcast %jit3A_467 : f32 to vector<16xf32>
    %select_n3A_469 = arith.select %lt3A_448, %gather3A_466, %broadcast_in_dim3A_468 : vector<16xi1>, vector<16xf32>
    %swap3A_470 = arith.constant 160 : index
    %swap3A_471 = tpu.vector_load %arg22[%swap3A_470] {strides = array<i32>} : memref<640xf32, #tpu.memory_space<vmem>>, vector<16xf32>,
    tpu.vector_store %arg22[%swap3A_470], %select_n3A_469 {strides = array<i32>} : memref<640xf32, #tpu.memory_space<vmem>>, vector<16xf32>,
    %gather3A_472 = tpu.vector_load_idx %arg17[%select_n3A_453] : memref<5120xf32, #tpu.memory_space<vmem>>[vector<16xi32>], vector<16xf32>,
    %jit3A_473 = arith.constant 0.000000e+00 : f32
    %broadcast_in_dim3A_474 = vector.broadcast %jit3A_473 : f32 to vector<16xf32>
    %select_n3A_475 = arith.select %lt3A_448, %gather3A_472, %broadcast_in_dim3A_474 : vector<16xi1>, vector<16xf32>
    %swap3A_476 = arith.constant 160 : index
    %swap3A_477 = tpu.vector_load %arg23[%swap3A_476] {strides = array<i32>} : memref<640xf32, #tpu.memory_space<vmem>>, vector<16xf32>,
    tpu.vector_store %arg23[%swap3A_476], %select_n3A_475 {strides = array<i32>} : memref<640xf32, #tpu.memory_space<vmem>>, vector<16xf32>,
    %gather3A_478 = tpu.vector_load_idx %arg18[%select_n3A_453] : memref<5120xf32, #tpu.memory_space<vmem>>[vector<16xi32>], vector<16xf32>,
    %jit3A_479 = arith.constant 0.000000e+00 : f32
    %broadcast_in_dim3A_480 = vector.broadcast %jit3A_479 : f32 to vector<16xf32>
    %select_n3A_481 = arith.select %lt3A_448, %gather3A_478, %broadcast_in_dim3A_480 : vector<16xi1>, vector<16xf32>
    %swap3A_482 = arith.constant 160 : index
    %swap3A_483 = tpu.vector_load %arg24[%swap3A_482] {strides = array<i32>} : memref<640xf32, #tpu.memory_space<vmem>>, vector<16xf32>,
    tpu.vector_store %arg24[%swap3A_482], %select_n3A_481 {strides = array<i32>} : memref<640xf32, #tpu.memory_space<vmem>>, vector<16xf32>,
    %add3A_484 = arith.constant 48 : i32
    %add3A_485 = vector.broadcast %add3A_484 : i32 to vector<16xi32>
    %add3A_486 = arith.addi %iota3A, %add3A_485 : vector<16xi32>
    %lt3A_487 = vector.broadcast %min3A_363 : i32 to vector<16xi32>
    %lt3A_488 = arith.cmpi slt, %add3A_486, %lt3A_487 : vector<16xi32>
    %get3A_489 = arith.constant 192 : index
    %get3A_490 = tpu.vector_load %arg19[%get3A_489] {strides = array<i32>} : memref<720xi32, #tpu.memory_space<vmem>>, vector<16xi32>,
    %jit3A_491 = arith.constant 0 : i32
    %broadcast_in_dim3A_492 = vector.broadcast %jit3A_491 : i32 to vector<16xi32>
    %select_n3A_493 = arith.select %lt3A_488, %get3A_490, %broadcast_in_dim3A_492 : vector<16xi1>, vector<16xi32>
    %gather3A_494 = tpu.vector_load_idx %arg14[%select_n3A_493] : memref<5120xf32, #tpu.memory_space<vmem>>[vector<16xi32>], vector<16xf32>,
    %jit3A_495 = arith.constant -1.000000e+09 : f32
    %broadcast_in_dim3A_496 = vector.broadcast %jit3A_495 : f32 to vector<16xf32>
    %select_n3A_497 = arith.select %lt3A_488, %gather3A_494, %broadcast_in_dim3A_496 : vector<16xi1>, vector<16xf32>
    %swap3A_498 = arith.constant 176 : index
    %swap3A_499 = tpu.vector_load %arg20[%swap3A_498] {strides = array<i32>} : memref<640xf32, #tpu.memory_space<vmem>>, vector<16xf32>,
    tpu.vector_store %arg20[%swap3A_498], %select_n3A_497 {strides = array<i32>} : memref<640xf32, #tpu.memory_space<vmem>>, vector<16xf32>,
    %gather3A_500 = tpu.vector_load_idx %arg15[%select_n3A_493] : memref<5120xf32, #tpu.memory_space<vmem>>[vector<16xi32>], vector<16xf32>,
    %jit3A_501 = arith.constant 0.000000e+00 : f32
    %broadcast_in_dim3A_502 = vector.broadcast %jit3A_501 : f32 to vector<16xf32>
    %select_n3A_503 = arith.select %lt3A_488, %gather3A_500, %broadcast_in_dim3A_502 : vector<16xi1>, vector<16xf32>
    %swap3A_504 = arith.constant 176 : index
    %swap3A_505 = tpu.vector_load %arg21[%swap3A_504] {strides = array<i32>} : memref<640xf32, #tpu.memory_space<vmem>>, vector<16xf32>,
    tpu.vector_store %arg21[%swap3A_504], %select_n3A_503 {strides = array<i32>} : memref<640xf32, #tpu.memory_space<vmem>>, vector<16xf32>,
    %gather3A_506 = tpu.vector_load_idx %arg16[%select_n3A_493] : memref<5120xf32, #tpu.memory_space<vmem>>[vector<16xi32>], vector<16xf32>,
    %jit3A_507 = arith.constant 0.000000e+00 : f32
    %broadcast_in_dim3A_508 = vector.broadcast %jit3A_507 : f32 to vector<16xf32>
    %select_n3A_509 = arith.select %lt3A_488, %gather3A_506, %broadcast_in_dim3A_508 : vector<16xi1>, vector<16xf32>
    %swap3A_510 = arith.constant 176 : index
    %swap3A_511 = tpu.vector_load %arg22[%swap3A_510] {strides = array<i32>} : memref<640xf32, #tpu.memory_space<vmem>>, vector<16xf32>,
    tpu.vector_store %arg22[%swap3A_510], %select_n3A_509 {strides = array<i32>} : memref<640xf32, #tpu.memory_space<vmem>>, vector<16xf32>,
    %gather3A_512 = tpu.vector_load_idx %arg17[%select_n3A_493] : memref<5120xf32, #tpu.memory_space<vmem>>[vector<16xi32>], vector<16xf32>,
    %jit3A_513 = arith.constant 0.000000e+00 : f32
    %broadcast_in_dim3A_514 = vector.broadcast %jit3A_513 : f32 to vector<16xf32>
    %select_n3A_515 = arith.select %lt3A_488, %gather3A_512, %broadcast_in_dim3A_514 : vector<16xi1>, vector<16xf32>
    %swap3A_516 = arith.constant 176 : index
    %swap3A_517 = tpu.vector_load %arg23[%swap3A_516] {strides = array<i32>} : memref<640xf32, #tpu.memory_space<vmem>>, vector<16xf32>,
    tpu.vector_store %arg23[%swap3A_516], %select_n3A_515 {strides = array<i32>} : memref<640xf32, #tpu.memory_space<vmem>>, vector<16xf32>,
    %gather3A_518 = tpu.vector_load_idx %arg18[%select_n3A_493] : memref<5120xf32, #tpu.memory_space<vmem>>[vector<16xi32>], vector<16xf32>,
    %jit3A_519 = arith.constant 0.000000e+00 : f32
    %broadcast_in_dim3A_520 = vector.broadcast %jit3A_519 : f32 to vector<16xf32>
    %select_n3A_521 = arith.select %lt3A_488, %gather3A_518, %broadcast_in_dim3A_520 : vector<16xi1>, vector<16xf32>
    %swap3A_522 = arith.constant 176 : index
    %swap3A_523 = tpu.vector_load %arg24[%swap3A_522] {strides = array<i32>} : memref<640xf32, #tpu.memory_space<vmem>>, vector<16xf32>,
    tpu.vector_store %arg24[%swap3A_522], %select_n3A_521 {strides = array<i32>} : memref<640xf32, #tpu.memory_space<vmem>>, vector<16xf32>,
    %add3A_524 = arith.constant 64 : i32
    %add3A_525 = vector.broadcast %add3A_524 : i32 to vector<16xi32>
    %add3A_526 = arith.addi %iota3A, %add3A_525 : vector<16xi32>
    %lt3A_527 = vector.broadcast %min3A_363 : i32 to vector<16xi32>
    %lt3A_528 = arith.cmpi slt, %add3A_526, %lt3A_527 : vector<16xi32>
    %get3A_529 = arith.constant 208 : index
    %get3A_530 = tpu.vector_load %arg19[%get3A_529] {strides = array<i32>} : memref<720xi32, #tpu.memory_space<vmem>>, vector<16xi32>,
    %jit3A_531 = arith.constant 0 : i32
    %broadcast_in_dim3A_532 = vector.broadcast %jit3A_531 : i32 to vector<16xi32>
    %select_n3A_533 = arith.select %lt3A_528, %get3A_530, %broadcast_in_dim3A_532 : vector<16xi1>, vector<16xi32>
    %gather3A_534 = tpu.vector_load_idx %arg14[%select_n3A_533] : memref<5120xf32, #tpu.memory_space<vmem>>[vector<16xi32>], vector<16xf32>,
    %jit3A_535 = arith.constant -1.000000e+09 : f32
    %broadcast_in_dim3A_536 = vector.broadcast %jit3A_535 : f32 to vector<16xf32>
    %select_n3A_537 = arith.select %lt3A_528, %gather3A_534, %broadcast_in_dim3A_536 : vector<16xi1>, vector<16xf32>
    %swap3A_538 = arith.constant 192 : index
    %swap3A_539 = tpu.vector_load %arg20[%swap3A_538] {strides = array<i32>} : memref<640xf32, #tpu.memory_space<vmem>>, vector<16xf32>,
    tpu.vector_store %arg20[%swap3A_538], %select_n3A_537 {strides = array<i32>} : memref<640xf32, #tpu.memory_space<vmem>>, vector<16xf32>,
    %gather3A_540 = tpu.vector_load_idx %arg15[%select_n3A_533] : memref<5120xf32, #tpu.memory_space<vmem>>[vector<16xi32>], vector<16xf32>,
    %jit3A_541 = arith.constant 0.000000e+00 : f32
    %broadcast_in_dim3A_542 = vector.broadcast %jit3A_541 : f32 to vector<16xf32>
    %select_n3A_543 = arith.select %lt3A_528, %gather3A_540, %broadcast_in_dim3A_542 : vector<16xi1>, vector<16xf32>
    %swap3A_544 = arith.constant 192 : index
    %swap3A_545 = tpu.vector_load %arg21[%swap3A_544] {strides = array<i32>} : memref<640xf32, #tpu.memory_space<vmem>>, vector<16xf32>,
    tpu.vector_store %arg21[%swap3A_544], %select_n3A_543 {strides = array<i32>} : memref<640xf32, #tpu.memory_space<vmem>>, vector<16xf32>,
    %gather3A_546 = tpu.vector_load_idx %arg16[%select_n3A_533] : memref<5120xf32, #tpu.memory_space<vmem>>[vector<16xi32>], vector<16xf32>,
    %jit3A_547 = arith.constant 0.000000e+00 : f32
    %broadcast_in_dim3A_548 = vector.broadcast %jit3A_547 : f32 to vector<16xf32>
    %select_n3A_549 = arith.select %lt3A_528, %gather3A_546, %broadcast_in_dim3A_548 : vector<16xi1>, vector<16xf32>
    %swap3A_550 = arith.constant 192 : index
    %swap3A_551 = tpu.vector_load %arg22[%swap3A_550] {strides = array<i32>} : memref<640xf32, #tpu.memory_space<vmem>>, vector<16xf32>,
    tpu.vector_store %arg22[%swap3A_550], %select_n3A_549 {strides = array<i32>} : memref<640xf32, #tpu.memory_space<vmem>>, vector<16xf32>,
    %gather3A_552 = tpu.vector_load_idx %arg17[%select_n3A_533] : memref<5120xf32, #tpu.memory_space<vmem>>[vector<16xi32>], vector<16xf32>,
    %jit3A_553 = arith.constant 0.000000e+00 : f32
    %broadcast_in_dim3A_554 = vector.broadcast %jit3A_553 : f32 to vector<16xf32>
    %select_n3A_555 = arith.select %lt3A_528, %gather3A_552, %broadcast_in_dim3A_554 : vector<16xi1>, vector<16xf32>
    %swap3A_556 = arith.constant 192 : index
    %swap3A_557 = tpu.vector_load %arg23[%swap3A_556] {strides = array<i32>} : memref<640xf32, #tpu.memory_space<vmem>>, vector<16xf32>,
    tpu.vector_store %arg23[%swap3A_556], %select_n3A_555 {strides = array<i32>} : memref<640xf32, #tpu.memory_space<vmem>>, vector<16xf32>,
    %gather3A_558 = tpu.vector_load_idx %arg18[%select_n3A_533] : memref<5120xf32, #tpu.memory_space<vmem>>[vector<16xi32>], vector<16xf32>,
    %jit3A_559 = arith.constant 0.000000e+00 : f32
    %broadcast_in_dim3A_560 = vector.broadcast %jit3A_559 : f32 to vector<16xf32>
    %select_n3A_561 = arith.select %lt3A_528, %gather3A_558, %broadcast_in_dim3A_560 : vector<16xi1>, vector<16xf32>
    %swap3A_562 = arith.constant 192 : index
    %swap3A_563 = tpu.vector_load %arg24[%swap3A_562] {strides = array<i32>} : memref<640xf32, #tpu.memory_space<vmem>>, vector<16xf32>,
    tpu.vector_store %arg24[%swap3A_562], %select_n3A_561 {strides = array<i32>} : memref<640xf32, #tpu.memory_space<vmem>>, vector<16xf32>,
    %add3A_564 = arith.constant 80 : i32
    %add3A_565 = vector.broadcast %add3A_564 : i32 to vector<16xi32>
    %add3A_566 = arith.addi %iota3A, %add3A_565 : vector<16xi32>
    %lt3A_567 = vector.broadcast %min3A_363 : i32 to vector<16xi32>
    %lt3A_568 = arith.cmpi slt, %add3A_566, %lt3A_567 : vector<16xi32>
    %get3A_569 = arith.constant 224 : index
    %get3A_570 = tpu.vector_load %arg19[%get3A_569] {strides = array<i32>} : memref<720xi32, #tpu.memory_space<vmem>>, vector<16xi32>,
    %jit3A_571 = arith.constant 0 : i32
    %broadcast_in_dim3A_572 = vector.broadcast %jit3A_571 : i32 to vector<16xi32>
    %select_n3A_573 = arith.select %lt3A_568, %get3A_570, %broadcast_in_dim3A_572 : vector<16xi1>, vector<16xi32>
    %gather3A_574 = tpu.vector_load_idx %arg14[%select_n3A_573] : memref<5120xf32, #tpu.memory_space<vmem>>[vector<16xi32>], vector<16xf32>,
    %jit3A_575 = arith.constant -1.000000e+09 : f32
    %broadcast_in_dim3A_576 = vector.broadcast %jit3A_575 : f32 to vector<16xf32>
    %select_n3A_577 = arith.select %lt3A_568, %gather3A_574, %broadcast_in_dim3A_576 : vector<16xi1>, vector<16xf32>
    %swap3A_578 = arith.constant 208 : index
    %swap3A_579 = tpu.vector_load %arg20[%swap3A_578] {strides = array<i32>} : memref<640xf32, #tpu.memory_space<vmem>>, vector<16xf32>,
    tpu.vector_store %arg20[%swap3A_578], %select_n3A_577 {strides = array<i32>} : memref<640xf32, #tpu.memory_space<vmem>>, vector<16xf32>,
    %gather3A_580 = tpu.vector_load_idx %arg15[%select_n3A_573] : memref<5120xf32, #tpu.memory_space<vmem>>[vector<16xi32>], vector<16xf32>,
    %jit3A_581 = arith.constant 0.000000e+00 : f32
    %broadcast_in_dim3A_582 = vector.broadcast %jit3A_581 : f32 to vector<16xf32>
    %select_n3A_583 = arith.select %lt3A_568, %gather3A_580, %broadcast_in_dim3A_582 : vector<16xi1>, vector<16xf32>
    %swap3A_584 = arith.constant 208 : index
    %swap3A_585 = tpu.vector_load %arg21[%swap3A_584] {strides = array<i32>} : memref<640xf32, #tpu.memory_space<vmem>>, vector<16xf32>,
    tpu.vector_store %arg21[%swap3A_584], %select_n3A_583 {strides = array<i32>} : memref<640xf32, #tpu.memory_space<vmem>>, vector<16xf32>,
    %gather3A_586 = tpu.vector_load_idx %arg16[%select_n3A_573] : memref<5120xf32, #tpu.memory_space<vmem>>[vector<16xi32>], vector<16xf32>,
    %jit3A_587 = arith.constant 0.000000e+00 : f32
    %broadcast_in_dim3A_588 = vector.broadcast %jit3A_587 : f32 to vector<16xf32>
    %select_n3A_589 = arith.select %lt3A_568, %gather3A_586, %broadcast_in_dim3A_588 : vector<16xi1>, vector<16xf32>
    %swap3A_590 = arith.constant 208 : index
    %swap3A_591 = tpu.vector_load %arg22[%swap3A_590] {strides = array<i32>} : memref<640xf32, #tpu.memory_space<vmem>>, vector<16xf32>,
    tpu.vector_store %arg22[%swap3A_590], %select_n3A_589 {strides = array<i32>} : memref<640xf32, #tpu.memory_space<vmem>>, vector<16xf32>,
    %gather3A_592 = tpu.vector_load_idx %arg17[%select_n3A_573] : memref<5120xf32, #tpu.memory_space<vmem>>[vector<16xi32>], vector<16xf32>,
    %jit3A_593 = arith.constant 0.000000e+00 : f32
    %broadcast_in_dim3A_594 = vector.broadcast %jit3A_593 : f32 to vector<16xf32>
    %select_n3A_595 = arith.select %lt3A_568, %gather3A_592, %broadcast_in_dim3A_594 : vector<16xi1>, vector<16xf32>
    %swap3A_596 = arith.constant 208 : index
    %swap3A_597 = tpu.vector_load %arg23[%swap3A_596] {strides = array<i32>} : memref<640xf32, #tpu.memory_space<vmem>>, vector<16xf32>,
    tpu.vector_store %arg23[%swap3A_596], %select_n3A_595 {strides = array<i32>} : memref<640xf32, #tpu.memory_space<vmem>>, vector<16xf32>,
    %gather3A_598 = tpu.vector_load_idx %arg18[%select_n3A_573] : memref<5120xf32, #tpu.memory_space<vmem>>[vector<16xi32>], vector<16xf32>,
    %jit3A_599 = arith.constant 0.000000e+00 : f32
    %broadcast_in_dim3A_600 = vector.broadcast %jit3A_599 : f32 to vector<16xf32>
    %select_n3A_601 = arith.select %lt3A_568, %gather3A_598, %broadcast_in_dim3A_600 : vector<16xi1>, vector<16xf32>
    %swap3A_602 = arith.constant 208 : index
    %swap3A_603 = tpu.vector_load %arg24[%swap3A_602] {strides = array<i32>} : memref<640xf32, #tpu.memory_space<vmem>>, vector<16xf32>,
    tpu.vector_store %arg24[%swap3A_602], %select_n3A_601 {strides = array<i32>} : memref<640xf32, #tpu.memory_space<vmem>>, vector<16xf32>,
    %add3A_604 = arith.constant 96 : i32
    %add3A_605 = vector.broadcast %add3A_604 : i32 to vector<16xi32>
    %add3A_606 = arith.addi %iota3A, %add3A_605 : vector<16xi32>
    %lt3A_607 = vector.broadcast %min3A_363 : i32 to vector<16xi32>
    %lt3A_608 = arith.cmpi slt, %add3A_606, %lt3A_607 : vector<16xi32>
    %get3A_609 = arith.constant 240 : index
    %get3A_610 = tpu.vector_load %arg19[%get3A_609] {strides = array<i32>} : memref<720xi32, #tpu.memory_space<vmem>>, vector<16xi32>,
    %jit3A_611 = arith.constant 0 : i32
    %broadcast_in_dim3A_612 = vector.broadcast %jit3A_611 : i32 to vector<16xi32>
    %select_n3A_613 = arith.select %lt3A_608, %get3A_610, %broadcast_in_dim3A_612 : vector<16xi1>, vector<16xi32>
    %gather3A_614 = tpu.vector_load_idx %arg14[%select_n3A_613] : memref<5120xf32, #tpu.memory_space<vmem>>[vector<16xi32>], vector<16xf32>,
    %jit3A_615 = arith.constant -1.000000e+09 : f32
    %broadcast_in_dim3A_616 = vector.broadcast %jit3A_615 : f32 to vector<16xf32>
    %select_n3A_617 = arith.select %lt3A_608, %gather3A_614, %broadcast_in_dim3A_616 : vector<16xi1>, vector<16xf32>
    %swap3A_618 = arith.constant 224 : index
    %swap3A_619 = tpu.vector_load %arg20[%swap3A_618] {strides = array<i32>} : memref<640xf32, #tpu.memory_space<vmem>>, vector<16xf32>,
    tpu.vector_store %arg20[%swap3A_618], %select_n3A_617 {strides = array<i32>} : memref<640xf32, #tpu.memory_space<vmem>>, vector<16xf32>,
    %gather3A_620 = tpu.vector_load_idx %arg15[%select_n3A_613] : memref<5120xf32, #tpu.memory_space<vmem>>[vector<16xi32>], vector<16xf32>,
    %jit3A_621 = arith.constant 0.000000e+00 : f32
    %broadcast_in_dim3A_622 = vector.broadcast %jit3A_621 : f32 to vector<16xf32>
    %select_n3A_623 = arith.select %lt3A_608, %gather3A_620, %broadcast_in_dim3A_622 : vector<16xi1>, vector<16xf32>
    %swap3A_624 = arith.constant 224 : index
    %swap3A_625 = tpu.vector_load %arg21[%swap3A_624] {strides = array<i32>} : memref<640xf32, #tpu.memory_space<vmem>>, vector<16xf32>,
    tpu.vector_store %arg21[%swap3A_624], %select_n3A_623 {strides = array<i32>} : memref<640xf32, #tpu.memory_space<vmem>>, vector<16xf32>,
    %gather3A_626 = tpu.vector_load_idx %arg16[%select_n3A_613] : memref<5120xf32, #tpu.memory_space<vmem>>[vector<16xi32>], vector<16xf32>,
    %jit3A_627 = arith.constant 0.000000e+00 : f32
    %broadcast_in_dim3A_628 = vector.broadcast %jit3A_627 : f32 to vector<16xf32>
    %select_n3A_629 = arith.select %lt3A_608, %gather3A_626, %broadcast_in_dim3A_628 : vector<16xi1>, vector<16xf32>
    %swap3A_630 = arith.constant 224 : index
    %swap3A_631 = tpu.vector_load %arg22[%swap3A_630] {strides = array<i32>} : memref<640xf32, #tpu.memory_space<vmem>>, vector<16xf32>,
    tpu.vector_store %arg22[%swap3A_630], %select_n3A_629 {strides = array<i32>} : memref<640xf32, #tpu.memory_space<vmem>>, vector<16xf32>,
    %gather3A_632 = tpu.vector_load_idx %arg17[%select_n3A_613] : memref<5120xf32, #tpu.memory_space<vmem>>[vector<16xi32>], vector<16xf32>,
    %jit3A_633 = arith.constant 0.000000e+00 : f32
    %broadcast_in_dim3A_634 = vector.broadcast %jit3A_633 : f32 to vector<16xf32>
    %select_n3A_635 = arith.select %lt3A_608, %gather3A_632, %broadcast_in_dim3A_634 : vector<16xi1>, vector<16xf32>
    %swap3A_636 = arith.constant 224 : index
    %swap3A_637 = tpu.vector_load %arg23[%swap3A_636] {strides = array<i32>} : memref<640xf32, #tpu.memory_space<vmem>>, vector<16xf32>,
    tpu.vector_store %arg23[%swap3A_636], %select_n3A_635 {strides = array<i32>} : memref<640xf32, #tpu.memory_space<vmem>>, vector<16xf32>,
    %gather3A_638 = tpu.vector_load_idx %arg18[%select_n3A_613] : memref<5120xf32, #tpu.memory_space<vmem>>[vector<16xi32>], vector<16xf32>,
    %jit3A_639 = arith.constant 0.000000e+00 : f32
    %broadcast_in_dim3A_640 = vector.broadcast %jit3A_639 : f32 to vector<16xf32>
    %select_n3A_641 = arith.select %lt3A_608, %gather3A_638, %broadcast_in_dim3A_640 : vector<16xi1>, vector<16xf32>
    %swap3A_642 = arith.constant 224 : index
    %swap3A_643 = tpu.vector_load %arg24[%swap3A_642] {strides = array<i32>} : memref<640xf32, #tpu.memory_space<vmem>>, vector<16xf32>,
    tpu.vector_store %arg24[%swap3A_642], %select_n3A_641 {strides = array<i32>} : memref<640xf32, #tpu.memory_space<vmem>>, vector<16xf32>,
    %add3A_644 = arith.constant 112 : i32
    %add3A_645 = vector.broadcast %add3A_644 : i32 to vector<16xi32>
    %add3A_646 = arith.addi %iota3A, %add3A_645 : vector<16xi32>
    %lt3A_647 = vector.broadcast %min3A_363 : i32 to vector<16xi32>
    %lt3A_648 = arith.cmpi slt, %add3A_646, %lt3A_647 : vector<16xi32>
    %get3A_649 = arith.constant 256 : index
    %get3A_650 = tpu.vector_load %arg19[%get3A_649] {strides = array<i32>} : memref<720xi32, #tpu.memory_space<vmem>>, vector<16xi32>,
    %jit3A_651 = arith.constant 0 : i32
    %broadcast_in_dim3A_652 = vector.broadcast %jit3A_651 : i32 to vector<16xi32>
    %select_n3A_653 = arith.select %lt3A_648, %get3A_650, %broadcast_in_dim3A_652 : vector<16xi1>, vector<16xi32>
    %gather3A_654 = tpu.vector_load_idx %arg14[%select_n3A_653] : memref<5120xf32, #tpu.memory_space<vmem>>[vector<16xi32>], vector<16xf32>,
    %jit3A_655 = arith.constant -1.000000e+09 : f32
    %broadcast_in_dim3A_656 = vector.broadcast %jit3A_655 : f32 to vector<16xf32>
    %select_n3A_657 = arith.select %lt3A_648, %gather3A_654, %broadcast_in_dim3A_656 : vector<16xi1>, vector<16xf32>
    %swap3A_658 = arith.constant 240 : index
    %swap3A_659 = tpu.vector_load %arg20[%swap3A_658] {strides = array<i32>} : memref<640xf32, #tpu.memory_space<vmem>>, vector<16xf32>,
    tpu.vector_store %arg20[%swap3A_658], %select_n3A_657 {strides = array<i32>} : memref<640xf32, #tpu.memory_space<vmem>>, vector<16xf32>,
    %gather3A_660 = tpu.vector_load_idx %arg15[%select_n3A_653] : memref<5120xf32, #tpu.memory_space<vmem>>[vector<16xi32>], vector<16xf32>,
    %jit3A_661 = arith.constant 0.000000e+00 : f32
    %broadcast_in_dim3A_662 = vector.broadcast %jit3A_661 : f32 to vector<16xf32>
    %select_n3A_663 = arith.select %lt3A_648, %gather3A_660, %broadcast_in_dim3A_662 : vector<16xi1>, vector<16xf32>
    %swap3A_664 = arith.constant 240 : index
    %swap3A_665 = tpu.vector_load %arg21[%swap3A_664] {strides = array<i32>} : memref<640xf32, #tpu.memory_space<vmem>>, vector<16xf32>,
    tpu.vector_store %arg21[%swap3A_664], %select_n3A_663 {strides = array<i32>} : memref<640xf32, #tpu.memory_space<vmem>>, vector<16xf32>,
    %gather3A_666 = tpu.vector_load_idx %arg16[%select_n3A_653] : memref<5120xf32, #tpu.memory_space<vmem>>[vector<16xi32>], vector<16xf32>,
    %jit3A_667 = arith.constant 0.000000e+00 : f32
    %broadcast_in_dim3A_668 = vector.broadcast %jit3A_667 : f32 to vector<16xf32>
    %select_n3A_669 = arith.select %lt3A_648, %gather3A_666, %broadcast_in_dim3A_668 : vector<16xi1>, vector<16xf32>
    %swap3A_670 = arith.constant 240 : index
    %swap3A_671 = tpu.vector_load %arg22[%swap3A_670] {strides = array<i32>} : memref<640xf32, #tpu.memory_space<vmem>>, vector<16xf32>,
    tpu.vector_store %arg22[%swap3A_670], %select_n3A_669 {strides = array<i32>} : memref<640xf32, #tpu.memory_space<vmem>>, vector<16xf32>,
    %gather3A_672 = tpu.vector_load_idx %arg17[%select_n3A_653] : memref<5120xf32, #tpu.memory_space<vmem>>[vector<16xi32>], vector<16xf32>,
    %jit3A_673 = arith.constant 0.000000e+00 : f32
    %broadcast_in_dim3A_674 = vector.broadcast %jit3A_673 : f32 to vector<16xf32>
    %select_n3A_675 = arith.select %lt3A_648, %gather3A_672, %broadcast_in_dim3A_674 : vector<16xi1>, vector<16xf32>
    %swap3A_676 = arith.constant 240 : index
    %swap3A_677 = tpu.vector_load %arg23[%swap3A_676] {strides = array<i32>} : memref<640xf32, #tpu.memory_space<vmem>>, vector<16xf32>,
    tpu.vector_store %arg23[%swap3A_676], %select_n3A_675 {strides = array<i32>} : memref<640xf32, #tpu.memory_space<vmem>>, vector<16xf32>,
    %gather3A_678 = tpu.vector_load_idx %arg18[%select_n3A_653] : memref<5120xf32, #tpu.memory_space<vmem>>[vector<16xi32>], vector<16xf32>,
    %jit3A_679 = arith.constant 0.000000e+00 : f32
    %broadcast_in_dim3A_680 = vector.broadcast %jit3A_679 : f32 to vector<16xf32>
    %select_n3A_681 = arith.select %lt3A_648, %gather3A_678, %broadcast_in_dim3A_680 : vector<16xi1>, vector<16xf32>
    %swap3A_682 = arith.constant 240 : index
    %swap3A_683 = tpu.vector_load %arg24[%swap3A_682] {strides = array<i32>} : memref<640xf32, #tpu.memory_space<vmem>>, vector<16xf32>,
    tpu.vector_store %arg24[%swap3A_682], %select_n3A_681 {strides = array<i32>} : memref<640xf32, #tpu.memory_space<vmem>>, vector<16xf32>,
    %min3A_684 = arith.constant 128 : i32
    %min3A_685 = arith.minsi %scan3A_43#2, %min3A_684 : i32
    %add3A_686 = arith.constant 0 : i32
    %add3A_687 = vector.broadcast %add3A_686 : i32 to vector<16xi32>
    %add3A_688 = arith.addi %iota3A, %add3A_687 : vector<16xi32>
    %lt3A_689 = vector.broadcast %min3A_685 : i32 to vector<16xi32>
    %lt3A_690 = arith.cmpi slt, %add3A_688, %lt3A_689 : vector<16xi32>
    %get3A_691 = arith.constant 288 : index
    %get3A_692 = tpu.vector_load %arg19[%get3A_691] {strides = array<i32>} : memref<720xi32, #tpu.memory_space<vmem>>, vector<16xi32>,
    %jit3A_693 = arith.constant 0 : i32
    %broadcast_in_dim3A_694 = vector.broadcast %jit3A_693 : i32 to vector<16xi32>
    %select_n3A_695 = arith.select %lt3A_690, %get3A_692, %broadcast_in_dim3A_694 : vector<16xi1>, vector<16xi32>
    %gather3A_696 = tpu.vector_load_idx %arg14[%select_n3A_695] : memref<5120xf32, #tpu.memory_space<vmem>>[vector<16xi32>], vector<16xf32>,
    %jit3A_697 = arith.constant -1.000000e+09 : f32
    %broadcast_in_dim3A_698 = vector.broadcast %jit3A_697 : f32 to vector<16xf32>
    %select_n3A_699 = arith.select %lt3A_690, %gather3A_696, %broadcast_in_dim3A_698 : vector<16xi1>, vector<16xf32>
    %swap3A_700 = arith.constant 256 : index
    %swap3A_701 = tpu.vector_load %arg20[%swap3A_700] {strides = array<i32>} : memref<640xf32, #tpu.memory_space<vmem>>, vector<16xf32>,
    tpu.vector_store %arg20[%swap3A_700], %select_n3A_699 {strides = array<i32>} : memref<640xf32, #tpu.memory_space<vmem>>, vector<16xf32>,
    %gather3A_702 = tpu.vector_load_idx %arg15[%select_n3A_695] : memref<5120xf32, #tpu.memory_space<vmem>>[vector<16xi32>], vector<16xf32>,
    %jit3A_703 = arith.constant 0.000000e+00 : f32
    %broadcast_in_dim3A_704 = vector.broadcast %jit3A_703 : f32 to vector<16xf32>
    %select_n3A_705 = arith.select %lt3A_690, %gather3A_702, %broadcast_in_dim3A_704 : vector<16xi1>, vector<16xf32>
    %swap3A_706 = arith.constant 256 : index
    %swap3A_707 = tpu.vector_load %arg21[%swap3A_706] {strides = array<i32>} : memref<640xf32, #tpu.memory_space<vmem>>, vector<16xf32>,
    tpu.vector_store %arg21[%swap3A_706], %select_n3A_705 {strides = array<i32>} : memref<640xf32, #tpu.memory_space<vmem>>, vector<16xf32>,
    %gather3A_708 = tpu.vector_load_idx %arg16[%select_n3A_695] : memref<5120xf32, #tpu.memory_space<vmem>>[vector<16xi32>], vector<16xf32>,
    %jit3A_709 = arith.constant 0.000000e+00 : f32
    %broadcast_in_dim3A_710 = vector.broadcast %jit3A_709 : f32 to vector<16xf32>
    %select_n3A_711 = arith.select %lt3A_690, %gather3A_708, %broadcast_in_dim3A_710 : vector<16xi1>, vector<16xf32>
    %swap3A_712 = arith.constant 256 : index
    %swap3A_713 = tpu.vector_load %arg22[%swap3A_712] {strides = array<i32>} : memref<640xf32, #tpu.memory_space<vmem>>, vector<16xf32>,
    tpu.vector_store %arg22[%swap3A_712], %select_n3A_711 {strides = array<i32>} : memref<640xf32, #tpu.memory_space<vmem>>, vector<16xf32>,
    %gather3A_714 = tpu.vector_load_idx %arg17[%select_n3A_695] : memref<5120xf32, #tpu.memory_space<vmem>>[vector<16xi32>], vector<16xf32>,
    %jit3A_715 = arith.constant 0.000000e+00 : f32
    %broadcast_in_dim3A_716 = vector.broadcast %jit3A_715 : f32 to vector<16xf32>
    %select_n3A_717 = arith.select %lt3A_690, %gather3A_714, %broadcast_in_dim3A_716 : vector<16xi1>, vector<16xf32>
    %swap3A_718 = arith.constant 256 : index
    %swap3A_719 = tpu.vector_load %arg23[%swap3A_718] {strides = array<i32>} : memref<640xf32, #tpu.memory_space<vmem>>, vector<16xf32>,
    tpu.vector_store %arg23[%swap3A_718], %select_n3A_717 {strides = array<i32>} : memref<640xf32, #tpu.memory_space<vmem>>, vector<16xf32>,
    %gather3A_720 = tpu.vector_load_idx %arg18[%select_n3A_695] : memref<5120xf32, #tpu.memory_space<vmem>>[vector<16xi32>], vector<16xf32>,
    %jit3A_721 = arith.constant 0.000000e+00 : f32
    %broadcast_in_dim3A_722 = vector.broadcast %jit3A_721 : f32 to vector<16xf32>
    %select_n3A_723 = arith.select %lt3A_690, %gather3A_720, %broadcast_in_dim3A_722 : vector<16xi1>, vector<16xf32>
    %swap3A_724 = arith.constant 256 : index
    %swap3A_725 = tpu.vector_load %arg24[%swap3A_724] {strides = array<i32>} : memref<640xf32, #tpu.memory_space<vmem>>, vector<16xf32>,
    tpu.vector_store %arg24[%swap3A_724], %select_n3A_723 {strides = array<i32>} : memref<640xf32, #tpu.memory_space<vmem>>, vector<16xf32>,
    %add3A_726 = arith.constant 16 : i32
    %add3A_727 = vector.broadcast %add3A_726 : i32 to vector<16xi32>
    %add3A_728 = arith.addi %iota3A, %add3A_727 : vector<16xi32>
    %lt3A_729 = vector.broadcast %min3A_685 : i32 to vector<16xi32>
    %lt3A_730 = arith.cmpi slt, %add3A_728, %lt3A_729 : vector<16xi32>
    %get3A_731 = arith.constant 304 : index
    %get3A_732 = tpu.vector_load %arg19[%get3A_731] {strides = array<i32>} : memref<720xi32, #tpu.memory_space<vmem>>, vector<16xi32>,
    %jit3A_733 = arith.constant 0 : i32
    %broadcast_in_dim3A_734 = vector.broadcast %jit3A_733 : i32 to vector<16xi32>
    %select_n3A_735 = arith.select %lt3A_730, %get3A_732, %broadcast_in_dim3A_734 : vector<16xi1>, vector<16xi32>
    %gather3A_736 = tpu.vector_load_idx %arg14[%select_n3A_735] : memref<5120xf32, #tpu.memory_space<vmem>>[vector<16xi32>], vector<16xf32>,
    %jit3A_737 = arith.constant -1.000000e+09 : f32
    %broadcast_in_dim3A_738 = vector.broadcast %jit3A_737 : f32 to vector<16xf32>
    %select_n3A_739 = arith.select %lt3A_730, %gather3A_736, %broadcast_in_dim3A_738 : vector<16xi1>, vector<16xf32>
    %swap3A_740 = arith.constant 272 : index
    %swap3A_741 = tpu.vector_load %arg20[%swap3A_740] {strides = array<i32>} : memref<640xf32, #tpu.memory_space<vmem>>, vector<16xf32>,
    tpu.vector_store %arg20[%swap3A_740], %select_n3A_739 {strides = array<i32>} : memref<640xf32, #tpu.memory_space<vmem>>, vector<16xf32>,
    %gather3A_742 = tpu.vector_load_idx %arg15[%select_n3A_735] : memref<5120xf32, #tpu.memory_space<vmem>>[vector<16xi32>], vector<16xf32>,
    %jit3A_743 = arith.constant 0.000000e+00 : f32
    %broadcast_in_dim3A_744 = vector.broadcast %jit3A_743 : f32 to vector<16xf32>
    %select_n3A_745 = arith.select %lt3A_730, %gather3A_742, %broadcast_in_dim3A_744 : vector<16xi1>, vector<16xf32>
    %swap3A_746 = arith.constant 272 : index
    %swap3A_747 = tpu.vector_load %arg21[%swap3A_746] {strides = array<i32>} : memref<640xf32, #tpu.memory_space<vmem>>, vector<16xf32>,
    tpu.vector_store %arg21[%swap3A_746], %select_n3A_745 {strides = array<i32>} : memref<640xf32, #tpu.memory_space<vmem>>, vector<16xf32>,
    %gather3A_748 = tpu.vector_load_idx %arg16[%select_n3A_735] : memref<5120xf32, #tpu.memory_space<vmem>>[vector<16xi32>], vector<16xf32>,
    %jit3A_749 = arith.constant 0.000000e+00 : f32
    %broadcast_in_dim3A_750 = vector.broadcast %jit3A_749 : f32 to vector<16xf32>
    %select_n3A_751 = arith.select %lt3A_730, %gather3A_748, %broadcast_in_dim3A_750 : vector<16xi1>, vector<16xf32>
    %swap3A_752 = arith.constant 272 : index
    %swap3A_753 = tpu.vector_load %arg22[%swap3A_752] {strides = array<i32>} : memref<640xf32, #tpu.memory_space<vmem>>, vector<16xf32>,
    tpu.vector_store %arg22[%swap3A_752], %select_n3A_751 {strides = array<i32>} : memref<640xf32, #tpu.memory_space<vmem>>, vector<16xf32>,
    %gather3A_754 = tpu.vector_load_idx %arg17[%select_n3A_735] : memref<5120xf32, #tpu.memory_space<vmem>>[vector<16xi32>], vector<16xf32>,
    %jit3A_755 = arith.constant 0.000000e+00 : f32
    %broadcast_in_dim3A_756 = vector.broadcast %jit3A_755 : f32 to vector<16xf32>
    %select_n3A_757 = arith.select %lt3A_730, %gather3A_754, %broadcast_in_dim3A_756 : vector<16xi1>, vector<16xf32>
    %swap3A_758 = arith.constant 272 : index
    %swap3A_759 = tpu.vector_load %arg23[%swap3A_758] {strides = array<i32>} : memref<640xf32, #tpu.memory_space<vmem>>, vector<16xf32>,
    tpu.vector_store %arg23[%swap3A_758], %select_n3A_757 {strides = array<i32>} : memref<640xf32, #tpu.memory_space<vmem>>, vector<16xf32>,
    %gather3A_760 = tpu.vector_load_idx %arg18[%select_n3A_735] : memref<5120xf32, #tpu.memory_space<vmem>>[vector<16xi32>], vector<16xf32>,
    %jit3A_761 = arith.constant 0.000000e+00 : f32
    %broadcast_in_dim3A_762 = vector.broadcast %jit3A_761 : f32 to vector<16xf32>
    %select_n3A_763 = arith.select %lt3A_730, %gather3A_760, %broadcast_in_dim3A_762 : vector<16xi1>, vector<16xf32>
    %swap3A_764 = arith.constant 272 : index
    %swap3A_765 = tpu.vector_load %arg24[%swap3A_764] {strides = array<i32>} : memref<640xf32, #tpu.memory_space<vmem>>, vector<16xf32>,
    tpu.vector_store %arg24[%swap3A_764], %select_n3A_763 {strides = array<i32>} : memref<640xf32, #tpu.memory_space<vmem>>, vector<16xf32>,
    %add3A_766 = arith.constant 32 : i32
    %add3A_767 = vector.broadcast %add3A_766 : i32 to vector<16xi32>
    %add3A_768 = arith.addi %iota3A, %add3A_767 : vector<16xi32>
    %lt3A_769 = vector.broadcast %min3A_685 : i32 to vector<16xi32>
    %lt3A_770 = arith.cmpi slt, %add3A_768, %lt3A_769 : vector<16xi32>
    %get3A_771 = arith.constant 320 : index
    %get3A_772 = tpu.vector_load %arg19[%get3A_771] {strides = array<i32>} : memref<720xi32, #tpu.memory_space<vmem>>, vector<16xi32>,
    %jit3A_773 = arith.constant 0 : i32
    %broadcast_in_dim3A_774 = vector.broadcast %jit3A_773 : i32 to vector<16xi32>
    %select_n3A_775 = arith.select %lt3A_770, %get3A_772, %broadcast_in_dim3A_774 : vector<16xi1>, vector<16xi32>
    %gather3A_776 = tpu.vector_load_idx %arg14[%select_n3A_775] : memref<5120xf32, #tpu.memory_space<vmem>>[vector<16xi32>], vector<16xf32>,
    %jit3A_777 = arith.constant -1.000000e+09 : f32
    %broadcast_in_dim3A_778 = vector.broadcast %jit3A_777 : f32 to vector<16xf32>
    %select_n3A_779 = arith.select %lt3A_770, %gather3A_776, %broadcast_in_dim3A_778 : vector<16xi1>, vector<16xf32>
    %swap3A_780 = arith.constant 288 : index
    %swap3A_781 = tpu.vector_load %arg20[%swap3A_780] {strides = array<i32>} : memref<640xf32, #tpu.memory_space<vmem>>, vector<16xf32>,
    tpu.vector_store %arg20[%swap3A_780], %select_n3A_779 {strides = array<i32>} : memref<640xf32, #tpu.memory_space<vmem>>, vector<16xf32>,
    %gather3A_782 = tpu.vector_load_idx %arg15[%select_n3A_775] : memref<5120xf32, #tpu.memory_space<vmem>>[vector<16xi32>], vector<16xf32>,
    %jit3A_783 = arith.constant 0.000000e+00 : f32
    %broadcast_in_dim3A_784 = vector.broadcast %jit3A_783 : f32 to vector<16xf32>
    %select_n3A_785 = arith.select %lt3A_770, %gather3A_782, %broadcast_in_dim3A_784 : vector<16xi1>, vector<16xf32>
    %swap3A_786 = arith.constant 288 : index
    %swap3A_787 = tpu.vector_load %arg21[%swap3A_786] {strides = array<i32>} : memref<640xf32, #tpu.memory_space<vmem>>, vector<16xf32>,
    tpu.vector_store %arg21[%swap3A_786], %select_n3A_785 {strides = array<i32>} : memref<640xf32, #tpu.memory_space<vmem>>, vector<16xf32>,
    %gather3A_788 = tpu.vector_load_idx %arg16[%select_n3A_775] : memref<5120xf32, #tpu.memory_space<vmem>>[vector<16xi32>], vector<16xf32>,
    %jit3A_789 = arith.constant 0.000000e+00 : f32
    %broadcast_in_dim3A_790 = vector.broadcast %jit3A_789 : f32 to vector<16xf32>
    %select_n3A_791 = arith.select %lt3A_770, %gather3A_788, %broadcast_in_dim3A_790 : vector<16xi1>, vector<16xf32>
    %swap3A_792 = arith.constant 288 : index
    %swap3A_793 = tpu.vector_load %arg22[%swap3A_792] {strides = array<i32>} : memref<640xf32, #tpu.memory_space<vmem>>, vector<16xf32>,
    tpu.vector_store %arg22[%swap3A_792], %select_n3A_791 {strides = array<i32>} : memref<640xf32, #tpu.memory_space<vmem>>, vector<16xf32>,
    %gather3A_794 = tpu.vector_load_idx %arg17[%select_n3A_775] : memref<5120xf32, #tpu.memory_space<vmem>>[vector<16xi32>], vector<16xf32>,
    %jit3A_795 = arith.constant 0.000000e+00 : f32
    %broadcast_in_dim3A_796 = vector.broadcast %jit3A_795 : f32 to vector<16xf32>
    %select_n3A_797 = arith.select %lt3A_770, %gather3A_794, %broadcast_in_dim3A_796 : vector<16xi1>, vector<16xf32>
    %swap3A_798 = arith.constant 288 : index
    %swap3A_799 = tpu.vector_load %arg23[%swap3A_798] {strides = array<i32>} : memref<640xf32, #tpu.memory_space<vmem>>, vector<16xf32>,
    tpu.vector_store %arg23[%swap3A_798], %select_n3A_797 {strides = array<i32>} : memref<640xf32, #tpu.memory_space<vmem>>, vector<16xf32>,
    %gather3A_800 = tpu.vector_load_idx %arg18[%select_n3A_775] : memref<5120xf32, #tpu.memory_space<vmem>>[vector<16xi32>], vector<16xf32>,
    %jit3A_801 = arith.constant 0.000000e+00 : f32
    %broadcast_in_dim3A_802 = vector.broadcast %jit3A_801 : f32 to vector<16xf32>
    %select_n3A_803 = arith.select %lt3A_770, %gather3A_800, %broadcast_in_dim3A_802 : vector<16xi1>, vector<16xf32>
    %swap3A_804 = arith.constant 288 : index
    %swap3A_805 = tpu.vector_load %arg24[%swap3A_804] {strides = array<i32>} : memref<640xf32, #tpu.memory_space<vmem>>, vector<16xf32>,
    tpu.vector_store %arg24[%swap3A_804], %select_n3A_803 {strides = array<i32>} : memref<640xf32, #tpu.memory_space<vmem>>, vector<16xf32>,
    %add3A_806 = arith.constant 48 : i32
    %add3A_807 = vector.broadcast %add3A_806 : i32 to vector<16xi32>
    %add3A_808 = arith.addi %iota3A, %add3A_807 : vector<16xi32>
    %lt3A_809 = vector.broadcast %min3A_685 : i32 to vector<16xi32>
    %lt3A_810 = arith.cmpi slt, %add3A_808, %lt3A_809 : vector<16xi32>
    %get3A_811 = arith.constant 336 : index
    %get3A_812 = tpu.vector_load %arg19[%get3A_811] {strides = array<i32>} : memref<720xi32, #tpu.memory_space<vmem>>, vector<16xi32>,
    %jit3A_813 = arith.constant 0 : i32
    %broadcast_in_dim3A_814 = vector.broadcast %jit3A_813 : i32 to vector<16xi32>
    %select_n3A_815 = arith.select %lt3A_810, %get3A_812, %broadcast_in_dim3A_814 : vector<16xi1>, vector<16xi32>
    %gather3A_816 = tpu.vector_load_idx %arg14[%select_n3A_815] : memref<5120xf32, #tpu.memory_space<vmem>>[vector<16xi32>], vector<16xf32>,
    %jit3A_817 = arith.constant -1.000000e+09 : f32
    %broadcast_in_dim3A_818 = vector.broadcast %jit3A_817 : f32 to vector<16xf32>
    %select_n3A_819 = arith.select %lt3A_810, %gather3A_816, %broadcast_in_dim3A_818 : vector<16xi1>, vector<16xf32>
    %swap3A_820 = arith.constant 304 : index
    %swap3A_821 = tpu.vector_load %arg20[%swap3A_820] {strides = array<i32>} : memref<640xf32, #tpu.memory_space<vmem>>, vector<16xf32>,
    tpu.vector_store %arg20[%swap3A_820], %select_n3A_819 {strides = array<i32>} : memref<640xf32, #tpu.memory_space<vmem>>, vector<16xf32>,
    %gather3A_822 = tpu.vector_load_idx %arg15[%select_n3A_815] : memref<5120xf32, #tpu.memory_space<vmem>>[vector<16xi32>], vector<16xf32>,
    %jit3A_823 = arith.constant 0.000000e+00 : f32
    %broadcast_in_dim3A_824 = vector.broadcast %jit3A_823 : f32 to vector<16xf32>
    %select_n3A_825 = arith.select %lt3A_810, %gather3A_822, %broadcast_in_dim3A_824 : vector<16xi1>, vector<16xf32>
    %swap3A_826 = arith.constant 304 : index
    %swap3A_827 = tpu.vector_load %arg21[%swap3A_826] {strides = array<i32>} : memref<640xf32, #tpu.memory_space<vmem>>, vector<16xf32>,
    tpu.vector_store %arg21[%swap3A_826], %select_n3A_825 {strides = array<i32>} : memref<640xf32, #tpu.memory_space<vmem>>, vector<16xf32>,
    %gather3A_828 = tpu.vector_load_idx %arg16[%select_n3A_815] : memref<5120xf32, #tpu.memory_space<vmem>>[vector<16xi32>], vector<16xf32>,
    %jit3A_829 = arith.constant 0.000000e+00 : f32
    %broadcast_in_dim3A_830 = vector.broadcast %jit3A_829 : f32 to vector<16xf32>
    %select_n3A_831 = arith.select %lt3A_810, %gather3A_828, %broadcast_in_dim3A_830 : vector<16xi1>, vector<16xf32>
    %swap3A_832 = arith.constant 304 : index
    %swap3A_833 = tpu.vector_load %arg22[%swap3A_832] {strides = array<i32>} : memref<640xf32, #tpu.memory_space<vmem>>, vector<16xf32>,
    tpu.vector_store %arg22[%swap3A_832], %select_n3A_831 {strides = array<i32>} : memref<640xf32, #tpu.memory_space<vmem>>, vector<16xf32>,
    %gather3A_834 = tpu.vector_load_idx %arg17[%select_n3A_815] : memref<5120xf32, #tpu.memory_space<vmem>>[vector<16xi32>], vector<16xf32>,
    %jit3A_835 = arith.constant 0.000000e+00 : f32
    %broadcast_in_dim3A_836 = vector.broadcast %jit3A_835 : f32 to vector<16xf32>
    %select_n3A_837 = arith.select %lt3A_810, %gather3A_834, %broadcast_in_dim3A_836 : vector<16xi1>, vector<16xf32>
    %swap3A_838 = arith.constant 304 : index
    %swap3A_839 = tpu.vector_load %arg23[%swap3A_838] {strides = array<i32>} : memref<640xf32, #tpu.memory_space<vmem>>, vector<16xf32>,
    tpu.vector_store %arg23[%swap3A_838], %select_n3A_837 {strides = array<i32>} : memref<640xf32, #tpu.memory_space<vmem>>, vector<16xf32>,
    %gather3A_840 = tpu.vector_load_idx %arg18[%select_n3A_815] : memref<5120xf32, #tpu.memory_space<vmem>>[vector<16xi32>], vector<16xf32>,
    %jit3A_841 = arith.constant 0.000000e+00 : f32
    %broadcast_in_dim3A_842 = vector.broadcast %jit3A_841 : f32 to vector<16xf32>
    %select_n3A_843 = arith.select %lt3A_810, %gather3A_840, %broadcast_in_dim3A_842 : vector<16xi1>, vector<16xf32>
    %swap3A_844 = arith.constant 304 : index
    %swap3A_845 = tpu.vector_load %arg24[%swap3A_844] {strides = array<i32>} : memref<640xf32, #tpu.memory_space<vmem>>, vector<16xf32>,
    tpu.vector_store %arg24[%swap3A_844], %select_n3A_843 {strides = array<i32>} : memref<640xf32, #tpu.memory_space<vmem>>, vector<16xf32>,
    %add3A_846 = arith.constant 64 : i32
    %add3A_847 = vector.broadcast %add3A_846 : i32 to vector<16xi32>
    %add3A_848 = arith.addi %iota3A, %add3A_847 : vector<16xi32>
    %lt3A_849 = vector.broadcast %min3A_685 : i32 to vector<16xi32>
    %lt3A_850 = arith.cmpi slt, %add3A_848, %lt3A_849 : vector<16xi32>
    %get3A_851 = arith.constant 352 : index
    %get3A_852 = tpu.vector_load %arg19[%get3A_851] {strides = array<i32>} : memref<720xi32, #tpu.memory_space<vmem>>, vector<16xi32>,
    %jit3A_853 = arith.constant 0 : i32
    %broadcast_in_dim3A_854 = vector.broadcast %jit3A_853 : i32 to vector<16xi32>
    %select_n3A_855 = arith.select %lt3A_850, %get3A_852, %broadcast_in_dim3A_854 : vector<16xi1>, vector<16xi32>
    %gather3A_856 = tpu.vector_load_idx %arg14[%select_n3A_855] : memref<5120xf32, #tpu.memory_space<vmem>>[vector<16xi32>], vector<16xf32>,
    %jit3A_857 = arith.constant -1.000000e+09 : f32
    %broadcast_in_dim3A_858 = vector.broadcast %jit3A_857 : f32 to vector<16xf32>
    %select_n3A_859 = arith.select %lt3A_850, %gather3A_856, %broadcast_in_dim3A_858 : vector<16xi1>, vector<16xf32>
    %swap3A_860 = arith.constant 320 : index
    %swap3A_861 = tpu.vector_load %arg20[%swap3A_860] {strides = array<i32>} : memref<640xf32, #tpu.memory_space<vmem>>, vector<16xf32>,
    tpu.vector_store %arg20[%swap3A_860], %select_n3A_859 {strides = array<i32>} : memref<640xf32, #tpu.memory_space<vmem>>, vector<16xf32>,
    %gather3A_862 = tpu.vector_load_idx %arg15[%select_n3A_855] : memref<5120xf32, #tpu.memory_space<vmem>>[vector<16xi32>], vector<16xf32>,
    %jit3A_863 = arith.constant 0.000000e+00 : f32
    %broadcast_in_dim3A_864 = vector.broadcast %jit3A_863 : f32 to vector<16xf32>
    %select_n3A_865 = arith.select %lt3A_850, %gather3A_862, %broadcast_in_dim3A_864 : vector<16xi1>, vector<16xf32>
    %swap3A_866 = arith.constant 320 : index
    %swap3A_867 = tpu.vector_load %arg21[%swap3A_866] {strides = array<i32>} : memref<640xf32, #tpu.memory_space<vmem>>, vector<16xf32>,
    tpu.vector_store %arg21[%swap3A_866], %select_n3A_865 {strides = array<i32>} : memref<640xf32, #tpu.memory_space<vmem>>, vector<16xf32>,
    %gather3A_868 = tpu.vector_load_idx %arg16[%select_n3A_855] : memref<5120xf32, #tpu.memory_space<vmem>>[vector<16xi32>], vector<16xf32>,
    %jit3A_869 = arith.constant 0.000000e+00 : f32
    %broadcast_in_dim3A_870 = vector.broadcast %jit3A_869 : f32 to vector<16xf32>
    %select_n3A_871 = arith.select %lt3A_850, %gather3A_868, %broadcast_in_dim3A_870 : vector<16xi1>, vector<16xf32>
    %swap3A_872 = arith.constant 320 : index
    %swap3A_873 = tpu.vector_load %arg22[%swap3A_872] {strides = array<i32>} : memref<640xf32, #tpu.memory_space<vmem>>, vector<16xf32>,
    tpu.vector_store %arg22[%swap3A_872], %select_n3A_871 {strides = array<i32>} : memref<640xf32, #tpu.memory_space<vmem>>, vector<16xf32>,
    %gather3A_874 = tpu.vector_load_idx %arg17[%select_n3A_855] : memref<5120xf32, #tpu.memory_space<vmem>>[vector<16xi32>], vector<16xf32>,
    %jit3A_875 = arith.constant 0.000000e+00 : f32
    %broadcast_in_dim3A_876 = vector.broadcast %jit3A_875 : f32 to vector<16xf32>
    %select_n3A_877 = arith.select %lt3A_850, %gather3A_874, %broadcast_in_dim3A_876 : vector<16xi1>, vector<16xf32>
    %swap3A_878 = arith.constant 320 : index
    %swap3A_879 = tpu.vector_load %arg23[%swap3A_878] {strides = array<i32>} : memref<640xf32, #tpu.memory_space<vmem>>, vector<16xf32>,
    tpu.vector_store %arg23[%swap3A_878], %select_n3A_877 {strides = array<i32>} : memref<640xf32, #tpu.memory_space<vmem>>, vector<16xf32>,
    %gather3A_880 = tpu.vector_load_idx %arg18[%select_n3A_855] : memref<5120xf32, #tpu.memory_space<vmem>>[vector<16xi32>], vector<16xf32>,
    %jit3A_881 = arith.constant 0.000000e+00 : f32
    %broadcast_in_dim3A_882 = vector.broadcast %jit3A_881 : f32 to vector<16xf32>
    %select_n3A_883 = arith.select %lt3A_850, %gather3A_880, %broadcast_in_dim3A_882 : vector<16xi1>, vector<16xf32>
    %swap3A_884 = arith.constant 320 : index
    %swap3A_885 = tpu.vector_load %arg24[%swap3A_884] {strides = array<i32>} : memref<640xf32, #tpu.memory_space<vmem>>, vector<16xf32>,
    tpu.vector_store %arg24[%swap3A_884], %select_n3A_883 {strides = array<i32>} : memref<640xf32, #tpu.memory_space<vmem>>, vector<16xf32>,
    %add3A_886 = arith.constant 80 : i32
    %add3A_887 = vector.broadcast %add3A_886 : i32 to vector<16xi32>
    %add3A_888 = arith.addi %iota3A, %add3A_887 : vector<16xi32>
    %lt3A_889 = vector.broadcast %min3A_685 : i32 to vector<16xi32>
    %lt3A_890 = arith.cmpi slt, %add3A_888, %lt3A_889 : vector<16xi32>
    %get3A_891 = arith.constant 368 : index
    %get3A_892 = tpu.vector_load %arg19[%get3A_891] {strides = array<i32>} : memref<720xi32, #tpu.memory_space<vmem>>, vector<16xi32>,
    %jit3A_893 = arith.constant 0 : i32
    %broadcast_in_dim3A_894 = vector.broadcast %jit3A_893 : i32 to vector<16xi32>
    %select_n3A_895 = arith.select %lt3A_890, %get3A_892, %broadcast_in_dim3A_894 : vector<16xi1>, vector<16xi32>
    %gather3A_896 = tpu.vector_load_idx %arg14[%select_n3A_895] : memref<5120xf32, #tpu.memory_space<vmem>>[vector<16xi32>], vector<16xf32>,
    %jit3A_897 = arith.constant -1.000000e+09 : f32
    %broadcast_in_dim3A_898 = vector.broadcast %jit3A_897 : f32 to vector<16xf32>
    %select_n3A_899 = arith.select %lt3A_890, %gather3A_896, %broadcast_in_dim3A_898 : vector<16xi1>, vector<16xf32>
    %swap3A_900 = arith.constant 336 : index
    %swap3A_901 = tpu.vector_load %arg20[%swap3A_900] {strides = array<i32>} : memref<640xf32, #tpu.memory_space<vmem>>, vector<16xf32>,
    tpu.vector_store %arg20[%swap3A_900], %select_n3A_899 {strides = array<i32>} : memref<640xf32, #tpu.memory_space<vmem>>, vector<16xf32>,
    %gather3A_902 = tpu.vector_load_idx %arg15[%select_n3A_895] : memref<5120xf32, #tpu.memory_space<vmem>>[vector<16xi32>], vector<16xf32>,
    %jit3A_903 = arith.constant 0.000000e+00 : f32
    %broadcast_in_dim3A_904 = vector.broadcast %jit3A_903 : f32 to vector<16xf32>
    %select_n3A_905 = arith.select %lt3A_890, %gather3A_902, %broadcast_in_dim3A_904 : vector<16xi1>, vector<16xf32>
    %swap3A_906 = arith.constant 336 : index
    %swap3A_907 = tpu.vector_load %arg21[%swap3A_906] {strides = array<i32>} : memref<640xf32, #tpu.memory_space<vmem>>, vector<16xf32>,
    tpu.vector_store %arg21[%swap3A_906], %select_n3A_905 {strides = array<i32>} : memref<640xf32, #tpu.memory_space<vmem>>, vector<16xf32>,
    %gather3A_908 = tpu.vector_load_idx %arg16[%select_n3A_895] : memref<5120xf32, #tpu.memory_space<vmem>>[vector<16xi32>], vector<16xf32>,
    %jit3A_909 = arith.constant 0.000000e+00 : f32
    %broadcast_in_dim3A_910 = vector.broadcast %jit3A_909 : f32 to vector<16xf32>
    %select_n3A_911 = arith.select %lt3A_890, %gather3A_908, %broadcast_in_dim3A_910 : vector<16xi1>, vector<16xf32>
    %swap3A_912 = arith.constant 336 : index
    %swap3A_913 = tpu.vector_load %arg22[%swap3A_912] {strides = array<i32>} : memref<640xf32, #tpu.memory_space<vmem>>, vector<16xf32>,
    tpu.vector_store %arg22[%swap3A_912], %select_n3A_911 {strides = array<i32>} : memref<640xf32, #tpu.memory_space<vmem>>, vector<16xf32>,
    %gather3A_914 = tpu.vector_load_idx %arg17[%select_n3A_895] : memref<5120xf32, #tpu.memory_space<vmem>>[vector<16xi32>], vector<16xf32>,
    %jit3A_915 = arith.constant 0.000000e+00 : f32
    %broadcast_in_dim3A_916 = vector.broadcast %jit3A_915 : f32 to vector<16xf32>
    %select_n3A_917 = arith.select %lt3A_890, %gather3A_914, %broadcast_in_dim3A_916 : vector<16xi1>, vector<16xf32>
    %swap3A_918 = arith.constant 336 : index
    %swap3A_919 = tpu.vector_load %arg23[%swap3A_918] {strides = array<i32>} : memref<640xf32, #tpu.memory_space<vmem>>, vector<16xf32>,
    tpu.vector_store %arg23[%swap3A_918], %select_n3A_917 {strides = array<i32>} : memref<640xf32, #tpu.memory_space<vmem>>, vector<16xf32>,
    %gather3A_920 = tpu.vector_load_idx %arg18[%select_n3A_895] : memref<5120xf32, #tpu.memory_space<vmem>>[vector<16xi32>], vector<16xf32>,
    %jit3A_921 = arith.constant 0.000000e+00 : f32
    %broadcast_in_dim3A_922 = vector.broadcast %jit3A_921 : f32 to vector<16xf32>
    %select_n3A_923 = arith.select %lt3A_890, %gather3A_920, %broadcast_in_dim3A_922 : vector<16xi1>, vector<16xf32>
    %swap3A_924 = arith.constant 336 : index
    %swap3A_925 = tpu.vector_load %arg24[%swap3A_924] {strides = array<i32>} : memref<640xf32, #tpu.memory_space<vmem>>, vector<16xf32>,
    tpu.vector_store %arg24[%swap3A_924], %select_n3A_923 {strides = array<i32>} : memref<640xf32, #tpu.memory_space<vmem>>, vector<16xf32>,
    %add3A_926 = arith.constant 96 : i32
    %add3A_927 = vector.broadcast %add3A_926 : i32 to vector<16xi32>
    %add3A_928 = arith.addi %iota3A, %add3A_927 : vector<16xi32>
    %lt3A_929 = vector.broadcast %min3A_685 : i32 to vector<16xi32>
    %lt3A_930 = arith.cmpi slt, %add3A_928, %lt3A_929 : vector<16xi32>
    %get3A_931 = arith.constant 384 : index
    %get3A_932 = tpu.vector_load %arg19[%get3A_931] {strides = array<i32>} : memref<720xi32, #tpu.memory_space<vmem>>, vector<16xi32>,
    %jit3A_933 = arith.constant 0 : i32
    %broadcast_in_dim3A_934 = vector.broadcast %jit3A_933 : i32 to vector<16xi32>
    %select_n3A_935 = arith.select %lt3A_930, %get3A_932, %broadcast_in_dim3A_934 : vector<16xi1>, vector<16xi32>
    %gather3A_936 = tpu.vector_load_idx %arg14[%select_n3A_935] : memref<5120xf32, #tpu.memory_space<vmem>>[vector<16xi32>], vector<16xf32>,
    %jit3A_937 = arith.constant -1.000000e+09 : f32
    %broadcast_in_dim3A_938 = vector.broadcast %jit3A_937 : f32 to vector<16xf32>
    %select_n3A_939 = arith.select %lt3A_930, %gather3A_936, %broadcast_in_dim3A_938 : vector<16xi1>, vector<16xf32>
    %swap3A_940 = arith.constant 352 : index
    %swap3A_941 = tpu.vector_load %arg20[%swap3A_940] {strides = array<i32>} : memref<640xf32, #tpu.memory_space<vmem>>, vector<16xf32>,
    tpu.vector_store %arg20[%swap3A_940], %select_n3A_939 {strides = array<i32>} : memref<640xf32, #tpu.memory_space<vmem>>, vector<16xf32>,
    %gather3A_942 = tpu.vector_load_idx %arg15[%select_n3A_935] : memref<5120xf32, #tpu.memory_space<vmem>>[vector<16xi32>], vector<16xf32>,
    %jit3A_943 = arith.constant 0.000000e+00 : f32
    %broadcast_in_dim3A_944 = vector.broadcast %jit3A_943 : f32 to vector<16xf32>
    %select_n3A_945 = arith.select %lt3A_930, %gather3A_942, %broadcast_in_dim3A_944 : vector<16xi1>, vector<16xf32>
    %swap3A_946 = arith.constant 352 : index
    %swap3A_947 = tpu.vector_load %arg21[%swap3A_946] {strides = array<i32>} : memref<640xf32, #tpu.memory_space<vmem>>, vector<16xf32>,
    tpu.vector_store %arg21[%swap3A_946], %select_n3A_945 {strides = array<i32>} : memref<640xf32, #tpu.memory_space<vmem>>, vector<16xf32>,
    %gather3A_948 = tpu.vector_load_idx %arg16[%select_n3A_935] : memref<5120xf32, #tpu.memory_space<vmem>>[vector<16xi32>], vector<16xf32>,
    %jit3A_949 = arith.constant 0.000000e+00 : f32
    %broadcast_in_dim3A_950 = vector.broadcast %jit3A_949 : f32 to vector<16xf32>
    %select_n3A_951 = arith.select %lt3A_930, %gather3A_948, %broadcast_in_dim3A_950 : vector<16xi1>, vector<16xf32>
    %swap3A_952 = arith.constant 352 : index
    %swap3A_953 = tpu.vector_load %arg22[%swap3A_952] {strides = array<i32>} : memref<640xf32, #tpu.memory_space<vmem>>, vector<16xf32>,
    tpu.vector_store %arg22[%swap3A_952], %select_n3A_951 {strides = array<i32>} : memref<640xf32, #tpu.memory_space<vmem>>, vector<16xf32>,
    %gather3A_954 = tpu.vector_load_idx %arg17[%select_n3A_935] : memref<5120xf32, #tpu.memory_space<vmem>>[vector<16xi32>], vector<16xf32>,
    %jit3A_955 = arith.constant 0.000000e+00 : f32
    %broadcast_in_dim3A_956 = vector.broadcast %jit3A_955 : f32 to vector<16xf32>
    %select_n3A_957 = arith.select %lt3A_930, %gather3A_954, %broadcast_in_dim3A_956 : vector<16xi1>, vector<16xf32>
    %swap3A_958 = arith.constant 352 : index
    %swap3A_959 = tpu.vector_load %arg23[%swap3A_958] {strides = array<i32>} : memref<640xf32, #tpu.memory_space<vmem>>, vector<16xf32>,
    tpu.vector_store %arg23[%swap3A_958], %select_n3A_957 {strides = array<i32>} : memref<640xf32, #tpu.memory_space<vmem>>, vector<16xf32>,
    %gather3A_960 = tpu.vector_load_idx %arg18[%select_n3A_935] : memref<5120xf32, #tpu.memory_space<vmem>>[vector<16xi32>], vector<16xf32>,
    %jit3A_961 = arith.constant 0.000000e+00 : f32
    %broadcast_in_dim3A_962 = vector.broadcast %jit3A_961 : f32 to vector<16xf32>
    %select_n3A_963 = arith.select %lt3A_930, %gather3A_960, %broadcast_in_dim3A_962 : vector<16xi1>, vector<16xf32>
    %swap3A_964 = arith.constant 352 : index
    %swap3A_965 = tpu.vector_load %arg24[%swap3A_964] {strides = array<i32>} : memref<640xf32, #tpu.memory_space<vmem>>, vector<16xf32>,
    tpu.vector_store %arg24[%swap3A_964], %select_n3A_963 {strides = array<i32>} : memref<640xf32, #tpu.memory_space<vmem>>, vector<16xf32>,
    %add3A_966 = arith.constant 112 : i32
    %add3A_967 = vector.broadcast %add3A_966 : i32 to vector<16xi32>
    %add3A_968 = arith.addi %iota3A, %add3A_967 : vector<16xi32>
    %lt3A_969 = vector.broadcast %min3A_685 : i32 to vector<16xi32>
    %lt3A_970 = arith.cmpi slt, %add3A_968, %lt3A_969 : vector<16xi32>
    %get3A_971 = arith.constant 400 : index
    %get3A_972 = tpu.vector_load %arg19[%get3A_971] {strides = array<i32>} : memref<720xi32, #tpu.memory_space<vmem>>, vector<16xi32>,
    %jit3A_973 = arith.constant 0 : i32
    %broadcast_in_dim3A_974 = vector.broadcast %jit3A_973 : i32 to vector<16xi32>
    %select_n3A_975 = arith.select %lt3A_970, %get3A_972, %broadcast_in_dim3A_974 : vector<16xi1>, vector<16xi32>
    %gather3A_976 = tpu.vector_load_idx %arg14[%select_n3A_975] : memref<5120xf32, #tpu.memory_space<vmem>>[vector<16xi32>], vector<16xf32>,
    %jit3A_977 = arith.constant -1.000000e+09 : f32
    %broadcast_in_dim3A_978 = vector.broadcast %jit3A_977 : f32 to vector<16xf32>
    %select_n3A_979 = arith.select %lt3A_970, %gather3A_976, %broadcast_in_dim3A_978 : vector<16xi1>, vector<16xf32>
    %swap3A_980 = arith.constant 368 : index
    %swap3A_981 = tpu.vector_load %arg20[%swap3A_980] {strides = array<i32>} : memref<640xf32, #tpu.memory_space<vmem>>, vector<16xf32>,
    tpu.vector_store %arg20[%swap3A_980], %select_n3A_979 {strides = array<i32>} : memref<640xf32, #tpu.memory_space<vmem>>, vector<16xf32>,
    %gather3A_982 = tpu.vector_load_idx %arg15[%select_n3A_975] : memref<5120xf32, #tpu.memory_space<vmem>>[vector<16xi32>], vector<16xf32>,
    %jit3A_983 = arith.constant 0.000000e+00 : f32
    %broadcast_in_dim3A_984 = vector.broadcast %jit3A_983 : f32 to vector<16xf32>
    %select_n3A_985 = arith.select %lt3A_970, %gather3A_982, %broadcast_in_dim3A_984 : vector<16xi1>, vector<16xf32>
    %swap3A_986 = arith.constant 368 : index
    %swap3A_987 = tpu.vector_load %arg21[%swap3A_986] {strides = array<i32>} : memref<640xf32, #tpu.memory_space<vmem>>, vector<16xf32>,
    tpu.vector_store %arg21[%swap3A_986], %select_n3A_985 {strides = array<i32>} : memref<640xf32, #tpu.memory_space<vmem>>, vector<16xf32>,
    %gather3A_988 = tpu.vector_load_idx %arg16[%select_n3A_975] : memref<5120xf32, #tpu.memory_space<vmem>>[vector<16xi32>], vector<16xf32>,
    %jit3A_989 = arith.constant 0.000000e+00 : f32
    %broadcast_in_dim3A_990 = vector.broadcast %jit3A_989 : f32 to vector<16xf32>
    %select_n3A_991 = arith.select %lt3A_970, %gather3A_988, %broadcast_in_dim3A_990 : vector<16xi1>, vector<16xf32>
    %swap3A_992 = arith.constant 368 : index
    %swap3A_993 = tpu.vector_load %arg22[%swap3A_992] {strides = array<i32>} : memref<640xf32, #tpu.memory_space<vmem>>, vector<16xf32>,
    tpu.vector_store %arg22[%swap3A_992], %select_n3A_991 {strides = array<i32>} : memref<640xf32, #tpu.memory_space<vmem>>, vector<16xf32>,
    %gather3A_994 = tpu.vector_load_idx %arg17[%select_n3A_975] : memref<5120xf32, #tpu.memory_space<vmem>>[vector<16xi32>], vector<16xf32>,
    %jit3A_995 = arith.constant 0.000000e+00 : f32
    %broadcast_in_dim3A_996 = vector.broadcast %jit3A_995 : f32 to vector<16xf32>
    %select_n3A_997 = arith.select %lt3A_970, %gather3A_994, %broadcast_in_dim3A_996 : vector<16xi1>, vector<16xf32>
    %swap3A_998 = arith.constant 368 : index
    %swap3A_999 = tpu.vector_load %arg23[%swap3A_998] {strides = array<i32>} : memref<640xf32, #tpu.memory_space<vmem>>, vector<16xf32>,
    tpu.vector_store %arg23[%swap3A_998], %select_n3A_997 {strides = array<i32>} : memref<640xf32, #tpu.memory_space<vmem>>, vector<16xf32>,
    %gather3A_1000 = tpu.vector_load_idx %arg18[%select_n3A_975] : memref<5120xf32, #tpu.memory_space<vmem>>[vector<16xi32>], vector<16xf32>,
    %jit3A_1001 = arith.constant 0.000000e+00 : f32
    %broadcast_in_dim3A_1002 = vector.broadcast %jit3A_1001 : f32 to vector<16xf32>
    %select_n3A_1003 = arith.select %lt3A_970, %gather3A_1000, %broadcast_in_dim3A_1002 : vector<16xi1>, vector<16xf32>
    %swap3A_1004 = arith.constant 368 : index
    %swap3A_1005 = tpu.vector_load %arg24[%swap3A_1004] {strides = array<i32>} : memref<640xf32, #tpu.memory_space<vmem>>, vector<16xf32>,
    tpu.vector_store %arg24[%swap3A_1004], %select_n3A_1003 {strides = array<i32>} : memref<640xf32, #tpu.memory_space<vmem>>, vector<16xf32>,
    %min3A_1006 = arith.constant 128 : i32
    %min3A_1007 = arith.minsi %scan3A_43#3, %min3A_1006 : i32
    %add3A_1008 = arith.constant 0 : i32
    %add3A_1009 = vector.broadcast %add3A_1008 : i32 to vector<16xi32>
    %add3A_1010 = arith.addi %iota3A, %add3A_1009 : vector<16xi32>
    %lt3A_1011 = vector.broadcast %min3A_1007 : i32 to vector<16xi32>
    %lt3A_1012 = arith.cmpi slt, %add3A_1010, %lt3A_1011 : vector<16xi32>
    %get3A_1013 = arith.constant 432 : index
    %get3A_1014 = tpu.vector_load %arg19[%get3A_1013] {strides = array<i32>} : memref<720xi32, #tpu.memory_space<vmem>>, vector<16xi32>,
    %jit3A_1015 = arith.constant 0 : i32
    %broadcast_in_dim3A_1016 = vector.broadcast %jit3A_1015 : i32 to vector<16xi32>
    %select_n3A_1017 = arith.select %lt3A_1012, %get3A_1014, %broadcast_in_dim3A_1016 : vector<16xi1>, vector<16xi32>
    %gather3A_1018 = tpu.vector_load_idx %arg14[%select_n3A_1017] : memref<5120xf32, #tpu.memory_space<vmem>>[vector<16xi32>], vector<16xf32>,
    %jit3A_1019 = arith.constant -1.000000e+09 : f32
    %broadcast_in_dim3A_1020 = vector.broadcast %jit3A_1019 : f32 to vector<16xf32>
    %select_n3A_1021 = arith.select %lt3A_1012, %gather3A_1018, %broadcast_in_dim3A_1020 : vector<16xi1>, vector<16xf32>
    %swap3A_1022 = arith.constant 384 : index
    %swap3A_1023 = tpu.vector_load %arg20[%swap3A_1022] {strides = array<i32>} : memref<640xf32, #tpu.memory_space<vmem>>, vector<16xf32>,
    tpu.vector_store %arg20[%swap3A_1022], %select_n3A_1021 {strides = array<i32>} : memref<640xf32, #tpu.memory_space<vmem>>, vector<16xf32>,
    %gather3A_1024 = tpu.vector_load_idx %arg15[%select_n3A_1017] : memref<5120xf32, #tpu.memory_space<vmem>>[vector<16xi32>], vector<16xf32>,
    %jit3A_1025 = arith.constant 0.000000e+00 : f32
    %broadcast_in_dim3A_1026 = vector.broadcast %jit3A_1025 : f32 to vector<16xf32>
    %select_n3A_1027 = arith.select %lt3A_1012, %gather3A_1024, %broadcast_in_dim3A_1026 : vector<16xi1>, vector<16xf32>
    %swap3A_1028 = arith.constant 384 : index
    %swap3A_1029 = tpu.vector_load %arg21[%swap3A_1028] {strides = array<i32>} : memref<640xf32, #tpu.memory_space<vmem>>, vector<16xf32>,
    tpu.vector_store %arg21[%swap3A_1028], %select_n3A_1027 {strides = array<i32>} : memref<640xf32, #tpu.memory_space<vmem>>, vector<16xf32>,
    %gather3A_1030 = tpu.vector_load_idx %arg16[%select_n3A_1017] : memref<5120xf32, #tpu.memory_space<vmem>>[vector<16xi32>], vector<16xf32>,
    %jit3A_1031 = arith.constant 0.000000e+00 : f32
    %broadcast_in_dim3A_1032 = vector.broadcast %jit3A_1031 : f32 to vector<16xf32>
    %select_n3A_1033 = arith.select %lt3A_1012, %gather3A_1030, %broadcast_in_dim3A_1032 : vector<16xi1>, vector<16xf32>
    %swap3A_1034 = arith.constant 384 : index
    %swap3A_1035 = tpu.vector_load %arg22[%swap3A_1034] {strides = array<i32>} : memref<640xf32, #tpu.memory_space<vmem>>, vector<16xf32>,
    tpu.vector_store %arg22[%swap3A_1034], %select_n3A_1033 {strides = array<i32>} : memref<640xf32, #tpu.memory_space<vmem>>, vector<16xf32>,
    %gather3A_1036 = tpu.vector_load_idx %arg17[%select_n3A_1017] : memref<5120xf32, #tpu.memory_space<vmem>>[vector<16xi32>], vector<16xf32>,
    %jit3A_1037 = arith.constant 0.000000e+00 : f32
    %broadcast_in_dim3A_1038 = vector.broadcast %jit3A_1037 : f32 to vector<16xf32>
    %select_n3A_1039 = arith.select %lt3A_1012, %gather3A_1036, %broadcast_in_dim3A_1038 : vector<16xi1>, vector<16xf32>
    %swap3A_1040 = arith.constant 384 : index
    %swap3A_1041 = tpu.vector_load %arg23[%swap3A_1040] {strides = array<i32>} : memref<640xf32, #tpu.memory_space<vmem>>, vector<16xf32>,
    tpu.vector_store %arg23[%swap3A_1040], %select_n3A_1039 {strides = array<i32>} : memref<640xf32, #tpu.memory_space<vmem>>, vector<16xf32>,
    %gather3A_1042 = tpu.vector_load_idx %arg18[%select_n3A_1017] : memref<5120xf32, #tpu.memory_space<vmem>>[vector<16xi32>], vector<16xf32>,
    %jit3A_1043 = arith.constant 0.000000e+00 : f32
    %broadcast_in_dim3A_1044 = vector.broadcast %jit3A_1043 : f32 to vector<16xf32>
    %select_n3A_1045 = arith.select %lt3A_1012, %gather3A_1042, %broadcast_in_dim3A_1044 : vector<16xi1>, vector<16xf32>
    %swap3A_1046 = arith.constant 384 : index
    %swap3A_1047 = tpu.vector_load %arg24[%swap3A_1046] {strides = array<i32>} : memref<640xf32, #tpu.memory_space<vmem>>, vector<16xf32>,
    tpu.vector_store %arg24[%swap3A_1046], %select_n3A_1045 {strides = array<i32>} : memref<640xf32, #tpu.memory_space<vmem>>, vector<16xf32>,
    %add3A_1048 = arith.constant 16 : i32
    %add3A_1049 = vector.broadcast %add3A_1048 : i32 to vector<16xi32>
    %add3A_1050 = arith.addi %iota3A, %add3A_1049 : vector<16xi32>
    %lt3A_1051 = vector.broadcast %min3A_1007 : i32 to vector<16xi32>
    %lt3A_1052 = arith.cmpi slt, %add3A_1050, %lt3A_1051 : vector<16xi32>
    %get3A_1053 = arith.constant 448 : index
    %get3A_1054 = tpu.vector_load %arg19[%get3A_1053] {strides = array<i32>} : memref<720xi32, #tpu.memory_space<vmem>>, vector<16xi32>,
    %jit3A_1055 = arith.constant 0 : i32
    %broadcast_in_dim3A_1056 = vector.broadcast %jit3A_1055 : i32 to vector<16xi32>
    %select_n3A_1057 = arith.select %lt3A_1052, %get3A_1054, %broadcast_in_dim3A_1056 : vector<16xi1>, vector<16xi32>
    %gather3A_1058 = tpu.vector_load_idx %arg14[%select_n3A_1057] : memref<5120xf32, #tpu.memory_space<vmem>>[vector<16xi32>], vector<16xf32>,
    %jit3A_1059 = arith.constant -1.000000e+09 : f32
    %broadcast_in_dim3A_1060 = vector.broadcast %jit3A_1059 : f32 to vector<16xf32>
    %select_n3A_1061 = arith.select %lt3A_1052, %gather3A_1058, %broadcast_in_dim3A_1060 : vector<16xi1>, vector<16xf32>
    %swap3A_1062 = arith.constant 400 : index
    %swap3A_1063 = tpu.vector_load %arg20[%swap3A_1062] {strides = array<i32>} : memref<640xf32, #tpu.memory_space<vmem>>, vector<16xf32>,
    tpu.vector_store %arg20[%swap3A_1062], %select_n3A_1061 {strides = array<i32>} : memref<640xf32, #tpu.memory_space<vmem>>, vector<16xf32>,
    %gather3A_1064 = tpu.vector_load_idx %arg15[%select_n3A_1057] : memref<5120xf32, #tpu.memory_space<vmem>>[vector<16xi32>], vector<16xf32>,
    %jit3A_1065 = arith.constant 0.000000e+00 : f32
    %broadcast_in_dim3A_1066 = vector.broadcast %jit3A_1065 : f32 to vector<16xf32>
    %select_n3A_1067 = arith.select %lt3A_1052, %gather3A_1064, %broadcast_in_dim3A_1066 : vector<16xi1>, vector<16xf32>
    %swap3A_1068 = arith.constant 400 : index
    %swap3A_1069 = tpu.vector_load %arg21[%swap3A_1068] {strides = array<i32>} : memref<640xf32, #tpu.memory_space<vmem>>, vector<16xf32>,
    tpu.vector_store %arg21[%swap3A_1068], %select_n3A_1067 {strides = array<i32>} : memref<640xf32, #tpu.memory_space<vmem>>, vector<16xf32>,
    %gather3A_1070 = tpu.vector_load_idx %arg16[%select_n3A_1057] : memref<5120xf32, #tpu.memory_space<vmem>>[vector<16xi32>], vector<16xf32>,
    %jit3A_1071 = arith.constant 0.000000e+00 : f32
    %broadcast_in_dim3A_1072 = vector.broadcast %jit3A_1071 : f32 to vector<16xf32>
    %select_n3A_1073 = arith.select %lt3A_1052, %gather3A_1070, %broadcast_in_dim3A_1072 : vector<16xi1>, vector<16xf32>
    %swap3A_1074 = arith.constant 400 : index
    %swap3A_1075 = tpu.vector_load %arg22[%swap3A_1074] {strides = array<i32>} : memref<640xf32, #tpu.memory_space<vmem>>, vector<16xf32>,
    tpu.vector_store %arg22[%swap3A_1074], %select_n3A_1073 {strides = array<i32>} : memref<640xf32, #tpu.memory_space<vmem>>, vector<16xf32>,
    %gather3A_1076 = tpu.vector_load_idx %arg17[%select_n3A_1057] : memref<5120xf32, #tpu.memory_space<vmem>>[vector<16xi32>], vector<16xf32>,
    %jit3A_1077 = arith.constant 0.000000e+00 : f32
    %broadcast_in_dim3A_1078 = vector.broadcast %jit3A_1077 : f32 to vector<16xf32>
    %select_n3A_1079 = arith.select %lt3A_1052, %gather3A_1076, %broadcast_in_dim3A_1078 : vector<16xi1>, vector<16xf32>
    %swap3A_1080 = arith.constant 400 : index
    %swap3A_1081 = tpu.vector_load %arg23[%swap3A_1080] {strides = array<i32>} : memref<640xf32, #tpu.memory_space<vmem>>, vector<16xf32>,
    tpu.vector_store %arg23[%swap3A_1080], %select_n3A_1079 {strides = array<i32>} : memref<640xf32, #tpu.memory_space<vmem>>, vector<16xf32>,
    %gather3A_1082 = tpu.vector_load_idx %arg18[%select_n3A_1057] : memref<5120xf32, #tpu.memory_space<vmem>>[vector<16xi32>], vector<16xf32>,
    %jit3A_1083 = arith.constant 0.000000e+00 : f32
    %broadcast_in_dim3A_1084 = vector.broadcast %jit3A_1083 : f32 to vector<16xf32>
    %select_n3A_1085 = arith.select %lt3A_1052, %gather3A_1082, %broadcast_in_dim3A_1084 : vector<16xi1>, vector<16xf32>
    %swap3A_1086 = arith.constant 400 : index
    %swap3A_1087 = tpu.vector_load %arg24[%swap3A_1086] {strides = array<i32>} : memref<640xf32, #tpu.memory_space<vmem>>, vector<16xf32>,
    tpu.vector_store %arg24[%swap3A_1086], %select_n3A_1085 {strides = array<i32>} : memref<640xf32, #tpu.memory_space<vmem>>, vector<16xf32>,
    %add3A_1088 = arith.constant 32 : i32
    %add3A_1089 = vector.broadcast %add3A_1088 : i32 to vector<16xi32>
    %add3A_1090 = arith.addi %iota3A, %add3A_1089 : vector<16xi32>
    %lt3A_1091 = vector.broadcast %min3A_1007 : i32 to vector<16xi32>
    %lt3A_1092 = arith.cmpi slt, %add3A_1090, %lt3A_1091 : vector<16xi32>
    %get3A_1093 = arith.constant 464 : index
    %get3A_1094 = tpu.vector_load %arg19[%get3A_1093] {strides = array<i32>} : memref<720xi32, #tpu.memory_space<vmem>>, vector<16xi32>,
    %jit3A_1095 = arith.constant 0 : i32
    %broadcast_in_dim3A_1096 = vector.broadcast %jit3A_1095 : i32 to vector<16xi32>
    %select_n3A_1097 = arith.select %lt3A_1092, %get3A_1094, %broadcast_in_dim3A_1096 : vector<16xi1>, vector<16xi32>
    %gather3A_1098 = tpu.vector_load_idx %arg14[%select_n3A_1097] : memref<5120xf32, #tpu.memory_space<vmem>>[vector<16xi32>], vector<16xf32>,
    %jit3A_1099 = arith.constant -1.000000e+09 : f32
    %broadcast_in_dim3A_1100 = vector.broadcast %jit3A_1099 : f32 to vector<16xf32>
    %select_n3A_1101 = arith.select %lt3A_1092, %gather3A_1098, %broadcast_in_dim3A_1100 : vector<16xi1>, vector<16xf32>
    %swap3A_1102 = arith.constant 416 : index
    %swap3A_1103 = tpu.vector_load %arg20[%swap3A_1102] {strides = array<i32>} : memref<640xf32, #tpu.memory_space<vmem>>, vector<16xf32>,
    tpu.vector_store %arg20[%swap3A_1102], %select_n3A_1101 {strides = array<i32>} : memref<640xf32, #tpu.memory_space<vmem>>, vector<16xf32>,
    %gather3A_1104 = tpu.vector_load_idx %arg15[%select_n3A_1097] : memref<5120xf32, #tpu.memory_space<vmem>>[vector<16xi32>], vector<16xf32>,
    %jit3A_1105 = arith.constant 0.000000e+00 : f32
    %broadcast_in_dim3A_1106 = vector.broadcast %jit3A_1105 : f32 to vector<16xf32>
    %select_n3A_1107 = arith.select %lt3A_1092, %gather3A_1104, %broadcast_in_dim3A_1106 : vector<16xi1>, vector<16xf32>
    %swap3A_1108 = arith.constant 416 : index
    %swap3A_1109 = tpu.vector_load %arg21[%swap3A_1108] {strides = array<i32>} : memref<640xf32, #tpu.memory_space<vmem>>, vector<16xf32>,
    tpu.vector_store %arg21[%swap3A_1108], %select_n3A_1107 {strides = array<i32>} : memref<640xf32, #tpu.memory_space<vmem>>, vector<16xf32>,
    %gather3A_1110 = tpu.vector_load_idx %arg16[%select_n3A_1097] : memref<5120xf32, #tpu.memory_space<vmem>>[vector<16xi32>], vector<16xf32>,
    %jit3A_1111 = arith.constant 0.000000e+00 : f32
    %broadcast_in_dim3A_1112 = vector.broadcast %jit3A_1111 : f32 to vector<16xf32>
    %select_n3A_1113 = arith.select %lt3A_1092, %gather3A_1110, %broadcast_in_dim3A_1112 : vector<16xi1>, vector<16xf32>
    %swap3A_1114 = arith.constant 416 : index
    %swap3A_1115 = tpu.vector_load %arg22[%swap3A_1114] {strides = array<i32>} : memref<640xf32, #tpu.memory_space<vmem>>, vector<16xf32>,
    tpu.vector_store %arg22[%swap3A_1114], %select_n3A_1113 {strides = array<i32>} : memref<640xf32, #tpu.memory_space<vmem>>, vector<16xf32>,
    %gather3A_1116 = tpu.vector_load_idx %arg17[%select_n3A_1097] : memref<5120xf32, #tpu.memory_space<vmem>>[vector<16xi32>], vector<16xf32>,
    %jit3A_1117 = arith.constant 0.000000e+00 : f32
    %broadcast_in_dim3A_1118 = vector.broadcast %jit3A_1117 : f32 to vector<16xf32>
    %select_n3A_1119 = arith.select %lt3A_1092, %gather3A_1116, %broadcast_in_dim3A_1118 : vector<16xi1>, vector<16xf32>
    %swap3A_1120 = arith.constant 416 : index
    %swap3A_1121 = tpu.vector_load %arg23[%swap3A_1120] {strides = array<i32>} : memref<640xf32, #tpu.memory_space<vmem>>, vector<16xf32>,
    tpu.vector_store %arg23[%swap3A_1120], %select_n3A_1119 {strides = array<i32>} : memref<640xf32, #tpu.memory_space<vmem>>, vector<16xf32>,
    %gather3A_1122 = tpu.vector_load_idx %arg18[%select_n3A_1097] : memref<5120xf32, #tpu.memory_space<vmem>>[vector<16xi32>], vector<16xf32>,
    %jit3A_1123 = arith.constant 0.000000e+00 : f32
    %broadcast_in_dim3A_1124 = vector.broadcast %jit3A_1123 : f32 to vector<16xf32>
    %select_n3A_1125 = arith.select %lt3A_1092, %gather3A_1122, %broadcast_in_dim3A_1124 : vector<16xi1>, vector<16xf32>
    %swap3A_1126 = arith.constant 416 : index
    %swap3A_1127 = tpu.vector_load %arg24[%swap3A_1126] {strides = array<i32>} : memref<640xf32, #tpu.memory_space<vmem>>, vector<16xf32>,
    tpu.vector_store %arg24[%swap3A_1126], %select_n3A_1125 {strides = array<i32>} : memref<640xf32, #tpu.memory_space<vmem>>, vector<16xf32>,
    %add3A_1128 = arith.constant 48 : i32
    %add3A_1129 = vector.broadcast %add3A_1128 : i32 to vector<16xi32>
    %add3A_1130 = arith.addi %iota3A, %add3A_1129 : vector<16xi32>
    %lt3A_1131 = vector.broadcast %min3A_1007 : i32 to vector<16xi32>
    %lt3A_1132 = arith.cmpi slt, %add3A_1130, %lt3A_1131 : vector<16xi32>
    %get3A_1133 = arith.constant 480 : index
    %get3A_1134 = tpu.vector_load %arg19[%get3A_1133] {strides = array<i32>} : memref<720xi32, #tpu.memory_space<vmem>>, vector<16xi32>,
    %jit3A_1135 = arith.constant 0 : i32
    %broadcast_in_dim3A_1136 = vector.broadcast %jit3A_1135 : i32 to vector<16xi32>
    %select_n3A_1137 = arith.select %lt3A_1132, %get3A_1134, %broadcast_in_dim3A_1136 : vector<16xi1>, vector<16xi32>
    %gather3A_1138 = tpu.vector_load_idx %arg14[%select_n3A_1137] : memref<5120xf32, #tpu.memory_space<vmem>>[vector<16xi32>], vector<16xf32>,
    %jit3A_1139 = arith.constant -1.000000e+09 : f32
    %broadcast_in_dim3A_1140 = vector.broadcast %jit3A_1139 : f32 to vector<16xf32>
    %select_n3A_1141 = arith.select %lt3A_1132, %gather3A_1138, %broadcast_in_dim3A_1140 : vector<16xi1>, vector<16xf32>
    %swap3A_1142 = arith.constant 432 : index
    %swap3A_1143 = tpu.vector_load %arg20[%swap3A_1142] {strides = array<i32>} : memref<640xf32, #tpu.memory_space<vmem>>, vector<16xf32>,
    tpu.vector_store %arg20[%swap3A_1142], %select_n3A_1141 {strides = array<i32>} : memref<640xf32, #tpu.memory_space<vmem>>, vector<16xf32>,
    %gather3A_1144 = tpu.vector_load_idx %arg15[%select_n3A_1137] : memref<5120xf32, #tpu.memory_space<vmem>>[vector<16xi32>], vector<16xf32>,
    %jit3A_1145 = arith.constant 0.000000e+00 : f32
    %broadcast_in_dim3A_1146 = vector.broadcast %jit3A_1145 : f32 to vector<16xf32>
    %select_n3A_1147 = arith.select %lt3A_1132, %gather3A_1144, %broadcast_in_dim3A_1146 : vector<16xi1>, vector<16xf32>
    %swap3A_1148 = arith.constant 432 : index
    %swap3A_1149 = tpu.vector_load %arg21[%swap3A_1148] {strides = array<i32>} : memref<640xf32, #tpu.memory_space<vmem>>, vector<16xf32>,
    tpu.vector_store %arg21[%swap3A_1148], %select_n3A_1147 {strides = array<i32>} : memref<640xf32, #tpu.memory_space<vmem>>, vector<16xf32>,
    %gather3A_1150 = tpu.vector_load_idx %arg16[%select_n3A_1137] : memref<5120xf32, #tpu.memory_space<vmem>>[vector<16xi32>], vector<16xf32>,
    %jit3A_1151 = arith.constant 0.000000e+00 : f32
    %broadcast_in_dim3A_1152 = vector.broadcast %jit3A_1151 : f32 to vector<16xf32>
    %select_n3A_1153 = arith.select %lt3A_1132, %gather3A_1150, %broadcast_in_dim3A_1152 : vector<16xi1>, vector<16xf32>
    %swap3A_1154 = arith.constant 432 : index
    %swap3A_1155 = tpu.vector_load %arg22[%swap3A_1154] {strides = array<i32>} : memref<640xf32, #tpu.memory_space<vmem>>, vector<16xf32>,
    tpu.vector_store %arg22[%swap3A_1154], %select_n3A_1153 {strides = array<i32>} : memref<640xf32, #tpu.memory_space<vmem>>, vector<16xf32>,
    %gather3A_1156 = tpu.vector_load_idx %arg17[%select_n3A_1137] : memref<5120xf32, #tpu.memory_space<vmem>>[vector<16xi32>], vector<16xf32>,
    %jit3A_1157 = arith.constant 0.000000e+00 : f32
    %broadcast_in_dim3A_1158 = vector.broadcast %jit3A_1157 : f32 to vector<16xf32>
    %select_n3A_1159 = arith.select %lt3A_1132, %gather3A_1156, %broadcast_in_dim3A_1158 : vector<16xi1>, vector<16xf32>
    %swap3A_1160 = arith.constant 432 : index
    %swap3A_1161 = tpu.vector_load %arg23[%swap3A_1160] {strides = array<i32>} : memref<640xf32, #tpu.memory_space<vmem>>, vector<16xf32>,
    tpu.vector_store %arg23[%swap3A_1160], %select_n3A_1159 {strides = array<i32>} : memref<640xf32, #tpu.memory_space<vmem>>, vector<16xf32>,
    %gather3A_1162 = tpu.vector_load_idx %arg18[%select_n3A_1137] : memref<5120xf32, #tpu.memory_space<vmem>>[vector<16xi32>], vector<16xf32>,
    %jit3A_1163 = arith.constant 0.000000e+00 : f32
    %broadcast_in_dim3A_1164 = vector.broadcast %jit3A_1163 : f32 to vector<16xf32>
    %select_n3A_1165 = arith.select %lt3A_1132, %gather3A_1162, %broadcast_in_dim3A_1164 : vector<16xi1>, vector<16xf32>
    %swap3A_1166 = arith.constant 432 : index
    %swap3A_1167 = tpu.vector_load %arg24[%swap3A_1166] {strides = array<i32>} : memref<640xf32, #tpu.memory_space<vmem>>, vector<16xf32>,
    tpu.vector_store %arg24[%swap3A_1166], %select_n3A_1165 {strides = array<i32>} : memref<640xf32, #tpu.memory_space<vmem>>, vector<16xf32>,
    %add3A_1168 = arith.constant 64 : i32
    %add3A_1169 = vector.broadcast %add3A_1168 : i32 to vector<16xi32>
    %add3A_1170 = arith.addi %iota3A, %add3A_1169 : vector<16xi32>
    %lt3A_1171 = vector.broadcast %min3A_1007 : i32 to vector<16xi32>
    %lt3A_1172 = arith.cmpi slt, %add3A_1170, %lt3A_1171 : vector<16xi32>
    %get3A_1173 = arith.constant 496 : index
    %get3A_1174 = tpu.vector_load %arg19[%get3A_1173] {strides = array<i32>} : memref<720xi32, #tpu.memory_space<vmem>>, vector<16xi32>,
    %jit3A_1175 = arith.constant 0 : i32
    %broadcast_in_dim3A_1176 = vector.broadcast %jit3A_1175 : i32 to vector<16xi32>
    %select_n3A_1177 = arith.select %lt3A_1172, %get3A_1174, %broadcast_in_dim3A_1176 : vector<16xi1>, vector<16xi32>
    %gather3A_1178 = tpu.vector_load_idx %arg14[%select_n3A_1177] : memref<5120xf32, #tpu.memory_space<vmem>>[vector<16xi32>], vector<16xf32>,
    %jit3A_1179 = arith.constant -1.000000e+09 : f32
    %broadcast_in_dim3A_1180 = vector.broadcast %jit3A_1179 : f32 to vector<16xf32>
    %select_n3A_1181 = arith.select %lt3A_1172, %gather3A_1178, %broadcast_in_dim3A_1180 : vector<16xi1>, vector<16xf32>
    %swap3A_1182 = arith.constant 448 : index
    %swap3A_1183 = tpu.vector_load %arg20[%swap3A_1182] {strides = array<i32>} : memref<640xf32, #tpu.memory_space<vmem>>, vector<16xf32>,
    tpu.vector_store %arg20[%swap3A_1182], %select_n3A_1181 {strides = array<i32>} : memref<640xf32, #tpu.memory_space<vmem>>, vector<16xf32>,
    %gather3A_1184 = tpu.vector_load_idx %arg15[%select_n3A_1177] : memref<5120xf32, #tpu.memory_space<vmem>>[vector<16xi32>], vector<16xf32>,
    %jit3A_1185 = arith.constant 0.000000e+00 : f32
    %broadcast_in_dim3A_1186 = vector.broadcast %jit3A_1185 : f32 to vector<16xf32>
    %select_n3A_1187 = arith.select %lt3A_1172, %gather3A_1184, %broadcast_in_dim3A_1186 : vector<16xi1>, vector<16xf32>
    %swap3A_1188 = arith.constant 448 : index
    %swap3A_1189 = tpu.vector_load %arg21[%swap3A_1188] {strides = array<i32>} : memref<640xf32, #tpu.memory_space<vmem>>, vector<16xf32>,
    tpu.vector_store %arg21[%swap3A_1188], %select_n3A_1187 {strides = array<i32>} : memref<640xf32, #tpu.memory_space<vmem>>, vector<16xf32>,
    %gather3A_1190 = tpu.vector_load_idx %arg16[%select_n3A_1177] : memref<5120xf32, #tpu.memory_space<vmem>>[vector<16xi32>], vector<16xf32>,
    %jit3A_1191 = arith.constant 0.000000e+00 : f32
    %broadcast_in_dim3A_1192 = vector.broadcast %jit3A_1191 : f32 to vector<16xf32>
    %select_n3A_1193 = arith.select %lt3A_1172, %gather3A_1190, %broadcast_in_dim3A_1192 : vector<16xi1>, vector<16xf32>
    %swap3A_1194 = arith.constant 448 : index
    %swap3A_1195 = tpu.vector_load %arg22[%swap3A_1194] {strides = array<i32>} : memref<640xf32, #tpu.memory_space<vmem>>, vector<16xf32>,
    tpu.vector_store %arg22[%swap3A_1194], %select_n3A_1193 {strides = array<i32>} : memref<640xf32, #tpu.memory_space<vmem>>, vector<16xf32>,
    %gather3A_1196 = tpu.vector_load_idx %arg17[%select_n3A_1177] : memref<5120xf32, #tpu.memory_space<vmem>>[vector<16xi32>], vector<16xf32>,
    %jit3A_1197 = arith.constant 0.000000e+00 : f32
    %broadcast_in_dim3A_1198 = vector.broadcast %jit3A_1197 : f32 to vector<16xf32>
    %select_n3A_1199 = arith.select %lt3A_1172, %gather3A_1196, %broadcast_in_dim3A_1198 : vector<16xi1>, vector<16xf32>
    %swap3A_1200 = arith.constant 448 : index
    %swap3A_1201 = tpu.vector_load %arg23[%swap3A_1200] {strides = array<i32>} : memref<640xf32, #tpu.memory_space<vmem>>, vector<16xf32>,
    tpu.vector_store %arg23[%swap3A_1200], %select_n3A_1199 {strides = array<i32>} : memref<640xf32, #tpu.memory_space<vmem>>, vector<16xf32>,
    %gather3A_1202 = tpu.vector_load_idx %arg18[%select_n3A_1177] : memref<5120xf32, #tpu.memory_space<vmem>>[vector<16xi32>], vector<16xf32>,
    %jit3A_1203 = arith.constant 0.000000e+00 : f32
    %broadcast_in_dim3A_1204 = vector.broadcast %jit3A_1203 : f32 to vector<16xf32>
    %select_n3A_1205 = arith.select %lt3A_1172, %gather3A_1202, %broadcast_in_dim3A_1204 : vector<16xi1>, vector<16xf32>
    %swap3A_1206 = arith.constant 448 : index
    %swap3A_1207 = tpu.vector_load %arg24[%swap3A_1206] {strides = array<i32>} : memref<640xf32, #tpu.memory_space<vmem>>, vector<16xf32>,
    tpu.vector_store %arg24[%swap3A_1206], %select_n3A_1205 {strides = array<i32>} : memref<640xf32, #tpu.memory_space<vmem>>, vector<16xf32>,
    %add3A_1208 = arith.constant 80 : i32
    %add3A_1209 = vector.broadcast %add3A_1208 : i32 to vector<16xi32>
    %add3A_1210 = arith.addi %iota3A, %add3A_1209 : vector<16xi32>
    %lt3A_1211 = vector.broadcast %min3A_1007 : i32 to vector<16xi32>
    %lt3A_1212 = arith.cmpi slt, %add3A_1210, %lt3A_1211 : vector<16xi32>
    %get3A_1213 = arith.constant 512 : index
    %get3A_1214 = tpu.vector_load %arg19[%get3A_1213] {strides = array<i32>} : memref<720xi32, #tpu.memory_space<vmem>>, vector<16xi32>,
    %jit3A_1215 = arith.constant 0 : i32
    %broadcast_in_dim3A_1216 = vector.broadcast %jit3A_1215 : i32 to vector<16xi32>
    %select_n3A_1217 = arith.select %lt3A_1212, %get3A_1214, %broadcast_in_dim3A_1216 : vector<16xi1>, vector<16xi32>
    %gather3A_1218 = tpu.vector_load_idx %arg14[%select_n3A_1217] : memref<5120xf32, #tpu.memory_space<vmem>>[vector<16xi32>], vector<16xf32>,
    %jit3A_1219 = arith.constant -1.000000e+09 : f32
    %broadcast_in_dim3A_1220 = vector.broadcast %jit3A_1219 : f32 to vector<16xf32>
    %select_n3A_1221 = arith.select %lt3A_1212, %gather3A_1218, %broadcast_in_dim3A_1220 : vector<16xi1>, vector<16xf32>
    %swap3A_1222 = arith.constant 464 : index
    %swap3A_1223 = tpu.vector_load %arg20[%swap3A_1222] {strides = array<i32>} : memref<640xf32, #tpu.memory_space<vmem>>, vector<16xf32>,
    tpu.vector_store %arg20[%swap3A_1222], %select_n3A_1221 {strides = array<i32>} : memref<640xf32, #tpu.memory_space<vmem>>, vector<16xf32>,
    %gather3A_1224 = tpu.vector_load_idx %arg15[%select_n3A_1217] : memref<5120xf32, #tpu.memory_space<vmem>>[vector<16xi32>], vector<16xf32>,
    %jit3A_1225 = arith.constant 0.000000e+00 : f32
    %broadcast_in_dim3A_1226 = vector.broadcast %jit3A_1225 : f32 to vector<16xf32>
    %select_n3A_1227 = arith.select %lt3A_1212, %gather3A_1224, %broadcast_in_dim3A_1226 : vector<16xi1>, vector<16xf32>
    %swap3A_1228 = arith.constant 464 : index
    %swap3A_1229 = tpu.vector_load %arg21[%swap3A_1228] {strides = array<i32>} : memref<640xf32, #tpu.memory_space<vmem>>, vector<16xf32>,
    tpu.vector_store %arg21[%swap3A_1228], %select_n3A_1227 {strides = array<i32>} : memref<640xf32, #tpu.memory_space<vmem>>, vector<16xf32>,
    %gather3A_1230 = tpu.vector_load_idx %arg16[%select_n3A_1217] : memref<5120xf32, #tpu.memory_space<vmem>>[vector<16xi32>], vector<16xf32>,
    %jit3A_1231 = arith.constant 0.000000e+00 : f32
    %broadcast_in_dim3A_1232 = vector.broadcast %jit3A_1231 : f32 to vector<16xf32>
    %select_n3A_1233 = arith.select %lt3A_1212, %gather3A_1230, %broadcast_in_dim3A_1232 : vector<16xi1>, vector<16xf32>
    %swap3A_1234 = arith.constant 464 : index
    %swap3A_1235 = tpu.vector_load %arg22[%swap3A_1234] {strides = array<i32>} : memref<640xf32, #tpu.memory_space<vmem>>, vector<16xf32>,
    tpu.vector_store %arg22[%swap3A_1234], %select_n3A_1233 {strides = array<i32>} : memref<640xf32, #tpu.memory_space<vmem>>, vector<16xf32>,
    %gather3A_1236 = tpu.vector_load_idx %arg17[%select_n3A_1217] : memref<5120xf32, #tpu.memory_space<vmem>>[vector<16xi32>], vector<16xf32>,
    %jit3A_1237 = arith.constant 0.000000e+00 : f32
    %broadcast_in_dim3A_1238 = vector.broadcast %jit3A_1237 : f32 to vector<16xf32>
    %select_n3A_1239 = arith.select %lt3A_1212, %gather3A_1236, %broadcast_in_dim3A_1238 : vector<16xi1>, vector<16xf32>
    %swap3A_1240 = arith.constant 464 : index
    %swap3A_1241 = tpu.vector_load %arg23[%swap3A_1240] {strides = array<i32>} : memref<640xf32, #tpu.memory_space<vmem>>, vector<16xf32>,
    tpu.vector_store %arg23[%swap3A_1240], %select_n3A_1239 {strides = array<i32>} : memref<640xf32, #tpu.memory_space<vmem>>, vector<16xf32>,
    %gather3A_1242 = tpu.vector_load_idx %arg18[%select_n3A_1217] : memref<5120xf32, #tpu.memory_space<vmem>>[vector<16xi32>], vector<16xf32>,
    %jit3A_1243 = arith.constant 0.000000e+00 : f32
    %broadcast_in_dim3A_1244 = vector.broadcast %jit3A_1243 : f32 to vector<16xf32>
    %select_n3A_1245 = arith.select %lt3A_1212, %gather3A_1242, %broadcast_in_dim3A_1244 : vector<16xi1>, vector<16xf32>
    %swap3A_1246 = arith.constant 464 : index
    %swap3A_1247 = tpu.vector_load %arg24[%swap3A_1246] {strides = array<i32>} : memref<640xf32, #tpu.memory_space<vmem>>, vector<16xf32>,
    tpu.vector_store %arg24[%swap3A_1246], %select_n3A_1245 {strides = array<i32>} : memref<640xf32, #tpu.memory_space<vmem>>, vector<16xf32>,
    %add3A_1248 = arith.constant 96 : i32
    %add3A_1249 = vector.broadcast %add3A_1248 : i32 to vector<16xi32>
    %add3A_1250 = arith.addi %iota3A, %add3A_1249 : vector<16xi32>
    %lt3A_1251 = vector.broadcast %min3A_1007 : i32 to vector<16xi32>
    %lt3A_1252 = arith.cmpi slt, %add3A_1250, %lt3A_1251 : vector<16xi32>
    %get3A_1253 = arith.constant 528 : index
    %get3A_1254 = tpu.vector_load %arg19[%get3A_1253] {strides = array<i32>} : memref<720xi32, #tpu.memory_space<vmem>>, vector<16xi32>,
    %jit3A_1255 = arith.constant 0 : i32
    %broadcast_in_dim3A_1256 = vector.broadcast %jit3A_1255 : i32 to vector<16xi32>
    %select_n3A_1257 = arith.select %lt3A_1252, %get3A_1254, %broadcast_in_dim3A_1256 : vector<16xi1>, vector<16xi32>
    %gather3A_1258 = tpu.vector_load_idx %arg14[%select_n3A_1257] : memref<5120xf32, #tpu.memory_space<vmem>>[vector<16xi32>], vector<16xf32>,
    %jit3A_1259 = arith.constant -1.000000e+09 : f32
    %broadcast_in_dim3A_1260 = vector.broadcast %jit3A_1259 : f32 to vector<16xf32>
    %select_n3A_1261 = arith.select %lt3A_1252, %gather3A_1258, %broadcast_in_dim3A_1260 : vector<16xi1>, vector<16xf32>
    %swap3A_1262 = arith.constant 480 : index
    %swap3A_1263 = tpu.vector_load %arg20[%swap3A_1262] {strides = array<i32>} : memref<640xf32, #tpu.memory_space<vmem>>, vector<16xf32>,
    tpu.vector_store %arg20[%swap3A_1262], %select_n3A_1261 {strides = array<i32>} : memref<640xf32, #tpu.memory_space<vmem>>, vector<16xf32>,
    %gather3A_1264 = tpu.vector_load_idx %arg15[%select_n3A_1257] : memref<5120xf32, #tpu.memory_space<vmem>>[vector<16xi32>], vector<16xf32>,
    %jit3A_1265 = arith.constant 0.000000e+00 : f32
    %broadcast_in_dim3A_1266 = vector.broadcast %jit3A_1265 : f32 to vector<16xf32>
    %select_n3A_1267 = arith.select %lt3A_1252, %gather3A_1264, %broadcast_in_dim3A_1266 : vector<16xi1>, vector<16xf32>
    %swap3A_1268 = arith.constant 480 : index
    %swap3A_1269 = tpu.vector_load %arg21[%swap3A_1268] {strides = array<i32>} : memref<640xf32, #tpu.memory_space<vmem>>, vector<16xf32>,
    tpu.vector_store %arg21[%swap3A_1268], %select_n3A_1267 {strides = array<i32>} : memref<640xf32, #tpu.memory_space<vmem>>, vector<16xf32>,
    %gather3A_1270 = tpu.vector_load_idx %arg16[%select_n3A_1257] : memref<5120xf32, #tpu.memory_space<vmem>>[vector<16xi32>], vector<16xf32>,
    %jit3A_1271 = arith.constant 0.000000e+00 : f32
    %broadcast_in_dim3A_1272 = vector.broadcast %jit3A_1271 : f32 to vector<16xf32>
    %select_n3A_1273 = arith.select %lt3A_1252, %gather3A_1270, %broadcast_in_dim3A_1272 : vector<16xi1>, vector<16xf32>
    %swap3A_1274 = arith.constant 480 : index
    %swap3A_1275 = tpu.vector_load %arg22[%swap3A_1274] {strides = array<i32>} : memref<640xf32, #tpu.memory_space<vmem>>, vector<16xf32>,
    tpu.vector_store %arg22[%swap3A_1274], %select_n3A_1273 {strides = array<i32>} : memref<640xf32, #tpu.memory_space<vmem>>, vector<16xf32>,
    %gather3A_1276 = tpu.vector_load_idx %arg17[%select_n3A_1257] : memref<5120xf32, #tpu.memory_space<vmem>>[vector<16xi32>], vector<16xf32>,
    %jit3A_1277 = arith.constant 0.000000e+00 : f32
    %broadcast_in_dim3A_1278 = vector.broadcast %jit3A_1277 : f32 to vector<16xf32>
    %select_n3A_1279 = arith.select %lt3A_1252, %gather3A_1276, %broadcast_in_dim3A_1278 : vector<16xi1>, vector<16xf32>
    %swap3A_1280 = arith.constant 480 : index
    %swap3A_1281 = tpu.vector_load %arg23[%swap3A_1280] {strides = array<i32>} : memref<640xf32, #tpu.memory_space<vmem>>, vector<16xf32>,
    tpu.vector_store %arg23[%swap3A_1280], %select_n3A_1279 {strides = array<i32>} : memref<640xf32, #tpu.memory_space<vmem>>, vector<16xf32>,
    %gather3A_1282 = tpu.vector_load_idx %arg18[%select_n3A_1257] : memref<5120xf32, #tpu.memory_space<vmem>>[vector<16xi32>], vector<16xf32>,
    %jit3A_1283 = arith.constant 0.000000e+00 : f32
    %broadcast_in_dim3A_1284 = vector.broadcast %jit3A_1283 : f32 to vector<16xf32>
    %select_n3A_1285 = arith.select %lt3A_1252, %gather3A_1282, %broadcast_in_dim3A_1284 : vector<16xi1>, vector<16xf32>
    %swap3A_1286 = arith.constant 480 : index
    %swap3A_1287 = tpu.vector_load %arg24[%swap3A_1286] {strides = array<i32>} : memref<640xf32, #tpu.memory_space<vmem>>, vector<16xf32>,
    tpu.vector_store %arg24[%swap3A_1286], %select_n3A_1285 {strides = array<i32>} : memref<640xf32, #tpu.memory_space<vmem>>, vector<16xf32>,
    %add3A_1288 = arith.constant 112 : i32
    %add3A_1289 = vector.broadcast %add3A_1288 : i32 to vector<16xi32>
    %add3A_1290 = arith.addi %iota3A, %add3A_1289 : vector<16xi32>
    %lt3A_1291 = vector.broadcast %min3A_1007 : i32 to vector<16xi32>
    %lt3A_1292 = arith.cmpi slt, %add3A_1290, %lt3A_1291 : vector<16xi32>
    %get3A_1293 = arith.constant 544 : index
    %get3A_1294 = tpu.vector_load %arg19[%get3A_1293] {strides = array<i32>} : memref<720xi32, #tpu.memory_space<vmem>>, vector<16xi32>,
    %jit3A_1295 = arith.constant 0 : i32
    %broadcast_in_dim3A_1296 = vector.broadcast %jit3A_1295 : i32 to vector<16xi32>
    %select_n3A_1297 = arith.select %lt3A_1292, %get3A_1294, %broadcast_in_dim3A_1296 : vector<16xi1>, vector<16xi32>
    %gather3A_1298 = tpu.vector_load_idx %arg14[%select_n3A_1297] : memref<5120xf32, #tpu.memory_space<vmem>>[vector<16xi32>], vector<16xf32>,
    %jit3A_1299 = arith.constant -1.000000e+09 : f32
    %broadcast_in_dim3A_1300 = vector.broadcast %jit3A_1299 : f32 to vector<16xf32>
    %select_n3A_1301 = arith.select %lt3A_1292, %gather3A_1298, %broadcast_in_dim3A_1300 : vector<16xi1>, vector<16xf32>
    %swap3A_1302 = arith.constant 496 : index
    %swap3A_1303 = tpu.vector_load %arg20[%swap3A_1302] {strides = array<i32>} : memref<640xf32, #tpu.memory_space<vmem>>, vector<16xf32>,
    tpu.vector_store %arg20[%swap3A_1302], %select_n3A_1301 {strides = array<i32>} : memref<640xf32, #tpu.memory_space<vmem>>, vector<16xf32>,
    %gather3A_1304 = tpu.vector_load_idx %arg15[%select_n3A_1297] : memref<5120xf32, #tpu.memory_space<vmem>>[vector<16xi32>], vector<16xf32>,
    %jit3A_1305 = arith.constant 0.000000e+00 : f32
    %broadcast_in_dim3A_1306 = vector.broadcast %jit3A_1305 : f32 to vector<16xf32>
    %select_n3A_1307 = arith.select %lt3A_1292, %gather3A_1304, %broadcast_in_dim3A_1306 : vector<16xi1>, vector<16xf32>
    %swap3A_1308 = arith.constant 496 : index
    %swap3A_1309 = tpu.vector_load %arg21[%swap3A_1308] {strides = array<i32>} : memref<640xf32, #tpu.memory_space<vmem>>, vector<16xf32>,
    tpu.vector_store %arg21[%swap3A_1308], %select_n3A_1307 {strides = array<i32>} : memref<640xf32, #tpu.memory_space<vmem>>, vector<16xf32>,
    %gather3A_1310 = tpu.vector_load_idx %arg16[%select_n3A_1297] : memref<5120xf32, #tpu.memory_space<vmem>>[vector<16xi32>], vector<16xf32>,
    %jit3A_1311 = arith.constant 0.000000e+00 : f32
    %broadcast_in_dim3A_1312 = vector.broadcast %jit3A_1311 : f32 to vector<16xf32>
    %select_n3A_1313 = arith.select %lt3A_1292, %gather3A_1310, %broadcast_in_dim3A_1312 : vector<16xi1>, vector<16xf32>
    %swap3A_1314 = arith.constant 496 : index
    %swap3A_1315 = tpu.vector_load %arg22[%swap3A_1314] {strides = array<i32>} : memref<640xf32, #tpu.memory_space<vmem>>, vector<16xf32>,
    tpu.vector_store %arg22[%swap3A_1314], %select_n3A_1313 {strides = array<i32>} : memref<640xf32, #tpu.memory_space<vmem>>, vector<16xf32>,
    %gather3A_1316 = tpu.vector_load_idx %arg17[%select_n3A_1297] : memref<5120xf32, #tpu.memory_space<vmem>>[vector<16xi32>], vector<16xf32>,
    %jit3A_1317 = arith.constant 0.000000e+00 : f32
    %broadcast_in_dim3A_1318 = vector.broadcast %jit3A_1317 : f32 to vector<16xf32>
    %select_n3A_1319 = arith.select %lt3A_1292, %gather3A_1316, %broadcast_in_dim3A_1318 : vector<16xi1>, vector<16xf32>
    %swap3A_1320 = arith.constant 496 : index
    %swap3A_1321 = tpu.vector_load %arg23[%swap3A_1320] {strides = array<i32>} : memref<640xf32, #tpu.memory_space<vmem>>, vector<16xf32>,
    tpu.vector_store %arg23[%swap3A_1320], %select_n3A_1319 {strides = array<i32>} : memref<640xf32, #tpu.memory_space<vmem>>, vector<16xf32>,
    %gather3A_1322 = tpu.vector_load_idx %arg18[%select_n3A_1297] : memref<5120xf32, #tpu.memory_space<vmem>>[vector<16xi32>], vector<16xf32>,
    %jit3A_1323 = arith.constant 0.000000e+00 : f32
    %broadcast_in_dim3A_1324 = vector.broadcast %jit3A_1323 : f32 to vector<16xf32>
    %select_n3A_1325 = arith.select %lt3A_1292, %gather3A_1322, %broadcast_in_dim3A_1324 : vector<16xi1>, vector<16xf32>
    %swap3A_1326 = arith.constant 496 : index
    %swap3A_1327 = tpu.vector_load %arg24[%swap3A_1326] {strides = array<i32>} : memref<640xf32, #tpu.memory_space<vmem>>, vector<16xf32>,
    tpu.vector_store %arg24[%swap3A_1326], %select_n3A_1325 {strides = array<i32>} : memref<640xf32, #tpu.memory_space<vmem>>, vector<16xf32>,
    %min3A_1328 = arith.constant 128 : i32
    %min3A_1329 = arith.minsi %scan3A_43#4, %min3A_1328 : i32
    %add3A_1330 = arith.constant 0 : i32
    %add3A_1331 = vector.broadcast %add3A_1330 : i32 to vector<16xi32>
    %add3A_1332 = arith.addi %iota3A, %add3A_1331 : vector<16xi32>
    %lt3A_1333 = vector.broadcast %min3A_1329 : i32 to vector<16xi32>
    %lt3A_1334 = arith.cmpi slt, %add3A_1332, %lt3A_1333 : vector<16xi32>
    %get3A_1335 = arith.constant 576 : index
    %get3A_1336 = tpu.vector_load %arg19[%get3A_1335] {strides = array<i32>} : memref<720xi32, #tpu.memory_space<vmem>>, vector<16xi32>,
    %jit3A_1337 = arith.constant 0 : i32
    %broadcast_in_dim3A_1338 = vector.broadcast %jit3A_1337 : i32 to vector<16xi32>
    %select_n3A_1339 = arith.select %lt3A_1334, %get3A_1336, %broadcast_in_dim3A_1338 : vector<16xi1>, vector<16xi32>
    %gather3A_1340 = tpu.vector_load_idx %arg14[%select_n3A_1339] : memref<5120xf32, #tpu.memory_space<vmem>>[vector<16xi32>], vector<16xf32>,
    %jit3A_1341 = arith.constant -1.000000e+09 : f32
    %broadcast_in_dim3A_1342 = vector.broadcast %jit3A_1341 : f32 to vector<16xf32>
    %select_n3A_1343 = arith.select %lt3A_1334, %gather3A_1340, %broadcast_in_dim3A_1342 : vector<16xi1>, vector<16xf32>
    %swap3A_1344 = arith.constant 512 : index
    %swap3A_1345 = tpu.vector_load %arg20[%swap3A_1344] {strides = array<i32>} : memref<640xf32, #tpu.memory_space<vmem>>, vector<16xf32>,
    tpu.vector_store %arg20[%swap3A_1344], %select_n3A_1343 {strides = array<i32>} : memref<640xf32, #tpu.memory_space<vmem>>, vector<16xf32>,
    %gather3A_1346 = tpu.vector_load_idx %arg15[%select_n3A_1339] : memref<5120xf32, #tpu.memory_space<vmem>>[vector<16xi32>], vector<16xf32>,
    %jit3A_1347 = arith.constant 0.000000e+00 : f32
    %broadcast_in_dim3A_1348 = vector.broadcast %jit3A_1347 : f32 to vector<16xf32>
    %select_n3A_1349 = arith.select %lt3A_1334, %gather3A_1346, %broadcast_in_dim3A_1348 : vector<16xi1>, vector<16xf32>
    %swap3A_1350 = arith.constant 512 : index
    %swap3A_1351 = tpu.vector_load %arg21[%swap3A_1350] {strides = array<i32>} : memref<640xf32, #tpu.memory_space<vmem>>, vector<16xf32>,
    tpu.vector_store %arg21[%swap3A_1350], %select_n3A_1349 {strides = array<i32>} : memref<640xf32, #tpu.memory_space<vmem>>, vector<16xf32>,
    %gather3A_1352 = tpu.vector_load_idx %arg16[%select_n3A_1339] : memref<5120xf32, #tpu.memory_space<vmem>>[vector<16xi32>], vector<16xf32>,
    %jit3A_1353 = arith.constant 0.000000e+00 : f32
    %broadcast_in_dim3A_1354 = vector.broadcast %jit3A_1353 : f32 to vector<16xf32>
    %select_n3A_1355 = arith.select %lt3A_1334, %gather3A_1352, %broadcast_in_dim3A_1354 : vector<16xi1>, vector<16xf32>
    %swap3A_1356 = arith.constant 512 : index
    %swap3A_1357 = tpu.vector_load %arg22[%swap3A_1356] {strides = array<i32>} : memref<640xf32, #tpu.memory_space<vmem>>, vector<16xf32>,
    tpu.vector_store %arg22[%swap3A_1356], %select_n3A_1355 {strides = array<i32>} : memref<640xf32, #tpu.memory_space<vmem>>, vector<16xf32>,
    %gather3A_1358 = tpu.vector_load_idx %arg17[%select_n3A_1339] : memref<5120xf32, #tpu.memory_space<vmem>>[vector<16xi32>], vector<16xf32>,
    %jit3A_1359 = arith.constant 0.000000e+00 : f32
    %broadcast_in_dim3A_1360 = vector.broadcast %jit3A_1359 : f32 to vector<16xf32>
    %select_n3A_1361 = arith.select %lt3A_1334, %gather3A_1358, %broadcast_in_dim3A_1360 : vector<16xi1>, vector<16xf32>
    %swap3A_1362 = arith.constant 512 : index
    %swap3A_1363 = tpu.vector_load %arg23[%swap3A_1362] {strides = array<i32>} : memref<640xf32, #tpu.memory_space<vmem>>, vector<16xf32>,
    tpu.vector_store %arg23[%swap3A_1362], %select_n3A_1361 {strides = array<i32>} : memref<640xf32, #tpu.memory_space<vmem>>, vector<16xf32>,
    %gather3A_1364 = tpu.vector_load_idx %arg18[%select_n3A_1339] : memref<5120xf32, #tpu.memory_space<vmem>>[vector<16xi32>], vector<16xf32>,
    %jit3A_1365 = arith.constant 0.000000e+00 : f32
    %broadcast_in_dim3A_1366 = vector.broadcast %jit3A_1365 : f32 to vector<16xf32>
    %select_n3A_1367 = arith.select %lt3A_1334, %gather3A_1364, %broadcast_in_dim3A_1366 : vector<16xi1>, vector<16xf32>
    %swap3A_1368 = arith.constant 512 : index
    %swap3A_1369 = tpu.vector_load %arg24[%swap3A_1368] {strides = array<i32>} : memref<640xf32, #tpu.memory_space<vmem>>, vector<16xf32>,
    tpu.vector_store %arg24[%swap3A_1368], %select_n3A_1367 {strides = array<i32>} : memref<640xf32, #tpu.memory_space<vmem>>, vector<16xf32>,
    %add3A_1370 = arith.constant 16 : i32
    %add3A_1371 = vector.broadcast %add3A_1370 : i32 to vector<16xi32>
    %add3A_1372 = arith.addi %iota3A, %add3A_1371 : vector<16xi32>
    %lt3A_1373 = vector.broadcast %min3A_1329 : i32 to vector<16xi32>
    %lt3A_1374 = arith.cmpi slt, %add3A_1372, %lt3A_1373 : vector<16xi32>
    %get3A_1375 = arith.constant 592 : index
    %get3A_1376 = tpu.vector_load %arg19[%get3A_1375] {strides = array<i32>} : memref<720xi32, #tpu.memory_space<vmem>>, vector<16xi32>,
    %jit3A_1377 = arith.constant 0 : i32
    %broadcast_in_dim3A_1378 = vector.broadcast %jit3A_1377 : i32 to vector<16xi32>
    %select_n3A_1379 = arith.select %lt3A_1374, %get3A_1376, %broadcast_in_dim3A_1378 : vector<16xi1>, vector<16xi32>
    %gather3A_1380 = tpu.vector_load_idx %arg14[%select_n3A_1379] : memref<5120xf32, #tpu.memory_space<vmem>>[vector<16xi32>], vector<16xf32>,
    %jit3A_1381 = arith.constant -1.000000e+09 : f32
    %broadcast_in_dim3A_1382 = vector.broadcast %jit3A_1381 : f32 to vector<16xf32>
    %select_n3A_1383 = arith.select %lt3A_1374, %gather3A_1380, %broadcast_in_dim3A_1382 : vector<16xi1>, vector<16xf32>
    %swap3A_1384 = arith.constant 528 : index
    %swap3A_1385 = tpu.vector_load %arg20[%swap3A_1384] {strides = array<i32>} : memref<640xf32, #tpu.memory_space<vmem>>, vector<16xf32>,
    tpu.vector_store %arg20[%swap3A_1384], %select_n3A_1383 {strides = array<i32>} : memref<640xf32, #tpu.memory_space<vmem>>, vector<16xf32>,
    %gather3A_1386 = tpu.vector_load_idx %arg15[%select_n3A_1379] : memref<5120xf32, #tpu.memory_space<vmem>>[vector<16xi32>], vector<16xf32>,
    %jit3A_1387 = arith.constant 0.000000e+00 : f32
    %broadcast_in_dim3A_1388 = vector.broadcast %jit3A_1387 : f32 to vector<16xf32>
    %select_n3A_1389 = arith.select %lt3A_1374, %gather3A_1386, %broadcast_in_dim3A_1388 : vector<16xi1>, vector<16xf32>
    %swap3A_1390 = arith.constant 528 : index
    %swap3A_1391 = tpu.vector_load %arg21[%swap3A_1390] {strides = array<i32>} : memref<640xf32, #tpu.memory_space<vmem>>, vector<16xf32>,
    tpu.vector_store %arg21[%swap3A_1390], %select_n3A_1389 {strides = array<i32>} : memref<640xf32, #tpu.memory_space<vmem>>, vector<16xf32>,
    %gather3A_1392 = tpu.vector_load_idx %arg16[%select_n3A_1379] : memref<5120xf32, #tpu.memory_space<vmem>>[vector<16xi32>], vector<16xf32>,
    %jit3A_1393 = arith.constant 0.000000e+00 : f32
    %broadcast_in_dim3A_1394 = vector.broadcast %jit3A_1393 : f32 to vector<16xf32>
    %select_n3A_1395 = arith.select %lt3A_1374, %gather3A_1392, %broadcast_in_dim3A_1394 : vector<16xi1>, vector<16xf32>
    %swap3A_1396 = arith.constant 528 : index
    %swap3A_1397 = tpu.vector_load %arg22[%swap3A_1396] {strides = array<i32>} : memref<640xf32, #tpu.memory_space<vmem>>, vector<16xf32>,
    tpu.vector_store %arg22[%swap3A_1396], %select_n3A_1395 {strides = array<i32>} : memref<640xf32, #tpu.memory_space<vmem>>, vector<16xf32>,
    %gather3A_1398 = tpu.vector_load_idx %arg17[%select_n3A_1379] : memref<5120xf32, #tpu.memory_space<vmem>>[vector<16xi32>], vector<16xf32>,
    %jit3A_1399 = arith.constant 0.000000e+00 : f32
    %broadcast_in_dim3A_1400 = vector.broadcast %jit3A_1399 : f32 to vector<16xf32>
    %select_n3A_1401 = arith.select %lt3A_1374, %gather3A_1398, %broadcast_in_dim3A_1400 : vector<16xi1>, vector<16xf32>
    %swap3A_1402 = arith.constant 528 : index
    %swap3A_1403 = tpu.vector_load %arg23[%swap3A_1402] {strides = array<i32>} : memref<640xf32, #tpu.memory_space<vmem>>, vector<16xf32>,
    tpu.vector_store %arg23[%swap3A_1402], %select_n3A_1401 {strides = array<i32>} : memref<640xf32, #tpu.memory_space<vmem>>, vector<16xf32>,
    %gather3A_1404 = tpu.vector_load_idx %arg18[%select_n3A_1379] : memref<5120xf32, #tpu.memory_space<vmem>>[vector<16xi32>], vector<16xf32>,
    %jit3A_1405 = arith.constant 0.000000e+00 : f32
    %broadcast_in_dim3A_1406 = vector.broadcast %jit3A_1405 : f32 to vector<16xf32>
    %select_n3A_1407 = arith.select %lt3A_1374, %gather3A_1404, %broadcast_in_dim3A_1406 : vector<16xi1>, vector<16xf32>
    %swap3A_1408 = arith.constant 528 : index
    %swap3A_1409 = tpu.vector_load %arg24[%swap3A_1408] {strides = array<i32>} : memref<640xf32, #tpu.memory_space<vmem>>, vector<16xf32>,
    tpu.vector_store %arg24[%swap3A_1408], %select_n3A_1407 {strides = array<i32>} : memref<640xf32, #tpu.memory_space<vmem>>, vector<16xf32>,
    %add3A_1410 = arith.constant 32 : i32
    %add3A_1411 = vector.broadcast %add3A_1410 : i32 to vector<16xi32>
    %add3A_1412 = arith.addi %iota3A, %add3A_1411 : vector<16xi32>
    %lt3A_1413 = vector.broadcast %min3A_1329 : i32 to vector<16xi32>
    %lt3A_1414 = arith.cmpi slt, %add3A_1412, %lt3A_1413 : vector<16xi32>
    %get3A_1415 = arith.constant 608 : index
    %get3A_1416 = tpu.vector_load %arg19[%get3A_1415] {strides = array<i32>} : memref<720xi32, #tpu.memory_space<vmem>>, vector<16xi32>,
    %jit3A_1417 = arith.constant 0 : i32
    %broadcast_in_dim3A_1418 = vector.broadcast %jit3A_1417 : i32 to vector<16xi32>
    %select_n3A_1419 = arith.select %lt3A_1414, %get3A_1416, %broadcast_in_dim3A_1418 : vector<16xi1>, vector<16xi32>
    %gather3A_1420 = tpu.vector_load_idx %arg14[%select_n3A_1419] : memref<5120xf32, #tpu.memory_space<vmem>>[vector<16xi32>], vector<16xf32>,
    %jit3A_1421 = arith.constant -1.000000e+09 : f32
    %broadcast_in_dim3A_1422 = vector.broadcast %jit3A_1421 : f32 to vector<16xf32>
    %select_n3A_1423 = arith.select %lt3A_1414, %gather3A_1420, %broadcast_in_dim3A_1422 : vector<16xi1>, vector<16xf32>
    %swap3A_1424 = arith.constant 544 : index
    %swap3A_1425 = tpu.vector_load %arg20[%swap3A_1424] {strides = array<i32>} : memref<640xf32, #tpu.memory_space<vmem>>, vector<16xf32>,
    tpu.vector_store %arg20[%swap3A_1424], %select_n3A_1423 {strides = array<i32>} : memref<640xf32, #tpu.memory_space<vmem>>, vector<16xf32>,
    %gather3A_1426 = tpu.vector_load_idx %arg15[%select_n3A_1419] : memref<5120xf32, #tpu.memory_space<vmem>>[vector<16xi32>], vector<16xf32>,
    %jit3A_1427 = arith.constant 0.000000e+00 : f32
    %broadcast_in_dim3A_1428 = vector.broadcast %jit3A_1427 : f32 to vector<16xf32>
    %select_n3A_1429 = arith.select %lt3A_1414, %gather3A_1426, %broadcast_in_dim3A_1428 : vector<16xi1>, vector<16xf32>
    %swap3A_1430 = arith.constant 544 : index
    %swap3A_1431 = tpu.vector_load %arg21[%swap3A_1430] {strides = array<i32>} : memref<640xf32, #tpu.memory_space<vmem>>, vector<16xf32>,
    tpu.vector_store %arg21[%swap3A_1430], %select_n3A_1429 {strides = array<i32>} : memref<640xf32, #tpu.memory_space<vmem>>, vector<16xf32>,
    %gather3A_1432 = tpu.vector_load_idx %arg16[%select_n3A_1419] : memref<5120xf32, #tpu.memory_space<vmem>>[vector<16xi32>], vector<16xf32>,
    %jit3A_1433 = arith.constant 0.000000e+00 : f32
    %broadcast_in_dim3A_1434 = vector.broadcast %jit3A_1433 : f32 to vector<16xf32>
    %select_n3A_1435 = arith.select %lt3A_1414, %gather3A_1432, %broadcast_in_dim3A_1434 : vector<16xi1>, vector<16xf32>
    %swap3A_1436 = arith.constant 544 : index
    %swap3A_1437 = tpu.vector_load %arg22[%swap3A_1436] {strides = array<i32>} : memref<640xf32, #tpu.memory_space<vmem>>, vector<16xf32>,
    tpu.vector_store %arg22[%swap3A_1436], %select_n3A_1435 {strides = array<i32>} : memref<640xf32, #tpu.memory_space<vmem>>, vector<16xf32>,
    %gather3A_1438 = tpu.vector_load_idx %arg17[%select_n3A_1419] : memref<5120xf32, #tpu.memory_space<vmem>>[vector<16xi32>], vector<16xf32>,
    %jit3A_1439 = arith.constant 0.000000e+00 : f32
    %broadcast_in_dim3A_1440 = vector.broadcast %jit3A_1439 : f32 to vector<16xf32>
    %select_n3A_1441 = arith.select %lt3A_1414, %gather3A_1438, %broadcast_in_dim3A_1440 : vector<16xi1>, vector<16xf32>
    %swap3A_1442 = arith.constant 544 : index
    %swap3A_1443 = tpu.vector_load %arg23[%swap3A_1442] {strides = array<i32>} : memref<640xf32, #tpu.memory_space<vmem>>, vector<16xf32>,
    tpu.vector_store %arg23[%swap3A_1442], %select_n3A_1441 {strides = array<i32>} : memref<640xf32, #tpu.memory_space<vmem>>, vector<16xf32>,
    %gather3A_1444 = tpu.vector_load_idx %arg18[%select_n3A_1419] : memref<5120xf32, #tpu.memory_space<vmem>>[vector<16xi32>], vector<16xf32>,
    %jit3A_1445 = arith.constant 0.000000e+00 : f32
    %broadcast_in_dim3A_1446 = vector.broadcast %jit3A_1445 : f32 to vector<16xf32>
    %select_n3A_1447 = arith.select %lt3A_1414, %gather3A_1444, %broadcast_in_dim3A_1446 : vector<16xi1>, vector<16xf32>
    %swap3A_1448 = arith.constant 544 : index
    %swap3A_1449 = tpu.vector_load %arg24[%swap3A_1448] {strides = array<i32>} : memref<640xf32, #tpu.memory_space<vmem>>, vector<16xf32>,
    tpu.vector_store %arg24[%swap3A_1448], %select_n3A_1447 {strides = array<i32>} : memref<640xf32, #tpu.memory_space<vmem>>, vector<16xf32>,
    %add3A_1450 = arith.constant 48 : i32
    %add3A_1451 = vector.broadcast %add3A_1450 : i32 to vector<16xi32>
    %add3A_1452 = arith.addi %iota3A, %add3A_1451 : vector<16xi32>
    %lt3A_1453 = vector.broadcast %min3A_1329 : i32 to vector<16xi32>
    %lt3A_1454 = arith.cmpi slt, %add3A_1452, %lt3A_1453 : vector<16xi32>
    %get3A_1455 = arith.constant 624 : index
    %get3A_1456 = tpu.vector_load %arg19[%get3A_1455] {strides = array<i32>} : memref<720xi32, #tpu.memory_space<vmem>>, vector<16xi32>,
    %jit3A_1457 = arith.constant 0 : i32
    %broadcast_in_dim3A_1458 = vector.broadcast %jit3A_1457 : i32 to vector<16xi32>
    %select_n3A_1459 = arith.select %lt3A_1454, %get3A_1456, %broadcast_in_dim3A_1458 : vector<16xi1>, vector<16xi32>
    %gather3A_1460 = tpu.vector_load_idx %arg14[%select_n3A_1459] : memref<5120xf32, #tpu.memory_space<vmem>>[vector<16xi32>], vector<16xf32>,
    %jit3A_1461 = arith.constant -1.000000e+09 : f32
    %broadcast_in_dim3A_1462 = vector.broadcast %jit3A_1461 : f32 to vector<16xf32>
    %select_n3A_1463 = arith.select %lt3A_1454, %gather3A_1460, %broadcast_in_dim3A_1462 : vector<16xi1>, vector<16xf32>
    %swap3A_1464 = arith.constant 560 : index
    %swap3A_1465 = tpu.vector_load %arg20[%swap3A_1464] {strides = array<i32>} : memref<640xf32, #tpu.memory_space<vmem>>, vector<16xf32>,
    tpu.vector_store %arg20[%swap3A_1464], %select_n3A_1463 {strides = array<i32>} : memref<640xf32, #tpu.memory_space<vmem>>, vector<16xf32>,
    %gather3A_1466 = tpu.vector_load_idx %arg15[%select_n3A_1459] : memref<5120xf32, #tpu.memory_space<vmem>>[vector<16xi32>], vector<16xf32>,
    %jit3A_1467 = arith.constant 0.000000e+00 : f32
    %broadcast_in_dim3A_1468 = vector.broadcast %jit3A_1467 : f32 to vector<16xf32>
    %select_n3A_1469 = arith.select %lt3A_1454, %gather3A_1466, %broadcast_in_dim3A_1468 : vector<16xi1>, vector<16xf32>
    %swap3A_1470 = arith.constant 560 : index
    %swap3A_1471 = tpu.vector_load %arg21[%swap3A_1470] {strides = array<i32>} : memref<640xf32, #tpu.memory_space<vmem>>, vector<16xf32>,
    tpu.vector_store %arg21[%swap3A_1470], %select_n3A_1469 {strides = array<i32>} : memref<640xf32, #tpu.memory_space<vmem>>, vector<16xf32>,
    %gather3A_1472 = tpu.vector_load_idx %arg16[%select_n3A_1459] : memref<5120xf32, #tpu.memory_space<vmem>>[vector<16xi32>], vector<16xf32>,
    %jit3A_1473 = arith.constant 0.000000e+00 : f32
    %broadcast_in_dim3A_1474 = vector.broadcast %jit3A_1473 : f32 to vector<16xf32>
    %select_n3A_1475 = arith.select %lt3A_1454, %gather3A_1472, %broadcast_in_dim3A_1474 : vector<16xi1>, vector<16xf32>
    %swap3A_1476 = arith.constant 560 : index
    %swap3A_1477 = tpu.vector_load %arg22[%swap3A_1476] {strides = array<i32>} : memref<640xf32, #tpu.memory_space<vmem>>, vector<16xf32>,
    tpu.vector_store %arg22[%swap3A_1476], %select_n3A_1475 {strides = array<i32>} : memref<640xf32, #tpu.memory_space<vmem>>, vector<16xf32>,
    %gather3A_1478 = tpu.vector_load_idx %arg17[%select_n3A_1459] : memref<5120xf32, #tpu.memory_space<vmem>>[vector<16xi32>], vector<16xf32>,
    %jit3A_1479 = arith.constant 0.000000e+00 : f32
    %broadcast_in_dim3A_1480 = vector.broadcast %jit3A_1479 : f32 to vector<16xf32>
    %select_n3A_1481 = arith.select %lt3A_1454, %gather3A_1478, %broadcast_in_dim3A_1480 : vector<16xi1>, vector<16xf32>
    %swap3A_1482 = arith.constant 560 : index
    %swap3A_1483 = tpu.vector_load %arg23[%swap3A_1482] {strides = array<i32>} : memref<640xf32, #tpu.memory_space<vmem>>, vector<16xf32>,
    tpu.vector_store %arg23[%swap3A_1482], %select_n3A_1481 {strides = array<i32>} : memref<640xf32, #tpu.memory_space<vmem>>, vector<16xf32>,
    %gather3A_1484 = tpu.vector_load_idx %arg18[%select_n3A_1459] : memref<5120xf32, #tpu.memory_space<vmem>>[vector<16xi32>], vector<16xf32>,
    %jit3A_1485 = arith.constant 0.000000e+00 : f32
    %broadcast_in_dim3A_1486 = vector.broadcast %jit3A_1485 : f32 to vector<16xf32>
    %select_n3A_1487 = arith.select %lt3A_1454, %gather3A_1484, %broadcast_in_dim3A_1486 : vector<16xi1>, vector<16xf32>
    %swap3A_1488 = arith.constant 560 : index
    %swap3A_1489 = tpu.vector_load %arg24[%swap3A_1488] {strides = array<i32>} : memref<640xf32, #tpu.memory_space<vmem>>, vector<16xf32>,
    tpu.vector_store %arg24[%swap3A_1488], %select_n3A_1487 {strides = array<i32>} : memref<640xf32, #tpu.memory_space<vmem>>, vector<16xf32>,
    %add3A_1490 = arith.constant 64 : i32
    %add3A_1491 = vector.broadcast %add3A_1490 : i32 to vector<16xi32>
    %add3A_1492 = arith.addi %iota3A, %add3A_1491 : vector<16xi32>
    %lt3A_1493 = vector.broadcast %min3A_1329 : i32 to vector<16xi32>
    %lt3A_1494 = arith.cmpi slt, %add3A_1492, %lt3A_1493 : vector<16xi32>
    %get3A_1495 = arith.constant 640 : index
    %get3A_1496 = tpu.vector_load %arg19[%get3A_1495] {strides = array<i32>} : memref<720xi32, #tpu.memory_space<vmem>>, vector<16xi32>,
    %jit3A_1497 = arith.constant 0 : i32
    %broadcast_in_dim3A_1498 = vector.broadcast %jit3A_1497 : i32 to vector<16xi32>
    %select_n3A_1499 = arith.select %lt3A_1494, %get3A_1496, %broadcast_in_dim3A_1498 : vector<16xi1>, vector<16xi32>
    %gather3A_1500 = tpu.vector_load_idx %arg14[%select_n3A_1499] : memref<5120xf32, #tpu.memory_space<vmem>>[vector<16xi32>], vector<16xf32>,
    %jit3A_1501 = arith.constant -1.000000e+09 : f32
    %broadcast_in_dim3A_1502 = vector.broadcast %jit3A_1501 : f32 to vector<16xf32>
    %select_n3A_1503 = arith.select %lt3A_1494, %gather3A_1500, %broadcast_in_dim3A_1502 : vector<16xi1>, vector<16xf32>
    %swap3A_1504 = arith.constant 576 : index
    %swap3A_1505 = tpu.vector_load %arg20[%swap3A_1504] {strides = array<i32>} : memref<640xf32, #tpu.memory_space<vmem>>, vector<16xf32>,
    tpu.vector_store %arg20[%swap3A_1504], %select_n3A_1503 {strides = array<i32>} : memref<640xf32, #tpu.memory_space<vmem>>, vector<16xf32>,
    %gather3A_1506 = tpu.vector_load_idx %arg15[%select_n3A_1499] : memref<5120xf32, #tpu.memory_space<vmem>>[vector<16xi32>], vector<16xf32>,
    %jit3A_1507 = arith.constant 0.000000e+00 : f32
    %broadcast_in_dim3A_1508 = vector.broadcast %jit3A_1507 : f32 to vector<16xf32>
    %select_n3A_1509 = arith.select %lt3A_1494, %gather3A_1506, %broadcast_in_dim3A_1508 : vector<16xi1>, vector<16xf32>
    %swap3A_1510 = arith.constant 576 : index
    %swap3A_1511 = tpu.vector_load %arg21[%swap3A_1510] {strides = array<i32>} : memref<640xf32, #tpu.memory_space<vmem>>, vector<16xf32>,
    tpu.vector_store %arg21[%swap3A_1510], %select_n3A_1509 {strides = array<i32>} : memref<640xf32, #tpu.memory_space<vmem>>, vector<16xf32>,
    %gather3A_1512 = tpu.vector_load_idx %arg16[%select_n3A_1499] : memref<5120xf32, #tpu.memory_space<vmem>>[vector<16xi32>], vector<16xf32>,
    %jit3A_1513 = arith.constant 0.000000e+00 : f32
    %broadcast_in_dim3A_1514 = vector.broadcast %jit3A_1513 : f32 to vector<16xf32>
    %select_n3A_1515 = arith.select %lt3A_1494, %gather3A_1512, %broadcast_in_dim3A_1514 : vector<16xi1>, vector<16xf32>
    %swap3A_1516 = arith.constant 576 : index
    %swap3A_1517 = tpu.vector_load %arg22[%swap3A_1516] {strides = array<i32>} : memref<640xf32, #tpu.memory_space<vmem>>, vector<16xf32>,
    tpu.vector_store %arg22[%swap3A_1516], %select_n3A_1515 {strides = array<i32>} : memref<640xf32, #tpu.memory_space<vmem>>, vector<16xf32>,
    %gather3A_1518 = tpu.vector_load_idx %arg17[%select_n3A_1499] : memref<5120xf32, #tpu.memory_space<vmem>>[vector<16xi32>], vector<16xf32>,
    %jit3A_1519 = arith.constant 0.000000e+00 : f32
    %broadcast_in_dim3A_1520 = vector.broadcast %jit3A_1519 : f32 to vector<16xf32>
    %select_n3A_1521 = arith.select %lt3A_1494, %gather3A_1518, %broadcast_in_dim3A_1520 : vector<16xi1>, vector<16xf32>
    %swap3A_1522 = arith.constant 576 : index
    %swap3A_1523 = tpu.vector_load %arg23[%swap3A_1522] {strides = array<i32>} : memref<640xf32, #tpu.memory_space<vmem>>, vector<16xf32>,
    tpu.vector_store %arg23[%swap3A_1522], %select_n3A_1521 {strides = array<i32>} : memref<640xf32, #tpu.memory_space<vmem>>, vector<16xf32>,
    %gather3A_1524 = tpu.vector_load_idx %arg18[%select_n3A_1499] : memref<5120xf32, #tpu.memory_space<vmem>>[vector<16xi32>], vector<16xf32>,
    %jit3A_1525 = arith.constant 0.000000e+00 : f32
    %broadcast_in_dim3A_1526 = vector.broadcast %jit3A_1525 : f32 to vector<16xf32>
    %select_n3A_1527 = arith.select %lt3A_1494, %gather3A_1524, %broadcast_in_dim3A_1526 : vector<16xi1>, vector<16xf32>
    %swap3A_1528 = arith.constant 576 : index
    %swap3A_1529 = tpu.vector_load %arg24[%swap3A_1528] {strides = array<i32>} : memref<640xf32, #tpu.memory_space<vmem>>, vector<16xf32>,
    tpu.vector_store %arg24[%swap3A_1528], %select_n3A_1527 {strides = array<i32>} : memref<640xf32, #tpu.memory_space<vmem>>, vector<16xf32>,
    %add3A_1530 = arith.constant 80 : i32
    %add3A_1531 = vector.broadcast %add3A_1530 : i32 to vector<16xi32>
    %add3A_1532 = arith.addi %iota3A, %add3A_1531 : vector<16xi32>
    %lt3A_1533 = vector.broadcast %min3A_1329 : i32 to vector<16xi32>
    %lt3A_1534 = arith.cmpi slt, %add3A_1532, %lt3A_1533 : vector<16xi32>
    %get3A_1535 = arith.constant 656 : index
    %get3A_1536 = tpu.vector_load %arg19[%get3A_1535] {strides = array<i32>} : memref<720xi32, #tpu.memory_space<vmem>>, vector<16xi32>,
    %jit3A_1537 = arith.constant 0 : i32
    %broadcast_in_dim3A_1538 = vector.broadcast %jit3A_1537 : i32 to vector<16xi32>
    %select_n3A_1539 = arith.select %lt3A_1534, %get3A_1536, %broadcast_in_dim3A_1538 : vector<16xi1>, vector<16xi32>
    %gather3A_1540 = tpu.vector_load_idx %arg14[%select_n3A_1539] : memref<5120xf32, #tpu.memory_space<vmem>>[vector<16xi32>], vector<16xf32>,
    %jit3A_1541 = arith.constant -1.000000e+09 : f32
    %broadcast_in_dim3A_1542 = vector.broadcast %jit3A_1541 : f32 to vector<16xf32>
    %select_n3A_1543 = arith.select %lt3A_1534, %gather3A_1540, %broadcast_in_dim3A_1542 : vector<16xi1>, vector<16xf32>
    %swap3A_1544 = arith.constant 592 : index
    %swap3A_1545 = tpu.vector_load %arg20[%swap3A_1544] {strides = array<i32>} : memref<640xf32, #tpu.memory_space<vmem>>, vector<16xf32>,
    tpu.vector_store %arg20[%swap3A_1544], %select_n3A_1543 {strides = array<i32>} : memref<640xf32, #tpu.memory_space<vmem>>, vector<16xf32>,
    %gather3A_1546 = tpu.vector_load_idx %arg15[%select_n3A_1539] : memref<5120xf32, #tpu.memory_space<vmem>>[vector<16xi32>], vector<16xf32>,
    %jit3A_1547 = arith.constant 0.000000e+00 : f32
    %broadcast_in_dim3A_1548 = vector.broadcast %jit3A_1547 : f32 to vector<16xf32>
    %select_n3A_1549 = arith.select %lt3A_1534, %gather3A_1546, %broadcast_in_dim3A_1548 : vector<16xi1>, vector<16xf32>
    %swap3A_1550 = arith.constant 592 : index
    %swap3A_1551 = tpu.vector_load %arg21[%swap3A_1550] {strides = array<i32>} : memref<640xf32, #tpu.memory_space<vmem>>, vector<16xf32>,
    tpu.vector_store %arg21[%swap3A_1550], %select_n3A_1549 {strides = array<i32>} : memref<640xf32, #tpu.memory_space<vmem>>, vector<16xf32>,
    %gather3A_1552 = tpu.vector_load_idx %arg16[%select_n3A_1539] : memref<5120xf32, #tpu.memory_space<vmem>>[vector<16xi32>], vector<16xf32>,
    %jit3A_1553 = arith.constant 0.000000e+00 : f32
    %broadcast_in_dim3A_1554 = vector.broadcast %jit3A_1553 : f32 to vector<16xf32>
    %select_n3A_1555 = arith.select %lt3A_1534, %gather3A_1552, %broadcast_in_dim3A_1554 : vector<16xi1>, vector<16xf32>
    %swap3A_1556 = arith.constant 592 : index
    %swap3A_1557 = tpu.vector_load %arg22[%swap3A_1556] {strides = array<i32>} : memref<640xf32, #tpu.memory_space<vmem>>, vector<16xf32>,
    tpu.vector_store %arg22[%swap3A_1556], %select_n3A_1555 {strides = array<i32>} : memref<640xf32, #tpu.memory_space<vmem>>, vector<16xf32>,
    %gather3A_1558 = tpu.vector_load_idx %arg17[%select_n3A_1539] : memref<5120xf32, #tpu.memory_space<vmem>>[vector<16xi32>], vector<16xf32>,
    %jit3A_1559 = arith.constant 0.000000e+00 : f32
    %broadcast_in_dim3A_1560 = vector.broadcast %jit3A_1559 : f32 to vector<16xf32>
    %select_n3A_1561 = arith.select %lt3A_1534, %gather3A_1558, %broadcast_in_dim3A_1560 : vector<16xi1>, vector<16xf32>
    %swap3A_1562 = arith.constant 592 : index
    %swap3A_1563 = tpu.vector_load %arg23[%swap3A_1562] {strides = array<i32>} : memref<640xf32, #tpu.memory_space<vmem>>, vector<16xf32>,
    tpu.vector_store %arg23[%swap3A_1562], %select_n3A_1561 {strides = array<i32>} : memref<640xf32, #tpu.memory_space<vmem>>, vector<16xf32>,
    %gather3A_1564 = tpu.vector_load_idx %arg18[%select_n3A_1539] : memref<5120xf32, #tpu.memory_space<vmem>>[vector<16xi32>], vector<16xf32>,
    %jit3A_1565 = arith.constant 0.000000e+00 : f32
    %broadcast_in_dim3A_1566 = vector.broadcast %jit3A_1565 : f32 to vector<16xf32>
    %select_n3A_1567 = arith.select %lt3A_1534, %gather3A_1564, %broadcast_in_dim3A_1566 : vector<16xi1>, vector<16xf32>
    %swap3A_1568 = arith.constant 592 : index
    %swap3A_1569 = tpu.vector_load %arg24[%swap3A_1568] {strides = array<i32>} : memref<640xf32, #tpu.memory_space<vmem>>, vector<16xf32>,
    tpu.vector_store %arg24[%swap3A_1568], %select_n3A_1567 {strides = array<i32>} : memref<640xf32, #tpu.memory_space<vmem>>, vector<16xf32>,
    %add3A_1570 = arith.constant 96 : i32
    %add3A_1571 = vector.broadcast %add3A_1570 : i32 to vector<16xi32>
    %add3A_1572 = arith.addi %iota3A, %add3A_1571 : vector<16xi32>
    %lt3A_1573 = vector.broadcast %min3A_1329 : i32 to vector<16xi32>
    %lt3A_1574 = arith.cmpi slt, %add3A_1572, %lt3A_1573 : vector<16xi32>
    %get3A_1575 = arith.constant 672 : index
    %get3A_1576 = tpu.vector_load %arg19[%get3A_1575] {strides = array<i32>} : memref<720xi32, #tpu.memory_space<vmem>>, vector<16xi32>,
    %jit3A_1577 = arith.constant 0 : i32
    %broadcast_in_dim3A_1578 = vector.broadcast %jit3A_1577 : i32 to vector<16xi32>
    %select_n3A_1579 = arith.select %lt3A_1574, %get3A_1576, %broadcast_in_dim3A_1578 : vector<16xi1>, vector<16xi32>
    %gather3A_1580 = tpu.vector_load_idx %arg14[%select_n3A_1579] : memref<5120xf32, #tpu.memory_space<vmem>>[vector<16xi32>], vector<16xf32>,
    %jit3A_1581 = arith.constant -1.000000e+09 : f32
    %broadcast_in_dim3A_1582 = vector.broadcast %jit3A_1581 : f32 to vector<16xf32>
    %select_n3A_1583 = arith.select %lt3A_1574, %gather3A_1580, %broadcast_in_dim3A_1582 : vector<16xi1>, vector<16xf32>
    %swap3A_1584 = arith.constant 608 : index
    %swap3A_1585 = tpu.vector_load %arg20[%swap3A_1584] {strides = array<i32>} : memref<640xf32, #tpu.memory_space<vmem>>, vector<16xf32>,
    tpu.vector_store %arg20[%swap3A_1584], %select_n3A_1583 {strides = array<i32>} : memref<640xf32, #tpu.memory_space<vmem>>, vector<16xf32>,
    %gather3A_1586 = tpu.vector_load_idx %arg15[%select_n3A_1579] : memref<5120xf32, #tpu.memory_space<vmem>>[vector<16xi32>], vector<16xf32>,
    %jit3A_1587 = arith.constant 0.000000e+00 : f32
    %broadcast_in_dim3A_1588 = vector.broadcast %jit3A_1587 : f32 to vector<16xf32>
    %select_n3A_1589 = arith.select %lt3A_1574, %gather3A_1586, %broadcast_in_dim3A_1588 : vector<16xi1>, vector<16xf32>
    %swap3A_1590 = arith.constant 608 : index
    %swap3A_1591 = tpu.vector_load %arg21[%swap3A_1590] {strides = array<i32>} : memref<640xf32, #tpu.memory_space<vmem>>, vector<16xf32>,
    tpu.vector_store %arg21[%swap3A_1590], %select_n3A_1589 {strides = array<i32>} : memref<640xf32, #tpu.memory_space<vmem>>, vector<16xf32>,
    %gather3A_1592 = tpu.vector_load_idx %arg16[%select_n3A_1579] : memref<5120xf32, #tpu.memory_space<vmem>>[vector<16xi32>], vector<16xf32>,
    %jit3A_1593 = arith.constant 0.000000e+00 : f32
    %broadcast_in_dim3A_1594 = vector.broadcast %jit3A_1593 : f32 to vector<16xf32>
    %select_n3A_1595 = arith.select %lt3A_1574, %gather3A_1592, %broadcast_in_dim3A_1594 : vector<16xi1>, vector<16xf32>
    %swap3A_1596 = arith.constant 608 : index
    %swap3A_1597 = tpu.vector_load %arg22[%swap3A_1596] {strides = array<i32>} : memref<640xf32, #tpu.memory_space<vmem>>, vector<16xf32>,
    tpu.vector_store %arg22[%swap3A_1596], %select_n3A_1595 {strides = array<i32>} : memref<640xf32, #tpu.memory_space<vmem>>, vector<16xf32>,
    %gather3A_1598 = tpu.vector_load_idx %arg17[%select_n3A_1579] : memref<5120xf32, #tpu.memory_space<vmem>>[vector<16xi32>], vector<16xf32>,
    %jit3A_1599 = arith.constant 0.000000e+00 : f32
    %broadcast_in_dim3A_1600 = vector.broadcast %jit3A_1599 : f32 to vector<16xf32>
    %select_n3A_1601 = arith.select %lt3A_1574, %gather3A_1598, %broadcast_in_dim3A_1600 : vector<16xi1>, vector<16xf32>
    %swap3A_1602 = arith.constant 608 : index
    %swap3A_1603 = tpu.vector_load %arg23[%swap3A_1602] {strides = array<i32>} : memref<640xf32, #tpu.memory_space<vmem>>, vector<16xf32>,
    tpu.vector_store %arg23[%swap3A_1602], %select_n3A_1601 {strides = array<i32>} : memref<640xf32, #tpu.memory_space<vmem>>, vector<16xf32>,
    %gather3A_1604 = tpu.vector_load_idx %arg18[%select_n3A_1579] : memref<5120xf32, #tpu.memory_space<vmem>>[vector<16xi32>], vector<16xf32>,
    %jit3A_1605 = arith.constant 0.000000e+00 : f32
    %broadcast_in_dim3A_1606 = vector.broadcast %jit3A_1605 : f32 to vector<16xf32>
    %select_n3A_1607 = arith.select %lt3A_1574, %gather3A_1604, %broadcast_in_dim3A_1606 : vector<16xi1>, vector<16xf32>
    %swap3A_1608 = arith.constant 608 : index
    %swap3A_1609 = tpu.vector_load %arg24[%swap3A_1608] {strides = array<i32>} : memref<640xf32, #tpu.memory_space<vmem>>, vector<16xf32>,
    tpu.vector_store %arg24[%swap3A_1608], %select_n3A_1607 {strides = array<i32>} : memref<640xf32, #tpu.memory_space<vmem>>, vector<16xf32>,
    %add3A_1610 = arith.constant 112 : i32
    %add3A_1611 = vector.broadcast %add3A_1610 : i32 to vector<16xi32>
    %add3A_1612 = arith.addi %iota3A, %add3A_1611 : vector<16xi32>
    %lt3A_1613 = vector.broadcast %min3A_1329 : i32 to vector<16xi32>
    %lt3A_1614 = arith.cmpi slt, %add3A_1612, %lt3A_1613 : vector<16xi32>
    %get3A_1615 = arith.constant 688 : index
    %get3A_1616 = tpu.vector_load %arg19[%get3A_1615] {strides = array<i32>} : memref<720xi32, #tpu.memory_space<vmem>>, vector<16xi32>,
    %jit3A_1617 = arith.constant 0 : i32
    %broadcast_in_dim3A_1618 = vector.broadcast %jit3A_1617 : i32 to vector<16xi32>
    %select_n3A_1619 = arith.select %lt3A_1614, %get3A_1616, %broadcast_in_dim3A_1618 : vector<16xi1>, vector<16xi32>
    %gather3A_1620 = tpu.vector_load_idx %arg14[%select_n3A_1619] : memref<5120xf32, #tpu.memory_space<vmem>>[vector<16xi32>], vector<16xf32>,
    %jit3A_1621 = arith.constant -1.000000e+09 : f32
    %broadcast_in_dim3A_1622 = vector.broadcast %jit3A_1621 : f32 to vector<16xf32>
    %select_n3A_1623 = arith.select %lt3A_1614, %gather3A_1620, %broadcast_in_dim3A_1622 : vector<16xi1>, vector<16xf32>
    %swap3A_1624 = arith.constant 624 : index
    %swap3A_1625 = tpu.vector_load %arg20[%swap3A_1624] {strides = array<i32>} : memref<640xf32, #tpu.memory_space<vmem>>, vector<16xf32>,
    tpu.vector_store %arg20[%swap3A_1624], %select_n3A_1623 {strides = array<i32>} : memref<640xf32, #tpu.memory_space<vmem>>, vector<16xf32>,
    %gather3A_1626 = tpu.vector_load_idx %arg15[%select_n3A_1619] : memref<5120xf32, #tpu.memory_space<vmem>>[vector<16xi32>], vector<16xf32>,
    %jit3A_1627 = arith.constant 0.000000e+00 : f32
    %broadcast_in_dim3A_1628 = vector.broadcast %jit3A_1627 : f32 to vector<16xf32>
    %select_n3A_1629 = arith.select %lt3A_1614, %gather3A_1626, %broadcast_in_dim3A_1628 : vector<16xi1>, vector<16xf32>
    %swap3A_1630 = arith.constant 624 : index
    %swap3A_1631 = tpu.vector_load %arg21[%swap3A_1630] {strides = array<i32>} : memref<640xf32, #tpu.memory_space<vmem>>, vector<16xf32>,
    tpu.vector_store %arg21[%swap3A_1630], %select_n3A_1629 {strides = array<i32>} : memref<640xf32, #tpu.memory_space<vmem>>, vector<16xf32>,
    %gather3A_1632 = tpu.vector_load_idx %arg16[%select_n3A_1619] : memref<5120xf32, #tpu.memory_space<vmem>>[vector<16xi32>], vector<16xf32>,
    %jit3A_1633 = arith.constant 0.000000e+00 : f32
    %broadcast_in_dim3A_1634 = vector.broadcast %jit3A_1633 : f32 to vector<16xf32>
    %select_n3A_1635 = arith.select %lt3A_1614, %gather3A_1632, %broadcast_in_dim3A_1634 : vector<16xi1>, vector<16xf32>
    %swap3A_1636 = arith.constant 624 : index
    %swap3A_1637 = tpu.vector_load %arg22[%swap3A_1636] {strides = array<i32>} : memref<640xf32, #tpu.memory_space<vmem>>, vector<16xf32>,
    tpu.vector_store %arg22[%swap3A_1636], %select_n3A_1635 {strides = array<i32>} : memref<640xf32, #tpu.memory_space<vmem>>, vector<16xf32>,
    %gather3A_1638 = tpu.vector_load_idx %arg17[%select_n3A_1619] : memref<5120xf32, #tpu.memory_space<vmem>>[vector<16xi32>], vector<16xf32>,
    %jit3A_1639 = arith.constant 0.000000e+00 : f32
    %broadcast_in_dim3A_1640 = vector.broadcast %jit3A_1639 : f32 to vector<16xf32>
    %select_n3A_1641 = arith.select %lt3A_1614, %gather3A_1638, %broadcast_in_dim3A_1640 : vector<16xi1>, vector<16xf32>
    %swap3A_1642 = arith.constant 624 : index
    %swap3A_1643 = tpu.vector_load %arg23[%swap3A_1642] {strides = array<i32>} : memref<640xf32, #tpu.memory_space<vmem>>, vector<16xf32>,
    tpu.vector_store %arg23[%swap3A_1642], %select_n3A_1641 {strides = array<i32>} : memref<640xf32, #tpu.memory_space<vmem>>, vector<16xf32>,
    %gather3A_1644 = tpu.vector_load_idx %arg18[%select_n3A_1619] : memref<5120xf32, #tpu.memory_space<vmem>>[vector<16xi32>], vector<16xf32>,
    %jit3A_1645 = arith.constant 0.000000e+00 : f32
    %broadcast_in_dim3A_1646 = vector.broadcast %jit3A_1645 : f32 to vector<16xf32>
    %select_n3A_1647 = arith.select %lt3A_1614, %gather3A_1644, %broadcast_in_dim3A_1646 : vector<16xi1>, vector<16xf32>
    %swap3A_1648 = arith.constant 624 : index
    %swap3A_1649 = tpu.vector_load %arg24[%swap3A_1648] {strides = array<i32>} : memref<640xf32, #tpu.memory_space<vmem>>, vector<16xf32>,
    tpu.vector_store %arg24[%swap3A_1648], %select_n3A_1647 {strides = array<i32>} : memref<640xf32, #tpu.memory_space<vmem>>, vector<16xf32>,
    %mul3A_1650 = arith.constant 5 : i32
    %mul3A_1651 = arith.muli %add3A, %mul3A_1650 : i32
    %add3A_1652 = arith.constant 0 : i32
    %add3A_1653 = arith.addi %mul3A_1651, %add3A_1652 : i32
    "tpu.region"() ({
      %run_scoped3A = tpu.sem_alloc : memref<!tpu.dma_semaphore, #tpu.memory_space<semaphore_mem>>
      %dma_start3A = arith.constant 0 : i32
      %dma_start3A_1670 = tpu.memref_slice %arg20[%dma_start3A] : memref<640xf32, #tpu.memory_space<vmem>> -> memref<128xf32, #tpu.memory_space<vmem>>
      %dma_start3A_1671 = arith.constant 0 : i32
      %dma_start3A_1672 = tpu.memref_slice %arg8[%add3A_1653, %dma_start3A_1671] : memref<160x128xf32, #tpu.memory_space<hbm>> -> memref<1x128xf32, #tpu.memory_space<hbm>>
      %dma_start3A_1673 = tpu.memref_squeeze %dma_start3A_1672 : memref<1x128xf32, #tpu.memory_space<hbm>> -> memref<128xf32, #tpu.memory_space<hbm>>
      %dma_start3A_1674 = arith.constant 0 : i32
      %dma_start3A_1675 = tpu.memref_slice %arg8[%add3A_1653, %dma_start3A_1674] : memref<160x128xf32, #tpu.memory_space<hbm>> -> memref<1x128xf32, #tpu.memory_space<hbm>>
      %dma_start3A_1676 = tpu.memref_squeeze %dma_start3A_1675 : memref<1x128xf32, #tpu.memory_space<hbm>> -> memref<128xf32, #tpu.memory_space<hbm>>
      %dma_start3A_1677 = arith.constant 0 : i32
      %dma_start3A_1678 = tpu.memref_slice %arg20[%dma_start3A_1677] : memref<640xf32, #tpu.memory_space<vmem>> -> memref<128xf32, #tpu.memory_space<vmem>>
      tpu.enqueue_dma source(%dma_start3A_1678 : memref<128xf32, #tpu.memory_space<vmem>>) target(%dma_start3A_1676 : memref<128xf32, #tpu.memory_space<hbm>>) target_semaphore(%run_scoped3A : memref<!tpu.dma_semaphore, #tpu.memory_space<semaphore_mem>>)
      %dma_wait3A = arith.constant 0 : i32
      %dma_wait3A_1679 = tpu.memref_slice %arg20[%dma_wait3A] : memref<640xf32, #tpu.memory_space<vmem>> -> memref<128xf32, #tpu.memory_space<vmem>>
      %dma_wait3A_1680 = arith.constant 0 : i32
      %dma_wait3A_1681 = tpu.memref_slice %arg8[%add3A_1653, %dma_wait3A_1680] : memref<160x128xf32, #tpu.memory_space<hbm>> -> memref<1x128xf32, #tpu.memory_space<hbm>>
      %dma_wait3A_1682 = tpu.memref_squeeze %dma_wait3A_1681 : memref<1x128xf32, #tpu.memory_space<hbm>> -> memref<128xf32, #tpu.memory_space<hbm>>
      %dma_wait3A_1683 = arith.constant 0 : i32
      %dma_wait3A_1684 = tpu.memref_slice %arg8[%add3A_1653, %dma_wait3A_1683] : memref<160x128xf32, #tpu.memory_space<hbm>> -> memref<1x128xf32, #tpu.memory_space<hbm>>
      %dma_wait3A_1685 = tpu.memref_squeeze %dma_wait3A_1684 : memref<1x128xf32, #tpu.memory_space<hbm>> -> memref<128xf32, #tpu.memory_space<hbm>>
      %dma_wait3A_1686 = arith.constant 0 : i32
      %dma_wait3A_1687 = tpu.memref_slice %arg20[%dma_wait3A_1686] : memref<640xf32, #tpu.memory_space<vmem>> -> memref<128xf32, #tpu.memory_space<vmem>>
      tpu.wait_dma2 semaphore(%run_scoped3A : memref<!tpu.dma_semaphore, #tpu.memory_space<semaphore_mem>>) src(%dma_wait3A_1687 : memref<128xf32, #tpu.memory_space<vmem>>) dst(%dma_wait3A_1685 : memref<128xf32, #tpu.memory_space<hbm>>)
      tpu.yield
    }) : () -> ()
    "tpu.region"() ({
      %run_scoped3A = tpu.sem_alloc : memref<!tpu.dma_semaphore, #tpu.memory_space<semaphore_mem>>
      %dma_start3A = arith.constant 0 : i32
      %dma_start3A_1670 = tpu.memref_slice %arg21[%dma_start3A] : memref<640xf32, #tpu.memory_space<vmem>> -> memref<128xf32, #tpu.memory_space<vmem>>
      %dma_start3A_1671 = arith.constant 0 : i32
      %dma_start3A_1672 = tpu.memref_slice %arg9[%add3A_1653, %dma_start3A_1671] : memref<160x128xf32, #tpu.memory_space<hbm>> -> memref<1x128xf32, #tpu.memory_space<hbm>>
      %dma_start3A_1673 = tpu.memref_squeeze %dma_start3A_1672 : memref<1x128xf32, #tpu.memory_space<hbm>> -> memref<128xf32, #tpu.memory_space<hbm>>
      %dma_start3A_1674 = arith.constant 0 : i32
      %dma_start3A_1675 = tpu.memref_slice %arg9[%add3A_1653, %dma_start3A_1674] : memref<160x128xf32, #tpu.memory_space<hbm>> -> memref<1x128xf32, #tpu.memory_space<hbm>>
      %dma_start3A_1676 = tpu.memref_squeeze %dma_start3A_1675 : memref<1x128xf32, #tpu.memory_space<hbm>> -> memref<128xf32, #tpu.memory_space<hbm>>
      %dma_start3A_1677 = arith.constant 0 : i32
      %dma_start3A_1678 = tpu.memref_slice %arg21[%dma_start3A_1677] : memref<640xf32, #tpu.memory_space<vmem>> -> memref<128xf32, #tpu.memory_space<vmem>>
      tpu.enqueue_dma source(%dma_start3A_1678 : memref<128xf32, #tpu.memory_space<vmem>>) target(%dma_start3A_1676 : memref<128xf32, #tpu.memory_space<hbm>>) target_semaphore(%run_scoped3A : memref<!tpu.dma_semaphore, #tpu.memory_space<semaphore_mem>>)
      %dma_wait3A = arith.constant 0 : i32
      %dma_wait3A_1679 = tpu.memref_slice %arg21[%dma_wait3A] : memref<640xf32, #tpu.memory_space<vmem>> -> memref<128xf32, #tpu.memory_space<vmem>>
      %dma_wait3A_1680 = arith.constant 0 : i32
      %dma_wait3A_1681 = tpu.memref_slice %arg9[%add3A_1653, %dma_wait3A_1680] : memref<160x128xf32, #tpu.memory_space<hbm>> -> memref<1x128xf32, #tpu.memory_space<hbm>>
      %dma_wait3A_1682 = tpu.memref_squeeze %dma_wait3A_1681 : memref<1x128xf32, #tpu.memory_space<hbm>> -> memref<128xf32, #tpu.memory_space<hbm>>
      %dma_wait3A_1683 = arith.constant 0 : i32
      %dma_wait3A_1684 = tpu.memref_slice %arg9[%add3A_1653, %dma_wait3A_1683] : memref<160x128xf32, #tpu.memory_space<hbm>> -> memref<1x128xf32, #tpu.memory_space<hbm>>
      %dma_wait3A_1685 = tpu.memref_squeeze %dma_wait3A_1684 : memref<1x128xf32, #tpu.memory_space<hbm>> -> memref<128xf32, #tpu.memory_space<hbm>>
      %dma_wait3A_1686 = arith.constant 0 : i32
      %dma_wait3A_1687 = tpu.memref_slice %arg21[%dma_wait3A_1686] : memref<640xf32, #tpu.memory_space<vmem>> -> memref<128xf32, #tpu.memory_space<vmem>>
      tpu.wait_dma2 semaphore(%run_scoped3A : memref<!tpu.dma_semaphore, #tpu.memory_space<semaphore_mem>>) src(%dma_wait3A_1687 : memref<128xf32, #tpu.memory_space<vmem>>) dst(%dma_wait3A_1685 : memref<128xf32, #tpu.memory_space<hbm>>)
      tpu.yield
    }) : () -> ()
    "tpu.region"() ({
      %run_scoped3A = tpu.sem_alloc : memref<!tpu.dma_semaphore, #tpu.memory_space<semaphore_mem>>
      %dma_start3A = arith.constant 0 : i32
      %dma_start3A_1670 = tpu.memref_slice %arg22[%dma_start3A] : memref<640xf32, #tpu.memory_space<vmem>> -> memref<128xf32, #tpu.memory_space<vmem>>
      %dma_start3A_1671 = arith.constant 0 : i32
      %dma_start3A_1672 = tpu.memref_slice %arg10[%add3A_1653, %dma_start3A_1671] : memref<160x128xf32, #tpu.memory_space<hbm>> -> memref<1x128xf32, #tpu.memory_space<hbm>>
      %dma_start3A_1673 = tpu.memref_squeeze %dma_start3A_1672 : memref<1x128xf32, #tpu.memory_space<hbm>> -> memref<128xf32, #tpu.memory_space<hbm>>
      %dma_start3A_1674 = arith.constant 0 : i32
      %dma_start3A_1675 = tpu.memref_slice %arg10[%add3A_1653, %dma_start3A_1674] : memref<160x128xf32, #tpu.memory_space<hbm>> -> memref<1x128xf32, #tpu.memory_space<hbm>>
      %dma_start3A_1676 = tpu.memref_squeeze %dma_start3A_1675 : memref<1x128xf32, #tpu.memory_space<hbm>> -> memref<128xf32, #tpu.memory_space<hbm>>
      %dma_start3A_1677 = arith.constant 0 : i32
      %dma_start3A_1678 = tpu.memref_slice %arg22[%dma_start3A_1677] : memref<640xf32, #tpu.memory_space<vmem>> -> memref<128xf32, #tpu.memory_space<vmem>>
      tpu.enqueue_dma source(%dma_start3A_1678 : memref<128xf32, #tpu.memory_space<vmem>>) target(%dma_start3A_1676 : memref<128xf32, #tpu.memory_space<hbm>>) target_semaphore(%run_scoped3A : memref<!tpu.dma_semaphore, #tpu.memory_space<semaphore_mem>>)
      %dma_wait3A = arith.constant 0 : i32
      %dma_wait3A_1679 = tpu.memref_slice %arg22[%dma_wait3A] : memref<640xf32, #tpu.memory_space<vmem>> -> memref<128xf32, #tpu.memory_space<vmem>>
      %dma_wait3A_1680 = arith.constant 0 : i32
      %dma_wait3A_1681 = tpu.memref_slice %arg10[%add3A_1653, %dma_wait3A_1680] : memref<160x128xf32, #tpu.memory_space<hbm>> -> memref<1x128xf32, #tpu.memory_space<hbm>>
      %dma_wait3A_1682 = tpu.memref_squeeze %dma_wait3A_1681 : memref<1x128xf32, #tpu.memory_space<hbm>> -> memref<128xf32, #tpu.memory_space<hbm>>
      %dma_wait3A_1683 = arith.constant 0 : i32
      %dma_wait3A_1684 = tpu.memref_slice %arg10[%add3A_1653, %dma_wait3A_1683] : memref<160x128xf32, #tpu.memory_space<hbm>> -> memref<1x128xf32, #tpu.memory_space<hbm>>
      %dma_wait3A_1685 = tpu.memref_squeeze %dma_wait3A_1684 : memref<1x128xf32, #tpu.memory_space<hbm>> -> memref<128xf32, #tpu.memory_space<hbm>>
      %dma_wait3A_1686 = arith.constant 0 : i32
      %dma_wait3A_1687 = tpu.memref_slice %arg22[%dma_wait3A_1686] : memref<640xf32, #tpu.memory_space<vmem>> -> memref<128xf32, #tpu.memory_space<vmem>>
      tpu.wait_dma2 semaphore(%run_scoped3A : memref<!tpu.dma_semaphore, #tpu.memory_space<semaphore_mem>>) src(%dma_wait3A_1687 : memref<128xf32, #tpu.memory_space<vmem>>) dst(%dma_wait3A_1685 : memref<128xf32, #tpu.memory_space<hbm>>)
      tpu.yield
    }) : () -> ()
    "tpu.region"() ({
      %run_scoped3A = tpu.sem_alloc : memref<!tpu.dma_semaphore, #tpu.memory_space<semaphore_mem>>
      %dma_start3A = arith.constant 0 : i32
      %dma_start3A_1670 = tpu.memref_slice %arg23[%dma_start3A] : memref<640xf32, #tpu.memory_space<vmem>> -> memref<128xf32, #tpu.memory_space<vmem>>
      %dma_start3A_1671 = arith.constant 0 : i32
      %dma_start3A_1672 = tpu.memref_slice %arg11[%add3A_1653, %dma_start3A_1671] : memref<160x128xf32, #tpu.memory_space<hbm>> -> memref<1x128xf32, #tpu.memory_space<hbm>>
      %dma_start3A_1673 = tpu.memref_squeeze %dma_start3A_1672 : memref<1x128xf32, #tpu.memory_space<hbm>> -> memref<128xf32, #tpu.memory_space<hbm>>
      %dma_start3A_1674 = arith.constant 0 : i32
      %dma_start3A_1675 = tpu.memref_slice %arg11[%add3A_1653, %dma_start3A_1674] : memref<160x128xf32, #tpu.memory_space<hbm>> -> memref<1x128xf32, #tpu.memory_space<hbm>>
      %dma_start3A_1676 = tpu.memref_squeeze %dma_start3A_1675 : memref<1x128xf32, #tpu.memory_space<hbm>> -> memref<128xf32, #tpu.memory_space<hbm>>
      %dma_start3A_1677 = arith.constant 0 : i32
      %dma_start3A_1678 = tpu.memref_slice %arg23[%dma_start3A_1677] : memref<640xf32, #tpu.memory_space<vmem>> -> memref<128xf32, #tpu.memory_space<vmem>>
      tpu.enqueue_dma source(%dma_start3A_1678 : memref<128xf32, #tpu.memory_space<vmem>>) target(%dma_start3A_1676 : memref<128xf32, #tpu.memory_space<hbm>>) target_semaphore(%run_scoped3A : memref<!tpu.dma_semaphore, #tpu.memory_space<semaphore_mem>>)
      %dma_wait3A = arith.constant 0 : i32
      %dma_wait3A_1679 = tpu.memref_slice %arg23[%dma_wait3A] : memref<640xf32, #tpu.memory_space<vmem>> -> memref<128xf32, #tpu.memory_space<vmem>>
      %dma_wait3A_1680 = arith.constant 0 : i32
      %dma_wait3A_1681 = tpu.memref_slice %arg11[%add3A_1653, %dma_wait3A_1680] : memref<160x128xf32, #tpu.memory_space<hbm>> -> memref<1x128xf32, #tpu.memory_space<hbm>>
      %dma_wait3A_1682 = tpu.memref_squeeze %dma_wait3A_1681 : memref<1x128xf32, #tpu.memory_space<hbm>> -> memref<128xf32, #tpu.memory_space<hbm>>
      %dma_wait3A_1683 = arith.constant 0 : i32
      %dma_wait3A_1684 = tpu.memref_slice %arg11[%add3A_1653, %dma_wait3A_1683] : memref<160x128xf32, #tpu.memory_space<hbm>> -> memref<1x128xf32, #tpu.memory_space<hbm>>
      %dma_wait3A_1685 = tpu.memref_squeeze %dma_wait3A_1684 : memref<1x128xf32, #tpu.memory_space<hbm>> -> memref<128xf32, #tpu.memory_space<hbm>>
      %dma_wait3A_1686 = arith.constant 0 : i32
      %dma_wait3A_1687 = tpu.memref_slice %arg23[%dma_wait3A_1686] : memref<640xf32, #tpu.memory_space<vmem>> -> memref<128xf32, #tpu.memory_space<vmem>>
      tpu.wait_dma2 semaphore(%run_scoped3A : memref<!tpu.dma_semaphore, #tpu.memory_space<semaphore_mem>>) src(%dma_wait3A_1687 : memref<128xf32, #tpu.memory_space<vmem>>) dst(%dma_wait3A_1685 : memref<128xf32, #tpu.memory_space<hbm>>)
      tpu.yield
    }) : () -> ()
    "tpu.region"() ({
      %run_scoped3A = tpu.sem_alloc : memref<!tpu.dma_semaphore, #tpu.memory_space<semaphore_mem>>
      %dma_start3A = arith.constant 0 : i32
      %dma_start3A_1670 = tpu.memref_slice %arg24[%dma_start3A] : memref<640xf32, #tpu.memory_space<vmem>> -> memref<128xf32, #tpu.memory_space<vmem>>
      %dma_start3A_1671 = arith.constant 0 : i32
      %dma_start3A_1672 = tpu.memref_slice %arg12[%add3A_1653, %dma_start3A_1671] : memref<160x128xf32, #tpu.memory_space<hbm>> -> memref<1x128xf32, #tpu.memory_space<hbm>>
      %dma_start3A_1673 = tpu.memref_squeeze %dma_start3A_1672 : memref<1x128xf32, #tpu.memory_space<hbm>> -> memref<128xf32, #tpu.memory_space<hbm>>
      %dma_start3A_1674 = arith.constant 0 : i32
      %dma_start3A_1675 = tpu.memref_slice %arg12[%add3A_1653, %dma_start3A_1674] : memref<160x128xf32, #tpu.memory_space<hbm>> -> memref<1x128xf32, #tpu.memory_space<hbm>>
      %dma_start3A_1676 = tpu.memref_squeeze %dma_start3A_1675 : memref<1x128xf32, #tpu.memory_space<hbm>> -> memref<128xf32, #tpu.memory_space<hbm>>
      %dma_start3A_1677 = arith.constant 0 : i32
      %dma_start3A_1678 = tpu.memref_slice %arg24[%dma_start3A_1677] : memref<640xf32, #tpu.memory_space<vmem>> -> memref<128xf32, #tpu.memory_space<vmem>>
      tpu.enqueue_dma source(%dma_start3A_1678 : memref<128xf32, #tpu.memory_space<vmem>>) target(%dma_start3A_1676 : memref<128xf32, #tpu.memory_space<hbm>>) target_semaphore(%run_scoped3A : memref<!tpu.dma_semaphore, #tpu.memory_space<semaphore_mem>>)
      %dma_wait3A = arith.constant 0 : i32
      %dma_wait3A_1679 = tpu.memref_slice %arg24[%dma_wait3A] : memref<640xf32, #tpu.memory_space<vmem>> -> memref<128xf32, #tpu.memory_space<vmem>>
      %dma_wait3A_1680 = arith.constant 0 : i32
      %dma_wait3A_1681 = tpu.memref_slice %arg12[%add3A_1653, %dma_wait3A_1680] : memref<160x128xf32, #tpu.memory_space<hbm>> -> memref<1x128xf32, #tpu.memory_space<hbm>>
      %dma_wait3A_1682 = tpu.memref_squeeze %dma_wait3A_1681 : memref<1x128xf32, #tpu.memory_space<hbm>> -> memref<128xf32, #tpu.memory_space<hbm>>
      %dma_wait3A_1683 = arith.constant 0 : i32
      %dma_wait3A_1684 = tpu.memref_slice %arg12[%add3A_1653, %dma_wait3A_1683] : memref<160x128xf32, #tpu.memory_space<hbm>> -> memref<1x128xf32, #tpu.memory_space<hbm>>
      %dma_wait3A_1685 = tpu.memref_squeeze %dma_wait3A_1684 : memref<1x128xf32, #tpu.memory_space<hbm>> -> memref<128xf32, #tpu.memory_space<hbm>>
      %dma_wait3A_1686 = arith.constant 0 : i32
      %dma_wait3A_1687 = tpu.memref_slice %arg24[%dma_wait3A_1686] : memref<640xf32, #tpu.memory_space<vmem>> -> memref<128xf32, #tpu.memory_space<vmem>>
      tpu.wait_dma2 semaphore(%run_scoped3A : memref<!tpu.dma_semaphore, #tpu.memory_space<semaphore_mem>>) src(%dma_wait3A_1687 : memref<128xf32, #tpu.memory_space<vmem>>) dst(%dma_wait3A_1685 : memref<128xf32, #tpu.memory_space<hbm>>)
      tpu.yield
    }) : () -> ()
    %mul3A_1654 = arith.constant 5 : i32
    %mul3A_1655 = arith.muli %add3A, %mul3A_1654 : i32
    %add3A_1656 = arith.constant 1 : i32
    %add3A_1657 = arith.addi %mul3A_1655, %add3A_1656 : i32
    "tpu.region"() ({
      %run_scoped3A = tpu.sem_alloc : memref<!tpu.dma_semaphore, #tpu.memory_space<semaphore_mem>>
      %dma_start3A = arith.constant 128 : i32
      %dma_start3A_1670 = tpu.memref_slice %arg20[%dma_start3A] : memref<640xf32, #tpu.memory_space<vmem>> -> memref<128xf32, #tpu.memory_space<vmem>>
      %dma_start3A_1671 = arith.constant 0 : i32
      %dma_start3A_1672 = tpu.memref_slice %arg8[%add3A_1657, %dma_start3A_1671] : memref<160x128xf32, #tpu.memory_space<hbm>> -> memref<1x128xf32, #tpu.memory_space<hbm>>
      %dma_start3A_1673 = tpu.memref_squeeze %dma_start3A_1672 : memref<1x128xf32, #tpu.memory_space<hbm>> -> memref<128xf32, #tpu.memory_space<hbm>>
      %dma_start3A_1674 = arith.constant 0 : i32
      %dma_start3A_1675 = tpu.memref_slice %arg8[%add3A_1657, %dma_start3A_1674] : memref<160x128xf32, #tpu.memory_space<hbm>> -> memref<1x128xf32, #tpu.memory_space<hbm>>
      %dma_start3A_1676 = tpu.memref_squeeze %dma_start3A_1675 : memref<1x128xf32, #tpu.memory_space<hbm>> -> memref<128xf32, #tpu.memory_space<hbm>>
      %dma_start3A_1677 = arith.constant 128 : i32
      %dma_start3A_1678 = tpu.memref_slice %arg20[%dma_start3A_1677] : memref<640xf32, #tpu.memory_space<vmem>> -> memref<128xf32, #tpu.memory_space<vmem>>
      tpu.enqueue_dma source(%dma_start3A_1678 : memref<128xf32, #tpu.memory_space<vmem>>) target(%dma_start3A_1676 : memref<128xf32, #tpu.memory_space<hbm>>) target_semaphore(%run_scoped3A : memref<!tpu.dma_semaphore, #tpu.memory_space<semaphore_mem>>)
      %dma_wait3A = arith.constant 128 : i32
      %dma_wait3A_1679 = tpu.memref_slice %arg20[%dma_wait3A] : memref<640xf32, #tpu.memory_space<vmem>> -> memref<128xf32, #tpu.memory_space<vmem>>
      %dma_wait3A_1680 = arith.constant 0 : i32
      %dma_wait3A_1681 = tpu.memref_slice %arg8[%add3A_1657, %dma_wait3A_1680] : memref<160x128xf32, #tpu.memory_space<hbm>> -> memref<1x128xf32, #tpu.memory_space<hbm>>
      %dma_wait3A_1682 = tpu.memref_squeeze %dma_wait3A_1681 : memref<1x128xf32, #tpu.memory_space<hbm>> -> memref<128xf32, #tpu.memory_space<hbm>>
      %dma_wait3A_1683 = arith.constant 0 : i32
      %dma_wait3A_1684 = tpu.memref_slice %arg8[%add3A_1657, %dma_wait3A_1683] : memref<160x128xf32, #tpu.memory_space<hbm>> -> memref<1x128xf32, #tpu.memory_space<hbm>>
      %dma_wait3A_1685 = tpu.memref_squeeze %dma_wait3A_1684 : memref<1x128xf32, #tpu.memory_space<hbm>> -> memref<128xf32, #tpu.memory_space<hbm>>
      %dma_wait3A_1686 = arith.constant 128 : i32
      %dma_wait3A_1687 = tpu.memref_slice %arg20[%dma_wait3A_1686] : memref<640xf32, #tpu.memory_space<vmem>> -> memref<128xf32, #tpu.memory_space<vmem>>
      tpu.wait_dma2 semaphore(%run_scoped3A : memref<!tpu.dma_semaphore, #tpu.memory_space<semaphore_mem>>) src(%dma_wait3A_1687 : memref<128xf32, #tpu.memory_space<vmem>>) dst(%dma_wait3A_1685 : memref<128xf32, #tpu.memory_space<hbm>>)
      tpu.yield
    }) : () -> ()
    "tpu.region"() ({
      %run_scoped3A = tpu.sem_alloc : memref<!tpu.dma_semaphore, #tpu.memory_space<semaphore_mem>>
      %dma_start3A = arith.constant 128 : i32
      %dma_start3A_1670 = tpu.memref_slice %arg21[%dma_start3A] : memref<640xf32, #tpu.memory_space<vmem>> -> memref<128xf32, #tpu.memory_space<vmem>>
      %dma_start3A_1671 = arith.constant 0 : i32
      %dma_start3A_1672 = tpu.memref_slice %arg9[%add3A_1657, %dma_start3A_1671] : memref<160x128xf32, #tpu.memory_space<hbm>> -> memref<1x128xf32, #tpu.memory_space<hbm>>
      %dma_start3A_1673 = tpu.memref_squeeze %dma_start3A_1672 : memref<1x128xf32, #tpu.memory_space<hbm>> -> memref<128xf32, #tpu.memory_space<hbm>>
      %dma_start3A_1674 = arith.constant 0 : i32
      %dma_start3A_1675 = tpu.memref_slice %arg9[%add3A_1657, %dma_start3A_1674] : memref<160x128xf32, #tpu.memory_space<hbm>> -> memref<1x128xf32, #tpu.memory_space<hbm>>
      %dma_start3A_1676 = tpu.memref_squeeze %dma_start3A_1675 : memref<1x128xf32, #tpu.memory_space<hbm>> -> memref<128xf32, #tpu.memory_space<hbm>>
      %dma_start3A_1677 = arith.constant 128 : i32
      %dma_start3A_1678 = tpu.memref_slice %arg21[%dma_start3A_1677] : memref<640xf32, #tpu.memory_space<vmem>> -> memref<128xf32, #tpu.memory_space<vmem>>
      tpu.enqueue_dma source(%dma_start3A_1678 : memref<128xf32, #tpu.memory_space<vmem>>) target(%dma_start3A_1676 : memref<128xf32, #tpu.memory_space<hbm>>) target_semaphore(%run_scoped3A : memref<!tpu.dma_semaphore, #tpu.memory_space<semaphore_mem>>)
      %dma_wait3A = arith.constant 128 : i32
      %dma_wait3A_1679 = tpu.memref_slice %arg21[%dma_wait3A] : memref<640xf32, #tpu.memory_space<vmem>> -> memref<128xf32, #tpu.memory_space<vmem>>
      %dma_wait3A_1680 = arith.constant 0 : i32
      %dma_wait3A_1681 = tpu.memref_slice %arg9[%add3A_1657, %dma_wait3A_1680] : memref<160x128xf32, #tpu.memory_space<hbm>> -> memref<1x128xf32, #tpu.memory_space<hbm>>
      %dma_wait3A_1682 = tpu.memref_squeeze %dma_wait3A_1681 : memref<1x128xf32, #tpu.memory_space<hbm>> -> memref<128xf32, #tpu.memory_space<hbm>>
      %dma_wait3A_1683 = arith.constant 0 : i32
      %dma_wait3A_1684 = tpu.memref_slice %arg9[%add3A_1657, %dma_wait3A_1683] : memref<160x128xf32, #tpu.memory_space<hbm>> -> memref<1x128xf32, #tpu.memory_space<hbm>>
      %dma_wait3A_1685 = tpu.memref_squeeze %dma_wait3A_1684 : memref<1x128xf32, #tpu.memory_space<hbm>> -> memref<128xf32, #tpu.memory_space<hbm>>
      %dma_wait3A_1686 = arith.constant 128 : i32
      %dma_wait3A_1687 = tpu.memref_slice %arg21[%dma_wait3A_1686] : memref<640xf32, #tpu.memory_space<vmem>> -> memref<128xf32, #tpu.memory_space<vmem>>
      tpu.wait_dma2 semaphore(%run_scoped3A : memref<!tpu.dma_semaphore, #tpu.memory_space<semaphore_mem>>) src(%dma_wait3A_1687 : memref<128xf32, #tpu.memory_space<vmem>>) dst(%dma_wait3A_1685 : memref<128xf32, #tpu.memory_space<hbm>>)
      tpu.yield
    }) : () -> ()
    "tpu.region"() ({
      %run_scoped3A = tpu.sem_alloc : memref<!tpu.dma_semaphore, #tpu.memory_space<semaphore_mem>>
      %dma_start3A = arith.constant 128 : i32
      %dma_start3A_1670 = tpu.memref_slice %arg22[%dma_start3A] : memref<640xf32, #tpu.memory_space<vmem>> -> memref<128xf32, #tpu.memory_space<vmem>>
      %dma_start3A_1671 = arith.constant 0 : i32
      %dma_start3A_1672 = tpu.memref_slice %arg10[%add3A_1657, %dma_start3A_1671] : memref<160x128xf32, #tpu.memory_space<hbm>> -> memref<1x128xf32, #tpu.memory_space<hbm>>
      %dma_start3A_1673 = tpu.memref_squeeze %dma_start3A_1672 : memref<1x128xf32, #tpu.memory_space<hbm>> -> memref<128xf32, #tpu.memory_space<hbm>>
      %dma_start3A_1674 = arith.constant 0 : i32
      %dma_start3A_1675 = tpu.memref_slice %arg10[%add3A_1657, %dma_start3A_1674] : memref<160x128xf32, #tpu.memory_space<hbm>> -> memref<1x128xf32, #tpu.memory_space<hbm>>
      %dma_start3A_1676 = tpu.memref_squeeze %dma_start3A_1675 : memref<1x128xf32, #tpu.memory_space<hbm>> -> memref<128xf32, #tpu.memory_space<hbm>>
      %dma_start3A_1677 = arith.constant 128 : i32
      %dma_start3A_1678 = tpu.memref_slice %arg22[%dma_start3A_1677] : memref<640xf32, #tpu.memory_space<vmem>> -> memref<128xf32, #tpu.memory_space<vmem>>
      tpu.enqueue_dma source(%dma_start3A_1678 : memref<128xf32, #tpu.memory_space<vmem>>) target(%dma_start3A_1676 : memref<128xf32, #tpu.memory_space<hbm>>) target_semaphore(%run_scoped3A : memref<!tpu.dma_semaphore, #tpu.memory_space<semaphore_mem>>)
      %dma_wait3A = arith.constant 128 : i32
      %dma_wait3A_1679 = tpu.memref_slice %arg22[%dma_wait3A] : memref<640xf32, #tpu.memory_space<vmem>> -> memref<128xf32, #tpu.memory_space<vmem>>
      %dma_wait3A_1680 = arith.constant 0 : i32
      %dma_wait3A_1681 = tpu.memref_slice %arg10[%add3A_1657, %dma_wait3A_1680] : memref<160x128xf32, #tpu.memory_space<hbm>> -> memref<1x128xf32, #tpu.memory_space<hbm>>
      %dma_wait3A_1682 = tpu.memref_squeeze %dma_wait3A_1681 : memref<1x128xf32, #tpu.memory_space<hbm>> -> memref<128xf32, #tpu.memory_space<hbm>>
      %dma_wait3A_1683 = arith.constant 0 : i32
      %dma_wait3A_1684 = tpu.memref_slice %arg10[%add3A_1657, %dma_wait3A_1683] : memref<160x128xf32, #tpu.memory_space<hbm>> -> memref<1x128xf32, #tpu.memory_space<hbm>>
      %dma_wait3A_1685 = tpu.memref_squeeze %dma_wait3A_1684 : memref<1x128xf32, #tpu.memory_space<hbm>> -> memref<128xf32, #tpu.memory_space<hbm>>
      %dma_wait3A_1686 = arith.constant 128 : i32
      %dma_wait3A_1687 = tpu.memref_slice %arg22[%dma_wait3A_1686] : memref<640xf32, #tpu.memory_space<vmem>> -> memref<128xf32, #tpu.memory_space<vmem>>
      tpu.wait_dma2 semaphore(%run_scoped3A : memref<!tpu.dma_semaphore, #tpu.memory_space<semaphore_mem>>) src(%dma_wait3A_1687 : memref<128xf32, #tpu.memory_space<vmem>>) dst(%dma_wait3A_1685 : memref<128xf32, #tpu.memory_space<hbm>>)
      tpu.yield
    }) : () -> ()
    "tpu.region"() ({
      %run_scoped3A = tpu.sem_alloc : memref<!tpu.dma_semaphore, #tpu.memory_space<semaphore_mem>>
      %dma_start3A = arith.constant 128 : i32
      %dma_start3A_1670 = tpu.memref_slice %arg23[%dma_start3A] : memref<640xf32, #tpu.memory_space<vmem>> -> memref<128xf32, #tpu.memory_space<vmem>>
      %dma_start3A_1671 = arith.constant 0 : i32
      %dma_start3A_1672 = tpu.memref_slice %arg11[%add3A_1657, %dma_start3A_1671] : memref<160x128xf32, #tpu.memory_space<hbm>> -> memref<1x128xf32, #tpu.memory_space<hbm>>
      %dma_start3A_1673 = tpu.memref_squeeze %dma_start3A_1672 : memref<1x128xf32, #tpu.memory_space<hbm>> -> memref<128xf32, #tpu.memory_space<hbm>>
      %dma_start3A_1674 = arith.constant 0 : i32
      %dma_start3A_1675 = tpu.memref_slice %arg11[%add3A_1657, %dma_start3A_1674] : memref<160x128xf32, #tpu.memory_space<hbm>> -> memref<1x128xf32, #tpu.memory_space<hbm>>
      %dma_start3A_1676 = tpu.memref_squeeze %dma_start3A_1675 : memref<1x128xf32, #tpu.memory_space<hbm>> -> memref<128xf32, #tpu.memory_space<hbm>>
      %dma_start3A_1677 = arith.constant 128 : i32
      %dma_start3A_1678 = tpu.memref_slice %arg23[%dma_start3A_1677] : memref<640xf32, #tpu.memory_space<vmem>> -> memref<128xf32, #tpu.memory_space<vmem>>
      tpu.enqueue_dma source(%dma_start3A_1678 : memref<128xf32, #tpu.memory_space<vmem>>) target(%dma_start3A_1676 : memref<128xf32, #tpu.memory_space<hbm>>) target_semaphore(%run_scoped3A : memref<!tpu.dma_semaphore, #tpu.memory_space<semaphore_mem>>)
      %dma_wait3A = arith.constant 128 : i32
      %dma_wait3A_1679 = tpu.memref_slice %arg23[%dma_wait3A] : memref<640xf32, #tpu.memory_space<vmem>> -> memref<128xf32, #tpu.memory_space<vmem>>
      %dma_wait3A_1680 = arith.constant 0 : i32
      %dma_wait3A_1681 = tpu.memref_slice %arg11[%add3A_1657, %dma_wait3A_1680] : memref<160x128xf32, #tpu.memory_space<hbm>> -> memref<1x128xf32, #tpu.memory_space<hbm>>
      %dma_wait3A_1682 = tpu.memref_squeeze %dma_wait3A_1681 : memref<1x128xf32, #tpu.memory_space<hbm>> -> memref<128xf32, #tpu.memory_space<hbm>>
      %dma_wait3A_1683 = arith.constant 0 : i32
      %dma_wait3A_1684 = tpu.memref_slice %arg11[%add3A_1657, %dma_wait3A_1683] : memref<160x128xf32, #tpu.memory_space<hbm>> -> memref<1x128xf32, #tpu.memory_space<hbm>>
      %dma_wait3A_1685 = tpu.memref_squeeze %dma_wait3A_1684 : memref<1x128xf32, #tpu.memory_space<hbm>> -> memref<128xf32, #tpu.memory_space<hbm>>
      %dma_wait3A_1686 = arith.constant 128 : i32
      %dma_wait3A_1687 = tpu.memref_slice %arg23[%dma_wait3A_1686] : memref<640xf32, #tpu.memory_space<vmem>> -> memref<128xf32, #tpu.memory_space<vmem>>
      tpu.wait_dma2 semaphore(%run_scoped3A : memref<!tpu.dma_semaphore, #tpu.memory_space<semaphore_mem>>) src(%dma_wait3A_1687 : memref<128xf32, #tpu.memory_space<vmem>>) dst(%dma_wait3A_1685 : memref<128xf32, #tpu.memory_space<hbm>>)
      tpu.yield
    }) : () -> ()
    "tpu.region"() ({
      %run_scoped3A = tpu.sem_alloc : memref<!tpu.dma_semaphore, #tpu.memory_space<semaphore_mem>>
      %dma_start3A = arith.constant 128 : i32
      %dma_start3A_1670 = tpu.memref_slice %arg24[%dma_start3A] : memref<640xf32, #tpu.memory_space<vmem>> -> memref<128xf32, #tpu.memory_space<vmem>>
      %dma_start3A_1671 = arith.constant 0 : i32
      %dma_start3A_1672 = tpu.memref_slice %arg12[%add3A_1657, %dma_start3A_1671] : memref<160x128xf32, #tpu.memory_space<hbm>> -> memref<1x128xf32, #tpu.memory_space<hbm>>
      %dma_start3A_1673 = tpu.memref_squeeze %dma_start3A_1672 : memref<1x128xf32, #tpu.memory_space<hbm>> -> memref<128xf32, #tpu.memory_space<hbm>>
      %dma_start3A_1674 = arith.constant 0 : i32
      %dma_start3A_1675 = tpu.memref_slice %arg12[%add3A_1657, %dma_start3A_1674] : memref<160x128xf32, #tpu.memory_space<hbm>> -> memref<1x128xf32, #tpu.memory_space<hbm>>
      %dma_start3A_1676 = tpu.memref_squeeze %dma_start3A_1675 : memref<1x128xf32, #tpu.memory_space<hbm>> -> memref<128xf32, #tpu.memory_space<hbm>>
      %dma_start3A_1677 = arith.constant 128 : i32
      %dma_start3A_1678 = tpu.memref_slice %arg24[%dma_start3A_1677] : memref<640xf32, #tpu.memory_space<vmem>> -> memref<128xf32, #tpu.memory_space<vmem>>
      tpu.enqueue_dma source(%dma_start3A_1678 : memref<128xf32, #tpu.memory_space<vmem>>) target(%dma_start3A_1676 : memref<128xf32, #tpu.memory_space<hbm>>) target_semaphore(%run_scoped3A : memref<!tpu.dma_semaphore, #tpu.memory_space<semaphore_mem>>)
      %dma_wait3A = arith.constant 128 : i32
      %dma_wait3A_1679 = tpu.memref_slice %arg24[%dma_wait3A] : memref<640xf32, #tpu.memory_space<vmem>> -> memref<128xf32, #tpu.memory_space<vmem>>
      %dma_wait3A_1680 = arith.constant 0 : i32
      %dma_wait3A_1681 = tpu.memref_slice %arg12[%add3A_1657, %dma_wait3A_1680] : memref<160x128xf32, #tpu.memory_space<hbm>> -> memref<1x128xf32, #tpu.memory_space<hbm>>
      %dma_wait3A_1682 = tpu.memref_squeeze %dma_wait3A_1681 : memref<1x128xf32, #tpu.memory_space<hbm>> -> memref<128xf32, #tpu.memory_space<hbm>>
      %dma_wait3A_1683 = arith.constant 0 : i32
      %dma_wait3A_1684 = tpu.memref_slice %arg12[%add3A_1657, %dma_wait3A_1683] : memref<160x128xf32, #tpu.memory_space<hbm>> -> memref<1x128xf32, #tpu.memory_space<hbm>>
      %dma_wait3A_1685 = tpu.memref_squeeze %dma_wait3A_1684 : memref<1x128xf32, #tpu.memory_space<hbm>> -> memref<128xf32, #tpu.memory_space<hbm>>
      %dma_wait3A_1686 = arith.constant 128 : i32
      %dma_wait3A_1687 = tpu.memref_slice %arg24[%dma_wait3A_1686] : memref<640xf32, #tpu.memory_space<vmem>> -> memref<128xf32, #tpu.memory_space<vmem>>
      tpu.wait_dma2 semaphore(%run_scoped3A : memref<!tpu.dma_semaphore, #tpu.memory_space<semaphore_mem>>) src(%dma_wait3A_1687 : memref<128xf32, #tpu.memory_space<vmem>>) dst(%dma_wait3A_1685 : memref<128xf32, #tpu.memory_space<hbm>>)
      tpu.yield
    }) : () -> ()
    %mul3A_1658 = arith.constant 5 : i32
    %mul3A_1659 = arith.muli %add3A, %mul3A_1658 : i32
    %add3A_1660 = arith.constant 2 : i32
    %add3A_1661 = arith.addi %mul3A_1659, %add3A_1660 : i32
    "tpu.region"() ({
      %run_scoped3A = tpu.sem_alloc : memref<!tpu.dma_semaphore, #tpu.memory_space<semaphore_mem>>
      %dma_start3A = arith.constant 256 : i32
      %dma_start3A_1670 = tpu.memref_slice %arg20[%dma_start3A] : memref<640xf32, #tpu.memory_space<vmem>> -> memref<128xf32, #tpu.memory_space<vmem>>
      %dma_start3A_1671 = arith.constant 0 : i32
      %dma_start3A_1672 = tpu.memref_slice %arg8[%add3A_1661, %dma_start3A_1671] : memref<160x128xf32, #tpu.memory_space<hbm>> -> memref<1x128xf32, #tpu.memory_space<hbm>>
      %dma_start3A_1673 = tpu.memref_squeeze %dma_start3A_1672 : memref<1x128xf32, #tpu.memory_space<hbm>> -> memref<128xf32, #tpu.memory_space<hbm>>
      %dma_start3A_1674 = arith.constant 0 : i32
      %dma_start3A_1675 = tpu.memref_slice %arg8[%add3A_1661, %dma_start3A_1674] : memref<160x128xf32, #tpu.memory_space<hbm>> -> memref<1x128xf32, #tpu.memory_space<hbm>>
      %dma_start3A_1676 = tpu.memref_squeeze %dma_start3A_1675 : memref<1x128xf32, #tpu.memory_space<hbm>> -> memref<128xf32, #tpu.memory_space<hbm>>
      %dma_start3A_1677 = arith.constant 256 : i32
      %dma_start3A_1678 = tpu.memref_slice %arg20[%dma_start3A_1677] : memref<640xf32, #tpu.memory_space<vmem>> -> memref<128xf32, #tpu.memory_space<vmem>>
      tpu.enqueue_dma source(%dma_start3A_1678 : memref<128xf32, #tpu.memory_space<vmem>>) target(%dma_start3A_1676 : memref<128xf32, #tpu.memory_space<hbm>>) target_semaphore(%run_scoped3A : memref<!tpu.dma_semaphore, #tpu.memory_space<semaphore_mem>>)
      %dma_wait3A = arith.constant 256 : i32
      %dma_wait3A_1679 = tpu.memref_slice %arg20[%dma_wait3A] : memref<640xf32, #tpu.memory_space<vmem>> -> memref<128xf32, #tpu.memory_space<vmem>>
      %dma_wait3A_1680 = arith.constant 0 : i32
      %dma_wait3A_1681 = tpu.memref_slice %arg8[%add3A_1661, %dma_wait3A_1680] : memref<160x128xf32, #tpu.memory_space<hbm>> -> memref<1x128xf32, #tpu.memory_space<hbm>>
      %dma_wait3A_1682 = tpu.memref_squeeze %dma_wait3A_1681 : memref<1x128xf32, #tpu.memory_space<hbm>> -> memref<128xf32, #tpu.memory_space<hbm>>
      %dma_wait3A_1683 = arith.constant 0 : i32
      %dma_wait3A_1684 = tpu.memref_slice %arg8[%add3A_1661, %dma_wait3A_1683] : memref<160x128xf32, #tpu.memory_space<hbm>> -> memref<1x128xf32, #tpu.memory_space<hbm>>
      %dma_wait3A_1685 = tpu.memref_squeeze %dma_wait3A_1684 : memref<1x128xf32, #tpu.memory_space<hbm>> -> memref<128xf32, #tpu.memory_space<hbm>>
      %dma_wait3A_1686 = arith.constant 256 : i32
      %dma_wait3A_1687 = tpu.memref_slice %arg20[%dma_wait3A_1686] : memref<640xf32, #tpu.memory_space<vmem>> -> memref<128xf32, #tpu.memory_space<vmem>>
      tpu.wait_dma2 semaphore(%run_scoped3A : memref<!tpu.dma_semaphore, #tpu.memory_space<semaphore_mem>>) src(%dma_wait3A_1687 : memref<128xf32, #tpu.memory_space<vmem>>) dst(%dma_wait3A_1685 : memref<128xf32, #tpu.memory_space<hbm>>)
      tpu.yield
    }) : () -> ()
    "tpu.region"() ({
      %run_scoped3A = tpu.sem_alloc : memref<!tpu.dma_semaphore, #tpu.memory_space<semaphore_mem>>
      %dma_start3A = arith.constant 256 : i32
      %dma_start3A_1670 = tpu.memref_slice %arg21[%dma_start3A] : memref<640xf32, #tpu.memory_space<vmem>> -> memref<128xf32, #tpu.memory_space<vmem>>
      %dma_start3A_1671 = arith.constant 0 : i32
      %dma_start3A_1672 = tpu.memref_slice %arg9[%add3A_1661, %dma_start3A_1671] : memref<160x128xf32, #tpu.memory_space<hbm>> -> memref<1x128xf32, #tpu.memory_space<hbm>>
      %dma_start3A_1673 = tpu.memref_squeeze %dma_start3A_1672 : memref<1x128xf32, #tpu.memory_space<hbm>> -> memref<128xf32, #tpu.memory_space<hbm>>
      %dma_start3A_1674 = arith.constant 0 : i32
      %dma_start3A_1675 = tpu.memref_slice %arg9[%add3A_1661, %dma_start3A_1674] : memref<160x128xf32, #tpu.memory_space<hbm>> -> memref<1x128xf32, #tpu.memory_space<hbm>>
      %dma_start3A_1676 = tpu.memref_squeeze %dma_start3A_1675 : memref<1x128xf32, #tpu.memory_space<hbm>> -> memref<128xf32, #tpu.memory_space<hbm>>
      %dma_start3A_1677 = arith.constant 256 : i32
      %dma_start3A_1678 = tpu.memref_slice %arg21[%dma_start3A_1677] : memref<640xf32, #tpu.memory_space<vmem>> -> memref<128xf32, #tpu.memory_space<vmem>>
      tpu.enqueue_dma source(%dma_start3A_1678 : memref<128xf32, #tpu.memory_space<vmem>>) target(%dma_start3A_1676 : memref<128xf32, #tpu.memory_space<hbm>>) target_semaphore(%run_scoped3A : memref<!tpu.dma_semaphore, #tpu.memory_space<semaphore_mem>>)
      %dma_wait3A = arith.constant 256 : i32
      %dma_wait3A_1679 = tpu.memref_slice %arg21[%dma_wait3A] : memref<640xf32, #tpu.memory_space<vmem>> -> memref<128xf32, #tpu.memory_space<vmem>>
      %dma_wait3A_1680 = arith.constant 0 : i32
      %dma_wait3A_1681 = tpu.memref_slice %arg9[%add3A_1661, %dma_wait3A_1680] : memref<160x128xf32, #tpu.memory_space<hbm>> -> memref<1x128xf32, #tpu.memory_space<hbm>>
      %dma_wait3A_1682 = tpu.memref_squeeze %dma_wait3A_1681 : memref<1x128xf32, #tpu.memory_space<hbm>> -> memref<128xf32, #tpu.memory_space<hbm>>
      %dma_wait3A_1683 = arith.constant 0 : i32
      %dma_wait3A_1684 = tpu.memref_slice %arg9[%add3A_1661, %dma_wait3A_1683] : memref<160x128xf32, #tpu.memory_space<hbm>> -> memref<1x128xf32, #tpu.memory_space<hbm>>
      %dma_wait3A_1685 = tpu.memref_squeeze %dma_wait3A_1684 : memref<1x128xf32, #tpu.memory_space<hbm>> -> memref<128xf32, #tpu.memory_space<hbm>>
      %dma_wait3A_1686 = arith.constant 256 : i32
      %dma_wait3A_1687 = tpu.memref_slice %arg21[%dma_wait3A_1686] : memref<640xf32, #tpu.memory_space<vmem>> -> memref<128xf32, #tpu.memory_space<vmem>>
      tpu.wait_dma2 semaphore(%run_scoped3A : memref<!tpu.dma_semaphore, #tpu.memory_space<semaphore_mem>>) src(%dma_wait3A_1687 : memref<128xf32, #tpu.memory_space<vmem>>) dst(%dma_wait3A_1685 : memref<128xf32, #tpu.memory_space<hbm>>)
      tpu.yield
    }) : () -> ()
    "tpu.region"() ({
      %run_scoped3A = tpu.sem_alloc : memref<!tpu.dma_semaphore, #tpu.memory_space<semaphore_mem>>
      %dma_start3A = arith.constant 256 : i32
      %dma_start3A_1670 = tpu.memref_slice %arg22[%dma_start3A] : memref<640xf32, #tpu.memory_space<vmem>> -> memref<128xf32, #tpu.memory_space<vmem>>
      %dma_start3A_1671 = arith.constant 0 : i32
      %dma_start3A_1672 = tpu.memref_slice %arg10[%add3A_1661, %dma_start3A_1671] : memref<160x128xf32, #tpu.memory_space<hbm>> -> memref<1x128xf32, #tpu.memory_space<hbm>>
      %dma_start3A_1673 = tpu.memref_squeeze %dma_start3A_1672 : memref<1x128xf32, #tpu.memory_space<hbm>> -> memref<128xf32, #tpu.memory_space<hbm>>
      %dma_start3A_1674 = arith.constant 0 : i32
      %dma_start3A_1675 = tpu.memref_slice %arg10[%add3A_1661, %dma_start3A_1674] : memref<160x128xf32, #tpu.memory_space<hbm>> -> memref<1x128xf32, #tpu.memory_space<hbm>>
      %dma_start3A_1676 = tpu.memref_squeeze %dma_start3A_1675 : memref<1x128xf32, #tpu.memory_space<hbm>> -> memref<128xf32, #tpu.memory_space<hbm>>
      %dma_start3A_1677 = arith.constant 256 : i32
      %dma_start3A_1678 = tpu.memref_slice %arg22[%dma_start3A_1677] : memref<640xf32, #tpu.memory_space<vmem>> -> memref<128xf32, #tpu.memory_space<vmem>>
      tpu.enqueue_dma source(%dma_start3A_1678 : memref<128xf32, #tpu.memory_space<vmem>>) target(%dma_start3A_1676 : memref<128xf32, #tpu.memory_space<hbm>>) target_semaphore(%run_scoped3A : memref<!tpu.dma_semaphore, #tpu.memory_space<semaphore_mem>>)
      %dma_wait3A = arith.constant 256 : i32
      %dma_wait3A_1679 = tpu.memref_slice %arg22[%dma_wait3A] : memref<640xf32, #tpu.memory_space<vmem>> -> memref<128xf32, #tpu.memory_space<vmem>>
      %dma_wait3A_1680 = arith.constant 0 : i32
      %dma_wait3A_1681 = tpu.memref_slice %arg10[%add3A_1661, %dma_wait3A_1680] : memref<160x128xf32, #tpu.memory_space<hbm>> -> memref<1x128xf32, #tpu.memory_space<hbm>>
      %dma_wait3A_1682 = tpu.memref_squeeze %dma_wait3A_1681 : memref<1x128xf32, #tpu.memory_space<hbm>> -> memref<128xf32, #tpu.memory_space<hbm>>
      %dma_wait3A_1683 = arith.constant 0 : i32
      %dma_wait3A_1684 = tpu.memref_slice %arg10[%add3A_1661, %dma_wait3A_1683] : memref<160x128xf32, #tpu.memory_space<hbm>> -> memref<1x128xf32, #tpu.memory_space<hbm>>
      %dma_wait3A_1685 = tpu.memref_squeeze %dma_wait3A_1684 : memref<1x128xf32, #tpu.memory_space<hbm>> -> memref<128xf32, #tpu.memory_space<hbm>>
      %dma_wait3A_1686 = arith.constant 256 : i32
      %dma_wait3A_1687 = tpu.memref_slice %arg22[%dma_wait3A_1686] : memref<640xf32, #tpu.memory_space<vmem>> -> memref<128xf32, #tpu.memory_space<vmem>>
      tpu.wait_dma2 semaphore(%run_scoped3A : memref<!tpu.dma_semaphore, #tpu.memory_space<semaphore_mem>>) src(%dma_wait3A_1687 : memref<128xf32, #tpu.memory_space<vmem>>) dst(%dma_wait3A_1685 : memref<128xf32, #tpu.memory_space<hbm>>)
      tpu.yield
    }) : () -> ()
    "tpu.region"() ({
      %run_scoped3A = tpu.sem_alloc : memref<!tpu.dma_semaphore, #tpu.memory_space<semaphore_mem>>
      %dma_start3A = arith.constant 256 : i32
      %dma_start3A_1670 = tpu.memref_slice %arg23[%dma_start3A] : memref<640xf32, #tpu.memory_space<vmem>> -> memref<128xf32, #tpu.memory_space<vmem>>
      %dma_start3A_1671 = arith.constant 0 : i32
      %dma_start3A_1672 = tpu.memref_slice %arg11[%add3A_1661, %dma_start3A_1671] : memref<160x128xf32, #tpu.memory_space<hbm>> -> memref<1x128xf32, #tpu.memory_space<hbm>>
      %dma_start3A_1673 = tpu.memref_squeeze %dma_start3A_1672 : memref<1x128xf32, #tpu.memory_space<hbm>> -> memref<128xf32, #tpu.memory_space<hbm>>
      %dma_start3A_1674 = arith.constant 0 : i32
      %dma_start3A_1675 = tpu.memref_slice %arg11[%add3A_1661, %dma_start3A_1674] : memref<160x128xf32, #tpu.memory_space<hbm>> -> memref<1x128xf32, #tpu.memory_space<hbm>>
      %dma_start3A_1676 = tpu.memref_squeeze %dma_start3A_1675 : memref<1x128xf32, #tpu.memory_space<hbm>> -> memref<128xf32, #tpu.memory_space<hbm>>
      %dma_start3A_1677 = arith.constant 256 : i32
      %dma_start3A_1678 = tpu.memref_slice %arg23[%dma_start3A_1677] : memref<640xf32, #tpu.memory_space<vmem>> -> memref<128xf32, #tpu.memory_space<vmem>>
      tpu.enqueue_dma source(%dma_start3A_1678 : memref<128xf32, #tpu.memory_space<vmem>>) target(%dma_start3A_1676 : memref<128xf32, #tpu.memory_space<hbm>>) target_semaphore(%run_scoped3A : memref<!tpu.dma_semaphore, #tpu.memory_space<semaphore_mem>>)
      %dma_wait3A = arith.constant 256 : i32
      %dma_wait3A_1679 = tpu.memref_slice %arg23[%dma_wait3A] : memref<640xf32, #tpu.memory_space<vmem>> -> memref<128xf32, #tpu.memory_space<vmem>>
      %dma_wait3A_1680 = arith.constant 0 : i32
      %dma_wait3A_1681 = tpu.memref_slice %arg11[%add3A_1661, %dma_wait3A_1680] : memref<160x128xf32, #tpu.memory_space<hbm>> -> memref<1x128xf32, #tpu.memory_space<hbm>>
      %dma_wait3A_1682 = tpu.memref_squeeze %dma_wait3A_1681 : memref<1x128xf32, #tpu.memory_space<hbm>> -> memref<128xf32, #tpu.memory_space<hbm>>
      %dma_wait3A_1683 = arith.constant 0 : i32
      %dma_wait3A_1684 = tpu.memref_slice %arg11[%add3A_1661, %dma_wait3A_1683] : memref<160x128xf32, #tpu.memory_space<hbm>> -> memref<1x128xf32, #tpu.memory_space<hbm>>
      %dma_wait3A_1685 = tpu.memref_squeeze %dma_wait3A_1684 : memref<1x128xf32, #tpu.memory_space<hbm>> -> memref<128xf32, #tpu.memory_space<hbm>>
      %dma_wait3A_1686 = arith.constant 256 : i32
      %dma_wait3A_1687 = tpu.memref_slice %arg23[%dma_wait3A_1686] : memref<640xf32, #tpu.memory_space<vmem>> -> memref<128xf32, #tpu.memory_space<vmem>>
      tpu.wait_dma2 semaphore(%run_scoped3A : memref<!tpu.dma_semaphore, #tpu.memory_space<semaphore_mem>>) src(%dma_wait3A_1687 : memref<128xf32, #tpu.memory_space<vmem>>) dst(%dma_wait3A_1685 : memref<128xf32, #tpu.memory_space<hbm>>)
      tpu.yield
    }) : () -> ()
    "tpu.region"() ({
      %run_scoped3A = tpu.sem_alloc : memref<!tpu.dma_semaphore, #tpu.memory_space<semaphore_mem>>
      %dma_start3A = arith.constant 256 : i32
      %dma_start3A_1670 = tpu.memref_slice %arg24[%dma_start3A] : memref<640xf32, #tpu.memory_space<vmem>> -> memref<128xf32, #tpu.memory_space<vmem>>
      %dma_start3A_1671 = arith.constant 0 : i32
      %dma_start3A_1672 = tpu.memref_slice %arg12[%add3A_1661, %dma_start3A_1671] : memref<160x128xf32, #tpu.memory_space<hbm>> -> memref<1x128xf32, #tpu.memory_space<hbm>>
      %dma_start3A_1673 = tpu.memref_squeeze %dma_start3A_1672 : memref<1x128xf32, #tpu.memory_space<hbm>> -> memref<128xf32, #tpu.memory_space<hbm>>
      %dma_start3A_1674 = arith.constant 0 : i32
      %dma_start3A_1675 = tpu.memref_slice %arg12[%add3A_1661, %dma_start3A_1674] : memref<160x128xf32, #tpu.memory_space<hbm>> -> memref<1x128xf32, #tpu.memory_space<hbm>>
      %dma_start3A_1676 = tpu.memref_squeeze %dma_start3A_1675 : memref<1x128xf32, #tpu.memory_space<hbm>> -> memref<128xf32, #tpu.memory_space<hbm>>
      %dma_start3A_1677 = arith.constant 256 : i32
      %dma_start3A_1678 = tpu.memref_slice %arg24[%dma_start3A_1677] : memref<640xf32, #tpu.memory_space<vmem>> -> memref<128xf32, #tpu.memory_space<vmem>>
      tpu.enqueue_dma source(%dma_start3A_1678 : memref<128xf32, #tpu.memory_space<vmem>>) target(%dma_start3A_1676 : memref<128xf32, #tpu.memory_space<hbm>>) target_semaphore(%run_scoped3A : memref<!tpu.dma_semaphore, #tpu.memory_space<semaphore_mem>>)
      %dma_wait3A = arith.constant 256 : i32
      %dma_wait3A_1679 = tpu.memref_slice %arg24[%dma_wait3A] : memref<640xf32, #tpu.memory_space<vmem>> -> memref<128xf32, #tpu.memory_space<vmem>>
      %dma_wait3A_1680 = arith.constant 0 : i32
      %dma_wait3A_1681 = tpu.memref_slice %arg12[%add3A_1661, %dma_wait3A_1680] : memref<160x128xf32, #tpu.memory_space<hbm>> -> memref<1x128xf32, #tpu.memory_space<hbm>>
      %dma_wait3A_1682 = tpu.memref_squeeze %dma_wait3A_1681 : memref<1x128xf32, #tpu.memory_space<hbm>> -> memref<128xf32, #tpu.memory_space<hbm>>
      %dma_wait3A_1683 = arith.constant 0 : i32
      %dma_wait3A_1684 = tpu.memref_slice %arg12[%add3A_1661, %dma_wait3A_1683] : memref<160x128xf32, #tpu.memory_space<hbm>> -> memref<1x128xf32, #tpu.memory_space<hbm>>
      %dma_wait3A_1685 = tpu.memref_squeeze %dma_wait3A_1684 : memref<1x128xf32, #tpu.memory_space<hbm>> -> memref<128xf32, #tpu.memory_space<hbm>>
      %dma_wait3A_1686 = arith.constant 256 : i32
      %dma_wait3A_1687 = tpu.memref_slice %arg24[%dma_wait3A_1686] : memref<640xf32, #tpu.memory_space<vmem>> -> memref<128xf32, #tpu.memory_space<vmem>>
      tpu.wait_dma2 semaphore(%run_scoped3A : memref<!tpu.dma_semaphore, #tpu.memory_space<semaphore_mem>>) src(%dma_wait3A_1687 : memref<128xf32, #tpu.memory_space<vmem>>) dst(%dma_wait3A_1685 : memref<128xf32, #tpu.memory_space<hbm>>)
      tpu.yield
    }) : () -> ()
    %mul3A_1662 = arith.constant 5 : i32
    %mul3A_1663 = arith.muli %add3A, %mul3A_1662 : i32
    %add3A_1664 = arith.constant 3 : i32
    %add3A_1665 = arith.addi %mul3A_1663, %add3A_1664 : i32
    "tpu.region"() ({
      %run_scoped3A = tpu.sem_alloc : memref<!tpu.dma_semaphore, #tpu.memory_space<semaphore_mem>>
      %dma_start3A = arith.constant 384 : i32
      %dma_start3A_1670 = tpu.memref_slice %arg20[%dma_start3A] : memref<640xf32, #tpu.memory_space<vmem>> -> memref<128xf32, #tpu.memory_space<vmem>>
      %dma_start3A_1671 = arith.constant 0 : i32
      %dma_start3A_1672 = tpu.memref_slice %arg8[%add3A_1665, %dma_start3A_1671] : memref<160x128xf32, #tpu.memory_space<hbm>> -> memref<1x128xf32, #tpu.memory_space<hbm>>
      %dma_start3A_1673 = tpu.memref_squeeze %dma_start3A_1672 : memref<1x128xf32, #tpu.memory_space<hbm>> -> memref<128xf32, #tpu.memory_space<hbm>>
      %dma_start3A_1674 = arith.constant 0 : i32
      %dma_start3A_1675 = tpu.memref_slice %arg8[%add3A_1665, %dma_start3A_1674] : memref<160x128xf32, #tpu.memory_space<hbm>> -> memref<1x128xf32, #tpu.memory_space<hbm>>
      %dma_start3A_1676 = tpu.memref_squeeze %dma_start3A_1675 : memref<1x128xf32, #tpu.memory_space<hbm>> -> memref<128xf32, #tpu.memory_space<hbm>>
      %dma_start3A_1677 = arith.constant 384 : i32
      %dma_start3A_1678 = tpu.memref_slice %arg20[%dma_start3A_1677] : memref<640xf32, #tpu.memory_space<vmem>> -> memref<128xf32, #tpu.memory_space<vmem>>
      tpu.enqueue_dma source(%dma_start3A_1678 : memref<128xf32, #tpu.memory_space<vmem>>) target(%dma_start3A_1676 : memref<128xf32, #tpu.memory_space<hbm>>) target_semaphore(%run_scoped3A : memref<!tpu.dma_semaphore, #tpu.memory_space<semaphore_mem>>)
      %dma_wait3A = arith.constant 384 : i32
      %dma_wait3A_1679 = tpu.memref_slice %arg20[%dma_wait3A] : memref<640xf32, #tpu.memory_space<vmem>> -> memref<128xf32, #tpu.memory_space<vmem>>
      %dma_wait3A_1680 = arith.constant 0 : i32
      %dma_wait3A_1681 = tpu.memref_slice %arg8[%add3A_1665, %dma_wait3A_1680] : memref<160x128xf32, #tpu.memory_space<hbm>> -> memref<1x128xf32, #tpu.memory_space<hbm>>
      %dma_wait3A_1682 = tpu.memref_squeeze %dma_wait3A_1681 : memref<1x128xf32, #tpu.memory_space<hbm>> -> memref<128xf32, #tpu.memory_space<hbm>>
      %dma_wait3A_1683 = arith.constant 0 : i32
      %dma_wait3A_1684 = tpu.memref_slice %arg8[%add3A_1665, %dma_wait3A_1683] : memref<160x128xf32, #tpu.memory_space<hbm>> -> memref<1x128xf32, #tpu.memory_space<hbm>>
      %dma_wait3A_1685 = tpu.memref_squeeze %dma_wait3A_1684 : memref<1x128xf32, #tpu.memory_space<hbm>> -> memref<128xf32, #tpu.memory_space<hbm>>
      %dma_wait3A_1686 = arith.constant 384 : i32
      %dma_wait3A_1687 = tpu.memref_slice %arg20[%dma_wait3A_1686] : memref<640xf32, #tpu.memory_space<vmem>> -> memref<128xf32, #tpu.memory_space<vmem>>
      tpu.wait_dma2 semaphore(%run_scoped3A : memref<!tpu.dma_semaphore, #tpu.memory_space<semaphore_mem>>) src(%dma_wait3A_1687 : memref<128xf32, #tpu.memory_space<vmem>>) dst(%dma_wait3A_1685 : memref<128xf32, #tpu.memory_space<hbm>>)
      tpu.yield
    }) : () -> ()
    "tpu.region"() ({
      %run_scoped3A = tpu.sem_alloc : memref<!tpu.dma_semaphore, #tpu.memory_space<semaphore_mem>>
      %dma_start3A = arith.constant 384 : i32
      %dma_start3A_1670 = tpu.memref_slice %arg21[%dma_start3A] : memref<640xf32, #tpu.memory_space<vmem>> -> memref<128xf32, #tpu.memory_space<vmem>>
      %dma_start3A_1671 = arith.constant 0 : i32
      %dma_start3A_1672 = tpu.memref_slice %arg9[%add3A_1665, %dma_start3A_1671] : memref<160x128xf32, #tpu.memory_space<hbm>> -> memref<1x128xf32, #tpu.memory_space<hbm>>
      %dma_start3A_1673 = tpu.memref_squeeze %dma_start3A_1672 : memref<1x128xf32, #tpu.memory_space<hbm>> -> memref<128xf32, #tpu.memory_space<hbm>>
      %dma_start3A_1674 = arith.constant 0 : i32
      %dma_start3A_1675 = tpu.memref_slice %arg9[%add3A_1665, %dma_start3A_1674] : memref<160x128xf32, #tpu.memory_space<hbm>> -> memref<1x128xf32, #tpu.memory_space<hbm>>
      %dma_start3A_1676 = tpu.memref_squeeze %dma_start3A_1675 : memref<1x128xf32, #tpu.memory_space<hbm>> -> memref<128xf32, #tpu.memory_space<hbm>>
      %dma_start3A_1677 = arith.constant 384 : i32
      %dma_start3A_1678 = tpu.memref_slice %arg21[%dma_start3A_1677] : memref<640xf32, #tpu.memory_space<vmem>> -> memref<128xf32, #tpu.memory_space<vmem>>
      tpu.enqueue_dma source(%dma_start3A_1678 : memref<128xf32, #tpu.memory_space<vmem>>) target(%dma_start3A_1676 : memref<128xf32, #tpu.memory_space<hbm>>) target_semaphore(%run_scoped3A : memref<!tpu.dma_semaphore, #tpu.memory_space<semaphore_mem>>)
      %dma_wait3A = arith.constant 384 : i32
      %dma_wait3A_1679 = tpu.memref_slice %arg21[%dma_wait3A] : memref<640xf32, #tpu.memory_space<vmem>> -> memref<128xf32, #tpu.memory_space<vmem>>
      %dma_wait3A_1680 = arith.constant 0 : i32
      %dma_wait3A_1681 = tpu.memref_slice %arg9[%add3A_1665, %dma_wait3A_1680] : memref<160x128xf32, #tpu.memory_space<hbm>> -> memref<1x128xf32, #tpu.memory_space<hbm>>
      %dma_wait3A_1682 = tpu.memref_squeeze %dma_wait3A_1681 : memref<1x128xf32, #tpu.memory_space<hbm>> -> memref<128xf32, #tpu.memory_space<hbm>>
      %dma_wait3A_1683 = arith.constant 0 : i32
      %dma_wait3A_1684 = tpu.memref_slice %arg9[%add3A_1665, %dma_wait3A_1683] : memref<160x128xf32, #tpu.memory_space<hbm>> -> memref<1x128xf32, #tpu.memory_space<hbm>>
      %dma_wait3A_1685 = tpu.memref_squeeze %dma_wait3A_1684 : memref<1x128xf32, #tpu.memory_space<hbm>> -> memref<128xf32, #tpu.memory_space<hbm>>
      %dma_wait3A_1686 = arith.constant 384 : i32
      %dma_wait3A_1687 = tpu.memref_slice %arg21[%dma_wait3A_1686] : memref<640xf32, #tpu.memory_space<vmem>> -> memref<128xf32, #tpu.memory_space<vmem>>
      tpu.wait_dma2 semaphore(%run_scoped3A : memref<!tpu.dma_semaphore, #tpu.memory_space<semaphore_mem>>) src(%dma_wait3A_1687 : memref<128xf32, #tpu.memory_space<vmem>>) dst(%dma_wait3A_1685 : memref<128xf32, #tpu.memory_space<hbm>>)
      tpu.yield
    }) : () -> ()
    "tpu.region"() ({
      %run_scoped3A = tpu.sem_alloc : memref<!tpu.dma_semaphore, #tpu.memory_space<semaphore_mem>>
      %dma_start3A = arith.constant 384 : i32
      %dma_start3A_1670 = tpu.memref_slice %arg22[%dma_start3A] : memref<640xf32, #tpu.memory_space<vmem>> -> memref<128xf32, #tpu.memory_space<vmem>>
      %dma_start3A_1671 = arith.constant 0 : i32
      %dma_start3A_1672 = tpu.memref_slice %arg10[%add3A_1665, %dma_start3A_1671] : memref<160x128xf32, #tpu.memory_space<hbm>> -> memref<1x128xf32, #tpu.memory_space<hbm>>
      %dma_start3A_1673 = tpu.memref_squeeze %dma_start3A_1672 : memref<1x128xf32, #tpu.memory_space<hbm>> -> memref<128xf32, #tpu.memory_space<hbm>>
      %dma_start3A_1674 = arith.constant 0 : i32
      %dma_start3A_1675 = tpu.memref_slice %arg10[%add3A_1665, %dma_start3A_1674] : memref<160x128xf32, #tpu.memory_space<hbm>> -> memref<1x128xf32, #tpu.memory_space<hbm>>
      %dma_start3A_1676 = tpu.memref_squeeze %dma_start3A_1675 : memref<1x128xf32, #tpu.memory_space<hbm>> -> memref<128xf32, #tpu.memory_space<hbm>>
      %dma_start3A_1677 = arith.constant 384 : i32
      %dma_start3A_1678 = tpu.memref_slice %arg22[%dma_start3A_1677] : memref<640xf32, #tpu.memory_space<vmem>> -> memref<128xf32, #tpu.memory_space<vmem>>
      tpu.enqueue_dma source(%dma_start3A_1678 : memref<128xf32, #tpu.memory_space<vmem>>) target(%dma_start3A_1676 : memref<128xf32, #tpu.memory_space<hbm>>) target_semaphore(%run_scoped3A : memref<!tpu.dma_semaphore, #tpu.memory_space<semaphore_mem>>)
      %dma_wait3A = arith.constant 384 : i32
      %dma_wait3A_1679 = tpu.memref_slice %arg22[%dma_wait3A] : memref<640xf32, #tpu.memory_space<vmem>> -> memref<128xf32, #tpu.memory_space<vmem>>
      %dma_wait3A_1680 = arith.constant 0 : i32
      %dma_wait3A_1681 = tpu.memref_slice %arg10[%add3A_1665, %dma_wait3A_1680] : memref<160x128xf32, #tpu.memory_space<hbm>> -> memref<1x128xf32, #tpu.memory_space<hbm>>
      %dma_wait3A_1682 = tpu.memref_squeeze %dma_wait3A_1681 : memref<1x128xf32, #tpu.memory_space<hbm>> -> memref<128xf32, #tpu.memory_space<hbm>>
      %dma_wait3A_1683 = arith.constant 0 : i32
      %dma_wait3A_1684 = tpu.memref_slice %arg10[%add3A_1665, %dma_wait3A_1683] : memref<160x128xf32, #tpu.memory_space<hbm>> -> memref<1x128xf32, #tpu.memory_space<hbm>>
      %dma_wait3A_1685 = tpu.memref_squeeze %dma_wait3A_1684 : memref<1x128xf32, #tpu.memory_space<hbm>> -> memref<128xf32, #tpu.memory_space<hbm>>
      %dma_wait3A_1686 = arith.constant 384 : i32
      %dma_wait3A_1687 = tpu.memref_slice %arg22[%dma_wait3A_1686] : memref<640xf32, #tpu.memory_space<vmem>> -> memref<128xf32, #tpu.memory_space<vmem>>
      tpu.wait_dma2 semaphore(%run_scoped3A : memref<!tpu.dma_semaphore, #tpu.memory_space<semaphore_mem>>) src(%dma_wait3A_1687 : memref<128xf32, #tpu.memory_space<vmem>>) dst(%dma_wait3A_1685 : memref<128xf32, #tpu.memory_space<hbm>>)
      tpu.yield
    }) : () -> ()
    "tpu.region"() ({
      %run_scoped3A = tpu.sem_alloc : memref<!tpu.dma_semaphore, #tpu.memory_space<semaphore_mem>>
      %dma_start3A = arith.constant 384 : i32
      %dma_start3A_1670 = tpu.memref_slice %arg23[%dma_start3A] : memref<640xf32, #tpu.memory_space<vmem>> -> memref<128xf32, #tpu.memory_space<vmem>>
      %dma_start3A_1671 = arith.constant 0 : i32
      %dma_start3A_1672 = tpu.memref_slice %arg11[%add3A_1665, %dma_start3A_1671] : memref<160x128xf32, #tpu.memory_space<hbm>> -> memref<1x128xf32, #tpu.memory_space<hbm>>
      %dma_start3A_1673 = tpu.memref_squeeze %dma_start3A_1672 : memref<1x128xf32, #tpu.memory_space<hbm>> -> memref<128xf32, #tpu.memory_space<hbm>>
      %dma_start3A_1674 = arith.constant 0 : i32
      %dma_start3A_1675 = tpu.memref_slice %arg11[%add3A_1665, %dma_start3A_1674] : memref<160x128xf32, #tpu.memory_space<hbm>> -> memref<1x128xf32, #tpu.memory_space<hbm>>
      %dma_start3A_1676 = tpu.memref_squeeze %dma_start3A_1675 : memref<1x128xf32, #tpu.memory_space<hbm>> -> memref<128xf32, #tpu.memory_space<hbm>>
      %dma_start3A_1677 = arith.constant 384 : i32
      %dma_start3A_1678 = tpu.memref_slice %arg23[%dma_start3A_1677] : memref<640xf32, #tpu.memory_space<vmem>> -> memref<128xf32, #tpu.memory_space<vmem>>
      tpu.enqueue_dma source(%dma_start3A_1678 : memref<128xf32, #tpu.memory_space<vmem>>) target(%dma_start3A_1676 : memref<128xf32, #tpu.memory_space<hbm>>) target_semaphore(%run_scoped3A : memref<!tpu.dma_semaphore, #tpu.memory_space<semaphore_mem>>)
      %dma_wait3A = arith.constant 384 : i32
      %dma_wait3A_1679 = tpu.memref_slice %arg23[%dma_wait3A] : memref<640xf32, #tpu.memory_space<vmem>> -> memref<128xf32, #tpu.memory_space<vmem>>
      %dma_wait3A_1680 = arith.constant 0 : i32
      %dma_wait3A_1681 = tpu.memref_slice %arg11[%add3A_1665, %dma_wait3A_1680] : memref<160x128xf32, #tpu.memory_space<hbm>> -> memref<1x128xf32, #tpu.memory_space<hbm>>
      %dma_wait3A_1682 = tpu.memref_squeeze %dma_wait3A_1681 : memref<1x128xf32, #tpu.memory_space<hbm>> -> memref<128xf32, #tpu.memory_space<hbm>>
      %dma_wait3A_1683 = arith.constant 0 : i32
      %dma_wait3A_1684 = tpu.memref_slice %arg11[%add3A_1665, %dma_wait3A_1683] : memref<160x128xf32, #tpu.memory_space<hbm>> -> memref<1x128xf32, #tpu.memory_space<hbm>>
      %dma_wait3A_1685 = tpu.memref_squeeze %dma_wait3A_1684 : memref<1x128xf32, #tpu.memory_space<hbm>> -> memref<128xf32, #tpu.memory_space<hbm>>
      %dma_wait3A_1686 = arith.constant 384 : i32
      %dma_wait3A_1687 = tpu.memref_slice %arg23[%dma_wait3A_1686] : memref<640xf32, #tpu.memory_space<vmem>> -> memref<128xf32, #tpu.memory_space<vmem>>
      tpu.wait_dma2 semaphore(%run_scoped3A : memref<!tpu.dma_semaphore, #tpu.memory_space<semaphore_mem>>) src(%dma_wait3A_1687 : memref<128xf32, #tpu.memory_space<vmem>>) dst(%dma_wait3A_1685 : memref<128xf32, #tpu.memory_space<hbm>>)
      tpu.yield
    }) : () -> ()
    "tpu.region"() ({
      %run_scoped3A = tpu.sem_alloc : memref<!tpu.dma_semaphore, #tpu.memory_space<semaphore_mem>>
      %dma_start3A = arith.constant 384 : i32
      %dma_start3A_1670 = tpu.memref_slice %arg24[%dma_start3A] : memref<640xf32, #tpu.memory_space<vmem>> -> memref<128xf32, #tpu.memory_space<vmem>>
      %dma_start3A_1671 = arith.constant 0 : i32
      %dma_start3A_1672 = tpu.memref_slice %arg12[%add3A_1665, %dma_start3A_1671] : memref<160x128xf32, #tpu.memory_space<hbm>> -> memref<1x128xf32, #tpu.memory_space<hbm>>
      %dma_start3A_1673 = tpu.memref_squeeze %dma_start3A_1672 : memref<1x128xf32, #tpu.memory_space<hbm>> -> memref<128xf32, #tpu.memory_space<hbm>>
      %dma_start3A_1674 = arith.constant 0 : i32
      %dma_start3A_1675 = tpu.memref_slice %arg12[%add3A_1665, %dma_start3A_1674] : memref<160x128xf32, #tpu.memory_space<hbm>> -> memref<1x128xf32, #tpu.memory_space<hbm>>
      %dma_start3A_1676 = tpu.memref_squeeze %dma_start3A_1675 : memref<1x128xf32, #tpu.memory_space<hbm>> -> memref<128xf32, #tpu.memory_space<hbm>>
      %dma_start3A_1677 = arith.constant 384 : i32
      %dma_start3A_1678 = tpu.memref_slice %arg24[%dma_start3A_1677] : memref<640xf32, #tpu.memory_space<vmem>> -> memref<128xf32, #tpu.memory_space<vmem>>
      tpu.enqueue_dma source(%dma_start3A_1678 : memref<128xf32, #tpu.memory_space<vmem>>) target(%dma_start3A_1676 : memref<128xf32, #tpu.memory_space<hbm>>) target_semaphore(%run_scoped3A : memref<!tpu.dma_semaphore, #tpu.memory_space<semaphore_mem>>)
      %dma_wait3A = arith.constant 384 : i32
      %dma_wait3A_1679 = tpu.memref_slice %arg24[%dma_wait3A] : memref<640xf32, #tpu.memory_space<vmem>> -> memref<128xf32, #tpu.memory_space<vmem>>
      %dma_wait3A_1680 = arith.constant 0 : i32
      %dma_wait3A_1681 = tpu.memref_slice %arg12[%add3A_1665, %dma_wait3A_1680] : memref<160x128xf32, #tpu.memory_space<hbm>> -> memref<1x128xf32, #tpu.memory_space<hbm>>
      %dma_wait3A_1682 = tpu.memref_squeeze %dma_wait3A_1681 : memref<1x128xf32, #tpu.memory_space<hbm>> -> memref<128xf32, #tpu.memory_space<hbm>>
      %dma_wait3A_1683 = arith.constant 0 : i32
      %dma_wait3A_1684 = tpu.memref_slice %arg12[%add3A_1665, %dma_wait3A_1683] : memref<160x128xf32, #tpu.memory_space<hbm>> -> memref<1x128xf32, #tpu.memory_space<hbm>>
      %dma_wait3A_1685 = tpu.memref_squeeze %dma_wait3A_1684 : memref<1x128xf32, #tpu.memory_space<hbm>> -> memref<128xf32, #tpu.memory_space<hbm>>
      %dma_wait3A_1686 = arith.constant 384 : i32
      %dma_wait3A_1687 = tpu.memref_slice %arg24[%dma_wait3A_1686] : memref<640xf32, #tpu.memory_space<vmem>> -> memref<128xf32, #tpu.memory_space<vmem>>
      tpu.wait_dma2 semaphore(%run_scoped3A : memref<!tpu.dma_semaphore, #tpu.memory_space<semaphore_mem>>) src(%dma_wait3A_1687 : memref<128xf32, #tpu.memory_space<vmem>>) dst(%dma_wait3A_1685 : memref<128xf32, #tpu.memory_space<hbm>>)
      tpu.yield
    }) : () -> ()
    %mul3A_1666 = arith.constant 5 : i32
    %mul3A_1667 = arith.muli %add3A, %mul3A_1666 : i32
    %add3A_1668 = arith.constant 4 : i32
    %add3A_1669 = arith.addi %mul3A_1667, %add3A_1668 : i32
    "tpu.region"() ({
      %run_scoped3A = tpu.sem_alloc : memref<!tpu.dma_semaphore, #tpu.memory_space<semaphore_mem>>
      %dma_start3A = arith.constant 512 : i32
      %dma_start3A_1670 = tpu.memref_slice %arg20[%dma_start3A] : memref<640xf32, #tpu.memory_space<vmem>> -> memref<128xf32, #tpu.memory_space<vmem>>
      %dma_start3A_1671 = arith.constant 0 : i32
      %dma_start3A_1672 = tpu.memref_slice %arg8[%add3A_1669, %dma_start3A_1671] : memref<160x128xf32, #tpu.memory_space<hbm>> -> memref<1x128xf32, #tpu.memory_space<hbm>>
      %dma_start3A_1673 = tpu.memref_squeeze %dma_start3A_1672 : memref<1x128xf32, #tpu.memory_space<hbm>> -> memref<128xf32, #tpu.memory_space<hbm>>
      %dma_start3A_1674 = arith.constant 0 : i32
      %dma_start3A_1675 = tpu.memref_slice %arg8[%add3A_1669, %dma_start3A_1674] : memref<160x128xf32, #tpu.memory_space<hbm>> -> memref<1x128xf32, #tpu.memory_space<hbm>>
      %dma_start3A_1676 = tpu.memref_squeeze %dma_start3A_1675 : memref<1x128xf32, #tpu.memory_space<hbm>> -> memref<128xf32, #tpu.memory_space<hbm>>
      %dma_start3A_1677 = arith.constant 512 : i32
      %dma_start3A_1678 = tpu.memref_slice %arg20[%dma_start3A_1677] : memref<640xf32, #tpu.memory_space<vmem>> -> memref<128xf32, #tpu.memory_space<vmem>>
      tpu.enqueue_dma source(%dma_start3A_1678 : memref<128xf32, #tpu.memory_space<vmem>>) target(%dma_start3A_1676 : memref<128xf32, #tpu.memory_space<hbm>>) target_semaphore(%run_scoped3A : memref<!tpu.dma_semaphore, #tpu.memory_space<semaphore_mem>>)
      %dma_wait3A = arith.constant 512 : i32
      %dma_wait3A_1679 = tpu.memref_slice %arg20[%dma_wait3A] : memref<640xf32, #tpu.memory_space<vmem>> -> memref<128xf32, #tpu.memory_space<vmem>>
      %dma_wait3A_1680 = arith.constant 0 : i32
      %dma_wait3A_1681 = tpu.memref_slice %arg8[%add3A_1669, %dma_wait3A_1680] : memref<160x128xf32, #tpu.memory_space<hbm>> -> memref<1x128xf32, #tpu.memory_space<hbm>>
      %dma_wait3A_1682 = tpu.memref_squeeze %dma_wait3A_1681 : memref<1x128xf32, #tpu.memory_space<hbm>> -> memref<128xf32, #tpu.memory_space<hbm>>
      %dma_wait3A_1683 = arith.constant 0 : i32
      %dma_wait3A_1684 = tpu.memref_slice %arg8[%add3A_1669, %dma_wait3A_1683] : memref<160x128xf32, #tpu.memory_space<hbm>> -> memref<1x128xf32, #tpu.memory_space<hbm>>
      %dma_wait3A_1685 = tpu.memref_squeeze %dma_wait3A_1684 : memref<1x128xf32, #tpu.memory_space<hbm>> -> memref<128xf32, #tpu.memory_space<hbm>>
      %dma_wait3A_1686 = arith.constant 512 : i32
      %dma_wait3A_1687 = tpu.memref_slice %arg20[%dma_wait3A_1686] : memref<640xf32, #tpu.memory_space<vmem>> -> memref<128xf32, #tpu.memory_space<vmem>>
      tpu.wait_dma2 semaphore(%run_scoped3A : memref<!tpu.dma_semaphore, #tpu.memory_space<semaphore_mem>>) src(%dma_wait3A_1687 : memref<128xf32, #tpu.memory_space<vmem>>) dst(%dma_wait3A_1685 : memref<128xf32, #tpu.memory_space<hbm>>)
      tpu.yield
    }) : () -> ()
    "tpu.region"() ({
      %run_scoped3A = tpu.sem_alloc : memref<!tpu.dma_semaphore, #tpu.memory_space<semaphore_mem>>
      %dma_start3A = arith.constant 512 : i32
      %dma_start3A_1670 = tpu.memref_slice %arg21[%dma_start3A] : memref<640xf32, #tpu.memory_space<vmem>> -> memref<128xf32, #tpu.memory_space<vmem>>
      %dma_start3A_1671 = arith.constant 0 : i32
      %dma_start3A_1672 = tpu.memref_slice %arg9[%add3A_1669, %dma_start3A_1671] : memref<160x128xf32, #tpu.memory_space<hbm>> -> memref<1x128xf32, #tpu.memory_space<hbm>>
      %dma_start3A_1673 = tpu.memref_squeeze %dma_start3A_1672 : memref<1x128xf32, #tpu.memory_space<hbm>> -> memref<128xf32, #tpu.memory_space<hbm>>
      %dma_start3A_1674 = arith.constant 0 : i32
      %dma_start3A_1675 = tpu.memref_slice %arg9[%add3A_1669, %dma_start3A_1674] : memref<160x128xf32, #tpu.memory_space<hbm>> -> memref<1x128xf32, #tpu.memory_space<hbm>>
      %dma_start3A_1676 = tpu.memref_squeeze %dma_start3A_1675 : memref<1x128xf32, #tpu.memory_space<hbm>> -> memref<128xf32, #tpu.memory_space<hbm>>
      %dma_start3A_1677 = arith.constant 512 : i32
      %dma_start3A_1678 = tpu.memref_slice %arg21[%dma_start3A_1677] : memref<640xf32, #tpu.memory_space<vmem>> -> memref<128xf32, #tpu.memory_space<vmem>>
      tpu.enqueue_dma source(%dma_start3A_1678 : memref<128xf32, #tpu.memory_space<vmem>>) target(%dma_start3A_1676 : memref<128xf32, #tpu.memory_space<hbm>>) target_semaphore(%run_scoped3A : memref<!tpu.dma_semaphore, #tpu.memory_space<semaphore_mem>>)
      %dma_wait3A = arith.constant 512 : i32
      %dma_wait3A_1679 = tpu.memref_slice %arg21[%dma_wait3A] : memref<640xf32, #tpu.memory_space<vmem>> -> memref<128xf32, #tpu.memory_space<vmem>>
      %dma_wait3A_1680 = arith.constant 0 : i32
      %dma_wait3A_1681 = tpu.memref_slice %arg9[%add3A_1669, %dma_wait3A_1680] : memref<160x128xf32, #tpu.memory_space<hbm>> -> memref<1x128xf32, #tpu.memory_space<hbm>>
      %dma_wait3A_1682 = tpu.memref_squeeze %dma_wait3A_1681 : memref<1x128xf32, #tpu.memory_space<hbm>> -> memref<128xf32, #tpu.memory_space<hbm>>
      %dma_wait3A_1683 = arith.constant 0 : i32
      %dma_wait3A_1684 = tpu.memref_slice %arg9[%add3A_1669, %dma_wait3A_1683] : memref<160x128xf32, #tpu.memory_space<hbm>> -> memref<1x128xf32, #tpu.memory_space<hbm>>
      %dma_wait3A_1685 = tpu.memref_squeeze %dma_wait3A_1684 : memref<1x128xf32, #tpu.memory_space<hbm>> -> memref<128xf32, #tpu.memory_space<hbm>>
      %dma_wait3A_1686 = arith.constant 512 : i32
      %dma_wait3A_1687 = tpu.memref_slice %arg21[%dma_wait3A_1686] : memref<640xf32, #tpu.memory_space<vmem>> -> memref<128xf32, #tpu.memory_space<vmem>>
      tpu.wait_dma2 semaphore(%run_scoped3A : memref<!tpu.dma_semaphore, #tpu.memory_space<semaphore_mem>>) src(%dma_wait3A_1687 : memref<128xf32, #tpu.memory_space<vmem>>) dst(%dma_wait3A_1685 : memref<128xf32, #tpu.memory_space<hbm>>)
      tpu.yield
    }) : () -> ()
    "tpu.region"() ({
      %run_scoped3A = tpu.sem_alloc : memref<!tpu.dma_semaphore, #tpu.memory_space<semaphore_mem>>
      %dma_start3A = arith.constant 512 : i32
      %dma_start3A_1670 = tpu.memref_slice %arg22[%dma_start3A] : memref<640xf32, #tpu.memory_space<vmem>> -> memref<128xf32, #tpu.memory_space<vmem>>
      %dma_start3A_1671 = arith.constant 0 : i32
      %dma_start3A_1672 = tpu.memref_slice %arg10[%add3A_1669, %dma_start3A_1671] : memref<160x128xf32, #tpu.memory_space<hbm>> -> memref<1x128xf32, #tpu.memory_space<hbm>>
      %dma_start3A_1673 = tpu.memref_squeeze %dma_start3A_1672 : memref<1x128xf32, #tpu.memory_space<hbm>> -> memref<128xf32, #tpu.memory_space<hbm>>
      %dma_start3A_1674 = arith.constant 0 : i32
      %dma_start3A_1675 = tpu.memref_slice %arg10[%add3A_1669, %dma_start3A_1674] : memref<160x128xf32, #tpu.memory_space<hbm>> -> memref<1x128xf32, #tpu.memory_space<hbm>>
      %dma_start3A_1676 = tpu.memref_squeeze %dma_start3A_1675 : memref<1x128xf32, #tpu.memory_space<hbm>> -> memref<128xf32, #tpu.memory_space<hbm>>
      %dma_start3A_1677 = arith.constant 512 : i32
      %dma_start3A_1678 = tpu.memref_slice %arg22[%dma_start3A_1677] : memref<640xf32, #tpu.memory_space<vmem>> -> memref<128xf32, #tpu.memory_space<vmem>>
      tpu.enqueue_dma source(%dma_start3A_1678 : memref<128xf32, #tpu.memory_space<vmem>>) target(%dma_start3A_1676 : memref<128xf32, #tpu.memory_space<hbm>>) target_semaphore(%run_scoped3A : memref<!tpu.dma_semaphore, #tpu.memory_space<semaphore_mem>>)
      %dma_wait3A = arith.constant 512 : i32
      %dma_wait3A_1679 = tpu.memref_slice %arg22[%dma_wait3A] : memref<640xf32, #tpu.memory_space<vmem>> -> memref<128xf32, #tpu.memory_space<vmem>>
      %dma_wait3A_1680 = arith.constant 0 : i32
      %dma_wait3A_1681 = tpu.memref_slice %arg10[%add3A_1669, %dma_wait3A_1680] : memref<160x128xf32, #tpu.memory_space<hbm>> -> memref<1x128xf32, #tpu.memory_space<hbm>>
      %dma_wait3A_1682 = tpu.memref_squeeze %dma_wait3A_1681 : memref<1x128xf32, #tpu.memory_space<hbm>> -> memref<128xf32, #tpu.memory_space<hbm>>
      %dma_wait3A_1683 = arith.constant 0 : i32
      %dma_wait3A_1684 = tpu.memref_slice %arg10[%add3A_1669, %dma_wait3A_1683] : memref<160x128xf32, #tpu.memory_space<hbm>> -> memref<1x128xf32, #tpu.memory_space<hbm>>
      %dma_wait3A_1685 = tpu.memref_squeeze %dma_wait3A_1684 : memref<1x128xf32, #tpu.memory_space<hbm>> -> memref<128xf32, #tpu.memory_space<hbm>>
      %dma_wait3A_1686 = arith.constant 512 : i32
      %dma_wait3A_1687 = tpu.memref_slice %arg22[%dma_wait3A_1686] : memref<640xf32, #tpu.memory_space<vmem>> -> memref<128xf32, #tpu.memory_space<vmem>>
      tpu.wait_dma2 semaphore(%run_scoped3A : memref<!tpu.dma_semaphore, #tpu.memory_space<semaphore_mem>>) src(%dma_wait3A_1687 : memref<128xf32, #tpu.memory_space<vmem>>) dst(%dma_wait3A_1685 : memref<128xf32, #tpu.memory_space<hbm>>)
      tpu.yield
    }) : () -> ()
    "tpu.region"() ({
      %run_scoped3A = tpu.sem_alloc : memref<!tpu.dma_semaphore, #tpu.memory_space<semaphore_mem>>
      %dma_start3A = arith.constant 512 : i32
      %dma_start3A_1670 = tpu.memref_slice %arg23[%dma_start3A] : memref<640xf32, #tpu.memory_space<vmem>> -> memref<128xf32, #tpu.memory_space<vmem>>
      %dma_start3A_1671 = arith.constant 0 : i32
      %dma_start3A_1672 = tpu.memref_slice %arg11[%add3A_1669, %dma_start3A_1671] : memref<160x128xf32, #tpu.memory_space<hbm>> -> memref<1x128xf32, #tpu.memory_space<hbm>>
      %dma_start3A_1673 = tpu.memref_squeeze %dma_start3A_1672 : memref<1x128xf32, #tpu.memory_space<hbm>> -> memref<128xf32, #tpu.memory_space<hbm>>
      %dma_start3A_1674 = arith.constant 0 : i32
      %dma_start3A_1675 = tpu.memref_slice %arg11[%add3A_1669, %dma_start3A_1674] : memref<160x128xf32, #tpu.memory_space<hbm>> -> memref<1x128xf32, #tpu.memory_space<hbm>>
      %dma_start3A_1676 = tpu.memref_squeeze %dma_start3A_1675 : memref<1x128xf32, #tpu.memory_space<hbm>> -> memref<128xf32, #tpu.memory_space<hbm>>
      %dma_start3A_1677 = arith.constant 512 : i32
      %dma_start3A_1678 = tpu.memref_slice %arg23[%dma_start3A_1677] : memref<640xf32, #tpu.memory_space<vmem>> -> memref<128xf32, #tpu.memory_space<vmem>>
      tpu.enqueue_dma source(%dma_start3A_1678 : memref<128xf32, #tpu.memory_space<vmem>>) target(%dma_start3A_1676 : memref<128xf32, #tpu.memory_space<hbm>>) target_semaphore(%run_scoped3A : memref<!tpu.dma_semaphore, #tpu.memory_space<semaphore_mem>>)
      %dma_wait3A = arith.constant 512 : i32
      %dma_wait3A_1679 = tpu.memref_slice %arg23[%dma_wait3A] : memref<640xf32, #tpu.memory_space<vmem>> -> memref<128xf32, #tpu.memory_space<vmem>>
      %dma_wait3A_1680 = arith.constant 0 : i32
      %dma_wait3A_1681 = tpu.memref_slice %arg11[%add3A_1669, %dma_wait3A_1680] : memref<160x128xf32, #tpu.memory_space<hbm>> -> memref<1x128xf32, #tpu.memory_space<hbm>>
      %dma_wait3A_1682 = tpu.memref_squeeze %dma_wait3A_1681 : memref<1x128xf32, #tpu.memory_space<hbm>> -> memref<128xf32, #tpu.memory_space<hbm>>
      %dma_wait3A_1683 = arith.constant 0 : i32
      %dma_wait3A_1684 = tpu.memref_slice %arg11[%add3A_1669, %dma_wait3A_1683] : memref<160x128xf32, #tpu.memory_space<hbm>> -> memref<1x128xf32, #tpu.memory_space<hbm>>
      %dma_wait3A_1685 = tpu.memref_squeeze %dma_wait3A_1684 : memref<1x128xf32, #tpu.memory_space<hbm>> -> memref<128xf32, #tpu.memory_space<hbm>>
      %dma_wait3A_1686 = arith.constant 512 : i32
      %dma_wait3A_1687 = tpu.memref_slice %arg23[%dma_wait3A_1686] : memref<640xf32, #tpu.memory_space<vmem>> -> memref<128xf32, #tpu.memory_space<vmem>>
      tpu.wait_dma2 semaphore(%run_scoped3A : memref<!tpu.dma_semaphore, #tpu.memory_space<semaphore_mem>>) src(%dma_wait3A_1687 : memref<128xf32, #tpu.memory_space<vmem>>) dst(%dma_wait3A_1685 : memref<128xf32, #tpu.memory_space<hbm>>)
      tpu.yield
    }) : () -> ()
    "tpu.region"() ({
      %run_scoped3A = tpu.sem_alloc : memref<!tpu.dma_semaphore, #tpu.memory_space<semaphore_mem>>
      %dma_start3A = arith.constant 512 : i32
      %dma_start3A_1670 = tpu.memref_slice %arg24[%dma_start3A] : memref<640xf32, #tpu.memory_space<vmem>> -> memref<128xf32, #tpu.memory_space<vmem>>
      %dma_start3A_1671 = arith.constant 0 : i32
      %dma_start3A_1672 = tpu.memref_slice %arg12[%add3A_1669, %dma_start3A_1671] : memref<160x128xf32, #tpu.memory_space<hbm>> -> memref<1x128xf32, #tpu.memory_space<hbm>>
      %dma_start3A_1673 = tpu.memref_squeeze %dma_start3A_1672 : memref<1x128xf32, #tpu.memory_space<hbm>> -> memref<128xf32, #tpu.memory_space<hbm>>
      %dma_start3A_1674 = arith.constant 0 : i32
      %dma_start3A_1675 = tpu.memref_slice %arg12[%add3A_1669, %dma_start3A_1674] : memref<160x128xf32, #tpu.memory_space<hbm>> -> memref<1x128xf32, #tpu.memory_space<hbm>>
      %dma_start3A_1676 = tpu.memref_squeeze %dma_start3A_1675 : memref<1x128xf32, #tpu.memory_space<hbm>> -> memref<128xf32, #tpu.memory_space<hbm>>
      %dma_start3A_1677 = arith.constant 512 : i32
      %dma_start3A_1678 = tpu.memref_slice %arg24[%dma_start3A_1677] : memref<640xf32, #tpu.memory_space<vmem>> -> memref<128xf32, #tpu.memory_space<vmem>>
      tpu.enqueue_dma source(%dma_start3A_1678 : memref<128xf32, #tpu.memory_space<vmem>>) target(%dma_start3A_1676 : memref<128xf32, #tpu.memory_space<hbm>>) target_semaphore(%run_scoped3A : memref<!tpu.dma_semaphore, #tpu.memory_space<semaphore_mem>>)
      %dma_wait3A = arith.constant 512 : i32
      %dma_wait3A_1679 = tpu.memref_slice %arg24[%dma_wait3A] : memref<640xf32, #tpu.memory_space<vmem>> -> memref<128xf32, #tpu.memory_space<vmem>>
      %dma_wait3A_1680 = arith.constant 0 : i32
      %dma_wait3A_1681 = tpu.memref_slice %arg12[%add3A_1669, %dma_wait3A_1680] : memref<160x128xf32, #tpu.memory_space<hbm>> -> memref<1x128xf32, #tpu.memory_space<hbm>>
      %dma_wait3A_1682 = tpu.memref_squeeze %dma_wait3A_1681 : memref<1x128xf32, #tpu.memory_space<hbm>> -> memref<128xf32, #tpu.memory_space<hbm>>
      %dma_wait3A_1683 = arith.constant 0 : i32
      %dma_wait3A_1684 = tpu.memref_slice %arg12[%add3A_1669, %dma_wait3A_1683] : memref<160x128xf32, #tpu.memory_space<hbm>> -> memref<1x128xf32, #tpu.memory_space<hbm>>
      %dma_wait3A_1685 = tpu.memref_squeeze %dma_wait3A_1684 : memref<1x128xf32, #tpu.memory_space<hbm>> -> memref<128xf32, #tpu.memory_space<hbm>>
      %dma_wait3A_1686 = arith.constant 512 : i32
      %dma_wait3A_1687 = tpu.memref_slice %arg24[%dma_wait3A_1686] : memref<640xf32, #tpu.memory_space<vmem>> -> memref<128xf32, #tpu.memory_space<vmem>>
      tpu.wait_dma2 semaphore(%run_scoped3A : memref<!tpu.dma_semaphore, #tpu.memory_space<semaphore_mem>>) src(%dma_wait3A_1687 : memref<128xf32, #tpu.memory_space<vmem>>) dst(%dma_wait3A_1685 : memref<128xf32, #tpu.memory_space<hbm>>)
      tpu.yield
    }) : () -> ()
    return
  }
}

module attributes {stable_mosaic.version = 14 : i64} {
  func.func @_decode_body(%arg0: i32, %arg1: memref<1x81x5000xf32, #tpu.memory_space<vmem>>, %arg2: memref<1x4x81x5000xf32, #tpu.memory_space<vmem>>, %arg3: memref<1x4x5000xf32, #tpu.memory_space<vmem>>, %arg4: memref<1x1x5120xi32, #tpu.memory_space<vmem>>, %arg5: memref<1x1x5120xf32, #tpu.memory_space<vmem>>, %arg6: memref<1x1x5120xf32, #tpu.memory_space<vmem>>, %arg7: memref<1x1x5120xf32, #tpu.memory_space<vmem>>, %arg8: memref<1x1x5120xf32, #tpu.memory_space<vmem>>, %arg9: memref<1x1x5120xf32, #tpu.memory_space<vmem>>) attributes {dimension_semantics = [#tpu.dimension_semantics<arbitrary>], iteration_bounds = array<i64: 2>, scalar_prefetch = 0 : i64, scratch_operands = 0 : i64, tpu.core_type = #tpu.core_type<tc>, window_params = [{transform_indices = @transform_0, window_bounds = array<i64: 1, 81, 5000>}, {transform_indices = @transform_1, window_bounds = array<i64: 1, 4, 81, 5000>}, {transform_indices = @transform_2, window_bounds = array<i64: 1, 4, 5000>}, {transform_indices = @transform_3, window_bounds = array<i64: 1, 1, 5120>}, {transform_indices = @transform_4, window_bounds = array<i64: 1, 1, 5120>}, {transform_indices = @transform_5, window_bounds = array<i64: 1, 1, 5120>}, {transform_indices = @transform_6, window_bounds = array<i64: 1, 1, 5120>}, {transform_indices = @transform_7, window_bounds = array<i64: 1, 1, 5120>}, {transform_indices = @transform_8, window_bounds = array<i64: 1, 1, 5120>}]} {
    %get3A = arith.constant 0 : index
    %get3A_0 = arith.constant 0 : index
    %get3A_1 = arith.constant 0 : index
    %get3A_2 = vector.load %arg1[%get3A, %get3A_0, %get3A_1] : memref<1x81x5000xf32, #tpu.memory_space<vmem>>, vector<1x81x5000xf32>
    %get3A_3 = vector.shape_cast %get3A_2 : vector<1x81x5000xf32> to vector<81x5000xf32>
    %reduce_max3A = arith.constant dense<0xFF800000> : vector<5000xf32>
    %reduce_max3A_4 = vector.multi_reduction <maximumf>, %get3A_3, %reduce_max3A [0] : vector<81x5000xf32> to vector<5000xf32>
    %broadcast_in_dim3A = vector.shape_cast %reduce_max3A_4 : vector<5000xf32> to vector<1x5000xf32>
    %iota3A = tpu.iota {dimensions = array<i32: 0>} : vector<81x5000xi32>
    %eq3A = vector.broadcast %broadcast_in_dim3A : vector<1x5000xf32> to vector<81x5000xf32>
    %eq3A_5 = arith.cmpf oeq, %get3A_3, %eq3A : vector<81x5000xf32>
    %jit3A = arith.constant 81 : i32
    %broadcast_in_dim3A_6 = vector.broadcast %jit3A : i32 to vector<81x5000xi32>
    %select_n3A = arith.select %eq3A_5, %iota3A, %broadcast_in_dim3A_6 : vector<81x5000xi1>, vector<81x5000xi32>
    %reduce_min3A = arith.constant dense<2147483647> : vector<5000xi32>
    %reduce_min3A_7 = vector.multi_reduction <minsi>, %select_n3A, %reduce_min3A [0] : vector<81x5000xi32> to vector<5000xi32>
    %broadcast_in_dim3A_8 = vector.shape_cast %reduce_min3A_7 : vector<5000xi32> to vector<1x5000xi32>
    %eq3A_9 = vector.broadcast %broadcast_in_dim3A_8 : vector<1x5000xi32> to vector<81x5000xi32>
    %eq3A_10 = arith.cmpi eq, %iota3A, %eq3A_9 : vector<81x5000xi32>
    %get3A_11 = arith.constant 0 : index
    %get3A_12 = arith.constant 0 : index
    %get3A_13 = arith.constant 0 : index
    %get3A_14 = arith.constant 0 : index
    %get3A_15 = vector.load %arg2[%get3A_11, %get3A_12, %get3A_13, %get3A_14] : memref<1x4x81x5000xf32, #tpu.memory_space<vmem>>, vector<1x1x81x5000xf32>
    %get3A_16 = vector.shape_cast %get3A_15 : vector<1x1x81x5000xf32> to vector<81x5000xf32>
    %jit3A_17 = arith.constant 0.000000e+00 : f32
    %broadcast_in_dim3A_18 = vector.broadcast %jit3A_17 : f32 to vector<81x5000xf32>
    %select_n3A_19 = arith.select %eq3A_10, %get3A_16, %broadcast_in_dim3A_18 : vector<81x5000xi1>, vector<81x5000xf32>
    %reduce_sum3A = arith.constant dense<0.000000e+00> : vector<5000xf32>
    %reduce_sum3A_20 = vector.multi_reduction <add>, %select_n3A_19, %reduce_sum3A [0] : vector<81x5000xf32> to vector<5000xf32>
    %broadcast_in_dim3A_21 = vector.shape_cast %reduce_sum3A_20 : vector<5000xf32> to vector<1x5000xf32>
    %get3A_22 = arith.constant 0 : index
    %get3A_23 = arith.constant 1 : index
    %get3A_24 = arith.constant 0 : index
    %get3A_25 = arith.constant 0 : index
    %get3A_26 = vector.load %arg2[%get3A_22, %get3A_23, %get3A_24, %get3A_25] : memref<1x4x81x5000xf32, #tpu.memory_space<vmem>>, vector<1x1x81x5000xf32>
    %get3A_27 = vector.shape_cast %get3A_26 : vector<1x1x81x5000xf32> to vector<81x5000xf32>
    %jit3A_28 = arith.constant 0.000000e+00 : f32
    %broadcast_in_dim3A_29 = vector.broadcast %jit3A_28 : f32 to vector<81x5000xf32>
    %select_n3A_30 = arith.select %eq3A_10, %get3A_27, %broadcast_in_dim3A_29 : vector<81x5000xi1>, vector<81x5000xf32>
    %reduce_sum3A_31 = arith.constant dense<0.000000e+00> : vector<5000xf32>
    %reduce_sum3A_32 = vector.multi_reduction <add>, %select_n3A_30, %reduce_sum3A_31 [0] : vector<81x5000xf32> to vector<5000xf32>
    %broadcast_in_dim3A_33 = vector.shape_cast %reduce_sum3A_32 : vector<5000xf32> to vector<1x5000xf32>
    %get3A_34 = arith.constant 0 : index
    %get3A_35 = arith.constant 2 : index
    %get3A_36 = arith.constant 0 : index
    %get3A_37 = arith.constant 0 : index
    %get3A_38 = vector.load %arg2[%get3A_34, %get3A_35, %get3A_36, %get3A_37] : memref<1x4x81x5000xf32, #tpu.memory_space<vmem>>, vector<1x1x81x5000xf32>
    %get3A_39 = vector.shape_cast %get3A_38 : vector<1x1x81x5000xf32> to vector<81x5000xf32>
    %jit3A_40 = arith.constant 0.000000e+00 : f32
    %broadcast_in_dim3A_41 = vector.broadcast %jit3A_40 : f32 to vector<81x5000xf32>
    %select_n3A_42 = arith.select %eq3A_10, %get3A_39, %broadcast_in_dim3A_41 : vector<81x5000xi1>, vector<81x5000xf32>
    %reduce_sum3A_43 = arith.constant dense<0.000000e+00> : vector<5000xf32>
    %reduce_sum3A_44 = vector.multi_reduction <add>, %select_n3A_42, %reduce_sum3A_43 [0] : vector<81x5000xf32> to vector<5000xf32>
    %broadcast_in_dim3A_45 = vector.shape_cast %reduce_sum3A_44 : vector<5000xf32> to vector<1x5000xf32>
    %get3A_46 = arith.constant 0 : index
    %get3A_47 = arith.constant 3 : index
    %get3A_48 = arith.constant 0 : index
    %get3A_49 = arith.constant 0 : index
    %get3A_50 = vector.load %arg2[%get3A_46, %get3A_47, %get3A_48, %get3A_49] : memref<1x4x81x5000xf32, #tpu.memory_space<vmem>>, vector<1x1x81x5000xf32>
    %get3A_51 = vector.shape_cast %get3A_50 : vector<1x1x81x5000xf32> to vector<81x5000xf32>
    %jit3A_52 = arith.constant 0.000000e+00 : f32
    %broadcast_in_dim3A_53 = vector.broadcast %jit3A_52 : f32 to vector<81x5000xf32>
    %select_n3A_54 = arith.select %eq3A_10, %get3A_51, %broadcast_in_dim3A_53 : vector<81x5000xi1>, vector<81x5000xf32>
    %reduce_sum3A_55 = arith.constant dense<0.000000e+00> : vector<5000xf32>
    %reduce_sum3A_56 = vector.multi_reduction <add>, %select_n3A_54, %reduce_sum3A_55 [0] : vector<81x5000xf32> to vector<5000xf32>
    %broadcast_in_dim3A_57 = vector.shape_cast %reduce_sum3A_56 : vector<5000xf32> to vector<1x5000xf32>
    %get3A_58 = arith.constant 0 : index
    %get3A_59 = arith.constant 0 : index
    %get3A_60 = arith.constant 0 : index
    %get3A_61 = vector.load %arg3[%get3A_58, %get3A_59, %get3A_60] : memref<1x4x5000xf32, #tpu.memory_space<vmem>>, vector<1x1x5000xf32>
    %get3A_62 = vector.shape_cast %get3A_61 : vector<1x1x5000xf32> to vector<1x5000xf32>
    %get3A_63 = arith.constant 0 : index
    %get3A_64 = arith.constant 1 : index
    %get3A_65 = arith.constant 0 : index
    %get3A_66 = vector.load %arg3[%get3A_63, %get3A_64, %get3A_65] : memref<1x4x5000xf32, #tpu.memory_space<vmem>>, vector<1x1x5000xf32>
    %get3A_67 = vector.shape_cast %get3A_66 : vector<1x1x5000xf32> to vector<1x5000xf32>
    %get3A_68 = arith.constant 0 : index
    %get3A_69 = arith.constant 2 : index
    %get3A_70 = arith.constant 0 : index
    %get3A_71 = vector.load %arg3[%get3A_68, %get3A_69, %get3A_70] : memref<1x4x5000xf32, #tpu.memory_space<vmem>>, vector<1x1x5000xf32>
    %get3A_72 = vector.shape_cast %get3A_71 : vector<1x1x5000xf32> to vector<1x5000xf32>
    %get3A_73 = arith.constant 0 : index
    %get3A_74 = arith.constant 3 : index
    %get3A_75 = arith.constant 0 : index
    %get3A_76 = vector.load %arg3[%get3A_73, %get3A_74, %get3A_75] : memref<1x4x5000xf32, #tpu.memory_space<vmem>>, vector<1x1x5000xf32>
    %get3A_77 = vector.shape_cast %get3A_76 : vector<1x1x5000xf32> to vector<1x5000xf32>
    %sub3A = arith.subf %get3A_72, %get3A_62 : vector<1x5000xf32>
    %sub3A_78 = arith.subf %get3A_77, %get3A_67 : vector<1x5000xf32>
    %mul3A = arith.constant 5.000000e-01 : f32
    %mul3A_79 = vector.broadcast %mul3A : f32 to vector<1x5000xf32>
    %mul3A_80 = arith.mulf %mul3A_79, %sub3A : vector<1x5000xf32>
    %add3A = arith.addf %get3A_62, %mul3A_80 : vector<1x5000xf32>
    %mul3A_81 = arith.mulf %broadcast_in_dim3A_21, %sub3A : vector<1x5000xf32>
    %add3A_82 = arith.addf %add3A, %mul3A_81 : vector<1x5000xf32>
    %mul3A_83 = arith.constant 5.000000e-01 : f32
    %mul3A_84 = vector.broadcast %mul3A_83 : f32 to vector<1x5000xf32>
    %mul3A_85 = arith.mulf %mul3A_84, %sub3A_78 : vector<1x5000xf32>
    %add3A_86 = arith.addf %get3A_67, %mul3A_85 : vector<1x5000xf32>
    %mul3A_87 = arith.mulf %broadcast_in_dim3A_33, %sub3A_78 : vector<1x5000xf32>
    %add3A_88 = arith.addf %add3A_86, %mul3A_87 : vector<1x5000xf32>
    %exp3A = math.exp %broadcast_in_dim3A_45 : vector<1x5000xf32>
    %mul3A_89 = arith.mulf %sub3A, %exp3A : vector<1x5000xf32>
    %exp3A_90 = math.exp %broadcast_in_dim3A_57 : vector<1x5000xf32>
    %mul3A_91 = arith.mulf %sub3A_78, %exp3A_90 : vector<1x5000xf32>
    %mul3A_92 = arith.constant 5.000000e-01 : f32
    %mul3A_93 = vector.broadcast %mul3A_92 : f32 to vector<1x5000xf32>
    %mul3A_94 = arith.mulf %mul3A_93, %mul3A_89 : vector<1x5000xf32>
    %sub3A_95 = arith.subf %add3A_82, %mul3A_94 : vector<1x5000xf32>
    %swap3A = arith.constant 0 : index
    %swap3A_96 = arith.constant 0 : index
    %swap3A_97 = arith.constant 0 : index
    %swap3A_98 = vector.load %arg6[%swap3A, %swap3A_96, %swap3A_97] : memref<1x1x5120xf32, #tpu.memory_space<vmem>>, vector<1x1x5000xf32>
    %swap3A_99 = vector.shape_cast %swap3A_98 : vector<1x1x5000xf32> to vector<1x5000xf32>
    %swap3A_100 = vector.shape_cast %sub3A_95 : vector<1x5000xf32> to vector<1x1x5000xf32>
    tpu.vector_store %arg6[%swap3A, %swap3A_96, %swap3A_97], %swap3A_100 {strides = array<i32>} : memref<1x1x5120xf32, #tpu.memory_space<vmem>>, vector<1x1x5000xf32>,
    %mul3A_101 = arith.constant 5.000000e-01 : f32
    %mul3A_102 = vector.broadcast %mul3A_101 : f32 to vector<1x5000xf32>
    %mul3A_103 = arith.mulf %mul3A_102, %mul3A_91 : vector<1x5000xf32>
    %sub3A_104 = arith.subf %add3A_88, %mul3A_103 : vector<1x5000xf32>
    %swap3A_105 = arith.constant 0 : index
    %swap3A_106 = arith.constant 0 : index
    %swap3A_107 = arith.constant 0 : index
    %swap3A_108 = vector.load %arg7[%swap3A_105, %swap3A_106, %swap3A_107] : memref<1x1x5120xf32, #tpu.memory_space<vmem>>, vector<1x1x5000xf32>
    %swap3A_109 = vector.shape_cast %swap3A_108 : vector<1x1x5000xf32> to vector<1x5000xf32>
    %swap3A_110 = vector.shape_cast %sub3A_104 : vector<1x5000xf32> to vector<1x1x5000xf32>
    tpu.vector_store %arg7[%swap3A_105, %swap3A_106, %swap3A_107], %swap3A_110 {strides = array<i32>} : memref<1x1x5120xf32, #tpu.memory_space<vmem>>, vector<1x1x5000xf32>,
    %mul3A_111 = arith.constant 5.000000e-01 : f32
    %mul3A_112 = vector.broadcast %mul3A_111 : f32 to vector<1x5000xf32>
    %mul3A_113 = arith.mulf %mul3A_112, %mul3A_89 : vector<1x5000xf32>
    %add3A_114 = arith.addf %add3A_82, %mul3A_113 : vector<1x5000xf32>
    %swap3A_115 = arith.constant 0 : index
    %swap3A_116 = arith.constant 0 : index
    %swap3A_117 = arith.constant 0 : index
    %swap3A_118 = vector.load %arg8[%swap3A_115, %swap3A_116, %swap3A_117] : memref<1x1x5120xf32, #tpu.memory_space<vmem>>, vector<1x1x5000xf32>
    %swap3A_119 = vector.shape_cast %swap3A_118 : vector<1x1x5000xf32> to vector<1x5000xf32>
    %swap3A_120 = vector.shape_cast %add3A_114 : vector<1x5000xf32> to vector<1x1x5000xf32>
    tpu.vector_store %arg8[%swap3A_115, %swap3A_116, %swap3A_117], %swap3A_120 {strides = array<i32>} : memref<1x1x5120xf32, #tpu.memory_space<vmem>>, vector<1x1x5000xf32>,
    %mul3A_121 = arith.constant 5.000000e-01 : f32
    %mul3A_122 = vector.broadcast %mul3A_121 : f32 to vector<1x5000xf32>
    %mul3A_123 = arith.mulf %mul3A_122, %mul3A_91 : vector<1x5000xf32>
    %add3A_124 = arith.addf %add3A_88, %mul3A_123 : vector<1x5000xf32>
    %swap3A_125 = arith.constant 0 : index
    %swap3A_126 = arith.constant 0 : index
    %swap3A_127 = arith.constant 0 : index
    %swap3A_128 = vector.load %arg9[%swap3A_125, %swap3A_126, %swap3A_127] : memref<1x1x5120xf32, #tpu.memory_space<vmem>>, vector<1x1x5000xf32>
    %swap3A_129 = vector.shape_cast %swap3A_128 : vector<1x1x5000xf32> to vector<1x5000xf32>
    %swap3A_130 = vector.shape_cast %add3A_124 : vector<1x5000xf32> to vector<1x1x5000xf32>
    tpu.vector_store %arg9[%swap3A_125, %swap3A_126, %swap3A_127], %swap3A_130 {strides = array<i32>} : memref<1x1x5120xf32, #tpu.memory_space<vmem>>, vector<1x1x5000xf32>,
    %broadcast_in_dim3A_131 = arith.constant 0 : i32
    %broadcast_in_dim3A_132 = vector.broadcast %broadcast_in_dim3A_131 : i32 to vector<1x5120xi32>
    %swap3A_133 = arith.constant 0 : index
    %swap3A_134 = arith.constant 0 : index
    %swap3A_135 = arith.constant 0 : index
    %swap3A_136 = vector.load %arg4[%swap3A_133, %swap3A_134, %swap3A_135] : memref<1x1x5120xi32, #tpu.memory_space<vmem>>, vector<1x1x5120xi32>
    %swap3A_137 = vector.shape_cast %swap3A_136 : vector<1x1x5120xi32> to vector<1x5120xi32>
    %swap3A_138 = vector.shape_cast %broadcast_in_dim3A_132 : vector<1x5120xi32> to vector<1x1x5120xi32>
    tpu.vector_store %arg4[%swap3A_133, %swap3A_134, %swap3A_135], %swap3A_138 {strides = array<i32>} : memref<1x1x5120xi32, #tpu.memory_space<vmem>>, vector<1x1x5120xi32>,
    %gt3A = arith.constant 5.000000e-02 : f32
    %gt3A_139 = vector.broadcast %gt3A : f32 to vector<1x5000xf32>
    %gt3A_140 = arith.cmpf ogt, %broadcast_in_dim3A, %gt3A_139 : vector<1x5000xf32>
    %jit3A_141 = arith.constant 0 : i32
    %broadcast_in_dim3A_142 = vector.broadcast %jit3A_141 : i32 to vector<1x5000xi32>
    %select_n3A_143 = arith.select %gt3A_140, %broadcast_in_dim3A_8, %broadcast_in_dim3A_142 : vector<1x5000xi1>, vector<1x5000xi32>
    %swap3A_144 = arith.constant 0 : index
    %swap3A_145 = arith.constant 0 : index
    %swap3A_146 = arith.constant 0 : index
    %swap3A_147 = vector.load %arg4[%swap3A_144, %swap3A_145, %swap3A_146] : memref<1x1x5120xi32, #tpu.memory_space<vmem>>, vector<1x1x5000xi32>
    %swap3A_148 = vector.shape_cast %swap3A_147 : vector<1x1x5000xi32> to vector<1x5000xi32>
    %swap3A_149 = vector.shape_cast %select_n3A_143 : vector<1x5000xi32> to vector<1x1x5000xi32>
    tpu.vector_store %arg4[%swap3A_144, %swap3A_145, %swap3A_146], %swap3A_149 {strides = array<i32>} : memref<1x1x5120xi32, #tpu.memory_space<vmem>>, vector<1x1x5000xi32>,
    %swap3A_150 = arith.constant 0 : index
    %swap3A_151 = arith.constant 0 : index
    %swap3A_152 = arith.constant 0 : index
    %swap3A_153 = vector.load %arg5[%swap3A_150, %swap3A_151, %swap3A_152] : memref<1x1x5120xf32, #tpu.memory_space<vmem>>, vector<1x1x5000xf32>
    %swap3A_154 = vector.shape_cast %swap3A_153 : vector<1x1x5000xf32> to vector<1x5000xf32>
    %swap3A_155 = vector.shape_cast %broadcast_in_dim3A : vector<1x5000xf32> to vector<1x1x5000xf32>
    tpu.vector_store %arg5[%swap3A_150, %swap3A_151, %swap3A_152], %swap3A_155 {strides = array<i32>} : memref<1x1x5120xf32, #tpu.memory_space<vmem>>, vector<1x1x5000xf32>,
    return
  }
  func.func @transform_0(%arg0: i32) -> (i32, i32, i32) {
    %c0_i32 = arith.constant 0 : i32
    %c0_i32_0 = arith.constant 0 : i32
    %c0_i32_1 = arith.constant 0 : i32
    return %arg0, %c0_i32, %c0_i32_0 : i32, i32, i32
  }
  func.func @transform_1(%arg0: i32) -> (i32, i32, i32, i32) {
    %c0_i32 = arith.constant 0 : i32
    %c0_i32_0 = arith.constant 0 : i32
    %c0_i32_1 = arith.constant 0 : i32
    %c0_i32_2 = arith.constant 0 : i32
    return %arg0, %c0_i32, %c0_i32_0, %c0_i32_1 : i32, i32, i32, i32
  }
  func.func @transform_2(%arg0: i32) -> (i32, i32, i32) {
    %c0_i32 = arith.constant 0 : i32
    %c0_i32_0 = arith.constant 0 : i32
    %c0_i32_1 = arith.constant 0 : i32
    return %arg0, %c0_i32, %c0_i32_0 : i32, i32, i32
  }
  func.func @transform_3(%arg0: i32) -> (i32, i32, i32) {
    %c0_i32 = arith.constant 0 : i32
    %c0_i32_0 = arith.constant 0 : i32
    %c0_i32_1 = arith.constant 0 : i32
    return %arg0, %c0_i32, %c0_i32_0 : i32, i32, i32
  }
  func.func @transform_4(%arg0: i32) -> (i32, i32, i32) {
    %c0_i32 = arith.constant 0 : i32
    %c0_i32_0 = arith.constant 0 : i32
    %c0_i32_1 = arith.constant 0 : i32
    return %arg0, %c0_i32, %c0_i32_0 : i32, i32, i32
  }
  func.func @transform_5(%arg0: i32) -> (i32, i32, i32) {
    %c0_i32 = arith.constant 0 : i32
    %c0_i32_0 = arith.constant 0 : i32
    %c0_i32_1 = arith.constant 0 : i32
    return %arg0, %c0_i32, %c0_i32_0 : i32, i32, i32
  }
  func.func @transform_6(%arg0: i32) -> (i32, i32, i32) {
    %c0_i32 = arith.constant 0 : i32
    %c0_i32_0 = arith.constant 0 : i32
    %c0_i32_1 = arith.constant 0 : i32
    return %arg0, %c0_i32, %c0_i32_0 : i32, i32, i32
  }
  func.func @transform_7(%arg0: i32) -> (i32, i32, i32) {
    %c0_i32 = arith.constant 0 : i32
    %c0_i32_0 = arith.constant 0 : i32
    %c0_i32_1 = arith.constant 0 : i32
    return %arg0, %c0_i32, %c0_i32_0 : i32, i32, i32
  }
  func.func @transform_8(%arg0: i32) -> (i32, i32, i32) {
    %c0_i32 = arith.constant 0 : i32
    %c0_i32_0 = arith.constant 0 : i32
    %c0_i32_1 = arith.constant 0 : i32
    return %arg0, %c0_i32, %c0_i32_0 : i32, i32, i32
  }
}

module attributes {stable_mosaic.version = 14 : i64} {
  func.func @_nms_body(%arg0: memref<160x128xf32, #tpu.memory_space<vmem>>, %arg1: memref<160x128xf32, #tpu.memory_space<vmem>>, %arg2: memref<160x128xf32, #tpu.memory_space<vmem>>, %arg3: memref<160x128xf32, #tpu.memory_space<vmem>>, %arg4: memref<160x128xf32, #tpu.memory_space<vmem>>, %arg5: memref<100x160xf32, #tpu.memory_space<vmem>>, %arg6: memref<100x160xf32, #tpu.memory_space<vmem>>, %arg7: memref<100x160xf32, #tpu.memory_space<vmem>>, %arg8: memref<100x160xf32, #tpu.memory_space<vmem>>, %arg9: memref<100x160xf32, #tpu.memory_space<vmem>>, %arg10: memref<100x160xi32, #tpu.memory_space<vmem>>, %arg11: memref<128x160xf32, #tpu.memory_space<vmem>>, %arg12: memref<128x160xf32, #tpu.memory_space<vmem>>, %arg13: memref<128x160xf32, #tpu.memory_space<vmem>>, %arg14: memref<128x160xf32, #tpu.memory_space<vmem>>, %arg15: memref<128x160xf32, #tpu.memory_space<vmem>>, %arg16: memref<128x160xf32, #tpu.memory_space<vmem>>) attributes {dimension_semantics = [], scalar_prefetch = 0 : i64, scratch_operands = 6 : i64, tpu.core_type = #tpu.core_type<tc>} {
    %get3A = arith.constant 0 : index
    %get3A_0 = arith.constant 0 : index
    %get3A_1 = vector.load %arg0[%get3A, %get3A_0] : memref<160x128xf32, #tpu.memory_space<vmem>>, vector<160x128xf32>
    %transpose3A = tpu.transpose %get3A_1, [1, 0] : vector<160x128xf32> -> vector<128x160xf32>
    %swap3A = arith.constant 0 : index
    %swap3A_2 = arith.constant 0 : index
    %swap3A_3 = vector.load %arg11[%swap3A, %swap3A_2] : memref<128x160xf32, #tpu.memory_space<vmem>>, vector<128x160xf32>
    tpu.vector_store %arg11[%swap3A, %swap3A_2], %transpose3A {strides = array<i32>} : memref<128x160xf32, #tpu.memory_space<vmem>>, vector<128x160xf32>,
    %get3A_4 = arith.constant 0 : index
    %get3A_5 = arith.constant 0 : index
    %get3A_6 = vector.load %arg1[%get3A_4, %get3A_5] : memref<160x128xf32, #tpu.memory_space<vmem>>, vector<160x128xf32>
    %transpose3A_7 = tpu.transpose %get3A_6, [1, 0] : vector<160x128xf32> -> vector<128x160xf32>
    %get3A_8 = arith.constant 0 : index
    %get3A_9 = arith.constant 0 : index
    %get3A_10 = vector.load %arg2[%get3A_8, %get3A_9] : memref<160x128xf32, #tpu.memory_space<vmem>>, vector<160x128xf32>
    %transpose3A_11 = tpu.transpose %get3A_10, [1, 0] : vector<160x128xf32> -> vector<128x160xf32>
    %get3A_12 = arith.constant 0 : index
    %get3A_13 = arith.constant 0 : index
    %get3A_14 = vector.load %arg3[%get3A_12, %get3A_13] : memref<160x128xf32, #tpu.memory_space<vmem>>, vector<160x128xf32>
    %transpose3A_15 = tpu.transpose %get3A_14, [1, 0] : vector<160x128xf32> -> vector<128x160xf32>
    %get3A_16 = arith.constant 0 : index
    %get3A_17 = arith.constant 0 : index
    %get3A_18 = vector.load %arg4[%get3A_16, %get3A_17] : memref<160x128xf32, #tpu.memory_space<vmem>>, vector<160x128xf32>
    %transpose3A_19 = tpu.transpose %get3A_18, [1, 0] : vector<160x128xf32> -> vector<128x160xf32>
    %swap3A_20 = arith.constant 0 : index
    %swap3A_21 = arith.constant 0 : index
    %swap3A_22 = vector.load %arg12[%swap3A_20, %swap3A_21] : memref<128x160xf32, #tpu.memory_space<vmem>>, vector<128x160xf32>
    tpu.vector_store %arg12[%swap3A_20, %swap3A_21], %transpose3A_7 {strides = array<i32>} : memref<128x160xf32, #tpu.memory_space<vmem>>, vector<128x160xf32>,
    %swap3A_23 = arith.constant 0 : index
    %swap3A_24 = arith.constant 0 : index
    %swap3A_25 = vector.load %arg13[%swap3A_23, %swap3A_24] : memref<128x160xf32, #tpu.memory_space<vmem>>, vector<128x160xf32>
    tpu.vector_store %arg13[%swap3A_23, %swap3A_24], %transpose3A_11 {strides = array<i32>} : memref<128x160xf32, #tpu.memory_space<vmem>>, vector<128x160xf32>,
    %swap3A_26 = arith.constant 0 : index
    %swap3A_27 = arith.constant 0 : index
    %swap3A_28 = vector.load %arg14[%swap3A_26, %swap3A_27] : memref<128x160xf32, #tpu.memory_space<vmem>>, vector<128x160xf32>
    tpu.vector_store %arg14[%swap3A_26, %swap3A_27], %transpose3A_15 {strides = array<i32>} : memref<128x160xf32, #tpu.memory_space<vmem>>, vector<128x160xf32>,
    %swap3A_29 = arith.constant 0 : index
    %swap3A_30 = arith.constant 0 : index
    %swap3A_31 = vector.load %arg15[%swap3A_29, %swap3A_30] : memref<128x160xf32, #tpu.memory_space<vmem>>, vector<128x160xf32>
    tpu.vector_store %arg15[%swap3A_29, %swap3A_30], %transpose3A_19 {strides = array<i32>} : memref<128x160xf32, #tpu.memory_space<vmem>>, vector<128x160xf32>,
    %sub3A = arith.subf %transpose3A_15, %transpose3A_7 : vector<128x160xf32>
    %max3A = arith.constant 0.000000e+00 : f32
    %max3A_32 = vector.broadcast %max3A : f32 to vector<128x160xf32>
    %max3A_33 = arith.maximumf %sub3A, %max3A_32 : vector<128x160xf32>
    %sub3A_34 = arith.subf %transpose3A_19, %transpose3A_11 : vector<128x160xf32>
    %max3A_35 = arith.constant 0.000000e+00 : f32
    %max3A_36 = vector.broadcast %max3A_35 : f32 to vector<128x160xf32>
    %max3A_37 = arith.maximumf %sub3A_34, %max3A_36 : vector<128x160xf32>
    %mul3A = arith.mulf %max3A_33, %max3A_37 : vector<128x160xf32>
    %swap3A_38 = arith.constant 0 : index
    %swap3A_39 = arith.constant 0 : index
    %swap3A_40 = vector.load %arg16[%swap3A_38, %swap3A_39] : memref<128x160xf32, #tpu.memory_space<vmem>>, vector<128x160xf32>
    tpu.vector_store %arg16[%swap3A_38, %swap3A_39], %mul3A {strides = array<i32>} : memref<128x160xf32, #tpu.memory_space<vmem>>, vector<128x160xf32>,
    %broadcast_in_dim3A = arith.constant 0.000000e+00 : f32
    %broadcast_in_dim3A_41 = vector.broadcast %broadcast_in_dim3A : f32 to vector<100x160xf32>
    %swap3A_42 = arith.constant 0 : index
    %swap3A_43 = arith.constant 0 : index
    %swap3A_44 = vector.load %arg5[%swap3A_42, %swap3A_43] : memref<100x160xf32, #tpu.memory_space<vmem>>, vector<100x160xf32>
    tpu.vector_store %arg5[%swap3A_42, %swap3A_43], %broadcast_in_dim3A_41 {strides = array<i32>} : memref<100x160xf32, #tpu.memory_space<vmem>>, vector<100x160xf32>,
    %broadcast_in_dim3A_45 = arith.constant 0.000000e+00 : f32
    %broadcast_in_dim3A_46 = vector.broadcast %broadcast_in_dim3A_45 : f32 to vector<100x160xf32>
    %swap3A_47 = arith.constant 0 : index
    %swap3A_48 = arith.constant 0 : index
    %swap3A_49 = vector.load %arg6[%swap3A_47, %swap3A_48] : memref<100x160xf32, #tpu.memory_space<vmem>>, vector<100x160xf32>
    tpu.vector_store %arg6[%swap3A_47, %swap3A_48], %broadcast_in_dim3A_46 {strides = array<i32>} : memref<100x160xf32, #tpu.memory_space<vmem>>, vector<100x160xf32>,
    %broadcast_in_dim3A_50 = arith.constant 0.000000e+00 : f32
    %broadcast_in_dim3A_51 = vector.broadcast %broadcast_in_dim3A_50 : f32 to vector<100x160xf32>
    %swap3A_52 = arith.constant 0 : index
    %swap3A_53 = arith.constant 0 : index
    %swap3A_54 = vector.load %arg7[%swap3A_52, %swap3A_53] : memref<100x160xf32, #tpu.memory_space<vmem>>, vector<100x160xf32>
    tpu.vector_store %arg7[%swap3A_52, %swap3A_53], %broadcast_in_dim3A_51 {strides = array<i32>} : memref<100x160xf32, #tpu.memory_space<vmem>>, vector<100x160xf32>,
    %broadcast_in_dim3A_55 = arith.constant 0.000000e+00 : f32
    %broadcast_in_dim3A_56 = vector.broadcast %broadcast_in_dim3A_55 : f32 to vector<100x160xf32>
    %swap3A_57 = arith.constant 0 : index
    %swap3A_58 = arith.constant 0 : index
    %swap3A_59 = vector.load %arg8[%swap3A_57, %swap3A_58] : memref<100x160xf32, #tpu.memory_space<vmem>>, vector<100x160xf32>
    tpu.vector_store %arg8[%swap3A_57, %swap3A_58], %broadcast_in_dim3A_56 {strides = array<i32>} : memref<100x160xf32, #tpu.memory_space<vmem>>, vector<100x160xf32>,
    %broadcast_in_dim3A_60 = arith.constant 0.000000e+00 : f32
    %broadcast_in_dim3A_61 = vector.broadcast %broadcast_in_dim3A_60 : f32 to vector<100x160xf32>
    %swap3A_62 = arith.constant 0 : index
    %swap3A_63 = arith.constant 0 : index
    %swap3A_64 = vector.load %arg9[%swap3A_62, %swap3A_63] : memref<100x160xf32, #tpu.memory_space<vmem>>, vector<100x160xf32>
    tpu.vector_store %arg9[%swap3A_62, %swap3A_63], %broadcast_in_dim3A_61 {strides = array<i32>} : memref<100x160xf32, #tpu.memory_space<vmem>>, vector<100x160xf32>,
    %broadcast_in_dim3A_65 = arith.constant -1 : i32
    %broadcast_in_dim3A_66 = vector.broadcast %broadcast_in_dim3A_65 : i32 to vector<100x160xi32>
    %swap3A_67 = arith.constant 0 : index
    %swap3A_68 = arith.constant 0 : index
    %swap3A_69 = vector.load %arg10[%swap3A_67, %swap3A_68] : memref<100x160xi32, #tpu.memory_space<vmem>>, vector<100x160xi32>
    tpu.vector_store %arg10[%swap3A_67, %swap3A_68], %broadcast_in_dim3A_66 {strides = array<i32>} : memref<100x160xi32, #tpu.memory_space<vmem>>, vector<100x160xi32>,
    %iota3A = tpu.iota {dimensions = array<i32: 0>} : vector<128x160xi32>
    %iota3A_70 = tpu.iota {dimensions = array<i32: 1>} : vector<1x160xi32>
    %jit3A = arith.constant 80 : i32
    %eq3A = arith.constant 0 : i32
    %eq3A_71 = arith.cmpi eq, %jit3A, %eq3A : i32
    %jit3A_72 = arith.constant 1 : i32
    %select_n3A = arith.select %eq3A_71, %jit3A_72, %jit3A : i32
    %rem3A = vector.broadcast %select_n3A : i32 to vector<1x160xi32>
    %rem3A_73 = arith.remsi %iota3A_70, %rem3A : vector<1x160xi32>
    %ne3A = arith.constant 0 : i32
    %ne3A_74 = vector.broadcast %ne3A : i32 to vector<1x160xi32>
    %ne3A_75 = arith.cmpi ne, %rem3A_73, %ne3A_74 : vector<1x160xi32>
    %lt3A = arith.constant 0 : i32
    %lt3A_76 = vector.broadcast %lt3A : i32 to vector<1x160xi32>
    %lt3A_77 = arith.cmpi slt, %rem3A_73, %lt3A_76 : vector<1x160xi32>
    %lt3A_78 = arith.constant 0 : i32
    %lt3A_79 = arith.cmpi slt, %select_n3A, %lt3A_78 : i32
    %ne3A_80 = vector.broadcast %lt3A_79 : i1 to vector<1x160xi1>
    %ne3A_81 = vector.broadcast %ne3A_80 : vector<1x160xi1> to vector<1x160xi1>
    %ne3A_82 = arith.xori %lt3A_77, %ne3A_81 : vector<1x160xi1>
    %and3A = arith.andi %ne3A_82, %ne3A_75 : vector<1x160xi1>
    %add3A = vector.broadcast %select_n3A : i32 to vector<1x160xi32>
    %add3A_83 = arith.addi %rem3A_73, %add3A : vector<1x160xi32>
    %select_n3A_84 = arith.select %and3A, %add3A_83, %rem3A_73 : vector<1x160xi1>, vector<1x160xi32>
    %add3A_85 = arith.constant 1 : i32
    %add3A_86 = vector.broadcast %add3A_85 : i32 to vector<1x160xi32>
    %add3A_87 = arith.addi %select_n3A_84, %add3A_86 : vector<1x160xi32>
    %while3A = arith.constant 0 : i32
    %while3A_88 = arith.constant true
    %while3A_89:2 = scf.while (%while3A_90 = %while3A, %while3A_91 = %while3A_88) : (i32, i1) -> (i32, i1) {
      %lt3A_92 = arith.constant 100 : i32
      %lt3A_93 = arith.cmpi slt, %while3A_90, %lt3A_92 : i32
      %and3A_94 = arith.andi %lt3A_93, %while3A_91 : i1
      scf.condition(%and3A_94) %while3A_90, %while3A_91 : i32, i1
    } do {
    ^bb0(%while3A_90: i32, %while3A_91: i1):
      %get3A_92 = arith.constant 0 : index
      %get3A_93 = arith.constant 0 : index
      %get3A_94 = vector.load %arg11[%get3A_92, %get3A_93] : memref<128x160xf32, #tpu.memory_space<vmem>>, vector<128x160xf32>
      %reduce_max3A = arith.constant dense<0xFF800000> : vector<160xf32>
      %reduce_max3A_95 = vector.multi_reduction <maximumf>, %get3A_94, %reduce_max3A [0] : vector<128x160xf32> to vector<160xf32>
      %broadcast_in_dim3A_96 = vector.shape_cast %reduce_max3A_95 : vector<160xf32> to vector<1x160xf32>
      %eq3A_97 = vector.broadcast %broadcast_in_dim3A_96 : vector<1x160xf32> to vector<128x160xf32>
      %eq3A_98 = arith.cmpf oeq, %get3A_94, %eq3A_97 : vector<128x160xf32>
      %jit3A_99 = arith.constant 128 : i32
      %broadcast_in_dim3A_100 = vector.broadcast %jit3A_99 : i32 to vector<128x160xi32>
      %select_n3A_101 = arith.select %eq3A_98, %iota3A, %broadcast_in_dim3A_100 : vector<128x160xi1>, vector<128x160xi32>
      %reduce_min3A = arith.constant dense<2147483647> : vector<160xi32>
      %reduce_min3A_102 = vector.multi_reduction <minsi>, %select_n3A_101, %reduce_min3A [0] : vector<128x160xi32> to vector<160xi32>
      %broadcast_in_dim3A_103 = vector.shape_cast %reduce_min3A_102 : vector<160xi32> to vector<1x160xi32>
      %gt3A = arith.constant -5.000000e+08 : f32
      %gt3A_104 = vector.broadcast %gt3A : f32 to vector<1x160xf32>
      %gt3A_105 = arith.cmpf ogt, %broadcast_in_dim3A_96, %gt3A_104 : vector<1x160xf32>
      %eq3A_106 = vector.broadcast %broadcast_in_dim3A_103 : vector<1x160xi32> to vector<128x160xi32>
      %eq3A_107 = arith.cmpi eq, %iota3A, %eq3A_106 : vector<128x160xi32>
      %get3A_108 = arith.constant 0 : index
      %get3A_109 = arith.constant 0 : index
      %get3A_110 = vector.load %arg12[%get3A_108, %get3A_109] : memref<128x160xf32, #tpu.memory_space<vmem>>, vector<128x160xf32>
      %get3A_111 = arith.constant 0 : index
      %get3A_112 = arith.constant 0 : index
      %get3A_113 = vector.load %arg13[%get3A_111, %get3A_112] : memref<128x160xf32, #tpu.memory_space<vmem>>, vector<128x160xf32>
      %get3A_114 = arith.constant 0 : index
      %get3A_115 = arith.constant 0 : index
      %get3A_116 = vector.load %arg14[%get3A_114, %get3A_115] : memref<128x160xf32, #tpu.memory_space<vmem>>, vector<128x160xf32>
      %get3A_117 = arith.constant 0 : index
      %get3A_118 = arith.constant 0 : index
      %get3A_119 = vector.load %arg15[%get3A_117, %get3A_118] : memref<128x160xf32, #tpu.memory_space<vmem>>, vector<128x160xf32>
      %jit3A_120 = arith.constant 0.000000e+00 : f32
      %broadcast_in_dim3A_121 = vector.broadcast %jit3A_120 : f32 to vector<128x160xf32>
      %select_n3A_122 = arith.select %eq3A_107, %get3A_110, %broadcast_in_dim3A_121 : vector<128x160xi1>, vector<128x160xf32>
      %reduce_sum3A = arith.constant dense<0.000000e+00> : vector<160xf32>
      %reduce_sum3A_123 = vector.multi_reduction <add>, %select_n3A_122, %reduce_sum3A [0] : vector<128x160xf32> to vector<160xf32>
      %broadcast_in_dim3A_124 = vector.shape_cast %reduce_sum3A_123 : vector<160xf32> to vector<1x160xf32>
      %jit3A_125 = arith.constant 0.000000e+00 : f32
      %broadcast_in_dim3A_126 = vector.broadcast %jit3A_125 : f32 to vector<128x160xf32>
      %select_n3A_127 = arith.select %eq3A_107, %get3A_113, %broadcast_in_dim3A_126 : vector<128x160xi1>, vector<128x160xf32>
      %reduce_sum3A_128 = arith.constant dense<0.000000e+00> : vector<160xf32>
      %reduce_sum3A_129 = vector.multi_reduction <add>, %select_n3A_127, %reduce_sum3A_128 [0] : vector<128x160xf32> to vector<160xf32>
      %broadcast_in_dim3A_130 = vector.shape_cast %reduce_sum3A_129 : vector<160xf32> to vector<1x160xf32>
      %jit3A_131 = arith.constant 0.000000e+00 : f32
      %broadcast_in_dim3A_132 = vector.broadcast %jit3A_131 : f32 to vector<128x160xf32>
      %select_n3A_133 = arith.select %eq3A_107, %get3A_116, %broadcast_in_dim3A_132 : vector<128x160xi1>, vector<128x160xf32>
      %reduce_sum3A_134 = arith.constant dense<0.000000e+00> : vector<160xf32>
      %reduce_sum3A_135 = vector.multi_reduction <add>, %select_n3A_133, %reduce_sum3A_134 [0] : vector<128x160xf32> to vector<160xf32>
      %broadcast_in_dim3A_136 = vector.shape_cast %reduce_sum3A_135 : vector<160xf32> to vector<1x160xf32>
      %jit3A_137 = arith.constant 0.000000e+00 : f32
      %broadcast_in_dim3A_138 = vector.broadcast %jit3A_137 : f32 to vector<128x160xf32>
      %select_n3A_139 = arith.select %eq3A_107, %get3A_119, %broadcast_in_dim3A_138 : vector<128x160xi1>, vector<128x160xf32>
      %reduce_sum3A_140 = arith.constant dense<0.000000e+00> : vector<160xf32>
      %reduce_sum3A_141 = vector.multi_reduction <add>, %select_n3A_139, %reduce_sum3A_140 [0] : vector<128x160xf32> to vector<160xf32>
      %broadcast_in_dim3A_142 = vector.shape_cast %reduce_sum3A_141 : vector<160xf32> to vector<1x160xf32>
      %max3A_143 = vector.broadcast %broadcast_in_dim3A_124 : vector<1x160xf32> to vector<128x160xf32>
      %max3A_144 = arith.maximumf %max3A_143, %get3A_110 : vector<128x160xf32>
      %max3A_145 = vector.broadcast %broadcast_in_dim3A_130 : vector<1x160xf32> to vector<128x160xf32>
      %max3A_146 = arith.maximumf %max3A_145, %get3A_113 : vector<128x160xf32>
      %min3A = vector.broadcast %broadcast_in_dim3A_136 : vector<1x160xf32> to vector<128x160xf32>
      %min3A_147 = arith.minimumf %min3A, %get3A_116 : vector<128x160xf32>
      %min3A_148 = vector.broadcast %broadcast_in_dim3A_142 : vector<1x160xf32> to vector<128x160xf32>
      %min3A_149 = arith.minimumf %min3A_148, %get3A_119 : vector<128x160xf32>
      %sub3A_150 = arith.subf %min3A_147, %max3A_144 : vector<128x160xf32>
      %max3A_151 = arith.constant 0.000000e+00 : f32
      %max3A_152 = vector.broadcast %max3A_151 : f32 to vector<128x160xf32>
      %max3A_153 = arith.maximumf %sub3A_150, %max3A_152 : vector<128x160xf32>
      %sub3A_154 = arith.subf %min3A_149, %max3A_146 : vector<128x160xf32>
      %max3A_155 = arith.constant 0.000000e+00 : f32
      %max3A_156 = vector.broadcast %max3A_155 : f32 to vector<128x160xf32>
      %max3A_157 = arith.maximumf %sub3A_154, %max3A_156 : vector<128x160xf32>
      %mul3A_158 = arith.mulf %max3A_153, %max3A_157 : vector<128x160xf32>
      %sub3A_159 = arith.subf %broadcast_in_dim3A_136, %broadcast_in_dim3A_124 : vector<1x160xf32>
      %max3A_160 = arith.constant 0.000000e+00 : f32
      %max3A_161 = vector.broadcast %max3A_160 : f32 to vector<1x160xf32>
      %max3A_162 = arith.maximumf %sub3A_159, %max3A_161 : vector<1x160xf32>
      %sub3A_163 = arith.subf %broadcast_in_dim3A_142, %broadcast_in_dim3A_130 : vector<1x160xf32>
      %max3A_164 = arith.constant 0.000000e+00 : f32
      %max3A_165 = vector.broadcast %max3A_164 : f32 to vector<1x160xf32>
      %max3A_166 = arith.maximumf %sub3A_163, %max3A_165 : vector<1x160xf32>
      %mul3A_167 = arith.mulf %max3A_162, %max3A_166 : vector<1x160xf32>
      %get3A_168 = arith.constant 0 : index
      %get3A_169 = arith.constant 0 : index
      %get3A_170 = vector.load %arg16[%get3A_168, %get3A_169] : memref<128x160xf32, #tpu.memory_space<vmem>>, vector<128x160xf32>
      %add3A_171 = vector.broadcast %mul3A_167 : vector<1x160xf32> to vector<128x160xf32>
      %add3A_172 = arith.addf %add3A_171, %get3A_170 : vector<128x160xf32>
      %sub3A_173 = arith.subf %add3A_172, %mul3A_158 : vector<128x160xf32>
      %max3A_174 = arith.constant 9.99999993E-9 : f32
      %max3A_175 = vector.broadcast %max3A_174 : f32 to vector<128x160xf32>
      %max3A_176 = arith.maximumf %sub3A_173, %max3A_175 : vector<128x160xf32>
      %div3A = arith.divf %mul3A_158, %max3A_176 : vector<128x160xf32>
      %gt3A_177 = arith.constant 5.000000e-01 : f32
      %gt3A_178 = vector.broadcast %gt3A_177 : f32 to vector<128x160xf32>
      %gt3A_179 = arith.cmpf ogt, %div3A, %gt3A_178 : vector<128x160xf32>
      %or3A = arith.ori %gt3A_179, %eq3A_107 : vector<128x160xi1>
      %and3A_180 = vector.broadcast %gt3A_105 : vector<1x160xi1> to vector<128x160xi1>
      %and3A_181 = arith.andi %and3A_180, %or3A : vector<128x160xi1>
      %jit3A_182 = arith.constant -1.000000e+09 : f32
      %broadcast_in_dim3A_183 = vector.broadcast %jit3A_182 : f32 to vector<128x160xf32>
      %select_n3A_184 = arith.select %and3A_181, %broadcast_in_dim3A_183, %get3A_94 : vector<128x160xi1>, vector<128x160xf32>
      %swap3A_185 = arith.constant 0 : index
      %swap3A_186 = arith.constant 0 : index
      %swap3A_187 = vector.load %arg11[%swap3A_185, %swap3A_186] : memref<128x160xf32, #tpu.memory_space<vmem>>, vector<128x160xf32>
      tpu.vector_store %arg11[%swap3A_185, %swap3A_186], %select_n3A_184 {strides = array<i32>} : memref<128x160xf32, #tpu.memory_space<vmem>>, vector<128x160xf32>,
      %jit3A_188 = arith.constant 0.000000e+00 : f32
      %broadcast_in_dim3A_189 = vector.broadcast %jit3A_188 : f32 to vector<1x160xf32>
      %select_n3A_190 = arith.select %gt3A_105, %broadcast_in_dim3A_96, %broadcast_in_dim3A_189 : vector<1x160xi1>, vector<1x160xf32>
      %swap3A_191 = arith.index_cast %while3A_90 : i32 to index
      %swap3A_192 = arith.constant 0 : index
      %swap3A_193 = vector.load %arg5[%swap3A_191, %swap3A_192] : memref<100x160xf32, #tpu.memory_space<vmem>>, vector<1x160xf32>
      tpu.vector_store %arg5[%swap3A_191, %swap3A_192], %select_n3A_190 {strides = array<i32>} : memref<100x160xf32, #tpu.memory_space<vmem>>, vector<1x160xf32>,
      %jit3A_194 = arith.constant 0.000000e+00 : f32
      %broadcast_in_dim3A_195 = vector.broadcast %jit3A_194 : f32 to vector<1x160xf32>
      %select_n3A_196 = arith.select %gt3A_105, %broadcast_in_dim3A_124, %broadcast_in_dim3A_195 : vector<1x160xi1>, vector<1x160xf32>
      %swap3A_197 = arith.index_cast %while3A_90 : i32 to index
      %swap3A_198 = arith.constant 0 : index
      %swap3A_199 = vector.load %arg6[%swap3A_197, %swap3A_198] : memref<100x160xf32, #tpu.memory_space<vmem>>, vector<1x160xf32>
      tpu.vector_store %arg6[%swap3A_197, %swap3A_198], %select_n3A_196 {strides = array<i32>} : memref<100x160xf32, #tpu.memory_space<vmem>>, vector<1x160xf32>,
      %jit3A_200 = arith.constant 0.000000e+00 : f32
      %broadcast_in_dim3A_201 = vector.broadcast %jit3A_200 : f32 to vector<1x160xf32>
      %select_n3A_202 = arith.select %gt3A_105, %broadcast_in_dim3A_130, %broadcast_in_dim3A_201 : vector<1x160xi1>, vector<1x160xf32>
      %swap3A_203 = arith.index_cast %while3A_90 : i32 to index
      %swap3A_204 = arith.constant 0 : index
      %swap3A_205 = vector.load %arg7[%swap3A_203, %swap3A_204] : memref<100x160xf32, #tpu.memory_space<vmem>>, vector<1x160xf32>
      tpu.vector_store %arg7[%swap3A_203, %swap3A_204], %select_n3A_202 {strides = array<i32>} : memref<100x160xf32, #tpu.memory_space<vmem>>, vector<1x160xf32>,
      %jit3A_206 = arith.constant 0.000000e+00 : f32
      %broadcast_in_dim3A_207 = vector.broadcast %jit3A_206 : f32 to vector<1x160xf32>
      %select_n3A_208 = arith.select %gt3A_105, %broadcast_in_dim3A_136, %broadcast_in_dim3A_207 : vector<1x160xi1>, vector<1x160xf32>
      %swap3A_209 = arith.index_cast %while3A_90 : i32 to index
      %swap3A_210 = arith.constant 0 : index
      %swap3A_211 = vector.load %arg8[%swap3A_209, %swap3A_210] : memref<100x160xf32, #tpu.memory_space<vmem>>, vector<1x160xf32>
      tpu.vector_store %arg8[%swap3A_209, %swap3A_210], %select_n3A_208 {strides = array<i32>} : memref<100x160xf32, #tpu.memory_space<vmem>>, vector<1x160xf32>,
      %jit3A_212 = arith.constant 0.000000e+00 : f32
      %broadcast_in_dim3A_213 = vector.broadcast %jit3A_212 : f32 to vector<1x160xf32>
      %select_n3A_214 = arith.select %gt3A_105, %broadcast_in_dim3A_142, %broadcast_in_dim3A_213 : vector<1x160xi1>, vector<1x160xf32>
      %swap3A_215 = arith.index_cast %while3A_90 : i32 to index
      %swap3A_216 = arith.constant 0 : index
      %swap3A_217 = vector.load %arg9[%swap3A_215, %swap3A_216] : memref<100x160xf32, #tpu.memory_space<vmem>>, vector<1x160xf32>
      tpu.vector_store %arg9[%swap3A_215, %swap3A_216], %select_n3A_214 {strides = array<i32>} : memref<100x160xf32, #tpu.memory_space<vmem>>, vector<1x160xf32>,
      %jit3A_218 = arith.constant -1 : i32
      %broadcast_in_dim3A_219 = vector.broadcast %jit3A_218 : i32 to vector<1x160xi32>
      %select_n3A_220 = arith.select %gt3A_105, %add3A_87, %broadcast_in_dim3A_219 : vector<1x160xi1>, vector<1x160xi32>
      %swap3A_221 = arith.index_cast %while3A_90 : i32 to index
      %swap3A_222 = arith.constant 0 : index
      %swap3A_223 = vector.load %arg10[%swap3A_221, %swap3A_222] : memref<100x160xi32, #tpu.memory_space<vmem>>, vector<1x160xi32>
      tpu.vector_store %arg10[%swap3A_221, %swap3A_222], %select_n3A_220 {strides = array<i32>} : memref<100x160xi32, #tpu.memory_space<vmem>>, vector<1x160xi32>,
      %add3A_224 = arith.constant 1 : i32
      %add3A_225 = arith.addi %while3A_90, %add3A_224 : i32
      %reduce_or3A = arith.constant 1.000000e+00 : f32
      %reduce_or3A_226 = arith.constant 0.000000e+00 : f32
      %reduce_or3A_227 = vector.broadcast %reduce_or3A : f32 to vector<1x160xf32>
      %reduce_or3A_228 = vector.broadcast %reduce_or3A_226 : f32 to vector<1x160xf32>
      %reduce_or3A_229 = arith.select %gt3A_105, %reduce_or3A_227, %reduce_or3A_228 : vector<1x160xi1>, vector<1x160xf32>
      %reduce_or3A_230 = vector.shape_cast %reduce_or3A_229 : vector<1x160xf32> to vector<1x1x160xf32>
      %reduce_or3A_231 = arith.constant dense<0xFF800000> : vector<1xf32>
      %reduce_or3A_232 = vector.multi_reduction <maximumf>, %reduce_or3A_230, %reduce_or3A_231 [1, 2] : vector<1x1x160xf32> to vector<1xf32>
      %reduce_or3A_233 = vector.shape_cast %reduce_or3A_232 : vector<1xf32> to vector<1x1x1xf32>
      %reduce_or3A_234 = vector.extract %reduce_or3A_233[0, 0, 0] : f32 from vector<1x1x1xf32>
      %reduce_or3A_235 = arith.constant 0.000000e+00 : f32
      %reduce_or3A_236 = arith.cmpf ogt, %reduce_or3A_234, %reduce_or3A_235 : f32
      scf.yield %add3A_225, %reduce_or3A_236 : i32, i1
    }
    return
  }
}

</mosaic_0001>

<sc_bundles>
// kernel: kernel.5.cloned.1.call-start
scs
__scs_entry_jumppad:
0x0: {  	(pc) =	sbr.rel $0x88, $3  }
0x1: {  	(tag) =	ssettag $0x0;
	lr =	simm.s32 $0x1  }
0x2: {  	[smem:$0x3F9E] =	sst lr;
	_ =	strace $0xD0000000  }
0x3: {  	_ = 	snop  }
0x4: {  	_ = 	snop  }
0x5: {  	_ = 	snop  }
0x6: {  	_ = 	snop  }
0x7: {  	_ = 	snop  }
__scs_overlays_trampoline_lowered:
0x8: {  	[smem:$0x3FAD] =	sst s0  }
0x9: {  	[smem:$0x3FAE] =	sst s1  }
0xa: {  	[smem:$0x3FAF] =	sst s2  }
0xb: {  	[smem:$0x3FB0] =	sst s3  }
0xc: {  	[smem:$0x3FB1] =	sst s4  }
0xd: {  	[smem:$0x3FB2] =	sst s5  }
0xe: {  	[smem:$0x3FB3] =	sst s6  }
0xf: {  	[smem:$0x3FB4] =	sst s7  }
0x10: {  	[smem:$0x3FB5] =	sst s8  }
0x11: {  	[smem:$0x3FB6] =	sst s9;
	s0 =	simm.s32 @!p0 $0x0  }
0x12: {  	s1 =	sld [smem:$0x3F9C];
	s0 =	simm.s32 @p0 $0x1  }
0x13: {  	[smem:$0x3FB7] =	sst s0;
	s0 =	simm.s32 @!p1 $0x0  }
0x14: {  	s2 =	sld [smem:$0x3F9B];
	s0 =	simm.s32 @p1 $0x1  }
0x15: {  	[smem:$0x3FB8] =	sst s0;
	s0 =	simm.s32 @!p2 $0x0  }
0x16: {  	s3 =	sld [smem:$0x3FDB];
	s0 =	simm.s32 @p2 $0x1  }
0x17: {  	s4 =	simm.s32 $0x1BF5;
	[smem:$0x3FBA] =	sst s0  }
0x18: {  	s0 =	sld [smem:$0x3F9D];
	_ =	swait.ge [sflag:s4], $0x0  }
0x19: {  	s7 =	sld [smem:$0x3F9E]  }
0x1a: {  	s8 =	sadd.s32 $0xFFFFE003, lr  }
0x1b: {  	s9 =	sadd.s32 $0xFFFFFEF7, lr;
	s5 =	simm.s32 $0xFFFFFFFF;
	p2 =	slt.u32 s8, $0xFFFFF086  }
0x1c: {  	p1 =	slt.u32 s9, $0xF7A;
	s5 =	simm.s32 @!p2 $0x0  }
0x1d: {  	s5 =	simm.s32 @p1 $0x1;
	p0 =	seq.s32 s7, s2  }
0x1e: {  	s7 =	smul.u32 @!p0 $0xF7A, s2;
	p2 =	seq.s32 @!p0 s5, $0x0  }
0x1f: {  	s9 =	smul.u32 $0xF7A, s1;
	s8 =	simm.s32 @!p0 $0x1BF5;
	p2 =	por !p2, p0  }
0x20: {  	[sflag:s8] =	ssyncset.s32 @!p0 $0xFFFFF086;
	s6 =	sadd.s32 @!p0 s3, s7;
	s7 =	simm.s32 @!p0 $0x108  }
0x21: {  	s3 =	sadd.s32 s3, s9;
	s6 =	sadd.s32 @!p0 $0x88, s6;
	s7 =	simm.s32 @p2 $0x1082  }
0x22: {  	[simem:s7], [sflag:s8] =	dma.local @!p0 [hbm:s6], $0xF7A  }
0x23: {  	s9 =	sor.u32 $0xD0000000, s2;
	s6 =	simm.s32 $0x108;
	_ =	swait.ge @!p0 [sflag:s8], $0x0  }
0x24: {  	s3 =	sadd.s32 $0x88, s3;
	s6 =	simm.s32 @!p1 $0x1082;
	[sflag:s4] =	ssyncset.s32 $0xFFFFF086  }
0x25: {  	[simem:s6], [sflag:s4] =	dma.local [hbm:s3], $0xF7A  }
0x26: {  	[smem:$0x3F9E] =	sst s1;
	(tag) =	ssettag s2;
	_ =	strace s9  }
0x27: {  	s1 =	sld [smem:$0x3FAE]  }
0x28: {  	s2 =	sld [smem:$0x3FAF]  }
0x29: {  	s4 =	sld [smem:$0x3FB1]  }
0x2a: {  	p0 =	seq.s32 s5, $0x0;
	s5 =	sld [smem:$0x3FB2]  }
0x2b: {  	s6 =	sld [smem:$0x3FB3]  }
0x2c: {  	s7 =	sld [smem:$0x3FB4]  }
0x2d: {  	s3 =	simm.s32 $0x108;
	s8 =	sld [smem:$0x3FB5]  }
0x2e: {  	s3 =	simm.s32 @!p0 $0x1082;
	s9 =	sld [smem:$0x3FB6]  }
0x2f: {  	lr =	sadd.s32 s0, s3;
	s0 =	sld [smem:$0x3FAD]  }
0x30: {  	s3 =	sld [smem:$0x3FB0]  }
0x31: {  	[smem:$0x3FB9] =	sst s10  }
0x32: {  	s10 =	sld [smem:$0x3FB7];
	_ =	sdelay $0x3  }
0x33: {  	p0 =	seq.s32 s10, $0x1;
	s10 =	sld [smem:$0x3FB9];
	_ =	sdelay $0x3  }
0x34: {  	[smem:$0x3FB9] =	sst s10  }
0x35: {  	s10 =	sld [smem:$0x3FB8];
	_ =	sdelay $0x3  }
0x36: {  	p1 =	seq.s32 s10, $0x1;
	s10 =	sld [smem:$0x3FB9];
	_ =	sdelay $0x3  }
0x37: {  	[smem:$0x3FB9] =	sst s10  }
0x38: {  	s10 =	sld [smem:$0x3FBA]  }
0x39: {  	_ = 	snop;
	(pc) =	sbr.ind lr, $3  }
0x3a: {  	_ = 	snop  }
0x3b: {  	_ = 	snop  }
0x3c: {  	p2 =	seq.s32 s10, $0x1;
	s10 =	sld [smem:$0x3FB9]  }
0x3d: {  	_ =	shalt  }
0x3e: {  	_ =	shalt  }
0x3f: {  	_ =	shalt  }
0x40: {  	_ =	shalt  }
0x41: {  	_ =	shalt  }
0x42: {  	_ =	shalt  }
0x43: {  	_ =	shalt  }
0x44: {  	_ =	shalt  }
0x45: {  	_ =	shalt  }
0x46: {  	_ =	shalt  }
0x47: {  	_ =	shalt  }
0x48: {  	_ =	shalt  }
0x49: {  	_ =	shalt  }
0x4a: {  	_ =	shalt  }
0x4b: {  	_ =	shalt  }
0x4c: {  	_ =	shalt  }
0x4d: {  	_ =	shalt  }
0x4e: {  	_ =	shalt  }
0x4f: {  	_ =	shalt  }
0x50: {  	_ =	shalt  }
0x51: {  	_ =	shalt  }
0x52: {  	_ =	shalt  }
0x53: {  	_ =	shalt  }
0x54: {  	_ =	shalt  }
0x55: {  	_ =	shalt  }
0x56: {  	_ =	shalt  }
0x57: {  	_ =	shalt  }
0x58: {  	_ =	shalt  }
0x59: {  	_ =	shalt  }
0x5a: {  	_ =	shalt  }
0x5b: {  	_ =	shalt  }
0x5c: {  	_ =	shalt  }
0x5d: {  	_ =	shalt  }
0x5e: {  	_ =	shalt  }
0x5f: {  	_ =	shalt  }
0x60: {  	_ =	shalt  }
0x61: {  	_ =	shalt  }
0x62: {  	_ =	shalt  }
0x63: {  	_ =	shalt  }
0x64: {  	_ =	shalt  }
0x65: {  	_ =	shalt  }
0x66: {  	_ =	shalt  }
0x67: {  	_ =	shalt  }
0x68: {  	_ =	shalt  }
0x69: {  	_ =	shalt  }
0x6a: {  	_ =	shalt  }
0x6b: {  	_ =	shalt  }
0x6c: {  	_ =	shalt  }
0x6d: {  	_ =	shalt  }
0x6e: {  	_ =	shalt  }
0x6f: {  	_ =	shalt  }
0x70: {  	_ =	shalt  }
0x71: {  	_ =	shalt  }
0x72: {  	_ =	shalt  }
0x73: {  	_ =	shalt  }
0x74: {  	_ =	shalt  }
0x75: {  	_ =	shalt  }
0x76: {  	_ =	shalt  }
0x77: {  	_ =	shalt  }
0x78: {  	_ =	shalt  }
0x79: {  	_ =	shalt  }
0x7a: {  	_ =	shalt  }
0x7b: {  	_ =	shalt  }
0x7c: {  	_ =	shalt  }
0x7d: {  	_ =	shalt  }
0x7e: {  	_ =	shalt  }
0x7f: {  	_ =	shalt  }
0x80: {  	_ =	shalt  }
0x81: {  	_ =	shalt  }
0x82: {  	_ =	shalt  }
0x83: {  	_ =	shalt  }
0x84: {  	_ =	shalt  }
0x85: {  	_ =	shalt  }
0x86: {  	_ =	shalt  }
0x87: {  	_ =	shalt  }
.Lfunc_end0:
.L_simem_size_0:
called_computation_lowered:
.L_overlay_start_0:
0x88: {  	s2 =	sld [smem:$0x3FD9]  }
0x89: {  	s3 =	sld [smem:$0x3FFE];
	_ =	sdelay $0x1  }
0x8a: {  	s1 =	srdreg.scid  }
0x8b: {  	s0 =	sand.u32 $0x1, s1  }
0x8c: {  	s14 =	sshll.u32 s0, $0xA;
	s2 =	sadd.s32 s3, s2  }
0x8d: {  	s2 =	sadd.s32 s2, s14  }
0x8e: {  	[smem:$0x3FC5] =	sst s2  }
0x8f: {  	_ = 	snop  }
0x90: {  	s2 =	sld [smem:$0x3FD0];
	_ =	sdelay $0x2  }
0x91: {  	s15 =	simm.s32 $0xA;
	s4 =	simm.s32 $0x10  }
0x92: {  	[smem:s4], [sflag:s15] =	dma.local [hbm:s2], $0x1  }
0x93: {  	_ =	swait.eq [sflag:s15], $0x1  }
0x94: {  	s16 =	sld [smem:$0x10];
	[sflag:s15] =	ssyncset.done $0x0  }
0x95: {  	s17 =	sld [smem:$0x11];
	[sflag:s15] =	ssyncadd.s32 $0xFFFFFFFF  }
0x96: {  	s18 =	sld [smem:$0x12];
	(tm) =	ssettm $0x1  }
0x97: {  	s5 =	sld [smem:$0x3FFB];
	_ =	sdelay $0x3  }
0x98: {  	_ =	strace s5  }
0x99: {  	s5 =	sld [smem:$0x3FFC];
	_ =	sdelay $0x3  }
0x9a: {  	_ =	strace s5  }
0x9b: {  	s5 =	sld [smem:$0x3FFD];
	_ =	sdelay $0x3  }
0x9c: {  	_ =	strace s5  }
0x9d: {  	_ =	strace $0x8FFFFFFF  }
0x9e: {  	s19 =	sld [smem:$0x3FDB];
	_ =	sdelay $0x1  }
0x9f: {  	s6 =	simm.s32 $_scs_section_size  }
0xa0: {  	s7 =	simm.s32 $_size__tile_overlayer_lowered;
	s8 =	simm.s32 $_tile_overlayer_lowered  }
0xa1: {  	s22 =	simm.s32 $0x1BFF;
	s21 =	sshll.u32 s8, $0x1;
	s5 =	sadd.s32 s6, s19  }
0xa2: {  	s9 =	simm.s32 $0x0;
	s20 =	sshll.u32 s7, $0x1;
	s7 =	sadd.s32 s21, s5  }
0xa3: {  	[timem:s9], [sflag:s22] =	dma.local [hbm:s7], s20  }
0xa4: {  	_ =	swait.ge [sflag:s22], s20  }
0xa5: {  	s6 =	ssub.s32 $0x0, s20;
	[sflag:s22] =	ssyncset.done $0x0  }
0xa6: {  	[sflag:s22] =	ssyncadd.s32 s6;
	_ =	sdelay $0x1  }
0xa7: {  	s23 =	simm.s32 $0x1B8B  }
0xa8: {  	_ =	swait.ge [sflag:s23], $0x1  }
0xa9: {  	[sflag:s23] =	ssyncset.done $0x0  }
0xaa: {  	s25 =	simm.s32 $0x1B8E;
	s24 =	sld [smem:$0x3FFE];
	[sflag:s23] =	ssyncadd.s32 $0xFFFFFFFF  }
0xab: {  	s26 =	simm.s32 $execute0_lowered;
	[smem:$0x3FD2] =	sst s25  }
0xac: {  	s7 =	sshll.u32 s26, $0x1;
	_ =	strace $0x80000046;
	[dreg:$0x1] =	wrdreg $0xFFFFFFFF  }
0xad: {  	s28 =	simm.s32 $_size_execute0_lowered;
	s5 =	sadd.s32 s5, s7;
	[dreg:$0x0] =	wrdreg $0x0  }
0xae: {  	s7 =	sshll.u32 s28, $0x1;
	[dreg:$0x2] =	wrdreg s5  }
0xaf: {  	[dreg:$0x3] =	wrdreg s7  }
0xb0: {  	[dreg:$0x4] =	wrdreg $0xC0  }
0xb1: {  	_ =	task [dreg:s9], $0x5FFFF  }
0xb2: {  	[dreg:$0x1] =	wrdreg $0xFFFFFFFF  }
0xb3: {  	[dreg:$0x0] =	wrdreg $0x60  }
0xb4: {  	[dreg:$0x2] =	wrdreg s24  }
0xb5: {  	[dreg:$0x3] =	wrdreg s18  }
0xb6: {  	[dreg:$0x4] =	wrdreg s16  }
0xb7: {  	[dreg:$0x5] =	wrdreg s17  }
0xb8: {  	[dreg:$0x6] =	wrdreg $0x9  }
0xb9: {  	_ =	task.clear_ibuf [dreg:s9], $0x7FFFF;
	_ =	strace $0x90000046  }
0xba: {  	s29 =	simm.s32 $0x9;
	_ =	strace $0x80000048  }
0xbb: {  	_ =	swait.ge [sflag:s29], $0x1  }
0xbc: {  	[sflag:s29] =	ssyncadd.s32 $0xFFFFFFFF  }
0xbd: {  	_ =	strace $0x90000048  }
0xbe: {  	_ =	sfence  }
0xbf: {  	s30 =	sld [smem:$0x0];
	_ =	sdelay $0x2  }
0xc0: {  	s31 =	sshll.u32 s1, $0xD;
	s1 =	sshrl.u32 s1, $0x2  }
0xc1: {  	s3 =	sand.u32 $0x4000, s31;
	s1 =	sadd.s32 s1, s30  }
0xc2: {  	s0 =	sor.u32 s3, s0;
	s1 =	sshll.u32 s1, $0x11  }
0xc3: {  	s0 =	sor.u32 s1, s0  }
0xc4: {  	s0 =	sadd.s32 $0x8F2B, s0  }
0xc5: {  	[sflag:s0] =	ssyncadd.remote.s32 $0x1  }
0xc6: {  	_ =	sfence.sel $0xFFFF  }
0xc7: {  	[dreg:$0x0] =	wrdreg $0xFFFFFFFF;
	(pc) =	sbr.abs _section_cstart, $3  }
0xc8: {  	[dreg:$0x1] =	wrdreg $0xFFFFFFFF  }
0xc9: {  	_ =	task.clear_ibuf [dreg:s9], $0x2FFFF;
	_ =	strace $0x9FFFFFFF  }
0xca: {  	(tm) =	ssettm $0x7FFFFFFF  }
0xcb: {  	_ =	shalt  }
tec
execute0_lowered:
.L_overlay_start_1:
0x0: {  	(tag) =	ssettag $0x1  }
0x1: {  	s0 =	rddreg [dreg:$0x0]  }
0x2: {  	s4 =	stileid.u32;
	s1 =	srdreg.scid  }
0x3: {  	s2 =	rddreg [dreg:$0x1];
	s4 =	sshll.u32 s4, $0x1;
	s5 =	sand.u32 $0x1, s1  }
0x4: {  	s3 =	rddreg [dreg:$0x2];
	s7 =	sor.u32 s5, s4  }
0x5: {  	s6 =	rddreg [dreg:$0x3];
	s8 =	smul.u32 $0x50, s7  }
0x6: {  	s1 =	simm.s32 $0x0;
	s10 =	sadd.s32 $0x4000, s0;
	s4 =	sand.u32 $0x10, s4  }
0x7: {  	[smem:$0x7FF] =	sst s1;
	s4 =	sadd.s32 s4, s0;
	s18 =	sadd.s32 s2, s8  }
0x8: {  	s9 =	smul.u32 $0x280, s7;
	s19 =	sadd.s32 s3, s8;
	[dreg:$0x5] =	wrdreg s18  }
0x9: {  	s0 =	sadd.s32 $0x4A00, s0;
	s20 =	sadd.s32 s6, s8;
	[dreg:$0x6] =	wrdreg s19  }
0xa: {  	s9 =	sshrl.u32 s9, $0x3;
	s12 =	sadd.s32 s10, s8;
	[dreg:$0x7] =	wrdreg s20  }
0xb: {  	s8 =	sadd.s32 s0, s8;
	s21 =	sadd.s32 $0x10, s9;
	[dreg:$0x8] =	wrdreg s12  }
0xc: {  	[dreg:$0x9] =	wrdreg s8;
	s22 =	sadd.s32 s2, s21  }
0xd: {  	s5 =	ssub.s32 $0x2, s5;
	s23 =	sadd.s32 s3, s21;
	[dreg:$0xa] =	wrdreg s22  }
0xe: {  	s11 =	sshrl.u32 s5, $0x1;
	s24 =	sadd.s32 s6, s21;
	[dreg:$0xb] =	wrdreg s23  }
0xf: {  	s5 =	ssub.s32 s5, s11;
	s26 =	sadd.s32 s10, s21;
	[dreg:$0xc] =	wrdreg s24  }
0x10: {  	s25 =	sadd.s32 $0x20, s9;
	s11 =	sadd.s32 s0, s21;
	[dreg:$0xd] =	wrdreg s26  }
0x11: {  	s29 =	sadd.s32 $0x1C00, s4;
	s12 =	sadd.s32 s2, s25;
	[dreg:$0xe] =	wrdreg s11  }
0x12: {  	s30 =	sadd.s32 $0x2200, s4;
	s13 =	sadd.s32 s3, s25;
	[dreg:$0xf] =	wrdreg s12  }
0x13: {  	s31 =	sadd.s32 $0x2E00, s4;
	s14 =	sadd.s32 s6, s25;
	[dreg:$0x10] =	wrdreg s13  }
0x14: {  	s16 =	sadd.s32 $0x30, s9;
	s15 =	sadd.s32 s10, s25;
	[dreg:$0x11] =	wrdreg s14  }
0x15: {  	s9 =	sadd.s32 $0x40, s9;
	s8 =	sadd.s32 s0, s25;
	[dreg:$0x12] =	wrdreg s15  }
0x16: {  	s17 =	sadd.s32 s2, s16;
	s18 =	sadd.s32 s3, s16;
	[dreg:$0x13] =	wrdreg s8  }
0x17: {  	s19 =	sadd.s32 s6, s16;
	s20 =	sadd.s32 s10, s16;
	[dreg:$0x14] =	wrdreg s17  }
0x18: {  	s2 =	sadd.s32 s2, s9;
	s21 =	sadd.s32 s3, s9;
	[dreg:$0x15] =	wrdreg s18  }
0x19: {  	s25 =	sadd.s32 s6, s9;
	s28 =	sadd.s32 s0, s9;
	[dreg:$0x16] =	wrdreg s19  }
0x1a: {  	s3 =	smax.u32 s5, $0x1;
	s5 =	simm.s32 $0x100;
	[dreg:$0x17] =	wrdreg s20  }
0x1b: {  	s6 =	simm.s32 $0x1;
	s8 =	sadd.s32 s0, s16;
	[dreg:$0x19] =	wrdreg s2  }
0x1c: {  	[dreg:$0x1a] =	wrdreg s21;
	s26 =	sadd.s32 s10, s9;
	s22 =	sand.u32 $0xF, s7  }
0x1d: {  	s0 =	sadd.s32 $0x3A00, s4;
	s2 =	sadd.s32 $0x3400, s4;
	s7 =	simm.s32 $0x1400  }
0x1e: {  	v4 =	vlaneseq.u32;
	v6 =	vimm.s32 $0x0;
	s9 =	simm.s32 $0x3C00;
	s10 =	simm.s32 $0x5000;
	s23 =	smul.u32 $0x5, s22  }
0x1f: {  	v7 =	vor.u32 $0x10, v4;
	v8 =	vor.u32 $0x20, v4;
	v9 =	vor.u32 $0x30, v4;
	s11 =	simm.s32 $0x6400;
	s12 =	simm.s32 $0x0;
	[dreg:$0x18] =	wrdreg s8  }
0x20: {  	v10 =	vor.u32 $0x40, v4;
	v11 =	vor.u32 $0x50, v4;
	v12 =	vor.u32 $0x60, v4;
	s22 =	sadd.s32 $0x2800, s4;
	s24 =	sadd.s32 $0x1, s23;
	s13 =	sadd.s32 $0x2, s23  }
0x21: {  	v13 =	vor.u32 $0x70, v4;
	s14 =	sadd.s32 $0x3, s23;
	s15 =	sadd.s32 $0x4, s23;
	s16 =	sadd.s32 $0x5, s23;
	v0 =	vmov s24;
	v1 =	vmov s13  }
0x22: {  	s4 =	simm.s32 $0x80;
	s8 =	simm.s32 $0x2800;
	_ =	strace $0x80000047;
	v2 =	vmov s14;
	v3 =	vmov s15;
	v5 =	vmov s16  }
.LBB2_1:
0x23: {  	[tilespmem:s1], [sflag:$0x1] =	stream.strided.gather [hbm4b:s29+s4], $0x1400, s5, s4, $0x38;
	[tilespmem:$0x8780] =	vst v63  }
0x24: {  	_ =	swait.ge [sflag:s6], $0x1400  }
0x25: {  	[sflag:s6] =	ssyncset.done $0x0  }
0x26: {  	[sflag:s6] =	ssyncadd.s32 $0xFFFFEC00  }
0x27: {  	[tilespmem:s7], [sflag:$0x1] =	stream.strided.gather [hbm4b:s30+s4], $0x1400, s5, s4, $0x38;
	[tilespmem:$0x8780] =	vst v63  }
0x28: {  	_ =	swait.ge [sflag:s6], $0x1400  }
0x29: {  	[sflag:s6] =	ssyncset.done $0x0  }
0x2a: {  	[sflag:s6] =	ssyncadd.s32 $0xFFFFEC00  }
0x2b: {  	[tilespmem:s8], [sflag:$0x1] =	stream.strided.gather [hbm4b:s31+s4], $0x1400, s5, s4, $0x38;
	[tilespmem:$0x8780] =	vst v63  }
0x2c: {  	_ =	swait.ge [sflag:s6], $0x1400  }
0x2d: {  	[sflag:s6] =	ssyncset.done $0x0  }
0x2e: {  	[sflag:s6] =	ssyncadd.s32 $0xFFFFEC00  }
0x2f: {  	[tilespmem:s9], [sflag:$0x1] =	stream.strided.gather [hbm4b:s22+s4], $0x1400, s5, s4, $0x38;
	[tilespmem:$0x8780] =	vst v63  }
0x30: {  	_ =	swait.ge [sflag:s6], $0x1400  }
0x31: {  	[sflag:s6] =	ssyncset.done $0x0  }
0x32: {  	[sflag:s6] =	ssyncadd.s32 $0xFFFFEC00  }
0x33: {  	[tilespmem:s10], [sflag:$0x1] =	stream.strided.gather [hbm4b:s0+s4], $0x1400, s5, s4, $0x38;
	[tilespmem:$0x8780] =	vst v63  }
0x34: {  	_ =	swait.ge [sflag:s6], $0x1400  }
0x35: {  	[sflag:s6] =	ssyncset.done $0x0  }
0x36: {  	[sflag:s6] =	ssyncadd.s32 $0xFFFFEC00  }
0x37: {  	[tilespmem:s11], [sflag:$0x1] =	stream.strided.gather [hbm4b:s2+s4], $0x1400, s5, s4, $0x38;
	[tilespmem:$0x8780] =	vst v63  }
0x38: {  	_ =	swait.ge [sflag:s6], $0x1400  }
0x39: {  	[sflag:s6] =	ssyncset.done $0x0  }
0x3a: {  	[sflag:s6] =	ssyncadd.s32 $0xFFFFEC00  }
0x3b: {  	v14 =	vld [tilespmem:s1+$0x0];
	_ =	sdelay $0x4  }
0x3c: {  	vm0 =	veq.s32 v14, v0  }
0x3d: {  	v15 =	vsel vm0, $0x1, v6  }
0x3e: {  	(xrf0) =	vadd.scan.msk.s32 $0xffff, v15;
	_ =	sdelay $0x5  }
0x3f: {  	p0 =	por $0x1, $0x1;
	s14 =	simm.s32 $0x0;
	v15, _, _ =	vpop (xrf0)  }
0x40: {  	s14 =	simm.s32 @!p0 $0x80;
	(v2sf) =	vpush v15, $0xF;
	v15 =	vor.u32 s1, v4  }
0x41: {  	vm1 =	veq.s32 v14, v1;
	[tilespmem:s14+$0x7800] =	vst.msk vm0, v15  }
0x42: {  	vm0 =	veq.s32 v14, v2;
	[tilespmem:s14+$0x7890] =	vst.msk vm1, v15  }
0x43: {  	v16 =	vsel vm1, $0x1, v6;
	vm1 =	veq.s32 v14, v3;
	[tilespmem:s14+$0x7920] =	vst.msk vm0, v15  }
0x44: {  	vm2 =	veq.s32 v14, v5;
	[tilespmem:s14+$0x79B0] =	vst.msk vm1, v15  }
0x45: {  	s13 =	simm.s32 $0x10;
	(xrf0) =	vadd.scan.msk.s32 $0xffff, v16;
	v14 =	vsel vm1, $0x1, v6;
	[tilespmem:s14+$0x7A40] =	vst.msk vm2, v15  }
0x46: {  	(xrf0) =	vadd.scan.msk.s32 $0xffff, v14;
	v14 =	vld [tilespmem:s13+$0x0]  }
0x47: {  	v16 =	vsel vm2, $0x1, v6  }
0x48: {  	(xrf0) =	vadd.scan.msk.s32 $0xffff, v16;
	v15 =	vsel vm0, $0x1, v6  }
0x49: {  	(xrf0) =	vadd.scan.msk.s32 $0xffff, v15;
	_ =	sdelay $0x1  }
0x4a: {  	v15, _, _ =	vpop (xrf0);
	vm4 =	veq.s32 v14, v0  }
0x4b: {  	(v2sf) =	vpush v15, $0xF;
	v16 =	vsel vm4, $0x1, v6  }
0x4c: {  	v15, _, _ =	vpop (xrf0)  }
0x4d: {  	(v2sf) =	vpush v15, $0xF;
	v15, _, _ =	vpop (xrf0)  }
0x4e: {  	(v2sf) =	vpush v15, $0xF;
	(xrf0) =	vadd.scan.msk.s32 $0xffff, v16;
	v16, _, _ =	vpop (xrf0)  }
0x4f: {  	s21 =	spop (v2sf);
	(v2sf) =	vpush v16, $0xF;
	_ =	sdelay $0x5  }
0x50: {  	vm2 =	veq.s32 v14, v1  }
0x51: {  	s15 =	simm.s32 $0x20;
	vm1 =	veq.s32 v14, v3;
	v15 =	vsel vm2, $0x1, v6  }
0x52: {  	s24 =	simm.s32 $0x0;
	s17 =	simm.s32 $0x0;
	s16 =	simm.s32 $0x0;
	vm0 =	veq.s32 v14, v5;
	vm3 =	veq.s32 v14, v2;
	v14 =	vsel vm1, $0x1, v6;
	(xrf0) =	vadd.scan.msk.s32 $0xffff, v15  }
0x53: {  	s18 =	simm.s32 $0x0;
	s20 =	simm.s32 $0x10;
	s14 =	simm.s32 $0x0;
	v15 =	vsel vm3, $0x1, v6;
	(xrf0) =	vadd.scan.msk.s32 $0xffff, v14;
	v16 =	vsel vm0, $0x1, v6  }
.LBB2_2:
0x54: {  	p0 =	sne.s32 s15, $0x13F0  }
0x55: {  	s24 =	sadd.s32 s24, s21;
	s21 =	spop (v2sf);
	s23 =	smov.u32 s15  }
0x56: {  	(xrf0) =	vadd.scan.msk.s32 $0xffff, v16;
	s15 =	sadd.s32 $0x10, s15;
	p1 =	slt.s32 s24, $0x80;
	s19 =	smov.u32 s24  }
0x57: {  	(xrf0) =	vadd.scan.msk.s32 $0xffff, v15;
	s17 =	sadd.s32 s17, s21;
	s21 =	spop (v2sf);
	s19 =	simm.s32 @!p1 $0x80  }
0x58: {  	s14 =	sadd.s32 s14, s21;
	s21 =	spop (v2sf);
	p1 =	slt.s32 s17, $0x80  }
0x59: {  	v15 =	vor.u32 s13, v4;
	s13 =	smov.u32 s17;
	v14, _, _ =	vpop (xrf0);
	s16 =	sadd.s32 s16, s21;
	s21 =	spop (v2sf)  }
0x5a: {  	s13 =	simm.s32 @!p1 $0x80;
	p1 =	slt.s32 s14, $0x80;
	(v2sf) =	vpush v14, $0xF;
	v14, _, _ =	vpop (xrf0);
	s18 =	sadd.s32 s18, s21  }
0x5b: {  	p2 =	slt.s32 s16, $0x80;
	[tilespmem:s19+$0x7800] =	vst.msk vm4, v15;
	p3 =	slt.s32 s18, $0x80;
	(v2sf) =	vpush v14, $0xF;
	v14, _, _ =	vpop (xrf0);
	s19 =	smov.u32 s18  }
0x5c: {  	[tilespmem:s13+$0x7890] =	vst.msk vm2, v15;
	s19 =	simm.s32 @!p3 $0x80;
	(v2sf) =	vpush v14, $0xF;
	v14, _, _ =	vpop (xrf0);
	s13 =	smov.u32 s23  }
0x5d: {  	[tilespmem:s19+$0x7920] =	vst.msk vm3, v15;
	s19 =	smov.u32 s14  }
0x5e: {  	v16, _, _ =	vpop (xrf0);
	(v2sf) =	vpush v14, $0xF;
	s19 =	simm.s32 @!p1 $0x80  }
0x5f: {  	[tilespmem:s19+$0x79B0] =	vst.msk vm1, v15;
	s19 =	smov.u32 s16  }
0x60: {  	(v2sf) =	vpush v16, $0xF;
	s19 =	simm.s32 @!p2 $0x80  }
0x61: {  	s20 =	sadd.s32 $0x10, s20;
	[tilespmem:s19+$0x7A40] =	vst.msk vm0, v15  }
0x62: {  	v14 =	vld [tilespmem:s20+$0x0];
	_ =	sdelay $0x4  }
.Ltmp0:
0x63: {  	vm4 =	veq.s32 v14, v0;
	vm2 =	veq.s32 v14, v1;
	vm0 =	veq.s32 v14, v5;
	(pc) =	sbr.rel @p0 .LBB2_2-.Ltmp0, $4  }
0x64: {  	vm1 =	veq.s32 v14, v3;
	v15 =	vsel vm4, $0x1, v6;
	v17 =	vsel vm2, $0x1, v6  }
0x65: {  	vm3 =	veq.s32 v14, v2;
	v14 =	vsel vm1, $0x1, v6;
	v16 =	vsel vm0, $0x1, v6;
	(xrf0) =	vadd.scan.msk.s32 $0xffff, v15  }
0x66: {  	v15 =	vsel vm3, $0x1, v6;
	(xrf0) =	vadd.scan.msk.s32 $0xffff, v17  }
0x67: {  	(xrf0) =	vadd.scan.msk.s32 $0xffff, v14;
	s21 =	spop (v2sf)  }
0x68: {  	_ =	sdelay $0x2  }
0x69: {  	v14, _, _ =	vpop (xrf0)  }
0x6a: {  	(v2sf) =	vpush v14, $0xF;
	_ =	sdelay $0x4  }
0x6b: {  	s15 =	spop (v2sf)  }
0x6c: {  	s21 =	sadd.s32 s24, s21;
	s20 =	spop (v2sf)  }
0x6d: {  	p0 =	slt.s32 s21, $0x80;
	s23 =	spop (v2sf)  }
0x6e: {  	s19 =	sadd.s32 s17, s15;
	s15 =	smov.u32 s21;
	s24 =	spop (v2sf)  }
0x6f: {  	s15 =	simm.s32 @!p0 $0x80;
	p0 =	slt.s32 s19, $0x80;
	v14 =	vor.u32 s13, v4;
	s17 =	sadd.s32 s18, s24  }
0x70: {  	s18 =	smov.u32 s19;
	s13 =	sadd.s32 s16, s23;
	[tilespmem:s15+$0x7800] =	vst.msk vm4, v14;
	s15 =	sadd.s32 s14, s20  }
0x71: {  	s18 =	simm.s32 @!p0 $0x80;
	p0 =	slt.s32 s17, $0x80;
	s14 =	smov.u32 s17  }
0x72: {  	p1 =	slt.s32 s15, $0x80;
	[tilespmem:s18+$0x7890] =	vst.msk vm2, v14;
	s14 =	simm.s32 @!p0 $0x80;
	s16 =	smov.u32 s15  }
0x73: {  	p0 =	slt.s32 s13, $0x80;
	[tilespmem:s14+$0x7920] =	vst.msk vm3, v14;
	s16 =	simm.s32 @!p1 $0x80;
	s14 =	smov.u32 s13  }
0x74: {  	[tilespmem:s16+$0x79B0] =	vst.msk vm1, v14;
	s14 =	simm.s32 @!p0 $0x80  }
0x75: {  	[tilespmem:s14+$0x7A40] =	vst.msk vm0, v14;
	s16 =	spop (v2sf)  }
0x76: {  	v17 =	vld [tilespmem:$0x7800];
	s14 =	sadd.s32 s21, s16  }
0x77: {  	p0 =	slt.s32 s14, $0x80  }
0x78: {  	s14 =	simm.s32 @!p0 $0x80  }
0x79: {  	v14 =	vmov s14  }
0x7a: {  	vm12 =	vgt.s32 v14, v4  }
0x7b: {  	v17 =	vnsel vm12, $0x0, v17;
	_ =	sdelay $0x4  }
0x7c: {  	v18 =	vld.idx.msk [tilespmem:v17+s7+$0x0], $0xffff;
	_ =	sdelay $0x4  }
0x7d: {  	v18 =	vnsel vm12, $0xCE6E6B28, v18  }
0x7e: {  	[tilespmem:$0x7B00] =	vst v18  }
0x7f: {  	v18 =	vld.idx.msk [tilespmem:v17+s8+$0x0], $0xffff;
	_ =	sdelay $0x4  }
0x80: {  	v18 =	vnsel vm12, $0x0, v18  }
0x81: {  	[tilespmem:$0x7D80] =	vst v18  }
0x82: {  	v18 =	vld.idx.msk [tilespmem:v17+s9+$0x0], $0xffff;
	_ =	sdelay $0x4  }
0x83: {  	v18 =	vnsel vm12, $0x0, v18  }
0x84: {  	[tilespmem:$0x8000] =	vst v18  }
0x85: {  	v18 =	vld.idx.msk [tilespmem:v17+s10+$0x0], $0xffff;
	_ =	sdelay $0x2  }
0x86: {  	(xrf0) =	vadd.scan.msk.s32 $0xffff, v16  }
0x87: {  	(xrf0) =	vadd.scan.msk.s32 $0xffff, v15;
	v15 =	vld [tilespmem:$0x7810]  }
0x88: {  	v35 =	vnsel vm12, $0x0, v18  }
0x89: {  	[tilespmem:$0x8280] =	vst v35  }
0x8a: {  	v17 =	vld.idx.msk [tilespmem:v17+s11+$0x0], $0xffff  }
0x8b: {  	vm13 =	vgt.s32 v14, v7  }
0x8c: {  	v15 =	vnsel vm13, $0x0, v15;
	_ =	sdelay $0x2  }
0x8d: {  	v40 =	vnsel vm12, $0x0, v17  }
0x8e: {  	[tilespmem:$0x8500] =	vst v40  }
0x8f: {  	v16 =	vld.idx.msk [tilespmem:v15+s7+$0x0], $0xffff;
	_ =	sdelay $0x4  }
0x90: {  	v16 =	vnsel vm13, $0xCE6E6B28, v16  }
0x91: {  	[tilespmem:$0x7B10] =	vst v16  }
0x92: {  	v16 =	vld.idx.msk [tilespmem:v15+s8+$0x0], $0xffff;
	_ =	sdelay $0x4  }
0x93: {  	v16 =	vnsel vm13, $0x0, v16  }
0x94: {  	[tilespmem:$0x7D90] =	vst v16  }
0x95: {  	v16 =	vld.idx.msk [tilespmem:v15+s9+$0x0], $0xffff;
	_ =	sdelay $0x4  }
0x96: {  	v16 =	vnsel vm13, $0x0, v16  }
0x97: {  	[tilespmem:$0x8010] =	vst v16  }
0x98: {  	v16 =	vld.idx.msk [tilespmem:v15+s10+$0x0], $0xffff;
	_ =	sdelay $0x3  }
0x99: {  	v41 =	vld [tilespmem:$0x7820]  }
0x9a: {  	v16 =	vnsel vm13, $0x0, v16  }
0x9b: {  	[tilespmem:$0x8290] =	vst v16  }
0x9c: {  	v15 =	vld.idx.msk [tilespmem:v15+s11+$0x0], $0xffff  }
0x9d: {  	vm14 =	vgt.s32 v14, v8  }
0x9e: {  	v42 =	vnsel vm14, $0x0, v41;
	_ =	sdelay $0x2  }
0x9f: {  	v15 =	vnsel vm13, $0x0, v15  }
0xa0: {  	[tilespmem:$0x8510] =	vst v15  }
0xa1: {  	v15 =	vld.idx.msk [tilespmem:v42+s7+$0x0], $0xffff;
	_ =	sdelay $0x4  }
0xa2: {  	v15 =	vnsel vm14, $0xCE6E6B28, v15  }
0xa3: {  	[tilespmem:$0x7B20] =	vst v15  }
0xa4: {  	v15 =	vld.idx.msk [tilespmem:v42+s8+$0x0], $0xffff;
	_ =	sdelay $0x4  }
0xa5: {  	v15 =	vnsel vm14, $0x0, v15  }
0xa6: {  	[tilespmem:$0x7DA0] =	vst v15  }
0xa7: {  	v15 =	vld.idx.msk [tilespmem:v42+s9+$0x0], $0xffff;
	_ =	sdelay $0x4  }
0xa8: {  	v15 =	vnsel vm14, $0x0, v15  }
0xa9: {  	[tilespmem:$0x8020] =	vst v15  }
0xaa: {  	v15 =	vld.idx.msk [tilespmem:v42+s10+$0x0], $0xffff;
	_ =	sdelay $0x3  }
0xab: {  	v43 =	vld [tilespmem:$0x7830]  }
0xac: {  	v15 =	vnsel vm14, $0x0, v15  }
0xad: {  	[tilespmem:$0x82A0] =	vst v15  }
0xae: {  	v15 =	vld.idx.msk [tilespmem:v42+s11+$0x0], $0xffff  }
0xaf: {  	v36, _, _ =	vpop (xrf0);
	vm15 =	vgt.s32 v14, v9  }
0xb0: {  	(v2sf) =	vpush v36, $0xF;
	v37, _, _ =	vpop (xrf0);
	v44 =	vnsel vm15, $0x0, v43  }
0xb1: {  	(v2sf) =	vpush v37, $0xF;
	v38, _, _ =	vpop (xrf0)  }
0xb2: {  	(v2sf) =	vpush v38, $0xF;
	v39, _, _ =	vpop (xrf0)  }
0xb3: {  	(v2sf) =	vpush v39, $0xF;
	v15 =	vnsel vm14, $0x0, v15  }
0xb4: {  	[tilespmem:$0x8520] =	vst v15  }
0xb5: {  	v15 =	vld.idx.msk [tilespmem:v44+s7+$0x0], $0xffff;
	_ =	sdelay $0x4  }
0xb6: {  	v15 =	vnsel vm15, $0xCE6E6B28, v15  }
0xb7: {  	[tilespmem:$0x7B30] =	vst v15  }
0xb8: {  	v15 =	vld.idx.msk [tilespmem:v44+s8+$0x0], $0xffff;
	_ =	sdelay $0x2  }
0xb9: {  	s18 =	spop (v2sf)  }
0xba: {  	s21 =	spop (v2sf)  }
0xbb: {  	s23 =	spop (v2sf);
	v15 =	vnsel vm15, $0x0, v15  }
0xbc: {  	s24 =	spop (v2sf);
	[tilespmem:$0x7DB0] =	vst v15  }
0xbd: {  	v15 =	vld.idx.msk [tilespmem:v44+s9+$0x0], $0xffff;
	_ =	sdelay $0x4  }
0xbe: {  	v15 =	vnsel vm15, $0x0, v15  }
0xbf: {  	[tilespmem:$0x8030] =	vst v15  }
0xc0: {  	v15 =	vld.idx.msk [tilespmem:v44+s10+$0x0], $0xffff;
	_ =	sdelay $0x3  }
0xc1: {  	v45 =	vld [tilespmem:$0x7840]  }
0xc2: {  	v15 =	vnsel vm15, $0x0, v15  }
0xc3: {  	[tilespmem:$0x82B0] =	vst v15  }
0xc4: {  	v15 =	vld.idx.msk [tilespmem:v44+s11+$0x0], $0xffff  }
0xc5: {  	vm4 =	vgt.s32 v14, v10  }
0xc6: {  	v46 =	vnsel vm4, $0x0, v45;
	_ =	sdelay $0x2  }
0xc7: {  	v15 =	vnsel vm15, $0x0, v15  }
0xc8: {  	[tilespmem:$0x8530] =	vst v15  }
0xc9: {  	v15 =	vld.idx.msk [tilespmem:v46+s7+$0x0], $0xffff;
	_ =	sdelay $0x4  }
0xca: {  	v15 =	vnsel vm4, $0xCE6E6B28, v15  }
0xcb: {  	[tilespmem:$0x7B40] =	vst v15  }
0xcc: {  	v15 =	vld.idx.msk [tilespmem:v46+s8+$0x0], $0xffff;
	_ =	sdelay $0x4  }
0xcd: {  	v15 =	vnsel vm4, $0x0, v15  }
0xce: {  	[tilespmem:$0x7DC0] =	vst v15  }
0xcf: {  	v15 =	vld.idx.msk [tilespmem:v46+s9+$0x0], $0xffff;
	_ =	sdelay $0x4  }
0xd0: {  	v15 =	vnsel vm4, $0x0, v15  }
0xd1: {  	[tilespmem:$0x8040] =	vst v15  }
0xd2: {  	v15 =	vld.idx.msk [tilespmem:v46+s10+$0x0], $0xffff;
	_ =	sdelay $0x3  }
0xd3: {  	v47 =	vld [tilespmem:$0x7850]  }
0xd4: {  	v15 =	vnsel vm4, $0x0, v15  }
0xd5: {  	[tilespmem:$0x82C0] =	vst v15  }
0xd6: {  	v15 =	vld.idx.msk [tilespmem:v46+s11+$0x0], $0xffff  }
0xd7: {  	vm5 =	vgt.s32 v14, v11  }
0xd8: {  	v48 =	vnsel vm5, $0x0, v47;
	_ =	sdelay $0x2  }
0xd9: {  	v15 =	vnsel vm4, $0x0, v15  }
0xda: {  	[tilespmem:$0x8540] =	vst v15  }
0xdb: {  	v15 =	vld.idx.msk [tilespmem:v48+s7+$0x0], $0xffff;
	_ =	sdelay $0x4  }
0xdc: {  	v15 =	vnsel vm5, $0xCE6E6B28, v15  }
0xdd: {  	[tilespmem:$0x7B50] =	vst v15  }
0xde: {  	v15 =	vld.idx.msk [tilespmem:v48+s8+$0x0], $0xffff;
	_ =	sdelay $0x4  }
0xdf: {  	v15 =	vnsel vm5, $0x0, v15  }
0xe0: {  	[tilespmem:$0x7DD0] =	vst v15  }
0xe1: {  	v15 =	vld.idx.msk [tilespmem:v48+s9+$0x0], $0xffff;
	_ =	sdelay $0x4  }
0xe2: {  	v15 =	vnsel vm5, $0x0, v15  }
0xe3: {  	[tilespmem:$0x8050] =	vst v15  }
0xe4: {  	v15 =	vld.idx.msk [tilespmem:v48+s10+$0x0], $0xffff;
	_ =	sdelay $0x3  }
0xe5: {  	v49 =	vld [tilespmem:$0x7860]  }
0xe6: {  	v15 =	vnsel vm5, $0x0, v15  }
0xe7: {  	[tilespmem:$0x82D0] =	vst v15  }
0xe8: {  	v15 =	vld.idx.msk [tilespmem:v48+s11+$0x0], $0xffff  }
0xe9: {  	vm6 =	vgt.s32 v14, v12  }
0xea: {  	v50 =	vnsel vm6, $0x0, v49;
	_ =	sdelay $0x2  }
0xeb: {  	v15 =	vnsel vm5, $0x0, v15  }
0xec: {  	[tilespmem:$0x8550] =	vst v15  }
0xed: {  	v15 =	vld.idx.msk [tilespmem:v50+s7+$0x0], $0xffff;
	_ =	sdelay $0x4  }
0xee: {  	v15 =	vnsel vm6, $0xCE6E6B28, v15  }
0xef: {  	[tilespmem:$0x7B60] =	vst v15  }
0xf0: {  	v15 =	vld.idx.msk [tilespmem:v50+s8+$0x0], $0xffff;
	_ =	sdelay $0x4  }
0xf1: {  	v15 =	vnsel vm6, $0x0, v15  }
0xf2: {  	[tilespmem:$0x7DE0] =	vst v15  }
0xf3: {  	v15 =	vld.idx.msk [tilespmem:v50+s9+$0x0], $0xffff;
	_ =	sdelay $0x4  }
0xf4: {  	v15 =	vnsel vm6, $0x0, v15  }
0xf5: {  	[tilespmem:$0x8060] =	vst v15  }
0xf6: {  	v15 =	vld.idx.msk [tilespmem:v50+s10+$0x0], $0xffff;
	_ =	sdelay $0x3  }
0xf7: {  	v51 =	vld [tilespmem:$0x7870]  }
0xf8: {  	v15 =	vnsel vm6, $0x0, v15  }
0xf9: {  	[tilespmem:$0x82E0] =	vst v15  }
0xfa: {  	v15 =	vld.idx.msk [tilespmem:v50+s11+$0x0], $0xffff  }
0xfb: {  	vm7 =	vgt.s32 v14, v13  }
0xfc: {  	v14 =	vnsel vm7, $0x0, v51;
	_ =	sdelay $0x2  }
0xfd: {  	v15 =	vnsel vm6, $0x0, v15  }
0xfe: {  	[tilespmem:$0x8560] =	vst v15  }
0xff: {  	v15 =	vld.idx.msk [tilespmem:v14+s7+$0x0], $0xffff;
	_ =	sdelay $0x4  }
0x100: {  	v15 =	vnsel vm7, $0xCE6E6B28, v15  }
0x101: {  	[tilespmem:$0x7B70] =	vst v15  }
0x102: {  	v15 =	vld.idx.msk [tilespmem:v14+s8+$0x0], $0xffff;
	_ =	sdelay $0x4  }
0x103: {  	v15 =	vnsel vm7, $0x0, v15  }
0x104: {  	[tilespmem:$0x7DF0] =	vst v15  }
0x105: {  	v15 =	vld.idx.msk [tilespmem:v14+s9+$0x0], $0xffff;
	_ =	sdelay $0x4  }
0x106: {  	v15 =	vnsel vm7, $0x0, v15  }
0x107: {  	[tilespmem:$0x8070] =	vst v15  }
0x108: {  	v15 =	vld.idx.msk [tilespmem:v14+s10+$0x0], $0xffff;
	_ =	sdelay $0x3  }
0x109: {  	s19 =	sadd.s32 s19, s18;
	v52 =	vld [tilespmem:$0x7890]  }
0x10a: {  	p0 =	slt.s32 s19, $0x80;
	v15 =	vnsel vm7, $0x0, v15  }
0x10b: {  	s19 =	simm.s32 @!p0 $0x80;
	[tilespmem:$0x82F0] =	vst v15  }
0x10c: {  	v15 =	vmov s19;
	v14 =	vld.idx.msk [tilespmem:v14+s11+$0x0], $0xffff  }
0x10d: {  	vm8 =	vgt.s32 v15, v4  }
0x10e: {  	v16 =	vnsel vm8, $0x0, v52;
	_ =	sdelay $0x2  }
0x10f: {  	v14 =	vnsel vm7, $0x0, v14  }
0x110: {  	[tilespmem:$0x8570] =	vst v14  }
0x111: {  	v14 =	vld.idx.msk [tilespmem:v16+s7+$0x0], $0xffff;
	_ =	sdelay $0x4  }
0x112: {  	v14 =	vnsel vm8, $0xCE6E6B28, v14  }
0x113: {  	[tilespmem:$0x7B80] =	vst v14  }
0x114: {  	v14 =	vld.idx.msk [tilespmem:v16+s8+$0x0], $0xffff;
	_ =	sdelay $0x4  }
0x115: {  	v14 =	vnsel vm8, $0x0, v14  }
0x116: {  	[tilespmem:$0x7E00] =	vst v14  }
0x117: {  	v14 =	vld.idx.msk [tilespmem:v16+s9+$0x0], $0xffff;
	_ =	sdelay $0x4  }
0x118: {  	v14 =	vnsel vm8, $0x0, v14  }
0x119: {  	[tilespmem:$0x8080] =	vst v14  }
0x11a: {  	v14 =	vld.idx.msk [tilespmem:v16+s10+$0x0], $0xffff;
	_ =	sdelay $0x3  }
0x11b: {  	v53 =	vld [tilespmem:$0x78A0]  }
0x11c: {  	v14 =	vnsel vm8, $0x0, v14  }
0x11d: {  	[tilespmem:$0x8300] =	vst v14  }
0x11e: {  	v14 =	vld.idx.msk [tilespmem:v16+s11+$0x0], $0xffff  }
0x11f: {  	vm9 =	vgt.s32 v15, v7  }
0x120: {  	v54 =	vnsel vm9, $0x0, v53;
	_ =	sdelay $0x2  }
0x121: {  	v14 =	vnsel vm8, $0x0, v14  }
0x122: {  	[tilespmem:$0x8580] =	vst v14  }
0x123: {  	v14 =	vld.idx.msk [tilespmem:v54+s7+$0x0], $0xffff;
	_ =	sdelay $0x4  }
0x124: {  	v14 =	vnsel vm9, $0xCE6E6B28, v14  }
0x125: {  	[tilespmem:$0x7B90] =	vst v14  }
0x126: {  	v14 =	vld.idx.msk [tilespmem:v54+s8+$0x0], $0xffff;
	_ =	sdelay $0x4  }
0x127: {  	v14 =	vnsel vm9, $0x0, v14  }
0x128: {  	[tilespmem:$0x7E10] =	vst v14  }
0x129: {  	v14 =	vld.idx.msk [tilespmem:v54+s9+$0x0], $0xffff;
	_ =	sdelay $0x4  }
0x12a: {  	v14 =	vnsel vm9, $0x0, v14  }
0x12b: {  	[tilespmem:$0x8090] =	vst v14  }
0x12c: {  	v14 =	vld.idx.msk [tilespmem:v54+s10+$0x0], $0xffff;
	_ =	sdelay $0x3  }
0x12d: {  	v55 =	vld [tilespmem:$0x78B0]  }
0x12e: {  	v14 =	vnsel vm9, $0x0, v14  }
0x12f: {  	[tilespmem:$0x8310] =	vst v14  }
0x130: {  	v14 =	vld.idx.msk [tilespmem:v54+s11+$0x0], $0xffff  }
0x131: {  	vm10 =	vgt.s32 v15, v8  }
0x132: {  	v56 =	vnsel vm10, $0x0, v55;
	_ =	sdelay $0x2  }
0x133: {  	v14 =	vnsel vm9, $0x0, v14  }
0x134: {  	[tilespmem:$0x8590] =	vst v14  }
0x135: {  	v14 =	vld.idx.msk [tilespmem:v56+s7+$0x0], $0xffff;
	_ =	sdelay $0x4  }
0x136: {  	v14 =	vnsel vm10, $0xCE6E6B28, v14  }
0x137: {  	[tilespmem:$0x7BA0] =	vst v14  }
0x138: {  	v14 =	vld.idx.msk [tilespmem:v56+s8+$0x0], $0xffff;
	_ =	sdelay $0x4  }
0x139: {  	v14 =	vnsel vm10, $0x0, v14  }
0x13a: {  	[tilespmem:$0x7E20] =	vst v14  }
0x13b: {  	v14 =	vld.idx.msk [tilespmem:v56+s9+$0x0], $0xffff;
	_ =	sdelay $0x4  }
0x13c: {  	v14 =	vnsel vm10, $0x0, v14  }
0x13d: {  	[tilespmem:$0x80A0] =	vst v14  }
0x13e: {  	v14 =	vld.idx.msk [tilespmem:v56+s10+$0x0], $0xffff;
	_ =	sdelay $0x3  }
0x13f: {  	v57 =	vld [tilespmem:$0x78C0]  }
0x140: {  	v14 =	vnsel vm10, $0x0, v14  }
0x141: {  	[tilespmem:$0x8320] =	vst v14  }
0x142: {  	v14 =	vld.idx.msk [tilespmem:v56+s11+$0x0], $0xffff  }
0x143: {  	vm11 =	vgt.s32 v15, v9  }
0x144: {  	v58 =	vnsel vm11, $0x0, v57;
	_ =	sdelay $0x2  }
0x145: {  	v14 =	vnsel vm10, $0x0, v14  }
0x146: {  	[tilespmem:$0x85A0] =	vst v14  }
0x147: {  	v14 =	vld.idx.msk [tilespmem:v58+s7+$0x0], $0xffff;
	_ =	sdelay $0x4  }
0x148: {  	v14 =	vnsel vm11, $0xCE6E6B28, v14  }
0x149: {  	[tilespmem:$0x7BB0] =	vst v14  }
0x14a: {  	v14 =	vld.idx.msk [tilespmem:v58+s8+$0x0], $0xffff;
	_ =	sdelay $0x4  }
0x14b: {  	v14 =	vnsel vm11, $0x0, v14  }
0x14c: {  	[tilespmem:$0x7E30] =	vst v14  }
0x14d: {  	v14 =	vld.idx.msk [tilespmem:v58+s9+$0x0], $0xffff;
	_ =	sdelay $0x4  }
0x14e: {  	v14 =	vnsel vm11, $0x0, v14  }
0x14f: {  	[tilespmem:$0x80B0] =	vst v14  }
0x150: {  	v14 =	vld.idx.msk [tilespmem:v58+s10+$0x0], $0xffff;
	_ =	sdelay $0x3  }
0x151: {  	v59 =	vld [tilespmem:$0x78D0]  }
0x152: {  	v14 =	vnsel vm11, $0x0, v14  }
0x153: {  	[tilespmem:$0x8330] =	vst v14  }
0x154: {  	v14 =	vld.idx.msk [tilespmem:v58+s11+$0x0], $0xffff  }
0x155: {  	vm12 =	vgt.s32 v15, v10  }
0x156: {  	v60 =	vnsel vm12, $0x0, v59;
	_ =	sdelay $0x2  }
0x157: {  	v14 =	vnsel vm11, $0x0, v14  }
0x158: {  	[tilespmem:$0x85B0] =	vst v14  }
0x159: {  	v14 =	vld.idx.msk [tilespmem:v60+s7+$0x0], $0xffff;
	_ =	sdelay $0x4  }
0x15a: {  	v14 =	vnsel vm12, $0xCE6E6B28, v14  }
0x15b: {  	[tilespmem:$0x7BC0] =	vst v14  }
0x15c: {  	v14 =	vld.idx.msk [tilespmem:v60+s8+$0x0], $0xffff;
	_ =	sdelay $0x4  }
0x15d: {  	v14 =	vnsel vm12, $0x0, v14  }
0x15e: {  	[tilespmem:$0x7E40] =	vst v14  }
0x15f: {  	v14 =	vld.idx.msk [tilespmem:v60+s9+$0x0], $0xffff;
	_ =	sdelay $0x4  }
0x160: {  	v14 =	vnsel vm12, $0x0, v14  }
0x161: {  	[tilespmem:$0x80C0] =	vst v14  }
0x162: {  	v14 =	vld.idx.msk [tilespmem:v60+s10+$0x0], $0xffff;
	_ =	sdelay $0x3  }
0x163: {  	v61 =	vld [tilespmem:$0x78E0]  }
0x164: {  	v14 =	vnsel vm12, $0x0, v14  }
0x165: {  	[tilespmem:$0x8340] =	vst v14  }
0x166: {  	v14 =	vld.idx.msk [tilespmem:v60+s11+$0x0], $0xffff  }
0x167: {  	vm13 =	vgt.s32 v15, v11  }
0x168: {  	v62 =	vnsel vm13, $0x0, v61;
	_ =	sdelay $0x2  }
0x169: {  	v14 =	vnsel vm12, $0x0, v14  }
0x16a: {  	[tilespmem:$0x85C0] =	vst v14  }
0x16b: {  	v14 =	vld.idx.msk [tilespmem:v62+s7+$0x0], $0xffff;
	_ =	sdelay $0x4  }
0x16c: {  	v14 =	vnsel vm13, $0xCE6E6B28, v14  }
0x16d: {  	[tilespmem:$0x7BD0] =	vst v14  }
0x16e: {  	v14 =	vld.idx.msk [tilespmem:v62+s8+$0x0], $0xffff;
	_ =	sdelay $0x4  }
0x16f: {  	v14 =	vnsel vm13, $0x0, v14  }
0x170: {  	[tilespmem:$0x7E50] =	vst v14  }
0x171: {  	v14 =	vld.idx.msk [tilespmem:v62+s9+$0x0], $0xffff;
	_ =	sdelay $0x4  }
0x172: {  	v14 =	vnsel vm13, $0x0, v14  }
0x173: {  	[tilespmem:$0x80D0] =	vst v14  }
0x174: {  	v14 =	vld.idx.msk [tilespmem:v62+s10+$0x0], $0xffff;
	_ =	sdelay $0x3  }
0x175: {  	v63 =	vld [tilespmem:$0x78F0]  }
0x176: {  	v14 =	vnsel vm13, $0x0, v14  }
0x177: {  	[tilespmem:$0x8350] =	vst v14  }
0x178: {  	v14 =	vld.idx.msk [tilespmem:v62+s11+$0x0], $0xffff  }
0x179: {  	vm14 =	vgt.s32 v15, v12  }
0x17a: {  	v20 =	vnsel vm14, $0x0, v63;
	_ =	sdelay $0x2  }
0x17b: {  	v14 =	vnsel vm13, $0x0, v14  }
0x17c: {  	[tilespmem:$0x85D0] =	vst v14  }
0x17d: {  	v14 =	vld.idx.msk [tilespmem:v20+s7+$0x0], $0xffff;
	_ =	sdelay $0x4  }
0x17e: {  	v14 =	vnsel vm14, $0xCE6E6B28, v14  }
0x17f: {  	[tilespmem:$0x7BE0] =	vst v14  }
0x180: {  	v14 =	vld.idx.msk [tilespmem:v20+s8+$0x0], $0xffff;
	_ =	sdelay $0x4  }
0x181: {  	v14 =	vnsel vm14, $0x0, v14  }
0x182: {  	[tilespmem:$0x7E60] =	vst v14  }
0x183: {  	v14 =	vld.idx.msk [tilespmem:v20+s9+$0x0], $0xffff;
	_ =	sdelay $0x4  }
0x184: {  	v14 =	vnsel vm14, $0x0, v14  }
0x185: {  	[tilespmem:$0x80E0] =	vst v14  }
0x186: {  	v14 =	vld.idx.msk [tilespmem:v20+s10+$0x0], $0xffff;
	_ =	sdelay $0x3  }
0x187: {  	v21 =	vld [tilespmem:$0x7900]  }
0x188: {  	v14 =	vnsel vm14, $0x0, v14  }
0x189: {  	[tilespmem:$0x8360] =	vst v14  }
0x18a: {  	v14 =	vld.idx.msk [tilespmem:v20+s11+$0x0], $0xffff  }
0x18b: {  	vm15 =	vgt.s32 v15, v13  }
0x18c: {  	v15 =	vnsel vm15, $0x0, v21;
	_ =	sdelay $0x2  }
0x18d: {  	v14 =	vnsel vm14, $0x0, v14  }
0x18e: {  	[tilespmem:$0x85E0] =	vst v14  }
0x18f: {  	v14 =	vld.idx.msk [tilespmem:v15+s7+$0x0], $0xffff;
	_ =	sdelay $0x4  }
0x190: {  	v14 =	vnsel vm15, $0xCE6E6B28, v14  }
0x191: {  	[tilespmem:$0x7BF0] =	vst v14  }
0x192: {  	v14 =	vld.idx.msk [tilespmem:v15+s8+$0x0], $0xffff;
	_ =	sdelay $0x4  }
0x193: {  	v14 =	vnsel vm15, $0x0, v14  }
0x194: {  	[tilespmem:$0x7E70] =	vst v14  }
0x195: {  	v14 =	vld.idx.msk [tilespmem:v15+s9+$0x0], $0xffff;
	_ =	sdelay $0x4  }
0x196: {  	v14 =	vnsel vm15, $0x0, v14  }
0x197: {  	[tilespmem:$0x80F0] =	vst v14  }
0x198: {  	v14 =	vld.idx.msk [tilespmem:v15+s10+$0x0], $0xffff;
	_ =	sdelay $0x3  }
0x199: {  	s17 =	sadd.s32 s17, s24;
	v22 =	vld [tilespmem:$0x7920]  }
0x19a: {  	p0 =	slt.s32 s17, $0x80;
	v14 =	vnsel vm15, $0x0, v14  }
0x19b: {  	s17 =	simm.s32 @!p0 $0x80;
	[tilespmem:$0x8370] =	vst v14  }
0x19c: {  	v14 =	vmov s17;
	v15 =	vld.idx.msk [tilespmem:v15+s11+$0x0], $0xffff  }
0x19d: {  	vm4 =	vgt.s32 v14, v4  }
0x19e: {  	v16 =	vnsel vm4, $0x0, v22;
	_ =	sdelay $0x2  }
0x19f: {  	v15 =	vnsel vm15, $0x0, v15  }
0x1a0: {  	[tilespmem:$0x85F0] =	vst v15  }
0x1a1: {  	v15 =	vld.idx.msk [tilespmem:v16+s7+$0x0], $0xffff;
	_ =	sdelay $0x4  }
0x1a2: {  	v15 =	vnsel vm4, $0xCE6E6B28, v15  }
0x1a3: {  	[tilespmem:$0x7C00] =	vst v15  }
0x1a4: {  	v15 =	vld.idx.msk [tilespmem:v16+s8+$0x0], $0xffff;
	_ =	sdelay $0x4  }
0x1a5: {  	v15 =	vnsel vm4, $0x0, v15  }
0x1a6: {  	[tilespmem:$0x7E80] =	vst v15  }
0x1a7: {  	v15 =	vld.idx.msk [tilespmem:v16+s9+$0x0], $0xffff;
	_ =	sdelay $0x4  }
0x1a8: {  	v15 =	vnsel vm4, $0x0, v15  }
0x1a9: {  	[tilespmem:$0x8100] =	vst v15  }
0x1aa: {  	v15 =	vld.idx.msk [tilespmem:v16+s10+$0x0], $0xffff;
	_ =	sdelay $0x3  }
0x1ab: {  	v23 =	vld [tilespmem:$0x7930]  }
0x1ac: {  	v15 =	vnsel vm4, $0x0, v15  }
0x1ad: {  	[tilespmem:$0x8380] =	vst v15  }
0x1ae: {  	v15 =	vld.idx.msk [tilespmem:v16+s11+$0x0], $0xffff  }
0x1af: {  	vm5 =	vgt.s32 v14, v7  }
0x1b0: {  	v24 =	vnsel vm5, $0x0, v23;
	_ =	sdelay $0x2  }
0x1b1: {  	v15 =	vnsel vm4, $0x0, v15  }
0x1b2: {  	[tilespmem:$0x8600] =	vst v15  }
0x1b3: {  	v15 =	vld.idx.msk [tilespmem:v24+s7+$0x0], $0xffff;
	_ =	sdelay $0x4  }
0x1b4: {  	v15 =	vnsel vm5, $0xCE6E6B28, v15  }
0x1b5: {  	[tilespmem:$0x7C10] =	vst v15  }
0x1b6: {  	v15 =	vld.idx.msk [tilespmem:v24+s8+$0x0], $0xffff;
	_ =	sdelay $0x4  }
0x1b7: {  	v15 =	vnsel vm5, $0x0, v15  }
0x1b8: {  	[tilespmem:$0x7E90] =	vst v15  }
0x1b9: {  	v15 =	vld.idx.msk [tilespmem:v24+s9+$0x0], $0xffff;
	_ =	sdelay $0x4  }
0x1ba: {  	v15 =	vnsel vm5, $0x0, v15  }
0x1bb: {  	[tilespmem:$0x8110] =	vst v15  }
0x1bc: {  	v15 =	vld.idx.msk [tilespmem:v24+s10+$0x0], $0xffff;
	_ =	sdelay $0x3  }
0x1bd: {  	v25 =	vld [tilespmem:$0x7940]  }
0x1be: {  	v15 =	vnsel vm5, $0x0, v15  }
0x1bf: {  	[tilespmem:$0x8390] =	vst v15  }
0x1c0: {  	v15 =	vld.idx.msk [tilespmem:v24+s11+$0x0], $0xffff  }
0x1c1: {  	vm6 =	vgt.s32 v14, v8  }
0x1c2: {  	v26 =	vnsel vm6, $0x0, v25;
	_ =	sdelay $0x2  }
0x1c3: {  	v15 =	vnsel vm5, $0x0, v15  }
0x1c4: {  	[tilespmem:$0x8610] =	vst v15  }
0x1c5: {  	v15 =	vld.idx.msk [tilespmem:v26+s7+$0x0], $0xffff;
	_ =	sdelay $0x4  }
0x1c6: {  	v15 =	vnsel vm6, $0xCE6E6B28, v15  }
0x1c7: {  	[tilespmem:$0x7C20] =	vst v15  }
0x1c8: {  	v15 =	vld.idx.msk [tilespmem:v26+s8+$0x0], $0xffff;
	_ =	sdelay $0x4  }
0x1c9: {  	v15 =	vnsel vm6, $0x0, v15  }
0x1ca: {  	[tilespmem:$0x7EA0] =	vst v15  }
0x1cb: {  	v15 =	vld.idx.msk [tilespmem:v26+s9+$0x0], $0xffff;
	_ =	sdelay $0x4  }
0x1cc: {  	v15 =	vnsel vm6, $0x0, v15  }
0x1cd: {  	[tilespmem:$0x8120] =	vst v15  }
0x1ce: {  	v15 =	vld.idx.msk [tilespmem:v26+s10+$0x0], $0xffff;
	_ =	sdelay $0x3  }
0x1cf: {  	v27 =	vld [tilespmem:$0x7950]  }
0x1d0: {  	v15 =	vnsel vm6, $0x0, v15  }
0x1d1: {  	[tilespmem:$0x83A0] =	vst v15  }
0x1d2: {  	v15 =	vld.idx.msk [tilespmem:v26+s11+$0x0], $0xffff  }
0x1d3: {  	vm7 =	vgt.s32 v14, v9  }
0x1d4: {  	v28 =	vnsel vm7, $0x0, v27;
	_ =	sdelay $0x2  }
0x1d5: {  	v15 =	vnsel vm6, $0x0, v15  }
0x1d6: {  	[tilespmem:$0x8620] =	vst v15  }
0x1d7: {  	v15 =	vld.idx.msk [tilespmem:v28+s7+$0x0], $0xffff;
	_ =	sdelay $0x4  }
0x1d8: {  	v15 =	vnsel vm7, $0xCE6E6B28, v15  }
0x1d9: {  	[tilespmem:$0x7C30] =	vst v15  }
0x1da: {  	v15 =	vld.idx.msk [tilespmem:v28+s8+$0x0], $0xffff;
	_ =	sdelay $0x4  }
0x1db: {  	v15 =	vnsel vm7, $0x0, v15  }
0x1dc: {  	[tilespmem:$0x7EB0] =	vst v15  }
0x1dd: {  	v15 =	vld.idx.msk [tilespmem:v28+s9+$0x0], $0xffff;
	_ =	sdelay $0x4  }
0x1de: {  	v15 =	vnsel vm7, $0x0, v15  }
0x1df: {  	[tilespmem:$0x8130] =	vst v15  }
0x1e0: {  	v15 =	vld.idx.msk [tilespmem:v28+s10+$0x0], $0xffff;
	_ =	sdelay $0x3  }
0x1e1: {  	v29 =	vld [tilespmem:$0x7960]  }
0x1e2: {  	v15 =	vnsel vm7, $0x0, v15  }
0x1e3: {  	[tilespmem:$0x83B0] =	vst v15  }
0x1e4: {  	v15 =	vld.idx.msk [tilespmem:v28+s11+$0x0], $0xffff  }
0x1e5: {  	vm8 =	vgt.s32 v14, v10  }
0x1e6: {  	v30 =	vnsel vm8, $0x0, v29;
	_ =	sdelay $0x2  }
0x1e7: {  	v15 =	vnsel vm7, $0x0, v15  }
0x1e8: {  	[tilespmem:$0x8630] =	vst v15  }
0x1e9: {  	v15 =	vld.idx.msk [tilespmem:v30+s7+$0x0], $0xffff;
	_ =	sdelay $0x4  }
0x1ea: {  	v15 =	vnsel vm8, $0xCE6E6B28, v15  }
0x1eb: {  	[tilespmem:$0x7C40] =	vst v15  }
0x1ec: {  	v15 =	vld.idx.msk [tilespmem:v30+s8+$0x0], $0xffff;
	_ =	sdelay $0x4  }
0x1ed: {  	v15 =	vnsel vm8, $0x0, v15  }
0x1ee: {  	[tilespmem:$0x7EC0] =	vst v15  }
0x1ef: {  	v15 =	vld.idx.msk [tilespmem:v30+s9+$0x0], $0xffff;
	_ =	sdelay $0x4  }
0x1f0: {  	v15 =	vnsel vm8, $0x0, v15  }
0x1f1: {  	[tilespmem:$0x8140] =	vst v15  }
0x1f2: {  	v15 =	vld.idx.msk [tilespmem:v30+s10+$0x0], $0xffff;
	_ =	sdelay $0x3  }
0x1f3: {  	v31 =	vld [tilespmem:$0x7970]  }
0x1f4: {  	v15 =	vnsel vm8, $0x0, v15  }
0x1f5: {  	[tilespmem:$0x83C0] =	vst v15  }
0x1f6: {  	v15 =	vld.idx.msk [tilespmem:v30+s11+$0x0], $0xffff  }
0x1f7: {  	vm9 =	vgt.s32 v14, v11  }
0x1f8: {  	v32 =	vnsel vm9, $0x0, v31;
	_ =	sdelay $0x2  }
0x1f9: {  	v15 =	vnsel vm8, $0x0, v15  }
0x1fa: {  	[tilespmem:$0x8640] =	vst v15  }
0x1fb: {  	v15 =	vld.idx.msk [tilespmem:v32+s7+$0x0], $0xffff;
	_ =	sdelay $0x4  }
0x1fc: {  	v15 =	vnsel vm9, $0xCE6E6B28, v15  }
0x1fd: {  	[tilespmem:$0x7C50] =	vst v15  }
0x1fe: {  	v15 =	vld.idx.msk [tilespmem:v32+s8+$0x0], $0xffff;
	_ =	sdelay $0x4  }
0x1ff: {  	v15 =	vnsel vm9, $0x0, v15  }
0x200: {  	[tilespmem:$0x7ED0] =	vst v15  }
0x201: {  	v15 =	vld.idx.msk [tilespmem:v32+s9+$0x0], $0xffff;
	_ =	sdelay $0x4  }
0x202: {  	v15 =	vnsel vm9, $0x0, v15  }
0x203: {  	[tilespmem:$0x8150] =	vst v15  }
0x204: {  	v15 =	vld.idx.msk [tilespmem:v32+s10+$0x0], $0xffff;
	_ =	sdelay $0x3  }
0x205: {  	v33 =	vld [tilespmem:$0x7980]  }
0x206: {  	v15 =	vnsel vm9, $0x0, v15  }
0x207: {  	[tilespmem:$0x83D0] =	vst v15  }
0x208: {  	v15 =	vld.idx.msk [tilespmem:v32+s11+$0x0], $0xffff  }
0x209: {  	vm10 =	vgt.s32 v14, v12  }
0x20a: {  	v34 =	vnsel vm10, $0x0, v33;
	_ =	sdelay $0x2  }
0x20b: {  	v15 =	vnsel vm9, $0x0, v15  }
0x20c: {  	[tilespmem:$0x8650] =	vst v15  }
0x20d: {  	v15 =	vld.idx.msk [tilespmem:v34+s7+$0x0], $0xffff;
	_ =	sdelay $0x4  }
0x20e: {  	v15 =	vnsel vm10, $0xCE6E6B28, v15  }
0x20f: {  	[tilespmem:$0x7C60] =	vst v15  }
0x210: {  	v15 =	vld.idx.msk [tilespmem:v34+s8+$0x0], $0xffff;
	_ =	sdelay $0x4  }
0x211: {  	v15 =	vnsel vm10, $0x0, v15  }
0x212: {  	[tilespmem:$0x7EE0] =	vst v15  }
0x213: {  	v15 =	vld.idx.msk [tilespmem:v34+s9+$0x0], $0xffff;
	_ =	sdelay $0x4  }
0x214: {  	v15 =	vnsel vm10, $0x0, v15  }
0x215: {  	[tilespmem:$0x8160] =	vst v15  }
0x216: {  	v15 =	vld.idx.msk [tilespmem:v34+s10+$0x0], $0xffff;
	_ =	sdelay $0x3  }
0x217: {  	v35 =	vld [tilespmem:$0x7990]  }
0x218: {  	v15 =	vnsel vm10, $0x0, v15  }
0x219: {  	[tilespmem:$0x83E0] =	vst v15  }
0x21a: {  	v15 =	vld.idx.msk [tilespmem:v34+s11+$0x0], $0xffff  }
0x21b: {  	vm11 =	vgt.s32 v14, v13  }
0x21c: {  	v14 =	vnsel vm11, $0x0, v35;
	_ =	sdelay $0x2  }
0x21d: {  	v15 =	vnsel vm10, $0x0, v15  }
0x21e: {  	[tilespmem:$0x8660] =	vst v15  }
0x21f: {  	v15 =	vld.idx.msk [tilespmem:v14+s7+$0x0], $0xffff;
	_ =	sdelay $0x4  }
0x220: {  	v15 =	vnsel vm11, $0xCE6E6B28, v15  }
0x221: {  	[tilespmem:$0x7C70] =	vst v15  }
0x222: {  	v15 =	vld.idx.msk [tilespmem:v14+s8+$0x0], $0xffff;
	_ =	sdelay $0x4  }
0x223: {  	v15 =	vnsel vm11, $0x0, v15  }
0x224: {  	[tilespmem:$0x7EF0] =	vst v15  }
0x225: {  	v15 =	vld.idx.msk [tilespmem:v14+s9+$0x0], $0xffff;
	_ =	sdelay $0x4  }
0x226: {  	v15 =	vnsel vm11, $0x0, v15  }
0x227: {  	[tilespmem:$0x8170] =	vst v15  }
0x228: {  	v15 =	vld.idx.msk [tilespmem:v14+s10+$0x0], $0xffff;
	_ =	sdelay $0x3  }
0x229: {  	s15 =	sadd.s32 s15, s21;
	v36 =	vld [tilespmem:$0x79B0]  }
0x22a: {  	p0 =	slt.s32 s15, $0x80;
	v15 =	vnsel vm11, $0x0, v15  }
0x22b: {  	s15 =	simm.s32 @!p0 $0x80;
	[tilespmem:$0x83F0] =	vst v15  }
0x22c: {  	v15 =	vmov s15;
	v14 =	vld.idx.msk [tilespmem:v14+s11+$0x0], $0xffff  }
0x22d: {  	vm12 =	vgt.s32 v15, v4  }
0x22e: {  	v16 =	vnsel vm12, $0x0, v36;
	_ =	sdelay $0x2  }
0x22f: {  	v14 =	vnsel vm11, $0x0, v14  }
0x230: {  	[tilespmem:$0x8670] =	vst v14  }
0x231: {  	v14 =	vld.idx.msk [tilespmem:v16+s7+$0x0], $0xffff;
	_ =	sdelay $0x4  }
0x232: {  	v14 =	vnsel vm12, $0xCE6E6B28, v14  }
0x233: {  	[tilespmem:$0x7C80] =	vst v14  }
0x234: {  	v14 =	vld.idx.msk [tilespmem:v16+s8+$0x0], $0xffff;
	_ =	sdelay $0x4  }
0x235: {  	v14 =	vnsel vm12, $0x0, v14  }
0x236: {  	[tilespmem:$0x7F00] =	vst v14  }
0x237: {  	v14 =	vld.idx.msk [tilespmem:v16+s9+$0x0], $0xffff;
	_ =	sdelay $0x4  }
0x238: {  	v14 =	vnsel vm12, $0x0, v14  }
0x239: {  	[tilespmem:$0x8180] =	vst v14  }
0x23a: {  	v14 =	vld.idx.msk [tilespmem:v16+s10+$0x0], $0xffff;
	_ =	sdelay $0x3  }
0x23b: {  	v37 =	vld [tilespmem:$0x79C0]  }
0x23c: {  	v14 =	vnsel vm12, $0x0, v14  }
0x23d: {  	[tilespmem:$0x8400] =	vst v14  }
0x23e: {  	v14 =	vld.idx.msk [tilespmem:v16+s11+$0x0], $0xffff  }
0x23f: {  	vm13 =	vgt.s32 v15, v7  }
0x240: {  	v38 =	vnsel vm13, $0x0, v37;
	_ =	sdelay $0x2  }
0x241: {  	v14 =	vnsel vm12, $0x0, v14  }
0x242: {  	[tilespmem:$0x8680] =	vst v14  }
0x243: {  	v14 =	vld.idx.msk [tilespmem:v38+s7+$0x0], $0xffff;
	_ =	sdelay $0x4  }
0x244: {  	v14 =	vnsel vm13, $0xCE6E6B28, v14  }
0x245: {  	[tilespmem:$0x7C90] =	vst v14  }
0x246: {  	v14 =	vld.idx.msk [tilespmem:v38+s8+$0x0], $0xffff;
	_ =	sdelay $0x4  }
0x247: {  	v14 =	vnsel vm13, $0x0, v14  }
0x248: {  	[tilespmem:$0x7F10] =	vst v14  }
0x249: {  	v14 =	vld.idx.msk [tilespmem:v38+s9+$0x0], $0xffff;
	_ =	sdelay $0x4  }
0x24a: {  	v14 =	vnsel vm13, $0x0, v14  }
0x24b: {  	[tilespmem:$0x8190] =	vst v14  }
0x24c: {  	v14 =	vld.idx.msk [tilespmem:v38+s10+$0x0], $0xffff;
	_ =	sdelay $0x3  }
0x24d: {  	v39 =	vld [tilespmem:$0x79D0]  }
0x24e: {  	v14 =	vnsel vm13, $0x0, v14  }
0x24f: {  	[tilespmem:$0x8410] =	vst v14  }
0x250: {  	v14 =	vld.idx.msk [tilespmem:v38+s11+$0x0], $0xffff  }
0x251: {  	vm14 =	vgt.s32 v15, v8  }
0x252: {  	v40 =	vnsel vm14, $0x0, v39;
	_ =	sdelay $0x2  }
0x253: {  	v14 =	vnsel vm13, $0x0, v14  }
0x254: {  	[tilespmem:$0x8690] =	vst v14  }
0x255: {  	v14 =	vld.idx.msk [tilespmem:v40+s7+$0x0], $0xffff;
	_ =	sdelay $0x4  }
0x256: {  	v14 =	vnsel vm14, $0xCE6E6B28, v14  }
0x257: {  	[tilespmem:$0x7CA0] =	vst v14  }
0x258: {  	v14 =	vld.idx.msk [tilespmem:v40+s8+$0x0], $0xffff;
	_ =	sdelay $0x4  }
0x259: {  	v14 =	vnsel vm14, $0x0, v14  }
0x25a: {  	[tilespmem:$0x7F20] =	vst v14  }
0x25b: {  	v14 =	vld.idx.msk [tilespmem:v40+s9+$0x0], $0xffff;
	_ =	sdelay $0x4  }
0x25c: {  	v14 =	vnsel vm14, $0x0, v14  }
0x25d: {  	[tilespmem:$0x81A0] =	vst v14  }
0x25e: {  	v14 =	vld.idx.msk [tilespmem:v40+s10+$0x0], $0xffff;
	_ =	sdelay $0x3  }
0x25f: {  	v41 =	vld [tilespmem:$0x79E0]  }
0x260: {  	v14 =	vnsel vm14, $0x0, v14  }
0x261: {  	[tilespmem:$0x8420] =	vst v14  }
0x262: {  	v14 =	vld.idx.msk [tilespmem:v40+s11+$0x0], $0xffff  }
0x263: {  	vm15 =	vgt.s32 v15, v9  }
0x264: {  	v42 =	vnsel vm15, $0x0, v41;
	_ =	sdelay $0x2  }
0x265: {  	v14 =	vnsel vm14, $0x0, v14  }
0x266: {  	[tilespmem:$0x86A0] =	vst v14  }
0x267: {  	v14 =	vld.idx.msk [tilespmem:v42+s7+$0x0], $0xffff;
	_ =	sdelay $0x4  }
0x268: {  	v14 =	vnsel vm15, $0xCE6E6B28, v14  }
0x269: {  	[tilespmem:$0x7CB0] =	vst v14  }
0x26a: {  	v14 =	vld.idx.msk [tilespmem:v42+s8+$0x0], $0xffff;
	_ =	sdelay $0x4  }
0x26b: {  	v14 =	vnsel vm15, $0x0, v14  }
0x26c: {  	[tilespmem:$0x7F30] =	vst v14  }
0x26d: {  	v14 =	vld.idx.msk [tilespmem:v42+s9+$0x0], $0xffff;
	_ =	sdelay $0x4  }
0x26e: {  	v14 =	vnsel vm15, $0x0, v14  }
0x26f: {  	[tilespmem:$0x81B0] =	vst v14  }
0x270: {  	v14 =	vld.idx.msk [tilespmem:v42+s10+$0x0], $0xffff;
	_ =	sdelay $0x3  }
0x271: {  	v43 =	vld [tilespmem:$0x79F0]  }
0x272: {  	v14 =	vnsel vm15, $0x0, v14  }
0x273: {  	[tilespmem:$0x8430] =	vst v14  }
0x274: {  	v14 =	vld.idx.msk [tilespmem:v42+s11+$0x0], $0xffff  }
0x275: {  	vm4 =	vgt.s32 v15, v10  }
0x276: {  	v44 =	vnsel vm4, $0x0, v43;
	_ =	sdelay $0x2  }
0x277: {  	v14 =	vnsel vm15, $0x0, v14  }
0x278: {  	[tilespmem:$0x86B0] =	vst v14  }
0x279: {  	v14 =	vld.idx.msk [tilespmem:v44+s7+$0x0], $0xffff;
	_ =	sdelay $0x4  }
0x27a: {  	v14 =	vnsel vm4, $0xCE6E6B28, v14  }
0x27b: {  	[tilespmem:$0x7CC0] =	vst v14  }
0x27c: {  	v14 =	vld.idx.msk [tilespmem:v44+s8+$0x0], $0xffff;
	_ =	sdelay $0x4  }
0x27d: {  	v14 =	vnsel vm4, $0x0, v14  }
0x27e: {  	[tilespmem:$0x7F40] =	vst v14  }
0x27f: {  	v14 =	vld.idx.msk [tilespmem:v44+s9+$0x0], $0xffff;
	_ =	sdelay $0x4  }
0x280: {  	v14 =	vnsel vm4, $0x0, v14  }
0x281: {  	[tilespmem:$0x81C0] =	vst v14  }
0x282: {  	v14 =	vld.idx.msk [tilespmem:v44+s10+$0x0], $0xffff;
	_ =	sdelay $0x3  }
0x283: {  	v45 =	vld [tilespmem:$0x7A00]  }
0x284: {  	v14 =	vnsel vm4, $0x0, v14  }
0x285: {  	[tilespmem:$0x8440] =	vst v14  }
0x286: {  	v14 =	vld.idx.msk [tilespmem:v44+s11+$0x0], $0xffff  }
0x287: {  	vm5 =	vgt.s32 v15, v11  }
0x288: {  	v46 =	vnsel vm5, $0x0, v45;
	_ =	sdelay $0x2  }
0x289: {  	v14 =	vnsel vm4, $0x0, v14  }
0x28a: {  	[tilespmem:$0x86C0] =	vst v14  }
0x28b: {  	v14 =	vld.idx.msk [tilespmem:v46+s7+$0x0], $0xffff;
	_ =	sdelay $0x4  }
0x28c: {  	v14 =	vnsel vm5, $0xCE6E6B28, v14  }
0x28d: {  	[tilespmem:$0x7CD0] =	vst v14  }
0x28e: {  	v14 =	vld.idx.msk [tilespmem:v46+s8+$0x0], $0xffff;
	_ =	sdelay $0x4  }
0x28f: {  	v14 =	vnsel vm5, $0x0, v14  }
0x290: {  	[tilespmem:$0x7F50] =	vst v14  }
0x291: {  	v14 =	vld.idx.msk [tilespmem:v46+s9+$0x0], $0xffff;
	_ =	sdelay $0x4  }
0x292: {  	v14 =	vnsel vm5, $0x0, v14  }
0x293: {  	[tilespmem:$0x81D0] =	vst v14  }
0x294: {  	v14 =	vld.idx.msk [tilespmem:v46+s10+$0x0], $0xffff;
	_ =	sdelay $0x3  }
0x295: {  	v47 =	vld [tilespmem:$0x7A10]  }
0x296: {  	v14 =	vnsel vm5, $0x0, v14  }
0x297: {  	[tilespmem:$0x8450] =	vst v14  }
0x298: {  	v14 =	vld.idx.msk [tilespmem:v46+s11+$0x0], $0xffff  }
0x299: {  	vm6 =	vgt.s32 v15, v12  }
0x29a: {  	v48 =	vnsel vm6, $0x0, v47;
	_ =	sdelay $0x2  }
0x29b: {  	v14 =	vnsel vm5, $0x0, v14  }
0x29c: {  	[tilespmem:$0x86D0] =	vst v14  }
0x29d: {  	v14 =	vld.idx.msk [tilespmem:v48+s7+$0x0], $0xffff;
	_ =	sdelay $0x4  }
0x29e: {  	v14 =	vnsel vm6, $0xCE6E6B28, v14  }
0x29f: {  	[tilespmem:$0x7CE0] =	vst v14  }
0x2a0: {  	v14 =	vld.idx.msk [tilespmem:v48+s8+$0x0], $0xffff;
	_ =	sdelay $0x4  }
0x2a1: {  	v14 =	vnsel vm6, $0x0, v14  }
0x2a2: {  	[tilespmem:$0x7F60] =	vst v14  }
0x2a3: {  	v14 =	vld.idx.msk [tilespmem:v48+s9+$0x0], $0xffff;
	_ =	sdelay $0x4  }
0x2a4: {  	v14 =	vnsel vm6, $0x0, v14  }
0x2a5: {  	[tilespmem:$0x81E0] =	vst v14  }
0x2a6: {  	v14 =	vld.idx.msk [tilespmem:v48+s10+$0x0], $0xffff;
	_ =	sdelay $0x3  }
0x2a7: {  	v49 =	vld [tilespmem:$0x7A20]  }
0x2a8: {  	v14 =	vnsel vm6, $0x0, v14  }
0x2a9: {  	[tilespmem:$0x8460] =	vst v14  }
0x2aa: {  	v14 =	vld.idx.msk [tilespmem:v48+s11+$0x0], $0xffff  }
0x2ab: {  	vm7 =	vgt.s32 v15, v13  }
0x2ac: {  	v15 =	vnsel vm7, $0x0, v49;
	_ =	sdelay $0x2  }
0x2ad: {  	v14 =	vnsel vm6, $0x0, v14  }
0x2ae: {  	[tilespmem:$0x86E0] =	vst v14  }
0x2af: {  	v14 =	vld.idx.msk [tilespmem:v15+s7+$0x0], $0xffff;
	_ =	sdelay $0x4  }
0x2b0: {  	v14 =	vnsel vm7, $0xCE6E6B28, v14  }
0x2b1: {  	[tilespmem:$0x7CF0] =	vst v14  }
0x2b2: {  	v14 =	vld.idx.msk [tilespmem:v15+s8+$0x0], $0xffff;
	_ =	sdelay $0x4  }
0x2b3: {  	v14 =	vnsel vm7, $0x0, v14  }
0x2b4: {  	[tilespmem:$0x7F70] =	vst v14  }
0x2b5: {  	v14 =	vld.idx.msk [tilespmem:v15+s9+$0x0], $0xffff;
	_ =	sdelay $0x4  }
0x2b6: {  	v14 =	vnsel vm7, $0x0, v14  }
0x2b7: {  	[tilespmem:$0x81F0] =	vst v14  }
0x2b8: {  	v14 =	vld.idx.msk [tilespmem:v15+s10+$0x0], $0xffff;
	_ =	sdelay $0x3  }
0x2b9: {  	s13 =	sadd.s32 s13, s23;
	v50 =	vld [tilespmem:$0x7A40]  }
0x2ba: {  	p0 =	slt.s32 s13, $0x80;
	v14 =	vnsel vm7, $0x0, v14  }
0x2bb: {  	s13 =	simm.s32 @!p0 $0x80;
	[tilespmem:$0x8470] =	vst v14  }
0x2bc: {  	v14 =	vmov s13;
	v15 =	vld.idx.msk [tilespmem:v15+s11+$0x0], $0xffff  }
0x2bd: {  	vm8 =	vgt.s32 v14, v4  }
0x2be: {  	v16 =	vnsel vm8, $0x0, v50;
	_ =	sdelay $0x2  }
0x2bf: {  	v15 =	vnsel vm7, $0x0, v15  }
0x2c0: {  	[tilespmem:$0x86F0] =	vst v15  }
0x2c1: {  	v15 =	vld.idx.msk [tilespmem:v16+s7+$0x0], $0xffff;
	_ =	sdelay $0x4  }
0x2c2: {  	v15 =	vnsel vm8, $0xCE6E6B28, v15  }
0x2c3: {  	[tilespmem:$0x7D00] =	vst v15  }
0x2c4: {  	v15 =	vld.idx.msk [tilespmem:v16+s8+$0x0], $0xffff;
	_ =	sdelay $0x4  }
0x2c5: {  	v15 =	vnsel vm8, $0x0, v15  }
0x2c6: {  	[tilespmem:$0x7F80] =	vst v15  }
0x2c7: {  	v15 =	vld.idx.msk [tilespmem:v16+s9+$0x0], $0xffff;
	_ =	sdelay $0x4  }
0x2c8: {  	v15 =	vnsel vm8, $0x0, v15  }
0x2c9: {  	[tilespmem:$0x8200] =	vst v15  }
0x2ca: {  	v15 =	vld.idx.msk [tilespmem:v16+s10+$0x0], $0xffff;
	_ =	sdelay $0x3  }
0x2cb: {  	v51 =	vld [tilespmem:$0x7A50]  }
0x2cc: {  	v15 =	vnsel vm8, $0x0, v15  }
0x2cd: {  	[tilespmem:$0x8480] =	vst v15  }
0x2ce: {  	v15 =	vld.idx.msk [tilespmem:v16+s11+$0x0], $0xffff  }
0x2cf: {  	vm9 =	vgt.s32 v14, v7  }
0x2d0: {  	v52 =	vnsel vm9, $0x0, v51;
	_ =	sdelay $0x2  }
0x2d1: {  	v15 =	vnsel vm8, $0x0, v15  }
0x2d2: {  	[tilespmem:$0x8700] =	vst v15  }
0x2d3: {  	v15 =	vld.idx.msk [tilespmem:v52+s7+$0x0], $0xffff;
	_ =	sdelay $0x4  }
0x2d4: {  	v15 =	vnsel vm9, $0xCE6E6B28, v15  }
0x2d5: {  	[tilespmem:$0x7D10] =	vst v15  }
0x2d6: {  	v15 =	vld.idx.msk [tilespmem:v52+s8+$0x0], $0xffff;
	_ =	sdelay $0x4  }
0x2d7: {  	v15 =	vnsel vm9, $0x0, v15  }
0x2d8: {  	[tilespmem:$0x7F90] =	vst v15  }
0x2d9: {  	v15 =	vld.idx.msk [tilespmem:v52+s9+$0x0], $0xffff;
	_ =	sdelay $0x4  }
0x2da: {  	v15 =	vnsel vm9, $0x0, v15  }
0x2db: {  	[tilespmem:$0x8210] =	vst v15  }
0x2dc: {  	v15 =	vld.idx.msk [tilespmem:v52+s10+$0x0], $0xffff;
	_ =	sdelay $0x3  }
0x2dd: {  	v53 =	vld [tilespmem:$0x7A60]  }
0x2de: {  	v15 =	vnsel vm9, $0x0, v15  }
0x2df: {  	[tilespmem:$0x8490] =	vst v15  }
0x2e0: {  	v15 =	vld.idx.msk [tilespmem:v52+s11+$0x0], $0xffff  }
0x2e1: {  	vm10 =	vgt.s32 v14, v8  }
0x2e2: {  	v54 =	vnsel vm10, $0x0, v53;
	_ =	sdelay $0x2  }
0x2e3: {  	v15 =	vnsel vm9, $0x0, v15  }
0x2e4: {  	[tilespmem:$0x8710] =	vst v15  }
0x2e5: {  	v15 =	vld.idx.msk [tilespmem:v54+s7+$0x0], $0xffff;
	_ =	sdelay $0x4  }
0x2e6: {  	v15 =	vnsel vm10, $0xCE6E6B28, v15  }
0x2e7: {  	[tilespmem:$0x7D20] =	vst v15  }
0x2e8: {  	v15 =	vld.idx.msk [tilespmem:v54+s8+$0x0], $0xffff;
	_ =	sdelay $0x4  }
0x2e9: {  	v15 =	vnsel vm10, $0x0, v15  }
0x2ea: {  	[tilespmem:$0x7FA0] =	vst v15  }
0x2eb: {  	v15 =	vld.idx.msk [tilespmem:v54+s9+$0x0], $0xffff;
	_ =	sdelay $0x4  }
0x2ec: {  	v15 =	vnsel vm10, $0x0, v15  }
0x2ed: {  	[tilespmem:$0x8220] =	vst v15  }
0x2ee: {  	v15 =	vld.idx.msk [tilespmem:v54+s10+$0x0], $0xffff;
	_ =	sdelay $0x3  }
0x2ef: {  	v55 =	vld [tilespmem:$0x7A70]  }
0x2f0: {  	v15 =	vnsel vm10, $0x0, v15  }
0x2f1: {  	[tilespmem:$0x84A0] =	vst v15  }
0x2f2: {  	v15 =	vld.idx.msk [tilespmem:v54+s11+$0x0], $0xffff  }
0x2f3: {  	vm11 =	vgt.s32 v14, v9  }
0x2f4: {  	v56 =	vnsel vm11, $0x0, v55;
	_ =	sdelay $0x2  }
0x2f5: {  	v15 =	vnsel vm10, $0x0, v15  }
0x2f6: {  	[tilespmem:$0x8720] =	vst v15  }
0x2f7: {  	v15 =	vld.idx.msk [tilespmem:v56+s7+$0x0], $0xffff;
	_ =	sdelay $0x4  }
0x2f8: {  	v15 =	vnsel vm11, $0xCE6E6B28, v15  }
0x2f9: {  	[tilespmem:$0x7D30] =	vst v15  }
0x2fa: {  	v15 =	vld.idx.msk [tilespmem:v56+s8+$0x0], $0xffff;
	_ =	sdelay $0x4  }
0x2fb: {  	v15 =	vnsel vm11, $0x0, v15  }
0x2fc: {  	[tilespmem:$0x7FB0] =	vst v15  }
0x2fd: {  	v15 =	vld.idx.msk [tilespmem:v56+s9+$0x0], $0xffff;
	_ =	sdelay $0x4  }
0x2fe: {  	v15 =	vnsel vm11, $0x0, v15  }
0x2ff: {  	[tilespmem:$0x8230] =	vst v15  }
0x300: {  	v15 =	vld.idx.msk [tilespmem:v56+s10+$0x0], $0xffff;
	_ =	sdelay $0x3  }
0x301: {  	v57 =	vld [tilespmem:$0x7A80]  }
0x302: {  	v15 =	vnsel vm11, $0x0, v15  }
0x303: {  	[tilespmem:$0x84B0] =	vst v15  }
0x304: {  	v15 =	vld.idx.msk [tilespmem:v56+s11+$0x0], $0xffff  }
0x305: {  	vm12 =	vgt.s32 v14, v10  }
0x306: {  	v58 =	vnsel vm12, $0x0, v57;
	_ =	sdelay $0x2  }
0x307: {  	v15 =	vnsel vm11, $0x0, v15  }
0x308: {  	[tilespmem:$0x8730] =	vst v15  }
0x309: {  	v15 =	vld.idx.msk [tilespmem:v58+s7+$0x0], $0xffff;
	_ =	sdelay $0x4  }
0x30a: {  	v15 =	vnsel vm12, $0xCE6E6B28, v15  }
0x30b: {  	[tilespmem:$0x7D40] =	vst v15  }
0x30c: {  	v15 =	vld.idx.msk [tilespmem:v58+s8+$0x0], $0xffff;
	_ =	sdelay $0x4  }
0x30d: {  	v15 =	vnsel vm12, $0x0, v15  }
0x30e: {  	[tilespmem:$0x7FC0] =	vst v15  }
0x30f: {  	v15 =	vld.idx.msk [tilespmem:v58+s9+$0x0], $0xffff;
	_ =	sdelay $0x4  }
0x310: {  	v15 =	vnsel vm12, $0x0, v15  }
0x311: {  	[tilespmem:$0x8240] =	vst v15  }
0x312: {  	v15 =	vld.idx.msk [tilespmem:v58+s10+$0x0], $0xffff;
	_ =	sdelay $0x3  }
0x313: {  	v59 =	vld [tilespmem:$0x7A90]  }
0x314: {  	v15 =	vnsel vm12, $0x0, v15  }
0x315: {  	[tilespmem:$0x84C0] =	vst v15  }
0x316: {  	v15 =	vld.idx.msk [tilespmem:v58+s11+$0x0], $0xffff  }
0x317: {  	vm13 =	vgt.s32 v14, v11  }
0x318: {  	v60 =	vnsel vm13, $0x0, v59;
	_ =	sdelay $0x2  }
0x319: {  	v15 =	vnsel vm12, $0x0, v15  }
0x31a: {  	[tilespmem:$0x8740] =	vst v15  }
0x31b: {  	v15 =	vld.idx.msk [tilespmem:v60+s7+$0x0], $0xffff;
	_ =	sdelay $0x4  }
0x31c: {  	v15 =	vnsel vm13, $0xCE6E6B28, v15  }
0x31d: {  	[tilespmem:$0x7D50] =	vst v15  }
0x31e: {  	v15 =	vld.idx.msk [tilespmem:v60+s8+$0x0], $0xffff;
	_ =	sdelay $0x4  }
0x31f: {  	v15 =	vnsel vm13, $0x0, v15  }
0x320: {  	[tilespmem:$0x7FD0] =	vst v15  }
0x321: {  	v15 =	vld.idx.msk [tilespmem:v60+s9+$0x0], $0xffff;
	_ =	sdelay $0x4  }
0x322: {  	v15 =	vnsel vm13, $0x0, v15  }
0x323: {  	[tilespmem:$0x8250] =	vst v15  }
0x324: {  	v15 =	vld.idx.msk [tilespmem:v60+s10+$0x0], $0xffff;
	_ =	sdelay $0x3  }
0x325: {  	v61 =	vld [tilespmem:$0x7AA0]  }
0x326: {  	v15 =	vnsel vm13, $0x0, v15  }
0x327: {  	[tilespmem:$0x84D0] =	vst v15  }
0x328: {  	v15 =	vld.idx.msk [tilespmem:v60+s11+$0x0], $0xffff  }
0x329: {  	vm14 =	vgt.s32 v14, v12  }
0x32a: {  	v62 =	vnsel vm14, $0x0, v61;
	_ =	sdelay $0x2  }
0x32b: {  	v15 =	vnsel vm13, $0x0, v15  }
0x32c: {  	[tilespmem:$0x8750] =	vst v15  }
0x32d: {  	v15 =	vld.idx.msk [tilespmem:v62+s7+$0x0], $0xffff;
	_ =	sdelay $0x4  }
0x32e: {  	v15 =	vnsel vm14, $0xCE6E6B28, v15  }
0x32f: {  	[tilespmem:$0x7D60] =	vst v15  }
0x330: {  	v15 =	vld.idx.msk [tilespmem:v62+s8+$0x0], $0xffff;
	_ =	sdelay $0x4  }
0x331: {  	v15 =	vnsel vm14, $0x0, v15  }
0x332: {  	[tilespmem:$0x7FE0] =	vst v15  }
0x333: {  	v15 =	vld.idx.msk [tilespmem:v62+s9+$0x0], $0xffff;
	_ =	sdelay $0x4  }
0x334: {  	v15 =	vnsel vm14, $0x0, v15  }
0x335: {  	[tilespmem:$0x8260] =	vst v15  }
0x336: {  	v15 =	vld.idx.msk [tilespmem:v62+s10+$0x0], $0xffff;
	_ =	sdelay $0x3  }
0x337: {  	v63 =	vld [tilespmem:$0x7AB0]  }
0x338: {  	v15 =	vnsel vm14, $0x0, v15  }
0x339: {  	[tilespmem:$0x84E0] =	vst v15  }
0x33a: {  	v15 =	vld.idx.msk [tilespmem:v62+s11+$0x0], $0xffff  }
0x33b: {  	vm15 =	vgt.s32 v14, v13  }
0x33c: {  	v14 =	vnsel vm15, $0x0, v63;
	_ =	sdelay $0x2  }
0x33d: {  	v15 =	vnsel vm14, $0x0, v15  }
0x33e: {  	[tilespmem:$0x8760] =	vst v15  }
0x33f: {  	v15 =	vld.idx.msk [tilespmem:v14+s7+$0x0], $0xffff;
	_ =	sdelay $0x4  }
0x340: {  	v15 =	vnsel vm15, $0xCE6E6B28, v15  }
0x341: {  	[tilespmem:$0x7D70] =	vst v15  }
0x342: {  	v15 =	vld.idx.msk [tilespmem:v14+s8+$0x0], $0xffff;
	_ =	sdelay $0x4  }
0x343: {  	v15 =	vnsel vm15, $0x0, v15  }
0x344: {  	[tilespmem:$0x7FF0] =	vst v15  }
0x345: {  	v15 =	vld.idx.msk [tilespmem:v14+s9+$0x0], $0xffff;
	_ =	sdelay $0x4  }
0x346: {  	v15 =	vnsel vm15, $0x0, v15  }
0x347: {  	[tilespmem:$0x8270] =	vst v15  }
0x348: {  	v15 =	vld.idx.msk [tilespmem:v14+s10+$0x0], $0xffff;
	_ =	sdelay $0x4  }
0x349: {  	v15 =	vnsel vm15, $0x0, v15  }
0x34a: {  	[tilespmem:$0x84F0] =	vst v15  }
0x34b: {  	v14 =	vld.idx.msk [tilespmem:v14+s11+$0x0], $0xffff;
	_ =	sdelay $0x4  }
0x34c: {  	v14 =	vnsel vm15, $0x0, v14  }
0x34d: {  	s16 =	rddreg [dreg:$0x5];
	s17 =	simm.s32 $0x7B00;
	[tilespmem:$0x8770] =	vst v14  }
0x34e: {  	[hbm4b:s16+s1] =	stream.linear.scatter [tilespmem:s17], [sflag:$0x1], $0x80, $0x38;
	[tilespmem:$0x8780] =	vst v63  }
0x34f: {  	_ =	swait.ge [sflag:s6], $0x80  }
0x350: {  	[sflag:s6] =	ssyncset.done $0x0  }
0x351: {  	s19 =	simm.s32 $0x7D80;
	s18 =	rddreg [dreg:$0x6];
	[sflag:s6] =	ssyncadd.s32 $0xFFFFFF80  }
0x352: {  	[hbm4b:s18+s1] =	stream.linear.scatter [tilespmem:s19], [sflag:$0x1], $0x80, $0x38;
	[tilespmem:$0x8780] =	vst v63  }
0x353: {  	_ =	swait.ge [sflag:s6], $0x80  }
0x354: {  	[sflag:s6] =	ssyncset.done $0x0  }
0x355: {  	s21 =	simm.s32 $0x8000;
	s20 =	rddreg [dreg:$0x7];
	[sflag:s6] =	ssyncadd.s32 $0xFFFFFF80  }
0x356: {  	[hbm4b:s20+s1] =	stream.linear.scatter [tilespmem:s21], [sflag:$0x1], $0x80, $0x38;
	[tilespmem:$0x8780] =	vst v63  }
0x357: {  	_ =	swait.ge [sflag:s6], $0x80  }
0x358: {  	[sflag:s6] =	ssyncset.done $0x0  }
0x359: {  	s24 =	simm.s32 $0x8280;
	s23 =	rddreg [dreg:$0x8];
	[sflag:s6] =	ssyncadd.s32 $0xFFFFFF80  }
0x35a: {  	[hbm4b:s23+s1] =	stream.linear.scatter [tilespmem:s24], [sflag:$0x1], $0x80, $0x38;
	[tilespmem:$0x8780] =	vst v63  }
0x35b: {  	_ =	swait.ge [sflag:s6], $0x80  }
0x35c: {  	[sflag:s6] =	ssyncset.done $0x0  }
0x35d: {  	s15 =	simm.s32 $0x8500;
	s14 =	rddreg [dreg:$0x9];
	[sflag:s6] =	ssyncadd.s32 $0xFFFFFF80  }
0x35e: {  	[hbm4b:s14+s1] =	stream.linear.scatter [tilespmem:s15], [sflag:$0x1], $0x80, $0x38;
	[tilespmem:$0x8780] =	vst v63  }
0x35f: {  	_ =	swait.ge [sflag:s6], $0x80  }
0x360: {  	[sflag:s6] =	ssyncset.done $0x0  }
0x361: {  	s17 =	simm.s32 $0x7B80;
	s16 =	rddreg [dreg:$0xa];
	[sflag:s6] =	ssyncadd.s32 $0xFFFFFF80  }
0x362: {  	[hbm4b:s16+s1] =	stream.linear.scatter [tilespmem:s17], [sflag:$0x1], $0x80, $0x38;
	[tilespmem:$0x8780] =	vst v63  }
0x363: {  	_ =	swait.ge [sflag:s6], $0x80  }
0x364: {  	[sflag:s6] =	ssyncset.done $0x0  }
0x365: {  	s19 =	simm.s32 $0x7E00;
	s18 =	rddreg [dreg:$0xb];
	[sflag:s6] =	ssyncadd.s32 $0xFFFFFF80  }
0x366: {  	[hbm4b:s18+s1] =	stream.linear.scatter [tilespmem:s19], [sflag:$0x1], $0x80, $0x38;
	[tilespmem:$0x8780] =	vst v63  }
0x367: {  	_ =	swait.ge [sflag:s6], $0x80  }
0x368: {  	[sflag:s6] =	ssyncset.done $0x0  }
0x369: {  	s21 =	simm.s32 $0x8080;
	s20 =	rddreg [dreg:$0xc];
	[sflag:s6] =	ssyncadd.s32 $0xFFFFFF80  }
0x36a: {  	[hbm4b:s20+s1] =	stream.linear.scatter [tilespmem:s21], [sflag:$0x1], $0x80, $0x38;
	[tilespmem:$0x8780] =	vst v63  }
0x36b: {  	_ =	swait.ge [sflag:s6], $0x80  }
0x36c: {  	[sflag:s6] =	ssyncset.done $0x0  }
0x36d: {  	s24 =	simm.s32 $0x8300;
	s23 =	rddreg [dreg:$0xd];
	[sflag:s6] =	ssyncadd.s32 $0xFFFFFF80  }
0x36e: {  	[hbm4b:s23+s1] =	stream.linear.scatter [tilespmem:s24], [sflag:$0x1], $0x80, $0x38;
	[tilespmem:$0x8780] =	vst v63  }
0x36f: {  	_ =	swait.ge [sflag:s6], $0x80  }
0x370: {  	[sflag:s6] =	ssyncset.done $0x0  }
0x371: {  	s15 =	simm.s32 $0x8580;
	s14 =	rddreg [dreg:$0xe];
	[sflag:s6] =	ssyncadd.s32 $0xFFFFFF80  }
0x372: {  	[hbm4b:s14+s1] =	stream.linear.scatter [tilespmem:s15], [sflag:$0x1], $0x80, $0x38;
	[tilespmem:$0x8780] =	vst v63  }
0x373: {  	_ =	swait.ge [sflag:s6], $0x80  }
0x374: {  	[sflag:s6] =	ssyncset.done $0x0  }
0x375: {  	s17 =	simm.s32 $0x7C00;
	s16 =	rddreg [dreg:$0xf];
	[sflag:s6] =	ssyncadd.s32 $0xFFFFFF80  }
0x376: {  	[hbm4b:s16+s1] =	stream.linear.scatter [tilespmem:s17], [sflag:$0x1], $0x80, $0x38;
	[tilespmem:$0x8780] =	vst v63  }
0x377: {  	_ =	swait.ge [sflag:s6], $0x80  }
0x378: {  	[sflag:s6] =	ssyncset.done $0x0  }
0x379: {  	s19 =	simm.s32 $0x7E80;
	s18 =	rddreg [dreg:$0x10];
	[sflag:s6] =	ssyncadd.s32 $0xFFFFFF80  }
0x37a: {  	[hbm4b:s18+s1] =	stream.linear.scatter [tilespmem:s19], [sflag:$0x1], $0x80, $0x38;
	[tilespmem:$0x8780] =	vst v63  }
0x37b: {  	_ =	swait.ge [sflag:s6], $0x80  }
0x37c: {  	[sflag:s6] =	ssyncset.done $0x0  }
0x37d: {  	s21 =	simm.s32 $0x8100;
	s20 =	rddreg [dreg:$0x11];
	[sflag:s6] =	ssyncadd.s32 $0xFFFFFF80  }
0x37e: {  	[hbm4b:s20+s1] =	stream.linear.scatter [tilespmem:s21], [sflag:$0x1], $0x80, $0x38;
	[tilespmem:$0x8780] =	vst v63  }
0x37f: {  	_ =	swait.ge [sflag:s6], $0x80  }
0x380: {  	[sflag:s6] =	ssyncset.done $0x0  }
0x381: {  	s24 =	simm.s32 $0x8380;
	s23 =	rddreg [dreg:$0x12];
	[sflag:s6] =	ssyncadd.s32 $0xFFFFFF80  }
0x382: {  	[hbm4b:s23+s1] =	stream.linear.scatter [tilespmem:s24], [sflag:$0x1], $0x80, $0x38;
	[tilespmem:$0x8780] =	vst v63  }
0x383: {  	_ =	swait.ge [sflag:s6], $0x80  }
0x384: {  	[sflag:s6] =	ssyncset.done $0x0  }
0x385: {  	s15 =	simm.s32 $0x8600;
	s14 =	rddreg [dreg:$0x13];
	[sflag:s6] =	ssyncadd.s32 $0xFFFFFF80  }
0x386: {  	[hbm4b:s14+s1] =	stream.linear.scatter [tilespmem:s15], [sflag:$0x1], $0x80, $0x38;
	[tilespmem:$0x8780] =	vst v63  }
0x387: {  	_ =	swait.ge [sflag:s6], $0x80  }
0x388: {  	[sflag:s6] =	ssyncset.done $0x0  }
0x389: {  	s17 =	simm.s32 $0x7C80;
	s16 =	rddreg [dreg:$0x14];
	[sflag:s6] =	ssyncadd.s32 $0xFFFFFF80  }
0x38a: {  	[hbm4b:s16+s1] =	stream.linear.scatter [tilespmem:s17], [sflag:$0x1], $0x80, $0x38;
	[tilespmem:$0x8780] =	vst v63  }
0x38b: {  	_ =	swait.ge [sflag:s6], $0x80  }
0x38c: {  	[sflag:s6] =	ssyncset.done $0x0  }
0x38d: {  	s19 =	simm.s32 $0x7F00;
	s18 =	rddreg [dreg:$0x15];
	[sflag:s6] =	ssyncadd.s32 $0xFFFFFF80  }
0x38e: {  	[hbm4b:s18+s1] =	stream.linear.scatter [tilespmem:s19], [sflag:$0x1], $0x80, $0x38;
	[tilespmem:$0x8780] =	vst v63  }
0x38f: {  	_ =	swait.ge [sflag:s6], $0x80  }
0x390: {  	[sflag:s6] =	ssyncset.done $0x0  }
0x391: {  	s21 =	simm.s32 $0x8180;
	s20 =	rddreg [dreg:$0x16];
	[sflag:s6] =	ssyncadd.s32 $0xFFFFFF80  }
0x392: {  	[hbm4b:s20+s1] =	stream.linear.scatter [tilespmem:s21], [sflag:$0x1], $0x80, $0x38;
	[tilespmem:$0x8780] =	vst v63  }
0x393: {  	_ =	swait.ge [sflag:s6], $0x80  }
0x394: {  	[sflag:s6] =	ssyncset.done $0x0  }
0x395: {  	s24 =	simm.s32 $0x8400;
	s23 =	rddreg [dreg:$0x17];
	[sflag:s6] =	ssyncadd.s32 $0xFFFFFF80  }
0x396: {  	[hbm4b:s23+s1] =	stream.linear.scatter [tilespmem:s24], [sflag:$0x1], $0x80, $0x38;
	[tilespmem:$0x8780] =	vst v63  }
0x397: {  	_ =	swait.ge [sflag:s6], $0x80  }
0x398: {  	[sflag:s6] =	ssyncset.done $0x0  }
0x399: {  	s16 =	simm.s32 $0x8680;
	s15 =	rddreg [dreg:$0x18];
	[sflag:s6] =	ssyncadd.s32 $0xFFFFFF80  }
0x39a: {  	[hbm4b:s15+s1] =	stream.linear.scatter [tilespmem:s16], [sflag:$0x1], $0x80, $0x38;
	[tilespmem:$0x8780] =	vst v63  }
0x39b: {  	_ =	swait.ge [sflag:s6], $0x80  }
0x39c: {  	[sflag:s6] =	ssyncset.done $0x0  }
0x39d: {  	s18 =	simm.s32 $0x7D00;
	s17 =	rddreg [dreg:$0x19];
	[sflag:s6] =	ssyncadd.s32 $0xFFFFFF80  }
0x39e: {  	[hbm4b:s17+s1] =	stream.linear.scatter [tilespmem:s18], [sflag:$0x1], $0x80, $0x38;
	[tilespmem:$0x8780] =	vst v63  }
0x39f: {  	_ =	swait.ge [sflag:s6], $0x80  }
0x3a0: {  	[sflag:s6] =	ssyncset.done $0x0  }
0x3a1: {  	s20 =	simm.s32 $0x7F80;
	s19 =	rddreg [dreg:$0x1a];
	[sflag:s6] =	ssyncadd.s32 $0xFFFFFF80  }
0x3a2: {  	[hbm4b:s19+s1] =	stream.linear.scatter [tilespmem:s20], [sflag:$0x1], $0x80, $0x38;
	[tilespmem:$0x8780] =	vst v63  }
0x3a3: {  	_ =	swait.ge [sflag:s6], $0x80  }
0x3a4: {  	[sflag:s6] =	ssyncset.done $0x0  }
0x3a5: {  	s21 =	simm.s32 $0x8200;
	[sflag:s6] =	ssyncadd.s32 $0xFFFFFF80  }
0x3a6: {  	[hbm4b:s25+s1] =	stream.linear.scatter [tilespmem:s21], [sflag:$0x1], $0x80, $0x38;
	[tilespmem:$0x8780] =	vst v63  }
0x3a7: {  	_ =	swait.ge [sflag:s6], $0x80  }
0x3a8: {  	[sflag:s6] =	ssyncset.done $0x0  }
0x3a9: {  	s23 =	simm.s32 $0x8480;
	[sflag:s6] =	ssyncadd.s32 $0xFFFFFF80  }
0x3aa: {  	[hbm4b:s26+s1] =	stream.linear.scatter [tilespmem:s23], [sflag:$0x1], $0x80, $0x38;
	[tilespmem:$0x8780] =	vst v63  }
0x3ab: {  	s12 =	sadd.s32 $0x1, s12;
	_ =	swait.ge [sflag:s6], $0x80  }
0x3ac: {  	p0 =	sne.s32 s12, s3;
	[sflag:s6] =	ssyncset.done $0x0  }
.Ltmp1:
0x3ad: {  	s24 =	simm.s32 $0x8700;
	[sflag:s6] =	ssyncadd.s32 $0xFFFFFF80;
	(pc) =	sbr.rel @p0 .LBB2_1-.Ltmp1, $4  }
0x3ae: {  	[hbm4b:s28+s1] =	stream.linear.scatter [tilespmem:s24], [sflag:$0x1], $0x80, $0x38;
	[tilespmem:$0x8780] =	vst v63  }
0x3af: {  	_ =	swait.ge [sflag:s6], $0x80  }
0x3b0: {  	[sflag:s6] =	ssyncset.done $0x0  }
0x3b1: {  	[sflag:s6] =	ssyncadd.s32 $0xFFFFFF80  }
0x3b2: {  	_ =	sfence.sel $0x180000  }
0x3b3: {  	[bflag:$0x0] =	sbarrier.arrive $0xFFFF  }
0x3b4: {  	_ =	strace $0x90000047  }
0x3b5: {  	s0 =	stileid.u32;
	[bflag:$0x2] =	sbarrier.arrive $0xFFFF  }
0x3b6: {  	p0 =	sne.s32 s0, $0x0;
	s0 =	rddreg [dreg:$0x4]  }
0x3b7: {  	s0 =	sadd.s32 @!p0 $0x100000, s0  }
0x3b8: {  	[sflag:s0] =	ssyncadd.tile.s32 @!p0 $0x1;
	_ =	shalt  }
.Lfunc_end2:
_tile_overlayer_lowered:
.L_overlay_start_2:
0x3b9: {  	(tag) =	ssettag $0x2  }
0x3ba: {  	s0 =	rddreg [dreg:$0x0];
	s2 =	stileid.u32  }
0x3bb: {  	s1 =	rddreg [dreg:$0x1];
	p0 =	sne.s32 s2, $0x0  }
0x3bc: {  	s3 =	rddreg [dreg:$0x2];
	[bflag:$0x3] =	sbarrier.arrive $0xFFFF;
	s2 =	simm.s32 @!p0 $0x1C01  }
0x3bd: {  	[timem:s3], [sflag:s2] =	dma.local @!p0 [hbm:s0], s1  }
0x3be: {  	s0 =	simm.s32 @!p0 $0x1  }
0x3bf: {  	_ =	swait.ge @!p0 [sflag:s0], s1  }
0x3c0: {  	s1 =	ssub.s32 @!p0 $0x0, s1;
	[sflag:s0] =	ssyncset.done @!p0 $0x0  }
0x3c1: {  	[sflag:s0] =	ssyncadd.s32 @!p0 s1  }
0x3c2: {  	[bflag:$0x3] =	sbarrier.arrive $0xFFFF  }
0x3c3: {  	_ =	shalt  }

</sc_bundles>
